<compile_context>
chip_gen: v7x
topology: tpu7x:2x2x1
jax: 0.10.2.dev20260603
libtpu: 0.0.44.dev20260713+nightly
codegen_flags: <defaults>
</compile_context>

<pallas_src>
import functools

import jax
import jax.numpy as jnp
from jax import lax
from jax.experimental import pallas as pl
from jax.experimental.pallas import tpu as pltpu
from jax.experimental.pallas import tpu_sc as plsc

B = 4096
L = 200
D = 64
T = B * L

NW = 32
PER_W = T // NW
C = 128
NSLOT = 4
MACRO = PER_W // (C * NSLOT)

_mesh = plsc.VectorSubcoreMesh(core_axis_name="c", subcore_axis_name="s")


@functools.partial(
    pl.kernel,
    mesh=_mesh,
    compiler_params=pltpu.CompilerParams(use_tc_tiling_on_sc=False),
    out_type=jax.ShapeDtypeStruct((T, D), jnp.float32),
    scratch_types=[
        pltpu.VMEM((NSLOT, C), jnp.int32),
        pltpu.VMEM((NSLOT, C), jnp.int32),
        pltpu.VMEM((NSLOT, C), jnp.int32),
        pltpu.VMEM((NSLOT, C, D), jnp.float32),
        pltpu.VMEM((NSLOT, C, D), jnp.float32),
        pltpu.VMEM((NSLOT, C, D), jnp.float32),
    ]
    + [pltpu.SemaphoreType.DMA] * (3 * NSLOT),
)
def _emb_lookup(tok_hbm, row_hbm, col_hbm, ttab, rtab, ctab, out_hbm,
                idx_t, idx_r, idx_c, buf_t, buf_r, buf_c, *sems):
    s_idx = sems[0:NSLOT]
    s_gat = sems[NSLOT:2 * NSLOT]
    s_out = sems[2 * NSLOT:3 * NSLOT]
    wid = lax.axis_index("s") * 2 + lax.axis_index("c")
    base0 = wid * PER_W

    def issue_idx(j, chunk):
        src = pl.ds(base0 + chunk * C, C)
        pltpu.async_copy(tok_hbm.at[src], idx_t.at[j], s_idx[j])
        pltpu.async_copy(row_hbm.at[src], idx_r.at[j], s_idx[j])
        pltpu.async_copy(col_hbm.at[src], idx_c.at[j], s_idx[j])

    def wait_idx(j):
        pltpu.make_async_copy(tok_hbm.at[pl.ds(0, C)], idx_t.at[j], s_idx[j]).wait()
        pltpu.make_async_copy(row_hbm.at[pl.ds(0, C)], idx_r.at[j], s_idx[j]).wait()
        pltpu.make_async_copy(col_hbm.at[pl.ds(0, C)], idx_c.at[j], s_idx[j]).wait()

    def issue_gathers(j):
        pltpu.async_copy(ttab.at[idx_t.at[j]], buf_t.at[j], s_gat[j])
        pltpu.async_copy(rtab.at[idx_r.at[j]], buf_r.at[j], s_gat[j])
        pltpu.async_copy(ctab.at[idx_c.at[j]], buf_c.at[j], s_gat[j])

    def wait_gathers(j):
        pltpu.make_async_copy(ttab.at[idx_t.at[j]], buf_t.at[j], s_gat[j]).wait()
        pltpu.make_async_copy(rtab.at[idx_r.at[j]], buf_r.at[j], s_gat[j]).wait()
        pltpu.make_async_copy(ctab.at[idx_c.at[j]], buf_c.at[j], s_gat[j]).wait()

    def issue_out(j, chunk):
        dst = pl.ds(base0 + chunk * C, C)
        pltpu.async_copy(buf_t.at[j], out_hbm.at[dst], s_out[j])

    def wait_out(j):
        pltpu.make_async_copy(buf_t.at[j], out_hbm.at[pl.ds(0, C)], s_out[j]).wait()

    for j in range(NSLOT):
        issue_idx(j, j)
    for j in range(NSLOT):
        wait_idx(j)
        issue_gathers(j)

    def macro_body(m, carry):
        chunk0 = m * NSLOT
        for j in range(NSLOT):
            wait_gathers(j)

            def row_body(i, c2):
                for dd in range(D // 16):
                    sl = pl.ds(dd * 16, 16)
                    v = buf_r[j, i, sl] + buf_c[j, i, sl]
                    plsc.addupdate(buf_t.at[j, i, sl], v)
                return c2

            lax.fori_loop(0, C, row_body, 0, unroll=8)
            issue_out(j, chunk0 + j)
            @pl.when(m < MACRO - 1)
            def _():
                issue_idx(j, chunk0 + NSLOT + j)

            if j >= 2:
                @pl.when(m < MACRO - 1)
                def _():
                    wait_idx(j - 2)
                    wait_out(j - 2)
                    issue_gathers(j - 2)

        @pl.when(m < MACRO - 1)
        def _():
            for k in (NSLOT - 2, NSLOT - 1):
                wait_idx(k)
                wait_out(k)
                issue_gathers(k)

        return carry

    lax.fori_loop(0, MACRO, macro_body, 0)
    for j in range(NSLOT):
        wait_out(j)


def kernel(tokens, row_indices, col_indices, token_table, row_table, col_table):
    tok = tokens.reshape(T).astype(jnp.int32)
    ri = row_indices.reshape(T).astype(jnp.int32)
    ci = col_indices.reshape(T).astype(jnp.int32)
    out = _emb_lookup(tok, ri, ci, token_table, row_table, col_table)
    return out.reshape(B, L, D)

# --- scband reference (transcript-rebuilt; emitter-appended) ---
"""Pipeline reference for scband-token-embedding-with2-dpos-76768245448949 (READ-ONLY COPY).

The authoritative reference and input builder live on the scoring server;
editing this copy changes nothing except your own understanding.
"""

import jax, jax.numpy as jnp
import numpy as np

VOCAB = 1000000
D_MODEL = 64
MAX_ROWS = 512
MAX_COLS = 512
B = 4096
L = 200

def setup_inputs(seed: int = 0) -> dict:
    key = jax.random.key(seed)
    k_tok, k_row, k_col, k_wt, k_wr, k_wc = jax.random.split(key, 6)
    tokens = jax.random.randint(k_tok, (B, L), 0, VOCAB, dtype=jnp.int64 if jax.config.jax_enable_x64 else jnp.int32)
    row_indices = jax.random.randint(k_row, (B, L), 0, MAX_ROWS, dtype=jnp.int32)
    col_indices = jax.random.randint(k_col, (B, L), 0, MAX_COLS, dtype=jnp.int32)
    token_table = jax.random.normal(k_wt, (VOCAB, D_MODEL), dtype=jnp.float32)
    row_table = jax.random.normal(k_wr, (MAX_ROWS, D_MODEL), dtype=jnp.float32)
    col_table = jax.random.normal(k_wc, (MAX_COLS, D_MODEL), dtype=jnp.float32)
    return {
        "tokens": tokens,
        "row_indices": row_indices,
        "col_indices": col_indices,
        "token_table": token_table,
        "row_table": row_table,
        "col_table": col_table,
    }

def reference(tokens, row_indices, col_indices, token_table, row_table, col_table):
    token_embeddings = jnp.take(token_table, tokens, axis=0)
    row_pos = jnp.take(row_table, row_indices, axis=0)
    col_pos = jnp.take(col_table, col_indices, axis=0)
    pos_embeddings = row_pos + col_pos
    return token_embeddings + pos_embeddings

if __name__ == "__main__":
    import jax
    _d = setup_inputs()
    print(jax.jit(kernel)(*tuple(_d.values())))

</pallas_src>

<mosaic_0001>
#map = affine_map<(d0, d1) -> (0)>
#map1 = affine_map<(d0, d1) -> (0, 0)>
module attributes {stable_mosaic.version = 14 : i64} {
  func.func @_emb_lookup(%arg0: i32, %arg1: i32, %arg2: memref<819200xi32, #tpu.memory_space<hbm>>, %arg3: memref<819200xi32, #tpu.memory_space<hbm>>, %arg4: memref<819200xi32, #tpu.memory_space<hbm>>, %arg5: memref<1000000x64xf32, #tpu.memory_space<hbm>>, %arg6: memref<512x64xf32, #tpu.memory_space<hbm>>, %arg7: memref<512x64xf32, #tpu.memory_space<hbm>>, %arg8: memref<819200x64xf32, #tpu.memory_space<hbm>>, %arg9: memref<4x128xi32, #tpu.memory_space<vmem>>, %arg10: memref<4x128xi32, #tpu.memory_space<vmem>>, %arg11: memref<4x128xi32, #tpu.memory_space<vmem>>, %arg12: memref<4x128x64xf32, #tpu.memory_space<vmem>>, %arg13: memref<4x128x64xf32, #tpu.memory_space<vmem>>, %arg14: memref<4x128x64xf32, #tpu.memory_space<vmem>>, %arg15: memref<!tpu.dma_semaphore, #tpu.memory_space<semaphore_mem>>, %arg16: memref<!tpu.dma_semaphore, #tpu.memory_space<semaphore_mem>>, %arg17: memref<!tpu.dma_semaphore, #tpu.memory_space<semaphore_mem>>, %arg18: memref<!tpu.dma_semaphore, #tpu.memory_space<semaphore_mem>>, %arg19: memref<!tpu.dma_semaphore, #tpu.memory_space<semaphore_mem>>, %arg20: memref<!tpu.dma_semaphore, #tpu.memory_space<semaphore_mem>>, %arg21: memref<!tpu.dma_semaphore, #tpu.memory_space<semaphore_mem>>, %arg22: memref<!tpu.dma_semaphore, #tpu.memory_space<semaphore_mem>>, %arg23: memref<!tpu.dma_semaphore, #tpu.memory_space<semaphore_mem>>, %arg24: memref<!tpu.dma_semaphore, #tpu.memory_space<semaphore_mem>>, %arg25: memref<!tpu.dma_semaphore, #tpu.memory_space<semaphore_mem>>, %arg26: memref<!tpu.dma_semaphore, #tpu.memory_space<semaphore_mem>>) attributes {dimension_semantics = [#tpu.dimension_semantics<core_parallel>, #tpu.dimension_semantics<subcore_parallel>], iteration_bounds = array<i64: 2, 16>, scalar_prefetch = 0 : i64, scratch_operands = 18 : i64, tpu.core_type = #tpu.core_type<sc_vector_subcore>, window_params = [{transform_indices = #map}, {transform_indices = #map}, {transform_indices = #map}, {transform_indices = #map1}, {transform_indices = #map1}, {transform_indices = #map1}, {transform_indices = #map1}]} {
    %mul3A = arith.constant 2 : i32
    %mul3A_0 = arith.muli %arg1, %mul3A : i32
    %add3A = arith.addi %mul3A_0, %arg0 : i32
    %mul3A_1 = arith.constant 25600 : i32
    %mul3A_2 = arith.muli %add3A, %mul3A_1 : i32
    %add3A_3 = arith.constant 0 : i32
    %add3A_4 = arith.addi %mul3A_2, %add3A_3 : i32
    %dma_start3A = arith.constant 0 : i32
    %dma_start3A_5 = arith.constant 0 : i32
    %dma_start3A_6 = tpu.memref_slice %arg9[%dma_start3A, %dma_start3A_5] : memref<4x128xi32, #tpu.memory_space<vmem>> -> memref<1x128xi32, #tpu.memory_space<vmem>>
    %dma_start3A_7 = tpu.memref_squeeze %dma_start3A_6 : memref<1x128xi32, #tpu.memory_space<vmem>> -> memref<128xi32, #tpu.memory_space<vmem>>
    %dma_start3A_8 = tpu.memref_slice %arg2[%add3A_4] : memref<819200xi32, #tpu.memory_space<hbm>> -> memref<128xi32, #tpu.memory_space<hbm>>
    %dma_start3A_9 = arith.constant 0 : i32
    %dma_start3A_10 = tpu.memref_slice %arg9[%dma_start3A, %dma_start3A_9] : memref<4x128xi32, #tpu.memory_space<vmem>> -> memref<1x128xi32, #tpu.memory_space<vmem>>
    %dma_start3A_11 = tpu.memref_squeeze %dma_start3A_10 : memref<1x128xi32, #tpu.memory_space<vmem>> -> memref<128xi32, #tpu.memory_space<vmem>>
    %dma_start3A_12 = tpu.memref_slice %arg2[%add3A_4] : memref<819200xi32, #tpu.memory_space<hbm>> -> memref<128xi32, #tpu.memory_space<hbm>>
    tpu.enqueue_dma source(%dma_start3A_12 : memref<128xi32, #tpu.memory_space<hbm>>) target(%dma_start3A_11 : memref<128xi32, #tpu.memory_space<vmem>>) target_semaphore(%arg15 : memref<!tpu.dma_semaphore, #tpu.memory_space<semaphore_mem>>)
    %dma_start3A_13 = arith.constant 0 : i32
    %dma_start3A_14 = arith.constant 0 : i32
    %dma_start3A_15 = tpu.memref_slice %arg10[%dma_start3A_13, %dma_start3A_14] : memref<4x128xi32, #tpu.memory_space<vmem>> -> memref<1x128xi32, #tpu.memory_space<vmem>>
    %dma_start3A_16 = tpu.memref_squeeze %dma_start3A_15 : memref<1x128xi32, #tpu.memory_space<vmem>> -> memref<128xi32, #tpu.memory_space<vmem>>
    %dma_start3A_17 = tpu.memref_slice %arg3[%add3A_4] : memref<819200xi32, #tpu.memory_space<hbm>> -> memref<128xi32, #tpu.memory_space<hbm>>
    %dma_start3A_18 = arith.constant 0 : i32
    %dma_start3A_19 = tpu.memref_slice %arg10[%dma_start3A_13, %dma_start3A_18] : memref<4x128xi32, #tpu.memory_space<vmem>> -> memref<1x128xi32, #tpu.memory_space<vmem>>
    %dma_start3A_20 = tpu.memref_squeeze %dma_start3A_19 : memref<1x128xi32, #tpu.memory_space<vmem>> -> memref<128xi32, #tpu.memory_space<vmem>>
    %dma_start3A_21 = tpu.memref_slice %arg3[%add3A_4] : memref<819200xi32, #tpu.memory_space<hbm>> -> memref<128xi32, #tpu.memory_space<hbm>>
    tpu.enqueue_dma source(%dma_start3A_21 : memref<128xi32, #tpu.memory_space<hbm>>) target(%dma_start3A_20 : memref<128xi32, #tpu.memory_space<vmem>>) target_semaphore(%arg15 : memref<!tpu.dma_semaphore, #tpu.memory_space<semaphore_mem>>)
    %dma_start3A_22 = arith.constant 0 : i32
    %dma_start3A_23 = arith.constant 0 : i32
    %dma_start3A_24 = tpu.memref_slice %arg11[%dma_start3A_22, %dma_start3A_23] : memref<4x128xi32, #tpu.memory_space<vmem>> -> memref<1x128xi32, #tpu.memory_space<vmem>>
    %dma_start3A_25 = tpu.memref_squeeze %dma_start3A_24 : memref<1x128xi32, #tpu.memory_space<vmem>> -> memref<128xi32, #tpu.memory_space<vmem>>
    %dma_start3A_26 = tpu.memref_slice %arg4[%add3A_4] : memref<819200xi32, #tpu.memory_space<hbm>> -> memref<128xi32, #tpu.memory_space<hbm>>
    %dma_start3A_27 = arith.constant 0 : i32
    %dma_start3A_28 = tpu.memref_slice %arg11[%dma_start3A_22, %dma_start3A_27] : memref<4x128xi32, #tpu.memory_space<vmem>> -> memref<1x128xi32, #tpu.memory_space<vmem>>
    %dma_start3A_29 = tpu.memref_squeeze %dma_start3A_28 : memref<1x128xi32, #tpu.memory_space<vmem>> -> memref<128xi32, #tpu.memory_space<vmem>>
    %dma_start3A_30 = tpu.memref_slice %arg4[%add3A_4] : memref<819200xi32, #tpu.memory_space<hbm>> -> memref<128xi32, #tpu.memory_space<hbm>>
    tpu.enqueue_dma source(%dma_start3A_30 : memref<128xi32, #tpu.memory_space<hbm>>) target(%dma_start3A_29 : memref<128xi32, #tpu.memory_space<vmem>>) target_semaphore(%arg15 : memref<!tpu.dma_semaphore, #tpu.memory_space<semaphore_mem>>)
    %add3A_31 = arith.constant 128 : i32
    %add3A_32 = arith.addi %mul3A_2, %add3A_31 : i32
    %dma_start3A_33 = arith.constant 1 : i32
    %dma_start3A_34 = arith.constant 0 : i32
    %dma_start3A_35 = tpu.memref_slice %arg9[%dma_start3A_33, %dma_start3A_34] : memref<4x128xi32, #tpu.memory_space<vmem>> -> memref<1x128xi32, #tpu.memory_space<vmem>>
    %dma_start3A_36 = tpu.memref_squeeze %dma_start3A_35 : memref<1x128xi32, #tpu.memory_space<vmem>> -> memref<128xi32, #tpu.memory_space<vmem>>
    %dma_start3A_37 = tpu.memref_slice %arg2[%add3A_32] : memref<819200xi32, #tpu.memory_space<hbm>> -> memref<128xi32, #tpu.memory_space<hbm>>
    %dma_start3A_38 = arith.constant 0 : i32
    %dma_start3A_39 = tpu.memref_slice %arg9[%dma_start3A_33, %dma_start3A_38] : memref<4x128xi32, #tpu.memory_space<vmem>> -> memref<1x128xi32, #tpu.memory_space<vmem>>
    %dma_start3A_40 = tpu.memref_squeeze %dma_start3A_39 : memref<1x128xi32, #tpu.memory_space<vmem>> -> memref<128xi32, #tpu.memory_space<vmem>>
    %dma_start3A_41 = tpu.memref_slice %arg2[%add3A_32] : memref<819200xi32, #tpu.memory_space<hbm>> -> memref<128xi32, #tpu.memory_space<hbm>>
    tpu.enqueue_dma source(%dma_start3A_41 : memref<128xi32, #tpu.memory_space<hbm>>) target(%dma_start3A_40 : memref<128xi32, #tpu.memory_space<vmem>>) target_semaphore(%arg16 : memref<!tpu.dma_semaphore, #tpu.memory_space<semaphore_mem>>)
    %dma_start3A_42 = arith.constant 1 : i32
    %dma_start3A_43 = arith.constant 0 : i32
    %dma_start3A_44 = tpu.memref_slice %arg10[%dma_start3A_42, %dma_start3A_43] : memref<4x128xi32, #tpu.memory_space<vmem>> -> memref<1x128xi32, #tpu.memory_space<vmem>>
    %dma_start3A_45 = tpu.memref_squeeze %dma_start3A_44 : memref<1x128xi32, #tpu.memory_space<vmem>> -> memref<128xi32, #tpu.memory_space<vmem>>
    %dma_start3A_46 = tpu.memref_slice %arg3[%add3A_32] : memref<819200xi32, #tpu.memory_space<hbm>> -> memref<128xi32, #tpu.memory_space<hbm>>
    %dma_start3A_47 = arith.constant 0 : i32
    %dma_start3A_48 = tpu.memref_slice %arg10[%dma_start3A_42, %dma_start3A_47] : memref<4x128xi32, #tpu.memory_space<vmem>> -> memref<1x128xi32, #tpu.memory_space<vmem>>
    %dma_start3A_49 = tpu.memref_squeeze %dma_start3A_48 : memref<1x128xi32, #tpu.memory_space<vmem>> -> memref<128xi32, #tpu.memory_space<vmem>>
    %dma_start3A_50 = tpu.memref_slice %arg3[%add3A_32] : memref<819200xi32, #tpu.memory_space<hbm>> -> memref<128xi32, #tpu.memory_space<hbm>>
    tpu.enqueue_dma source(%dma_start3A_50 : memref<128xi32, #tpu.memory_space<hbm>>) target(%dma_start3A_49 : memref<128xi32, #tpu.memory_space<vmem>>) target_semaphore(%arg16 : memref<!tpu.dma_semaphore, #tpu.memory_space<semaphore_mem>>)
    %dma_start3A_51 = arith.constant 1 : i32
    %dma_start3A_52 = arith.constant 0 : i32
    %dma_start3A_53 = tpu.memref_slice %arg11[%dma_start3A_51, %dma_start3A_52] : memref<4x128xi32, #tpu.memory_space<vmem>> -> memref<1x128xi32, #tpu.memory_space<vmem>>
    %dma_start3A_54 = tpu.memref_squeeze %dma_start3A_53 : memref<1x128xi32, #tpu.memory_space<vmem>> -> memref<128xi32, #tpu.memory_space<vmem>>
    %dma_start3A_55 = tpu.memref_slice %arg4[%add3A_32] : memref<819200xi32, #tpu.memory_space<hbm>> -> memref<128xi32, #tpu.memory_space<hbm>>
    %dma_start3A_56 = arith.constant 0 : i32
    %dma_start3A_57 = tpu.memref_slice %arg11[%dma_start3A_51, %dma_start3A_56] : memref<4x128xi32, #tpu.memory_space<vmem>> -> memref<1x128xi32, #tpu.memory_space<vmem>>
    %dma_start3A_58 = tpu.memref_squeeze %dma_start3A_57 : memref<1x128xi32, #tpu.memory_space<vmem>> -> memref<128xi32, #tpu.memory_space<vmem>>
    %dma_start3A_59 = tpu.memref_slice %arg4[%add3A_32] : memref<819200xi32, #tpu.memory_space<hbm>> -> memref<128xi32, #tpu.memory_space<hbm>>
    tpu.enqueue_dma source(%dma_start3A_59 : memref<128xi32, #tpu.memory_space<hbm>>) target(%dma_start3A_58 : memref<128xi32, #tpu.memory_space<vmem>>) target_semaphore(%arg16 : memref<!tpu.dma_semaphore, #tpu.memory_space<semaphore_mem>>)
    %add3A_60 = arith.constant 256 : i32
    %add3A_61 = arith.addi %mul3A_2, %add3A_60 : i32
    %dma_start3A_62 = arith.constant 2 : i32
    %dma_start3A_63 = arith.constant 0 : i32
    %dma_start3A_64 = tpu.memref_slice %arg9[%dma_start3A_62, %dma_start3A_63] : memref<4x128xi32, #tpu.memory_space<vmem>> -> memref<1x128xi32, #tpu.memory_space<vmem>>
    %dma_start3A_65 = tpu.memref_squeeze %dma_start3A_64 : memref<1x128xi32, #tpu.memory_space<vmem>> -> memref<128xi32, #tpu.memory_space<vmem>>
    %dma_start3A_66 = tpu.memref_slice %arg2[%add3A_61] : memref<819200xi32, #tpu.memory_space<hbm>> -> memref<128xi32, #tpu.memory_space<hbm>>
    %dma_start3A_67 = arith.constant 0 : i32
    %dma_start3A_68 = tpu.memref_slice %arg9[%dma_start3A_62, %dma_start3A_67] : memref<4x128xi32, #tpu.memory_space<vmem>> -> memref<1x128xi32, #tpu.memory_space<vmem>>
    %dma_start3A_69 = tpu.memref_squeeze %dma_start3A_68 : memref<1x128xi32, #tpu.memory_space<vmem>> -> memref<128xi32, #tpu.memory_space<vmem>>
    %dma_start3A_70 = tpu.memref_slice %arg2[%add3A_61] : memref<819200xi32, #tpu.memory_space<hbm>> -> memref<128xi32, #tpu.memory_space<hbm>>
    tpu.enqueue_dma source(%dma_start3A_70 : memref<128xi32, #tpu.memory_space<hbm>>) target(%dma_start3A_69 : memref<128xi32, #tpu.memory_space<vmem>>) target_semaphore(%arg17 : memref<!tpu.dma_semaphore, #tpu.memory_space<semaphore_mem>>)
    %dma_start3A_71 = arith.constant 2 : i32
    %dma_start3A_72 = arith.constant 0 : i32
    %dma_start3A_73 = tpu.memref_slice %arg10[%dma_start3A_71, %dma_start3A_72] : memref<4x128xi32, #tpu.memory_space<vmem>> -> memref<1x128xi32, #tpu.memory_space<vmem>>
    %dma_start3A_74 = tpu.memref_squeeze %dma_start3A_73 : memref<1x128xi32, #tpu.memory_space<vmem>> -> memref<128xi32, #tpu.memory_space<vmem>>
    %dma_start3A_75 = tpu.memref_slice %arg3[%add3A_61] : memref<819200xi32, #tpu.memory_space<hbm>> -> memref<128xi32, #tpu.memory_space<hbm>>
    %dma_start3A_76 = arith.constant 0 : i32
    %dma_start3A_77 = tpu.memref_slice %arg10[%dma_start3A_71, %dma_start3A_76] : memref<4x128xi32, #tpu.memory_space<vmem>> -> memref<1x128xi32, #tpu.memory_space<vmem>>
    %dma_start3A_78 = tpu.memref_squeeze %dma_start3A_77 : memref<1x128xi32, #tpu.memory_space<vmem>> -> memref<128xi32, #tpu.memory_space<vmem>>
    %dma_start3A_79 = tpu.memref_slice %arg3[%add3A_61] : memref<819200xi32, #tpu.memory_space<hbm>> -> memref<128xi32, #tpu.memory_space<hbm>>
    tpu.enqueue_dma source(%dma_start3A_79 : memref<128xi32, #tpu.memory_space<hbm>>) target(%dma_start3A_78 : memref<128xi32, #tpu.memory_space<vmem>>) target_semaphore(%arg17 : memref<!tpu.dma_semaphore, #tpu.memory_space<semaphore_mem>>)
    %dma_start3A_80 = arith.constant 2 : i32
    %dma_start3A_81 = arith.constant 0 : i32
    %dma_start3A_82 = tpu.memref_slice %arg11[%dma_start3A_80, %dma_start3A_81] : memref<4x128xi32, #tpu.memory_space<vmem>> -> memref<1x128xi32, #tpu.memory_space<vmem>>
    %dma_start3A_83 = tpu.memref_squeeze %dma_start3A_82 : memref<1x128xi32, #tpu.memory_space<vmem>> -> memref<128xi32, #tpu.memory_space<vmem>>
    %dma_start3A_84 = tpu.memref_slice %arg4[%add3A_61] : memref<819200xi32, #tpu.memory_space<hbm>> -> memref<128xi32, #tpu.memory_space<hbm>>
    %dma_start3A_85 = arith.constant 0 : i32
    %dma_start3A_86 = tpu.memref_slice %arg11[%dma_start3A_80, %dma_start3A_85] : memref<4x128xi32, #tpu.memory_space<vmem>> -> memref<1x128xi32, #tpu.memory_space<vmem>>
    %dma_start3A_87 = tpu.memref_squeeze %dma_start3A_86 : memref<1x128xi32, #tpu.memory_space<vmem>> -> memref<128xi32, #tpu.memory_space<vmem>>
    %dma_start3A_88 = tpu.memref_slice %arg4[%add3A_61] : memref<819200xi32, #tpu.memory_space<hbm>> -> memref<128xi32, #tpu.memory_space<hbm>>
    tpu.enqueue_dma source(%dma_start3A_88 : memref<128xi32, #tpu.memory_space<hbm>>) target(%dma_start3A_87 : memref<128xi32, #tpu.memory_space<vmem>>) target_semaphore(%arg17 : memref<!tpu.dma_semaphore, #tpu.memory_space<semaphore_mem>>)
    %add3A_89 = arith.constant 384 : i32
    %add3A_90 = arith.addi %mul3A_2, %add3A_89 : i32
    %dma_start3A_91 = arith.constant 3 : i32
    %dma_start3A_92 = arith.constant 0 : i32
    %dma_start3A_93 = tpu.memref_slice %arg9[%dma_start3A_91, %dma_start3A_92] : memref<4x128xi32, #tpu.memory_space<vmem>> -> memref<1x128xi32, #tpu.memory_space<vmem>>
    %dma_start3A_94 = tpu.memref_squeeze %dma_start3A_93 : memref<1x128xi32, #tpu.memory_space<vmem>> -> memref<128xi32, #tpu.memory_space<vmem>>
    %dma_start3A_95 = tpu.memref_slice %arg2[%add3A_90] : memref<819200xi32, #tpu.memory_space<hbm>> -> memref<128xi32, #tpu.memory_space<hbm>>
    %dma_start3A_96 = arith.constant 0 : i32
    %dma_start3A_97 = tpu.memref_slice %arg9[%dma_start3A_91, %dma_start3A_96] : memref<4x128xi32, #tpu.memory_space<vmem>> -> memref<1x128xi32, #tpu.memory_space<vmem>>
    %dma_start3A_98 = tpu.memref_squeeze %dma_start3A_97 : memref<1x128xi32, #tpu.memory_space<vmem>> -> memref<128xi32, #tpu.memory_space<vmem>>
    %dma_start3A_99 = tpu.memref_slice %arg2[%add3A_90] : memref<819200xi32, #tpu.memory_space<hbm>> -> memref<128xi32, #tpu.memory_space<hbm>>
    tpu.enqueue_dma source(%dma_start3A_99 : memref<128xi32, #tpu.memory_space<hbm>>) target(%dma_start3A_98 : memref<128xi32, #tpu.memory_space<vmem>>) target_semaphore(%arg18 : memref<!tpu.dma_semaphore, #tpu.memory_space<semaphore_mem>>)
    %dma_start3A_100 = arith.constant 3 : i32
    %dma_start3A_101 = arith.constant 0 : i32
    %dma_start3A_102 = tpu.memref_slice %arg10[%dma_start3A_100, %dma_start3A_101] : memref<4x128xi32, #tpu.memory_space<vmem>> -> memref<1x128xi32, #tpu.memory_space<vmem>>
    %dma_start3A_103 = tpu.memref_squeeze %dma_start3A_102 : memref<1x128xi32, #tpu.memory_space<vmem>> -> memref<128xi32, #tpu.memory_space<vmem>>
    %dma_start3A_104 = tpu.memref_slice %arg3[%add3A_90] : memref<819200xi32, #tpu.memory_space<hbm>> -> memref<128xi32, #tpu.memory_space<hbm>>
    %dma_start3A_105 = arith.constant 0 : i32
    %dma_start3A_106 = tpu.memref_slice %arg10[%dma_start3A_100, %dma_start3A_105] : memref<4x128xi32, #tpu.memory_space<vmem>> -> memref<1x128xi32, #tpu.memory_space<vmem>>
    %dma_start3A_107 = tpu.memref_squeeze %dma_start3A_106 : memref<1x128xi32, #tpu.memory_space<vmem>> -> memref<128xi32, #tpu.memory_space<vmem>>
    %dma_start3A_108 = tpu.memref_slice %arg3[%add3A_90] : memref<819200xi32, #tpu.memory_space<hbm>> -> memref<128xi32, #tpu.memory_space<hbm>>
    tpu.enqueue_dma source(%dma_start3A_108 : memref<128xi32, #tpu.memory_space<hbm>>) target(%dma_start3A_107 : memref<128xi32, #tpu.memory_space<vmem>>) target_semaphore(%arg18 : memref<!tpu.dma_semaphore, #tpu.memory_space<semaphore_mem>>)
    %dma_start3A_109 = arith.constant 3 : i32
    %dma_start3A_110 = arith.constant 0 : i32
    %dma_start3A_111 = tpu.memref_slice %arg11[%dma_start3A_109, %dma_start3A_110] : memref<4x128xi32, #tpu.memory_space<vmem>> -> memref<1x128xi32, #tpu.memory_space<vmem>>
    %dma_start3A_112 = tpu.memref_squeeze %dma_start3A_111 : memref<1x128xi32, #tpu.memory_space<vmem>> -> memref<128xi32, #tpu.memory_space<vmem>>
    %dma_start3A_113 = tpu.memref_slice %arg4[%add3A_90] : memref<819200xi32, #tpu.memory_space<hbm>> -> memref<128xi32, #tpu.memory_space<hbm>>
    %dma_start3A_114 = arith.constant 0 : i32
    %dma_start3A_115 = tpu.memref_slice %arg11[%dma_start3A_109, %dma_start3A_114] : memref<4x128xi32, #tpu.memory_space<vmem>> -> memref<1x128xi32, #tpu.memory_space<vmem>>
    %dma_start3A_116 = tpu.memref_squeeze %dma_start3A_115 : memref<1x128xi32, #tpu.memory_space<vmem>> -> memref<128xi32, #tpu.memory_space<vmem>>
    %dma_start3A_117 = tpu.memref_slice %arg4[%add3A_90] : memref<819200xi32, #tpu.memory_space<hbm>> -> memref<128xi32, #tpu.memory_space<hbm>>
    tpu.enqueue_dma source(%dma_start3A_117 : memref<128xi32, #tpu.memory_space<hbm>>) target(%dma_start3A_116 : memref<128xi32, #tpu.memory_space<vmem>>) target_semaphore(%arg18 : memref<!tpu.dma_semaphore, #tpu.memory_space<semaphore_mem>>)
    %dma_wait3A = arith.constant 0 : i32
    %dma_wait3A_118 = arith.constant 0 : i32
    %dma_wait3A_119 = tpu.memref_slice %arg9[%dma_wait3A, %dma_wait3A_118] : memref<4x128xi32, #tpu.memory_space<vmem>> -> memref<1x128xi32, #tpu.memory_space<vmem>>
    %dma_wait3A_120 = tpu.memref_squeeze %dma_wait3A_119 : memref<1x128xi32, #tpu.memory_space<vmem>> -> memref<128xi32, #tpu.memory_space<vmem>>
    %dma_wait3A_121 = arith.constant 0 : i32
    %dma_wait3A_122 = tpu.memref_slice %arg2[%dma_wait3A_121] : memref<819200xi32, #tpu.memory_space<hbm>> -> memref<128xi32, #tpu.memory_space<hbm>>
    %dma_wait3A_123 = arith.constant 0 : i32
    %dma_wait3A_124 = tpu.memref_slice %arg9[%dma_wait3A, %dma_wait3A_123] : memref<4x128xi32, #tpu.memory_space<vmem>> -> memref<1x128xi32, #tpu.memory_space<vmem>>
    %dma_wait3A_125 = tpu.memref_squeeze %dma_wait3A_124 : memref<1x128xi32, #tpu.memory_space<vmem>> -> memref<128xi32, #tpu.memory_space<vmem>>
    %dma_wait3A_126 = arith.constant 0 : i32
    %dma_wait3A_127 = tpu.memref_slice %arg2[%dma_wait3A_126] : memref<819200xi32, #tpu.memory_space<hbm>> -> memref<128xi32, #tpu.memory_space<hbm>>
    tpu.wait_dma2 semaphore(%arg15 : memref<!tpu.dma_semaphore, #tpu.memory_space<semaphore_mem>>) src(%dma_wait3A_127 : memref<128xi32, #tpu.memory_space<hbm>>) dst(%dma_wait3A_125 : memref<128xi32, #tpu.memory_space<vmem>>)
    %dma_wait3A_128 = arith.constant 0 : i32
    %dma_wait3A_129 = arith.constant 0 : i32
    %dma_wait3A_130 = tpu.memref_slice %arg10[%dma_wait3A_128, %dma_wait3A_129] : memref<4x128xi32, #tpu.memory_space<vmem>> -> memref<1x128xi32, #tpu.memory_space<vmem>>
    %dma_wait3A_131 = tpu.memref_squeeze %dma_wait3A_130 : memref<1x128xi32, #tpu.memory_space<vmem>> -> memref<128xi32, #tpu.memory_space<vmem>>
    %dma_wait3A_132 = arith.constant 0 : i32
    %dma_wait3A_133 = tpu.memref_slice %arg3[%dma_wait3A_132] : memref<819200xi32, #tpu.memory_space<hbm>> -> memref<128xi32, #tpu.memory_space<hbm>>
    %dma_wait3A_134 = arith.constant 0 : i32
    %dma_wait3A_135 = tpu.memref_slice %arg10[%dma_wait3A_128, %dma_wait3A_134] : memref<4x128xi32, #tpu.memory_space<vmem>> -> memref<1x128xi32, #tpu.memory_space<vmem>>
    %dma_wait3A_136 = tpu.memref_squeeze %dma_wait3A_135 : memref<1x128xi32, #tpu.memory_space<vmem>> -> memref<128xi32, #tpu.memory_space<vmem>>
    %dma_wait3A_137 = arith.constant 0 : i32
    %dma_wait3A_138 = tpu.memref_slice %arg3[%dma_wait3A_137] : memref<819200xi32, #tpu.memory_space<hbm>> -> memref<128xi32, #tpu.memory_space<hbm>>
    tpu.wait_dma2 semaphore(%arg15 : memref<!tpu.dma_semaphore, #tpu.memory_space<semaphore_mem>>) src(%dma_wait3A_138 : memref<128xi32, #tpu.memory_space<hbm>>) dst(%dma_wait3A_136 : memref<128xi32, #tpu.memory_space<vmem>>)
    %dma_wait3A_139 = arith.constant 0 : i32
    %dma_wait3A_140 = arith.constant 0 : i32
    %dma_wait3A_141 = tpu.memref_slice %arg11[%dma_wait3A_139, %dma_wait3A_140] : memref<4x128xi32, #tpu.memory_space<vmem>> -> memref<1x128xi32, #tpu.memory_space<vmem>>
    %dma_wait3A_142 = tpu.memref_squeeze %dma_wait3A_141 : memref<1x128xi32, #tpu.memory_space<vmem>> -> memref<128xi32, #tpu.memory_space<vmem>>
    %dma_wait3A_143 = arith.constant 0 : i32
    %dma_wait3A_144 = tpu.memref_slice %arg4[%dma_wait3A_143] : memref<819200xi32, #tpu.memory_space<hbm>> -> memref<128xi32, #tpu.memory_space<hbm>>
    %dma_wait3A_145 = arith.constant 0 : i32
    %dma_wait3A_146 = tpu.memref_slice %arg11[%dma_wait3A_139, %dma_wait3A_145] : memref<4x128xi32, #tpu.memory_space<vmem>> -> memref<1x128xi32, #tpu.memory_space<vmem>>
    %dma_wait3A_147 = tpu.memref_squeeze %dma_wait3A_146 : memref<1x128xi32, #tpu.memory_space<vmem>> -> memref<128xi32, #tpu.memory_space<vmem>>
    %dma_wait3A_148 = arith.constant 0 : i32
    %dma_wait3A_149 = tpu.memref_slice %arg4[%dma_wait3A_148] : memref<819200xi32, #tpu.memory_space<hbm>> -> memref<128xi32, #tpu.memory_space<hbm>>
    tpu.wait_dma2 semaphore(%arg15 : memref<!tpu.dma_semaphore, #tpu.memory_space<semaphore_mem>>) src(%dma_wait3A_149 : memref<128xi32, #tpu.memory_space<hbm>>) dst(%dma_wait3A_147 : memref<128xi32, #tpu.memory_space<vmem>>)
    %dma_start3A_150 = arith.constant 0 : i32
    %dma_start3A_151 = arith.constant 0 : i32
    %dma_start3A_152 = arith.constant 0 : i32
    %dma_start3A_153 = arith.constant 0 : i32
    %dma_start3A_154 = tpu.memref_slice %arg12[%dma_start3A_151, %dma_start3A_152, %dma_start3A_153] : memref<4x128x64xf32, #tpu.memory_space<vmem>> -> memref<1x128x64xf32, #tpu.memory_space<vmem>>
    %dma_start3A_155 = tpu.memref_squeeze %dma_start3A_154 : memref<1x128x64xf32, #tpu.memory_space<vmem>> -> memref<128x64xf32, #tpu.memory_space<vmem>>
    %dma_start3A_156 = arith.constant 0 : i32
    %dma_start3A_157 = tpu.memref_slice %arg9[%dma_start3A_150, %dma_start3A_156] : memref<4x128xi32, #tpu.memory_space<vmem>> -> memref<1x128xi32, #tpu.memory_space<vmem>>
    %dma_start3A_158 = tpu.memref_squeeze %dma_start3A_157 : memref<1x128xi32, #tpu.memory_space<vmem>> -> memref<128xi32, #tpu.memory_space<vmem>>
    %dma_start3A_159 = arith.constant 0 : i32
    %dma_start3A_160 = arith.constant 0 : i32
    %dma_start3A_161 = tpu.memref_slice %arg5[%dma_start3A_159, %dma_start3A_160] : memref<1000000x64xf32, #tpu.memory_space<hbm>> -> memref<1000000x64xf32, #tpu.memory_space<hbm>>
    tpu.enqueue_indirect_dma source(%dma_start3A_161 : memref<1000000x64xf32, #tpu.memory_space<hbm>>) target(%dma_start3A_155 : memref<128x64xf32, #tpu.memory_space<vmem>>) offsets(%dma_start3A_158 : memref<128xi32, #tpu.memory_space<vmem>>) semaphore(%arg19 : memref<!tpu.dma_semaphore, #tpu.memory_space<semaphore_mem>>)
    %dma_start3A_162 = arith.constant 0 : i32
    %dma_start3A_163 = arith.constant 0 : i32
    %dma_start3A_164 = arith.constant 0 : i32
    %dma_start3A_165 = arith.constant 0 : i32
    %dma_start3A_166 = tpu.memref_slice %arg13[%dma_start3A_163, %dma_start3A_164, %dma_start3A_165] : memref<4x128x64xf32, #tpu.memory_space<vmem>> -> memref<1x128x64xf32, #tpu.memory_space<vmem>>
    %dma_start3A_167 = tpu.memref_squeeze %dma_start3A_166 : memref<1x128x64xf32, #tpu.memory_space<vmem>> -> memref<128x64xf32, #tpu.memory_space<vmem>>
    %dma_start3A_168 = arith.constant 0 : i32
    %dma_start3A_169 = tpu.memref_slice %arg10[%dma_start3A_162, %dma_start3A_168] : memref<4x128xi32, #tpu.memory_space<vmem>> -> memref<1x128xi32, #tpu.memory_space<vmem>>
    %dma_start3A_170 = tpu.memref_squeeze %dma_start3A_169 : memref<1x128xi32, #tpu.memory_space<vmem>> -> memref<128xi32, #tpu.memory_space<vmem>>
    %dma_start3A_171 = arith.constant 0 : i32
    %dma_start3A_172 = arith.constant 0 : i32
    %dma_start3A_173 = tpu.memref_slice %arg6[%dma_start3A_171, %dma_start3A_172] : memref<512x64xf32, #tpu.memory_space<hbm>> -> memref<512x64xf32, #tpu.memory_space<hbm>>
    tpu.enqueue_indirect_dma source(%dma_start3A_173 : memref<512x64xf32, #tpu.memory_space<hbm>>) target(%dma_start3A_167 : memref<128x64xf32, #tpu.memory_space<vmem>>) offsets(%dma_start3A_170 : memref<128xi32, #tpu.memory_space<vmem>>) semaphore(%arg19 : memref<!tpu.dma_semaphore, #tpu.memory_space<semaphore_mem>>)
    %dma_start3A_174 = arith.constant 0 : i32
    %dma_start3A_175 = arith.constant 0 : i32
    %dma_start3A_176 = arith.constant 0 : i32
    %dma_start3A_177 = arith.constant 0 : i32
    %dma_start3A_178 = tpu.memref_slice %arg14[%dma_start3A_175, %dma_start3A_176, %dma_start3A_177] : memref<4x128x64xf32, #tpu.memory_space<vmem>> -> memref<1x128x64xf32, #tpu.memory_space<vmem>>
    %dma_start3A_179 = tpu.memref_squeeze %dma_start3A_178 : memref<1x128x64xf32, #tpu.memory_space<vmem>> -> memref<128x64xf32, #tpu.memory_space<vmem>>
    %dma_start3A_180 = arith.constant 0 : i32
    %dma_start3A_181 = tpu.memref_slice %arg11[%dma_start3A_174, %dma_start3A_180] : memref<4x128xi32, #tpu.memory_space<vmem>> -> memref<1x128xi32, #tpu.memory_space<vmem>>
    %dma_start3A_182 = tpu.memref_squeeze %dma_start3A_181 : memref<1x128xi32, #tpu.memory_space<vmem>> -> memref<128xi32, #tpu.memory_space<vmem>>
    %dma_start3A_183 = arith.constant 0 : i32
    %dma_start3A_184 = arith.constant 0 : i32
    %dma_start3A_185 = tpu.memref_slice %arg7[%dma_start3A_183, %dma_start3A_184] : memref<512x64xf32, #tpu.memory_space<hbm>> -> memref<512x64xf32, #tpu.memory_space<hbm>>
    tpu.enqueue_indirect_dma source(%dma_start3A_185 : memref<512x64xf32, #tpu.memory_space<hbm>>) target(%dma_start3A_179 : memref<128x64xf32, #tpu.memory_space<vmem>>) offsets(%dma_start3A_182 : memref<128xi32, #tpu.memory_space<vmem>>) semaphore(%arg19 : memref<!tpu.dma_semaphore, #tpu.memory_space<semaphore_mem>>)
    %dma_wait3A_186 = arith.constant 1 : i32
    %dma_wait3A_187 = arith.constant 0 : i32
    %dma_wait3A_188 = tpu.memref_slice %arg9[%dma_wait3A_186, %dma_wait3A_187] : memref<4x128xi32, #tpu.memory_space<vmem>> -> memref<1x128xi32, #tpu.memory_space<vmem>>
    %dma_wait3A_189 = tpu.memref_squeeze %dma_wait3A_188 : memref<1x128xi32, #tpu.memory_space<vmem>> -> memref<128xi32, #tpu.memory_space<vmem>>
    %dma_wait3A_190 = arith.constant 0 : i32
    %dma_wait3A_191 = tpu.memref_slice %arg2[%dma_wait3A_190] : memref<819200xi32, #tpu.memory_space<hbm>> -> memref<128xi32, #tpu.memory_space<hbm>>
    %dma_wait3A_192 = arith.constant 0 : i32
    %dma_wait3A_193 = tpu.memref_slice %arg9[%dma_wait3A_186, %dma_wait3A_192] : memref<4x128xi32, #tpu.memory_space<vmem>> -> memref<1x128xi32, #tpu.memory_space<vmem>>
    %dma_wait3A_194 = tpu.memref_squeeze %dma_wait3A_193 : memref<1x128xi32, #tpu.memory_space<vmem>> -> memref<128xi32, #tpu.memory_space<vmem>>
    %dma_wait3A_195 = arith.constant 0 : i32
    %dma_wait3A_196 = tpu.memref_slice %arg2[%dma_wait3A_195] : memref<819200xi32, #tpu.memory_space<hbm>> -> memref<128xi32, #tpu.memory_space<hbm>>
    tpu.wait_dma2 semaphore(%arg16 : memref<!tpu.dma_semaphore, #tpu.memory_space<semaphore_mem>>) src(%dma_wait3A_196 : memref<128xi32, #tpu.memory_space<hbm>>) dst(%dma_wait3A_194 : memref<128xi32, #tpu.memory_space<vmem>>)
    %dma_wait3A_197 = arith.constant 1 : i32
    %dma_wait3A_198 = arith.constant 0 : i32
    %dma_wait3A_199 = tpu.memref_slice %arg10[%dma_wait3A_197, %dma_wait3A_198] : memref<4x128xi32, #tpu.memory_space<vmem>> -> memref<1x128xi32, #tpu.memory_space<vmem>>
    %dma_wait3A_200 = tpu.memref_squeeze %dma_wait3A_199 : memref<1x128xi32, #tpu.memory_space<vmem>> -> memref<128xi32, #tpu.memory_space<vmem>>
    %dma_wait3A_201 = arith.constant 0 : i32
    %dma_wait3A_202 = tpu.memref_slice %arg3[%dma_wait3A_201] : memref<819200xi32, #tpu.memory_space<hbm>> -> memref<128xi32, #tpu.memory_space<hbm>>
    %dma_wait3A_203 = arith.constant 0 : i32
    %dma_wait3A_204 = tpu.memref_slice %arg10[%dma_wait3A_197, %dma_wait3A_203] : memref<4x128xi32, #tpu.memory_space<vmem>> -> memref<1x128xi32, #tpu.memory_space<vmem>>
    %dma_wait3A_205 = tpu.memref_squeeze %dma_wait3A_204 : memref<1x128xi32, #tpu.memory_space<vmem>> -> memref<128xi32, #tpu.memory_space<vmem>>
    %dma_wait3A_206 = arith.constant 0 : i32
    %dma_wait3A_207 = tpu.memref_slice %arg3[%dma_wait3A_206] : memref<819200xi32, #tpu.memory_space<hbm>> -> memref<128xi32, #tpu.memory_space<hbm>>
    tpu.wait_dma2 semaphore(%arg16 : memref<!tpu.dma_semaphore, #tpu.memory_space<semaphore_mem>>) src(%dma_wait3A_207 : memref<128xi32, #tpu.memory_space<hbm>>) dst(%dma_wait3A_205 : memref<128xi32, #tpu.memory_space<vmem>>)
    %dma_wait3A_208 = arith.constant 1 : i32
    %dma_wait3A_209 = arith.constant 0 : i32
    %dma_wait3A_210 = tpu.memref_slice %arg11[%dma_wait3A_208, %dma_wait3A_209] : memref<4x128xi32, #tpu.memory_space<vmem>> -> memref<1x128xi32, #tpu.memory_space<vmem>>
    %dma_wait3A_211 = tpu.memref_squeeze %dma_wait3A_210 : memref<1x128xi32, #tpu.memory_space<vmem>> -> memref<128xi32, #tpu.memory_space<vmem>>
    %dma_wait3A_212 = arith.constant 0 : i32
    %dma_wait3A_213 = tpu.memref_slice %arg4[%dma_wait3A_212] : memref<819200xi32, #tpu.memory_space<hbm>> -> memref<128xi32, #tpu.memory_space<hbm>>
    %dma_wait3A_214 = arith.constant 0 : i32
    %dma_wait3A_215 = tpu.memref_slice %arg11[%dma_wait3A_208, %dma_wait3A_214] : memref<4x128xi32, #tpu.memory_space<vmem>> -> memref<1x128xi32, #tpu.memory_space<vmem>>
    %dma_wait3A_216 = tpu.memref_squeeze %dma_wait3A_215 : memref<1x128xi32, #tpu.memory_space<vmem>> -> memref<128xi32, #tpu.memory_space<vmem>>
    %dma_wait3A_217 = arith.constant 0 : i32
    %dma_wait3A_218 = tpu.memref_slice %arg4[%dma_wait3A_217] : memref<819200xi32, #tpu.memory_space<hbm>> -> memref<128xi32, #tpu.memory_space<hbm>>
    tpu.wait_dma2 semaphore(%arg16 : memref<!tpu.dma_semaphore, #tpu.memory_space<semaphore_mem>>) src(%dma_wait3A_218 : memref<128xi32, #tpu.memory_space<hbm>>) dst(%dma_wait3A_216 : memref<128xi32, #tpu.memory_space<vmem>>)
    %dma_start3A_219 = arith.constant 1 : i32
    %dma_start3A_220 = arith.constant 1 : i32
    %dma_start3A_221 = arith.constant 0 : i32
    %dma_start3A_222 = arith.constant 0 : i32
    %dma_start3A_223 = tpu.memref_slice %arg12[%dma_start3A_220, %dma_start3A_221, %dma_start3A_222] : memref<4x128x64xf32, #tpu.memory_space<vmem>> -> memref<1x128x64xf32, #tpu.memory_space<vmem>>
    %dma_start3A_224 = tpu.memref_squeeze %dma_start3A_223 : memref<1x128x64xf32, #tpu.memory_space<vmem>> -> memref<128x64xf32, #tpu.memory_space<vmem>>
    %dma_start3A_225 = arith.constant 0 : i32
    %dma_start3A_226 = tpu.memref_slice %arg9[%dma_start3A_219, %dma_start3A_225] : memref<4x128xi32, #tpu.memory_space<vmem>> -> memref<1x128xi32, #tpu.memory_space<vmem>>
    %dma_start3A_227 = tpu.memref_squeeze %dma_start3A_226 : memref<1x128xi32, #tpu.memory_space<vmem>> -> memref<128xi32, #tpu.memory_space<vmem>>
    %dma_start3A_228 = arith.constant 0 : i32
    %dma_start3A_229 = arith.constant 0 : i32
    %dma_start3A_230 = tpu.memref_slice %arg5[%dma_start3A_228, %dma_start3A_229] : memref<1000000x64xf32, #tpu.memory_space<hbm>> -> memref<1000000x64xf32, #tpu.memory_space<hbm>>
    tpu.enqueue_indirect_dma source(%dma_start3A_230 : memref<1000000x64xf32, #tpu.memory_space<hbm>>) target(%dma_start3A_224 : memref<128x64xf32, #tpu.memory_space<vmem>>) offsets(%dma_start3A_227 : memref<128xi32, #tpu.memory_space<vmem>>) semaphore(%arg20 : memref<!tpu.dma_semaphore, #tpu.memory_space<semaphore_mem>>)
    %dma_start3A_231 = arith.constant 1 : i32
    %dma_start3A_232 = arith.constant 1 : i32
    %dma_start3A_233 = arith.constant 0 : i32
    %dma_start3A_234 = arith.constant 0 : i32
    %dma_start3A_235 = tpu.memref_slice %arg13[%dma_start3A_232, %dma_start3A_233, %dma_start3A_234] : memref<4x128x64xf32, #tpu.memory_space<vmem>> -> memref<1x128x64xf32, #tpu.memory_space<vmem>>
    %dma_start3A_236 = tpu.memref_squeeze %dma_start3A_235 : memref<1x128x64xf32, #tpu.memory_space<vmem>> -> memref<128x64xf32, #tpu.memory_space<vmem>>
    %dma_start3A_237 = arith.constant 0 : i32
    %dma_start3A_238 = tpu.memref_slice %arg10[%dma_start3A_231, %dma_start3A_237] : memref<4x128xi32, #tpu.memory_space<vmem>> -> memref<1x128xi32, #tpu.memory_space<vmem>>
    %dma_start3A_239 = tpu.memref_squeeze %dma_start3A_238 : memref<1x128xi32, #tpu.memory_space<vmem>> -> memref<128xi32, #tpu.memory_space<vmem>>
    %dma_start3A_240 = arith.constant 0 : i32
    %dma_start3A_241 = arith.constant 0 : i32
    %dma_start3A_242 = tpu.memref_slice %arg6[%dma_start3A_240, %dma_start3A_241] : memref<512x64xf32, #tpu.memory_space<hbm>> -> memref<512x64xf32, #tpu.memory_space<hbm>>
    tpu.enqueue_indirect_dma source(%dma_start3A_242 : memref<512x64xf32, #tpu.memory_space<hbm>>) target(%dma_start3A_236 : memref<128x64xf32, #tpu.memory_space<vmem>>) offsets(%dma_start3A_239 : memref<128xi32, #tpu.memory_space<vmem>>) semaphore(%arg20 : memref<!tpu.dma_semaphore, #tpu.memory_space<semaphore_mem>>)
    %dma_start3A_243 = arith.constant 1 : i32
    %dma_start3A_244 = arith.constant 1 : i32
    %dma_start3A_245 = arith.constant 0 : i32
    %dma_start3A_246 = arith.constant 0 : i32
    %dma_start3A_247 = tpu.memref_slice %arg14[%dma_start3A_244, %dma_start3A_245, %dma_start3A_246] : memref<4x128x64xf32, #tpu.memory_space<vmem>> -> memref<1x128x64xf32, #tpu.memory_space<vmem>>
    %dma_start3A_248 = tpu.memref_squeeze %dma_start3A_247 : memref<1x128x64xf32, #tpu.memory_space<vmem>> -> memref<128x64xf32, #tpu.memory_space<vmem>>
    %dma_start3A_249 = arith.constant 0 : i32
    %dma_start3A_250 = tpu.memref_slice %arg11[%dma_start3A_243, %dma_start3A_249] : memref<4x128xi32, #tpu.memory_space<vmem>> -> memref<1x128xi32, #tpu.memory_space<vmem>>
    %dma_start3A_251 = tpu.memref_squeeze %dma_start3A_250 : memref<1x128xi32, #tpu.memory_space<vmem>> -> memref<128xi32, #tpu.memory_space<vmem>>
    %dma_start3A_252 = arith.constant 0 : i32
    %dma_start3A_253 = arith.constant 0 : i32
    %dma_start3A_254 = tpu.memref_slice %arg7[%dma_start3A_252, %dma_start3A_253] : memref<512x64xf32, #tpu.memory_space<hbm>> -> memref<512x64xf32, #tpu.memory_space<hbm>>
    tpu.enqueue_indirect_dma source(%dma_start3A_254 : memref<512x64xf32, #tpu.memory_space<hbm>>) target(%dma_start3A_248 : memref<128x64xf32, #tpu.memory_space<vmem>>) offsets(%dma_start3A_251 : memref<128xi32, #tpu.memory_space<vmem>>) semaphore(%arg20 : memref<!tpu.dma_semaphore, #tpu.memory_space<semaphore_mem>>)
    %dma_wait3A_255 = arith.constant 2 : i32
    %dma_wait3A_256 = arith.constant 0 : i32
    %dma_wait3A_257 = tpu.memref_slice %arg9[%dma_wait3A_255, %dma_wait3A_256] : memref<4x128xi32, #tpu.memory_space<vmem>> -> memref<1x128xi32, #tpu.memory_space<vmem>>
    %dma_wait3A_258 = tpu.memref_squeeze %dma_wait3A_257 : memref<1x128xi32, #tpu.memory_space<vmem>> -> memref<128xi32, #tpu.memory_space<vmem>>
    %dma_wait3A_259 = arith.constant 0 : i32
    %dma_wait3A_260 = tpu.memref_slice %arg2[%dma_wait3A_259] : memref<819200xi32, #tpu.memory_space<hbm>> -> memref<128xi32, #tpu.memory_space<hbm>>
    %dma_wait3A_261 = arith.constant 0 : i32
    %dma_wait3A_262 = tpu.memref_slice %arg9[%dma_wait3A_255, %dma_wait3A_261] : memref<4x128xi32, #tpu.memory_space<vmem>> -> memref<1x128xi32, #tpu.memory_space<vmem>>
    %dma_wait3A_263 = tpu.memref_squeeze %dma_wait3A_262 : memref<1x128xi32, #tpu.memory_space<vmem>> -> memref<128xi32, #tpu.memory_space<vmem>>
    %dma_wait3A_264 = arith.constant 0 : i32
    %dma_wait3A_265 = tpu.memref_slice %arg2[%dma_wait3A_264] : memref<819200xi32, #tpu.memory_space<hbm>> -> memref<128xi32, #tpu.memory_space<hbm>>
    tpu.wait_dma2 semaphore(%arg17 : memref<!tpu.dma_semaphore, #tpu.memory_space<semaphore_mem>>) src(%dma_wait3A_265 : memref<128xi32, #tpu.memory_space<hbm>>) dst(%dma_wait3A_263 : memref<128xi32, #tpu.memory_space<vmem>>)
    %dma_wait3A_266 = arith.constant 2 : i32
    %dma_wait3A_267 = arith.constant 0 : i32
    %dma_wait3A_268 = tpu.memref_slice %arg10[%dma_wait3A_266, %dma_wait3A_267] : memref<4x128xi32, #tpu.memory_space<vmem>> -> memref<1x128xi32, #tpu.memory_space<vmem>>
    %dma_wait3A_269 = tpu.memref_squeeze %dma_wait3A_268 : memref<1x128xi32, #tpu.memory_space<vmem>> -> memref<128xi32, #tpu.memory_space<vmem>>
    %dma_wait3A_270 = arith.constant 0 : i32
    %dma_wait3A_271 = tpu.memref_slice %arg3[%dma_wait3A_270] : memref<819200xi32, #tpu.memory_space<hbm>> -> memref<128xi32, #tpu.memory_space<hbm>>
    %dma_wait3A_272 = arith.constant 0 : i32
    %dma_wait3A_273 = tpu.memref_slice %arg10[%dma_wait3A_266, %dma_wait3A_272] : memref<4x128xi32, #tpu.memory_space<vmem>> -> memref<1x128xi32, #tpu.memory_space<vmem>>
    %dma_wait3A_274 = tpu.memref_squeeze %dma_wait3A_273 : memref<1x128xi32, #tpu.memory_space<vmem>> -> memref<128xi32, #tpu.memory_space<vmem>>
    %dma_wait3A_275 = arith.constant 0 : i32
    %dma_wait3A_276 = tpu.memref_slice %arg3[%dma_wait3A_275] : memref<819200xi32, #tpu.memory_space<hbm>> -> memref<128xi32, #tpu.memory_space<hbm>>
    tpu.wait_dma2 semaphore(%arg17 : memref<!tpu.dma_semaphore, #tpu.memory_space<semaphore_mem>>) src(%dma_wait3A_276 : memref<128xi32, #tpu.memory_space<hbm>>) dst(%dma_wait3A_274 : memref<128xi32, #tpu.memory_space<vmem>>)
    %dma_wait3A_277 = arith.constant 2 : i32
    %dma_wait3A_278 = arith.constant 0 : i32
    %dma_wait3A_279 = tpu.memref_slice %arg11[%dma_wait3A_277, %dma_wait3A_278] : memref<4x128xi32, #tpu.memory_space<vmem>> -> memref<1x128xi32, #tpu.memory_space<vmem>>
    %dma_wait3A_280 = tpu.memref_squeeze %dma_wait3A_279 : memref<1x128xi32, #tpu.memory_space<vmem>> -> memref<128xi32, #tpu.memory_space<vmem>>
    %dma_wait3A_281 = arith.constant 0 : i32
    %dma_wait3A_282 = tpu.memref_slice %arg4[%dma_wait3A_281] : memref<819200xi32, #tpu.memory_space<hbm>> -> memref<128xi32, #tpu.memory_space<hbm>>
    %dma_wait3A_283 = arith.constant 0 : i32
    %dma_wait3A_284 = tpu.memref_slice %arg11[%dma_wait3A_277, %dma_wait3A_283] : memref<4x128xi32, #tpu.memory_space<vmem>> -> memref<1x128xi32, #tpu.memory_space<vmem>>
    %dma_wait3A_285 = tpu.memref_squeeze %dma_wait3A_284 : memref<1x128xi32, #tpu.memory_space<vmem>> -> memref<128xi32, #tpu.memory_space<vmem>>
    %dma_wait3A_286 = arith.constant 0 : i32
    %dma_wait3A_287 = tpu.memref_slice %arg4[%dma_wait3A_286] : memref<819200xi32, #tpu.memory_space<hbm>> -> memref<128xi32, #tpu.memory_space<hbm>>
    tpu.wait_dma2 semaphore(%arg17 : memref<!tpu.dma_semaphore, #tpu.memory_space<semaphore_mem>>) src(%dma_wait3A_287 : memref<128xi32, #tpu.memory_space<hbm>>) dst(%dma_wait3A_285 : memref<128xi32, #tpu.memory_space<vmem>>)
    %dma_start3A_288 = arith.constant 2 : i32
    %dma_start3A_289 = arith.constant 2 : i32
    %dma_start3A_290 = arith.constant 0 : i32
    %dma_start3A_291 = arith.constant 0 : i32
    %dma_start3A_292 = tpu.memref_slice %arg12[%dma_start3A_289, %dma_start3A_290, %dma_start3A_291] : memref<4x128x64xf32, #tpu.memory_space<vmem>> -> memref<1x128x64xf32, #tpu.memory_space<vmem>>
    %dma_start3A_293 = tpu.memref_squeeze %dma_start3A_292 : memref<1x128x64xf32, #tpu.memory_space<vmem>> -> memref<128x64xf32, #tpu.memory_space<vmem>>
    %dma_start3A_294 = arith.constant 0 : i32
    %dma_start3A_295 = tpu.memref_slice %arg9[%dma_start3A_288, %dma_start3A_294] : memref<4x128xi32, #tpu.memory_space<vmem>> -> memref<1x128xi32, #tpu.memory_space<vmem>>
    %dma_start3A_296 = tpu.memref_squeeze %dma_start3A_295 : memref<1x128xi32, #tpu.memory_space<vmem>> -> memref<128xi32, #tpu.memory_space<vmem>>
    %dma_start3A_297 = arith.constant 0 : i32
    %dma_start3A_298 = arith.constant 0 : i32
    %dma_start3A_299 = tpu.memref_slice %arg5[%dma_start3A_297, %dma_start3A_298] : memref<1000000x64xf32, #tpu.memory_space<hbm>> -> memref<1000000x64xf32, #tpu.memory_space<hbm>>
    tpu.enqueue_indirect_dma source(%dma_start3A_299 : memref<1000000x64xf32, #tpu.memory_space<hbm>>) target(%dma_start3A_293 : memref<128x64xf32, #tpu.memory_space<vmem>>) offsets(%dma_start3A_296 : memref<128xi32, #tpu.memory_space<vmem>>) semaphore(%arg21 : memref<!tpu.dma_semaphore, #tpu.memory_space<semaphore_mem>>)
    %dma_start3A_300 = arith.constant 2 : i32
    %dma_start3A_301 = arith.constant 2 : i32
    %dma_start3A_302 = arith.constant 0 : i32
    %dma_start3A_303 = arith.constant 0 : i32
    %dma_start3A_304 = tpu.memref_slice %arg13[%dma_start3A_301, %dma_start3A_302, %dma_start3A_303] : memref<4x128x64xf32, #tpu.memory_space<vmem>> -> memref<1x128x64xf32, #tpu.memory_space<vmem>>
    %dma_start3A_305 = tpu.memref_squeeze %dma_start3A_304 : memref<1x128x64xf32, #tpu.memory_space<vmem>> -> memref<128x64xf32, #tpu.memory_space<vmem>>
    %dma_start3A_306 = arith.constant 0 : i32
    %dma_start3A_307 = tpu.memref_slice %arg10[%dma_start3A_300, %dma_start3A_306] : memref<4x128xi32, #tpu.memory_space<vmem>> -> memref<1x128xi32, #tpu.memory_space<vmem>>
    %dma_start3A_308 = tpu.memref_squeeze %dma_start3A_307 : memref<1x128xi32, #tpu.memory_space<vmem>> -> memref<128xi32, #tpu.memory_space<vmem>>
    %dma_start3A_309 = arith.constant 0 : i32
    %dma_start3A_310 = arith.constant 0 : i32
    %dma_start3A_311 = tpu.memref_slice %arg6[%dma_start3A_309, %dma_start3A_310] : memref<512x64xf32, #tpu.memory_space<hbm>> -> memref<512x64xf32, #tpu.memory_space<hbm>>
    tpu.enqueue_indirect_dma source(%dma_start3A_311 : memref<512x64xf32, #tpu.memory_space<hbm>>) target(%dma_start3A_305 : memref<128x64xf32, #tpu.memory_space<vmem>>) offsets(%dma_start3A_308 : memref<128xi32, #tpu.memory_space<vmem>>) semaphore(%arg21 : memref<!tpu.dma_semaphore, #tpu.memory_space<semaphore_mem>>)
    %dma_start3A_312 = arith.constant 2 : i32
    %dma_start3A_313 = arith.constant 2 : i32
    %dma_start3A_314 = arith.constant 0 : i32
    %dma_start3A_315 = arith.constant 0 : i32
    %dma_start3A_316 = tpu.memref_slice %arg14[%dma_start3A_313, %dma_start3A_314, %dma_start3A_315] : memref<4x128x64xf32, #tpu.memory_space<vmem>> -> memref<1x128x64xf32, #tpu.memory_space<vmem>>
    %dma_start3A_317 = tpu.memref_squeeze %dma_start3A_316 : memref<1x128x64xf32, #tpu.memory_space<vmem>> -> memref<128x64xf32, #tpu.memory_space<vmem>>
    %dma_start3A_318 = arith.constant 0 : i32
    %dma_start3A_319 = tpu.memref_slice %arg11[%dma_start3A_312, %dma_start3A_318] : memref<4x128xi32, #tpu.memory_space<vmem>> -> memref<1x128xi32, #tpu.memory_space<vmem>>
    %dma_start3A_320 = tpu.memref_squeeze %dma_start3A_319 : memref<1x128xi32, #tpu.memory_space<vmem>> -> memref<128xi32, #tpu.memory_space<vmem>>
    %dma_start3A_321 = arith.constant 0 : i32
    %dma_start3A_322 = arith.constant 0 : i32
    %dma_start3A_323 = tpu.memref_slice %arg7[%dma_start3A_321, %dma_start3A_322] : memref<512x64xf32, #tpu.memory_space<hbm>> -> memref<512x64xf32, #tpu.memory_space<hbm>>
    tpu.enqueue_indirect_dma source(%dma_start3A_323 : memref<512x64xf32, #tpu.memory_space<hbm>>) target(%dma_start3A_317 : memref<128x64xf32, #tpu.memory_space<vmem>>) offsets(%dma_start3A_320 : memref<128xi32, #tpu.memory_space<vmem>>) semaphore(%arg21 : memref<!tpu.dma_semaphore, #tpu.memory_space<semaphore_mem>>)
    %dma_wait3A_324 = arith.constant 3 : i32
    %dma_wait3A_325 = arith.constant 0 : i32
    %dma_wait3A_326 = tpu.memref_slice %arg9[%dma_wait3A_324, %dma_wait3A_325] : memref<4x128xi32, #tpu.memory_space<vmem>> -> memref<1x128xi32, #tpu.memory_space<vmem>>
    %dma_wait3A_327 = tpu.memref_squeeze %dma_wait3A_326 : memref<1x128xi32, #tpu.memory_space<vmem>> -> memref<128xi32, #tpu.memory_space<vmem>>
    %dma_wait3A_328 = arith.constant 0 : i32
    %dma_wait3A_329 = tpu.memref_slice %arg2[%dma_wait3A_328] : memref<819200xi32, #tpu.memory_space<hbm>> -> memref<128xi32, #tpu.memory_space<hbm>>
    %dma_wait3A_330 = arith.constant 0 : i32
    %dma_wait3A_331 = tpu.memref_slice %arg9[%dma_wait3A_324, %dma_wait3A_330] : memref<4x128xi32, #tpu.memory_space<vmem>> -> memref<1x128xi32, #tpu.memory_space<vmem>>
    %dma_wait3A_332 = tpu.memref_squeeze %dma_wait3A_331 : memref<1x128xi32, #tpu.memory_space<vmem>> -> memref<128xi32, #tpu.memory_space<vmem>>
    %dma_wait3A_333 = arith.constant 0 : i32
    %dma_wait3A_334 = tpu.memref_slice %arg2[%dma_wait3A_333] : memref<819200xi32, #tpu.memory_space<hbm>> -> memref<128xi32, #tpu.memory_space<hbm>>
    tpu.wait_dma2 semaphore(%arg18 : memref<!tpu.dma_semaphore, #tpu.memory_space<semaphore_mem>>) src(%dma_wait3A_334 : memref<128xi32, #tpu.memory_space<hbm>>) dst(%dma_wait3A_332 : memref<128xi32, #tpu.memory_space<vmem>>)
    %dma_wait3A_335 = arith.constant 3 : i32
    %dma_wait3A_336 = arith.constant 0 : i32
    %dma_wait3A_337 = tpu.memref_slice %arg10[%dma_wait3A_335, %dma_wait3A_336] : memref<4x128xi32, #tpu.memory_space<vmem>> -> memref<1x128xi32, #tpu.memory_space<vmem>>
    %dma_wait3A_338 = tpu.memref_squeeze %dma_wait3A_337 : memref<1x128xi32, #tpu.memory_space<vmem>> -> memref<128xi32, #tpu.memory_space<vmem>>
    %dma_wait3A_339 = arith.constant 0 : i32
    %dma_wait3A_340 = tpu.memref_slice %arg3[%dma_wait3A_339] : memref<819200xi32, #tpu.memory_space<hbm>> -> memref<128xi32, #tpu.memory_space<hbm>>
    %dma_wait3A_341 = arith.constant 0 : i32
    %dma_wait3A_342 = tpu.memref_slice %arg10[%dma_wait3A_335, %dma_wait3A_341] : memref<4x128xi32, #tpu.memory_space<vmem>> -> memref<1x128xi32, #tpu.memory_space<vmem>>
    %dma_wait3A_343 = tpu.memref_squeeze %dma_wait3A_342 : memref<1x128xi32, #tpu.memory_space<vmem>> -> memref<128xi32, #tpu.memory_space<vmem>>
    %dma_wait3A_344 = arith.constant 0 : i32
    %dma_wait3A_345 = tpu.memref_slice %arg3[%dma_wait3A_344] : memref<819200xi32, #tpu.memory_space<hbm>> -> memref<128xi32, #tpu.memory_space<hbm>>
    tpu.wait_dma2 semaphore(%arg18 : memref<!tpu.dma_semaphore, #tpu.memory_space<semaphore_mem>>) src(%dma_wait3A_345 : memref<128xi32, #tpu.memory_space<hbm>>) dst(%dma_wait3A_343 : memref<128xi32, #tpu.memory_space<vmem>>)
    %dma_wait3A_346 = arith.constant 3 : i32
    %dma_wait3A_347 = arith.constant 0 : i32
    %dma_wait3A_348 = tpu.memref_slice %arg11[%dma_wait3A_346, %dma_wait3A_347] : memref<4x128xi32, #tpu.memory_space<vmem>> -> memref<1x128xi32, #tpu.memory_space<vmem>>
    %dma_wait3A_349 = tpu.memref_squeeze %dma_wait3A_348 : memref<1x128xi32, #tpu.memory_space<vmem>> -> memref<128xi32, #tpu.memory_space<vmem>>
    %dma_wait3A_350 = arith.constant 0 : i32
    %dma_wait3A_351 = tpu.memref_slice %arg4[%dma_wait3A_350] : memref<819200xi32, #tpu.memory_space<hbm>> -> memref<128xi32, #tpu.memory_space<hbm>>
    %dma_wait3A_352 = arith.constant 0 : i32
    %dma_wait3A_353 = tpu.memref_slice %arg11[%dma_wait3A_346, %dma_wait3A_352] : memref<4x128xi32, #tpu.memory_space<vmem>> -> memref<1x128xi32, #tpu.memory_space<vmem>>
    %dma_wait3A_354 = tpu.memref_squeeze %dma_wait3A_353 : memref<1x128xi32, #tpu.memory_space<vmem>> -> memref<128xi32, #tpu.memory_space<vmem>>
    %dma_wait3A_355 = arith.constant 0 : i32
    %dma_wait3A_356 = tpu.memref_slice %arg4[%dma_wait3A_355] : memref<819200xi32, #tpu.memory_space<hbm>> -> memref<128xi32, #tpu.memory_space<hbm>>
    tpu.wait_dma2 semaphore(%arg18 : memref<!tpu.dma_semaphore, #tpu.memory_space<semaphore_mem>>) src(%dma_wait3A_356 : memref<128xi32, #tpu.memory_space<hbm>>) dst(%dma_wait3A_354 : memref<128xi32, #tpu.memory_space<vmem>>)
    %dma_start3A_357 = arith.constant 3 : i32
    %dma_start3A_358 = arith.constant 3 : i32
    %dma_start3A_359 = arith.constant 0 : i32
    %dma_start3A_360 = arith.constant 0 : i32
    %dma_start3A_361 = tpu.memref_slice %arg12[%dma_start3A_358, %dma_start3A_359, %dma_start3A_360] : memref<4x128x64xf32, #tpu.memory_space<vmem>> -> memref<1x128x64xf32, #tpu.memory_space<vmem>>
    %dma_start3A_362 = tpu.memref_squeeze %dma_start3A_361 : memref<1x128x64xf32, #tpu.memory_space<vmem>> -> memref<128x64xf32, #tpu.memory_space<vmem>>
    %dma_start3A_363 = arith.constant 0 : i32
    %dma_start3A_364 = tpu.memref_slice %arg9[%dma_start3A_357, %dma_start3A_363] : memref<4x128xi32, #tpu.memory_space<vmem>> -> memref<1x128xi32, #tpu.memory_space<vmem>>
    %dma_start3A_365 = tpu.memref_squeeze %dma_start3A_364 : memref<1x128xi32, #tpu.memory_space<vmem>> -> memref<128xi32, #tpu.memory_space<vmem>>
    %dma_start3A_366 = arith.constant 0 : i32
    %dma_start3A_367 = arith.constant 0 : i32
    %dma_start3A_368 = tpu.memref_slice %arg5[%dma_start3A_366, %dma_start3A_367] : memref<1000000x64xf32, #tpu.memory_space<hbm>> -> memref<1000000x64xf32, #tpu.memory_space<hbm>>
    tpu.enqueue_indirect_dma source(%dma_start3A_368 : memref<1000000x64xf32, #tpu.memory_space<hbm>>) target(%dma_start3A_362 : memref<128x64xf32, #tpu.memory_space<vmem>>) offsets(%dma_start3A_365 : memref<128xi32, #tpu.memory_space<vmem>>) semaphore(%arg22 : memref<!tpu.dma_semaphore, #tpu.memory_space<semaphore_mem>>)
    %dma_start3A_369 = arith.constant 3 : i32
    %dma_start3A_370 = arith.constant 3 : i32
    %dma_start3A_371 = arith.constant 0 : i32
    %dma_start3A_372 = arith.constant 0 : i32
    %dma_start3A_373 = tpu.memref_slice %arg13[%dma_start3A_370, %dma_start3A_371, %dma_start3A_372] : memref<4x128x64xf32, #tpu.memory_space<vmem>> -> memref<1x128x64xf32, #tpu.memory_space<vmem>>
    %dma_start3A_374 = tpu.memref_squeeze %dma_start3A_373 : memref<1x128x64xf32, #tpu.memory_space<vmem>> -> memref<128x64xf32, #tpu.memory_space<vmem>>
    %dma_start3A_375 = arith.constant 0 : i32
    %dma_start3A_376 = tpu.memref_slice %arg10[%dma_start3A_369, %dma_start3A_375] : memref<4x128xi32, #tpu.memory_space<vmem>> -> memref<1x128xi32, #tpu.memory_space<vmem>>
    %dma_start3A_377 = tpu.memref_squeeze %dma_start3A_376 : memref<1x128xi32, #tpu.memory_space<vmem>> -> memref<128xi32, #tpu.memory_space<vmem>>
    %dma_start3A_378 = arith.constant 0 : i32
    %dma_start3A_379 = arith.constant 0 : i32
    %dma_start3A_380 = tpu.memref_slice %arg6[%dma_start3A_378, %dma_start3A_379] : memref<512x64xf32, #tpu.memory_space<hbm>> -> memref<512x64xf32, #tpu.memory_space<hbm>>
    tpu.enqueue_indirect_dma source(%dma_start3A_380 : memref<512x64xf32, #tpu.memory_space<hbm>>) target(%dma_start3A_374 : memref<128x64xf32, #tpu.memory_space<vmem>>) offsets(%dma_start3A_377 : memref<128xi32, #tpu.memory_space<vmem>>) semaphore(%arg22 : memref<!tpu.dma_semaphore, #tpu.memory_space<semaphore_mem>>)
    %dma_start3A_381 = arith.constant 3 : i32
    %dma_start3A_382 = arith.constant 3 : i32
    %dma_start3A_383 = arith.constant 0 : i32
    %dma_start3A_384 = arith.constant 0 : i32
    %dma_start3A_385 = tpu.memref_slice %arg14[%dma_start3A_382, %dma_start3A_383, %dma_start3A_384] : memref<4x128x64xf32, #tpu.memory_space<vmem>> -> memref<1x128x64xf32, #tpu.memory_space<vmem>>
    %dma_start3A_386 = tpu.memref_squeeze %dma_start3A_385 : memref<1x128x64xf32, #tpu.memory_space<vmem>> -> memref<128x64xf32, #tpu.memory_space<vmem>>
    %dma_start3A_387 = arith.constant 0 : i32
    %dma_start3A_388 = tpu.memref_slice %arg11[%dma_start3A_381, %dma_start3A_387] : memref<4x128xi32, #tpu.memory_space<vmem>> -> memref<1x128xi32, #tpu.memory_space<vmem>>
    %dma_start3A_389 = tpu.memref_squeeze %dma_start3A_388 : memref<1x128xi32, #tpu.memory_space<vmem>> -> memref<128xi32, #tpu.memory_space<vmem>>
    %dma_start3A_390 = arith.constant 0 : i32
    %dma_start3A_391 = arith.constant 0 : i32
    %dma_start3A_392 = tpu.memref_slice %arg7[%dma_start3A_390, %dma_start3A_391] : memref<512x64xf32, #tpu.memory_space<hbm>> -> memref<512x64xf32, #tpu.memory_space<hbm>>
    tpu.enqueue_indirect_dma source(%dma_start3A_392 : memref<512x64xf32, #tpu.memory_space<hbm>>) target(%dma_start3A_386 : memref<128x64xf32, #tpu.memory_space<vmem>>) offsets(%dma_start3A_389 : memref<128xi32, #tpu.memory_space<vmem>>) semaphore(%arg22 : memref<!tpu.dma_semaphore, #tpu.memory_space<semaphore_mem>>)
    %scan3A = arith.constant 0 : i32
    %scan3A_393 = arith.constant 0 : i32
    %scan3A_394 = arith.constant 50 : i32
    %scan3A_395 = arith.addi %scan3A_393, %scan3A_394 : i32
    %scan3A_396 = arith.constant 1 : i32
    scf.for %scan3A_458 = %scan3A_393 to %scan3A_395 step %scan3A_396  : i32 {
      %mul3A_459 = arith.constant 4 : i32
      %mul3A_460 = arith.muli %scan3A_458, %mul3A_459 : i32
      %dma_wait3A_461 = arith.constant 0 : i32
      %dma_wait3A_462 = arith.constant 0 : i32
      %dma_wait3A_463 = arith.constant 0 : i32
      %dma_wait3A_464 = arith.constant 0 : i32
      %dma_wait3A_465 = tpu.memref_slice %arg12[%dma_wait3A_462, %dma_wait3A_463, %dma_wait3A_464] : memref<4x128x64xf32, #tpu.memory_space<vmem>> -> memref<1x128x64xf32, #tpu.memory_space<vmem>>
      %dma_wait3A_466 = tpu.memref_squeeze %dma_wait3A_465 : memref<1x128x64xf32, #tpu.memory_space<vmem>> -> memref<128x64xf32, #tpu.memory_space<vmem>>
      %dma_wait3A_467 = arith.constant 0 : i32
      %dma_wait3A_468 = tpu.memref_slice %arg9[%dma_wait3A_461, %dma_wait3A_467] : memref<4x128xi32, #tpu.memory_space<vmem>> -> memref<1x128xi32, #tpu.memory_space<vmem>>
      %dma_wait3A_469 = tpu.memref_squeeze %dma_wait3A_468 : memref<1x128xi32, #tpu.memory_space<vmem>> -> memref<128xi32, #tpu.memory_space<vmem>>
      %dma_wait3A_470 = arith.constant 0 : i32
      %dma_wait3A_471 = arith.constant 0 : i32
      %dma_wait3A_472 = tpu.memref_slice %arg5[%dma_wait3A_470, %dma_wait3A_471] : memref<1000000x64xf32, #tpu.memory_space<hbm>> -> memref<1000000x64xf32, #tpu.memory_space<hbm>>
      tpu.wait_indirect_dma semaphore(%arg19 : memref<!tpu.dma_semaphore, #tpu.memory_space<semaphore_mem>>) src(%dma_wait3A_472 : memref<1000000x64xf32, #tpu.memory_space<hbm>>) dst(%dma_wait3A_466 : memref<128x64xf32, #tpu.memory_space<vmem>>)
      %dma_wait3A_473 = arith.constant 0 : i32
      %dma_wait3A_474 = arith.constant 0 : i32
      %dma_wait3A_475 = arith.constant 0 : i32
      %dma_wait3A_476 = arith.constant 0 : i32
      %dma_wait3A_477 = tpu.memref_slice %arg13[%dma_wait3A_474, %dma_wait3A_475, %dma_wait3A_476] : memref<4x128x64xf32, #tpu.memory_space<vmem>> -> memref<1x128x64xf32, #tpu.memory_space<vmem>>
      %dma_wait3A_478 = tpu.memref_squeeze %dma_wait3A_477 : memref<1x128x64xf32, #tpu.memory_space<vmem>> -> memref<128x64xf32, #tpu.memory_space<vmem>>
      %dma_wait3A_479 = arith.constant 0 : i32
      %dma_wait3A_480 = tpu.memref_slice %arg10[%dma_wait3A_473, %dma_wait3A_479] : memref<4x128xi32, #tpu.memory_space<vmem>> -> memref<1x128xi32, #tpu.memory_space<vmem>>
      %dma_wait3A_481 = tpu.memref_squeeze %dma_wait3A_480 : memref<1x128xi32, #tpu.memory_space<vmem>> -> memref<128xi32, #tpu.memory_space<vmem>>
      %dma_wait3A_482 = arith.constant 0 : i32
      %dma_wait3A_483 = arith.constant 0 : i32
      %dma_wait3A_484 = tpu.memref_slice %arg6[%dma_wait3A_482, %dma_wait3A_483] : memref<512x64xf32, #tpu.memory_space<hbm>> -> memref<512x64xf32, #tpu.memory_space<hbm>>
      tpu.wait_indirect_dma semaphore(%arg19 : memref<!tpu.dma_semaphore, #tpu.memory_space<semaphore_mem>>) src(%dma_wait3A_484 : memref<512x64xf32, #tpu.memory_space<hbm>>) dst(%dma_wait3A_478 : memref<128x64xf32, #tpu.memory_space<vmem>>)
      %dma_wait3A_485 = arith.constant 0 : i32
      %dma_wait3A_486 = arith.constant 0 : i32
      %dma_wait3A_487 = arith.constant 0 : i32
      %dma_wait3A_488 = arith.constant 0 : i32
      %dma_wait3A_489 = tpu.memref_slice %arg14[%dma_wait3A_486, %dma_wait3A_487, %dma_wait3A_488] : memref<4x128x64xf32, #tpu.memory_space<vmem>> -> memref<1x128x64xf32, #tpu.memory_space<vmem>>
      %dma_wait3A_490 = tpu.memref_squeeze %dma_wait3A_489 : memref<1x128x64xf32, #tpu.memory_space<vmem>> -> memref<128x64xf32, #tpu.memory_space<vmem>>
      %dma_wait3A_491 = arith.constant 0 : i32
      %dma_wait3A_492 = tpu.memref_slice %arg11[%dma_wait3A_485, %dma_wait3A_491] : memref<4x128xi32, #tpu.memory_space<vmem>> -> memref<1x128xi32, #tpu.memory_space<vmem>>
      %dma_wait3A_493 = tpu.memref_squeeze %dma_wait3A_492 : memref<1x128xi32, #tpu.memory_space<vmem>> -> memref<128xi32, #tpu.memory_space<vmem>>
      %dma_wait3A_494 = arith.constant 0 : i32
      %dma_wait3A_495 = arith.constant 0 : i32
      %dma_wait3A_496 = tpu.memref_slice %arg7[%dma_wait3A_494, %dma_wait3A_495] : memref<512x64xf32, #tpu.memory_space<hbm>> -> memref<512x64xf32, #tpu.memory_space<hbm>>
      tpu.wait_indirect_dma semaphore(%arg19 : memref<!tpu.dma_semaphore, #tpu.memory_space<semaphore_mem>>) src(%dma_wait3A_496 : memref<512x64xf32, #tpu.memory_space<hbm>>) dst(%dma_wait3A_490 : memref<128x64xf32, #tpu.memory_space<vmem>>)
      %scan3A_497 = arith.constant 0 : i32
      %scan3A_498 = arith.constant 0 : i32
      %scan3A_499 = arith.constant 128 : i32
      %scan3A_500 = arith.addi %scan3A_498, %scan3A_499 : i32
      %scan3A_501 = arith.constant 8 : i32
      scf.for %scan3A_733 = %scan3A_498 to %scan3A_500 step %scan3A_501  : i32 {
        %get3A = arith.constant 0 : i32
        %get3A_734 = arith.index_cast %get3A : i32 to index
        %get3A_735 = arith.index_cast %scan3A_733 : i32 to index
        %get3A_736 = arith.constant 0 : index
        %get3A_737 = tpu.vector_load %arg13[%get3A_734, %get3A_735, %get3A_736] {strides = array<i32>} : memref<4x128x64xf32, #tpu.memory_space<vmem>>, vector<1x1x16xf32>,
        %get3A_738 = vector.shape_cast %get3A_737 : vector<1x1x16xf32> to vector<16xf32>
        %get3A_739 = arith.constant 0 : i32
        %get3A_740 = arith.index_cast %get3A_739 : i32 to index
        %get3A_741 = arith.index_cast %scan3A_733 : i32 to index
        %get3A_742 = arith.constant 0 : index
        %get3A_743 = tpu.vector_load %arg14[%get3A_740, %get3A_741, %get3A_742] {strides = array<i32>} : memref<4x128x64xf32, #tpu.memory_space<vmem>>, vector<1x1x16xf32>,
        %get3A_744 = vector.shape_cast %get3A_743 : vector<1x1x16xf32> to vector<16xf32>
        %add3A_745 = arith.addf %get3A_738, %get3A_744 : vector<16xf32>
        %swap3A = arith.constant 0 : i32
        %swap3A_746 = arith.index_cast %swap3A : i32 to index
        %swap3A_747 = arith.index_cast %scan3A_733 : i32 to index
        %swap3A_748 = arith.constant 0 : index
        %swap3A_749 = tpu.vector_load %arg12[%swap3A_746, %swap3A_747, %swap3A_748] {strides = array<i32>} : memref<4x128x64xf32, #tpu.memory_space<vmem>>, vector<1x1x16xf32>,
        %swap3A_750 = vector.shape_cast %swap3A_749 : vector<1x1x16xf32> to vector<16xf32>
        %swap3A_751 = vector.shape_cast %add3A_745 : vector<16xf32> to vector<1x1x16xf32>
        tpu.vector_store %arg12[%swap3A_746, %swap3A_747, %swap3A_748], %swap3A_751 {add = true, strides = array<i32>} : memref<4x128x64xf32, #tpu.memory_space<vmem>>, vector<1x1x16xf32>,
        %get3A_752 = arith.constant 0 : i32
        %get3A_753 = arith.index_cast %get3A_752 : i32 to index
        %get3A_754 = arith.index_cast %scan3A_733 : i32 to index
        %get3A_755 = arith.constant 16 : index
        %get3A_756 = tpu.vector_load %arg13[%get3A_753, %get3A_754, %get3A_755] {strides = array<i32>} : memref<4x128x64xf32, #tpu.memory_space<vmem>>, vector<1x1x16xf32>,
        %get3A_757 = vector.shape_cast %get3A_756 : vector<1x1x16xf32> to vector<16xf32>
        %get3A_758 = arith.constant 0 : i32
        %get3A_759 = arith.index_cast %get3A_758 : i32 to index
        %get3A_760 = arith.index_cast %scan3A_733 : i32 to index
        %get3A_761 = arith.constant 16 : index
        %get3A_762 = tpu.vector_load %arg14[%get3A_759, %get3A_760, %get3A_761] {strides = array<i32>} : memref<4x128x64xf32, #tpu.memory_space<vmem>>, vector<1x1x16xf32>,
        %get3A_763 = vector.shape_cast %get3A_762 : vector<1x1x16xf32> to vector<16xf32>
        %add3A_764 = arith.addf %get3A_757, %get3A_763 : vector<16xf32>
        %swap3A_765 = arith.constant 0 : i32
        %swap3A_766 = arith.index_cast %swap3A_765 : i32 to index
        %swap3A_767 = arith.index_cast %scan3A_733 : i32 to index
        %swap3A_768 = arith.constant 16 : index
        %swap3A_769 = tpu.vector_load %arg12[%swap3A_766, %swap3A_767, %swap3A_768] {strides = array<i32>} : memref<4x128x64xf32, #tpu.memory_space<vmem>>, vector<1x1x16xf32>,
        %swap3A_770 = vector.shape_cast %swap3A_769 : vector<1x1x16xf32> to vector<16xf32>
        %swap3A_771 = vector.shape_cast %add3A_764 : vector<16xf32> to vector<1x1x16xf32>
        tpu.vector_store %arg12[%swap3A_766, %swap3A_767, %swap3A_768], %swap3A_771 {add = true, strides = array<i32>} : memref<4x128x64xf32, #tpu.memory_space<vmem>>, vector<1x1x16xf32>,
        %get3A_772 = arith.constant 0 : i32
        %get3A_773 = arith.index_cast %get3A_772 : i32 to index
        %get3A_774 = arith.index_cast %scan3A_733 : i32 to index
        %get3A_775 = arith.constant 32 : index
        %get3A_776 = tpu.vector_load %arg13[%get3A_773, %get3A_774, %get3A_775] {strides = array<i32>} : memref<4x128x64xf32, #tpu.memory_space<vmem>>, vector<1x1x16xf32>,
        %get3A_777 = vector.shape_cast %get3A_776 : vector<1x1x16xf32> to vector<16xf32>
        %get3A_778 = arith.constant 0 : i32
        %get3A_779 = arith.index_cast %get3A_778 : i32 to index
        %get3A_780 = arith.index_cast %scan3A_733 : i32 to index
        %get3A_781 = arith.constant 32 : index
        %get3A_782 = tpu.vector_load %arg14[%get3A_779, %get3A_780, %get3A_781] {strides = array<i32>} : memref<4x128x64xf32, #tpu.memory_space<vmem>>, vector<1x1x16xf32>,
        %get3A_783 = vector.shape_cast %get3A_782 : vector<1x1x16xf32> to vector<16xf32>
        %add3A_784 = arith.addf %get3A_777, %get3A_783 : vector<16xf32>
        %swap3A_785 = arith.constant 0 : i32
        %swap3A_786 = arith.index_cast %swap3A_785 : i32 to index
        %swap3A_787 = arith.index_cast %scan3A_733 : i32 to index
        %swap3A_788 = arith.constant 32 : index
        %swap3A_789 = tpu.vector_load %arg12[%swap3A_786, %swap3A_787, %swap3A_788] {strides = array<i32>} : memref<4x128x64xf32, #tpu.memory_space<vmem>>, vector<1x1x16xf32>,
        %swap3A_790 = vector.shape_cast %swap3A_789 : vector<1x1x16xf32> to vector<16xf32>
        %swap3A_791 = vector.shape_cast %add3A_784 : vector<16xf32> to vector<1x1x16xf32>
        tpu.vector_store %arg12[%swap3A_786, %swap3A_787, %swap3A_788], %swap3A_791 {add = true, strides = array<i32>} : memref<4x128x64xf32, #tpu.memory_space<vmem>>, vector<1x1x16xf32>,
        %get3A_792 = arith.constant 0 : i32
        %get3A_793 = arith.index_cast %get3A_792 : i32 to index
        %get3A_794 = arith.index_cast %scan3A_733 : i32 to index
        %get3A_795 = arith.constant 48 : index
        %get3A_796 = tpu.vector_load %arg13[%get3A_793, %get3A_794, %get3A_795] {strides = array<i32>} : memref<4x128x64xf32, #tpu.memory_space<vmem>>, vector<1x1x16xf32>,
        %get3A_797 = vector.shape_cast %get3A_796 : vector<1x1x16xf32> to vector<16xf32>
        %get3A_798 = arith.constant 0 : i32
        %get3A_799 = arith.index_cast %get3A_798 : i32 to index
        %get3A_800 = arith.index_cast %scan3A_733 : i32 to index
        %get3A_801 = arith.constant 48 : index
        %get3A_802 = tpu.vector_load %arg14[%get3A_799, %get3A_800, %get3A_801] {strides = array<i32>} : memref<4x128x64xf32, #tpu.memory_space<vmem>>, vector<1x1x16xf32>,
        %get3A_803 = vector.shape_cast %get3A_802 : vector<1x1x16xf32> to vector<16xf32>
        %add3A_804 = arith.addf %get3A_797, %get3A_803 : vector<16xf32>
        %swap3A_805 = arith.constant 0 : i32
        %swap3A_806 = arith.index_cast %swap3A_805 : i32 to index
        %swap3A_807 = arith.index_cast %scan3A_733 : i32 to index
        %swap3A_808 = arith.constant 48 : index
        %swap3A_809 = tpu.vector_load %arg12[%swap3A_806, %swap3A_807, %swap3A_808] {strides = array<i32>} : memref<4x128x64xf32, #tpu.memory_space<vmem>>, vector<1x1x16xf32>,
        %swap3A_810 = vector.shape_cast %swap3A_809 : vector<1x1x16xf32> to vector<16xf32>
        %swap3A_811 = vector.shape_cast %add3A_804 : vector<16xf32> to vector<1x1x16xf32>
        tpu.vector_store %arg12[%swap3A_806, %swap3A_807, %swap3A_808], %swap3A_811 {add = true, strides = array<i32>} : memref<4x128x64xf32, #tpu.memory_space<vmem>>, vector<1x1x16xf32>,
        %scan3A_812 = arith.constant 1 : i32
        %scan3A_813 = arith.addi %scan3A_733, %scan3A_812 : i32
        %get3A_814 = arith.constant 0 : i32
        %get3A_815 = arith.index_cast %get3A_814 : i32 to index
        %get3A_816 = arith.index_cast %scan3A_813 : i32 to index
        %get3A_817 = arith.constant 0 : index
        %get3A_818 = tpu.vector_load %arg13[%get3A_815, %get3A_816, %get3A_817] {strides = array<i32>} : memref<4x128x64xf32, #tpu.memory_space<vmem>>, vector<1x1x16xf32>,
        %get3A_819 = vector.shape_cast %get3A_818 : vector<1x1x16xf32> to vector<16xf32>
        %get3A_820 = arith.constant 0 : i32
        %get3A_821 = arith.index_cast %get3A_820 : i32 to index
        %get3A_822 = arith.index_cast %scan3A_813 : i32 to index
        %get3A_823 = arith.constant 0 : index
        %get3A_824 = tpu.vector_load %arg14[%get3A_821, %get3A_822, %get3A_823] {strides = array<i32>} : memref<4x128x64xf32, #tpu.memory_space<vmem>>, vector<1x1x16xf32>,
        %get3A_825 = vector.shape_cast %get3A_824 : vector<1x1x16xf32> to vector<16xf32>
        %add3A_826 = arith.addf %get3A_819, %get3A_825 : vector<16xf32>
        %swap3A_827 = arith.constant 0 : i32
        %swap3A_828 = arith.index_cast %swap3A_827 : i32 to index
        %swap3A_829 = arith.index_cast %scan3A_813 : i32 to index
        %swap3A_830 = arith.constant 0 : index
        %swap3A_831 = tpu.vector_load %arg12[%swap3A_828, %swap3A_829, %swap3A_830] {strides = array<i32>} : memref<4x128x64xf32, #tpu.memory_space<vmem>>, vector<1x1x16xf32>,
        %swap3A_832 = vector.shape_cast %swap3A_831 : vector<1x1x16xf32> to vector<16xf32>
        %swap3A_833 = vector.shape_cast %add3A_826 : vector<16xf32> to vector<1x1x16xf32>
        tpu.vector_store %arg12[%swap3A_828, %swap3A_829, %swap3A_830], %swap3A_833 {add = true, strides = array<i32>} : memref<4x128x64xf32, #tpu.memory_space<vmem>>, vector<1x1x16xf32>,
        %get3A_834 = arith.constant 0 : i32
        %get3A_835 = arith.index_cast %get3A_834 : i32 to index
        %get3A_836 = arith.index_cast %scan3A_813 : i32 to index
        %get3A_837 = arith.constant 16 : index
        %get3A_838 = tpu.vector_load %arg13[%get3A_835, %get3A_836, %get3A_837] {strides = array<i32>} : memref<4x128x64xf32, #tpu.memory_space<vmem>>, vector<1x1x16xf32>,
        %get3A_839 = vector.shape_cast %get3A_838 : vector<1x1x16xf32> to vector<16xf32>
        %get3A_840 = arith.constant 0 : i32
        %get3A_841 = arith.index_cast %get3A_840 : i32 to index
        %get3A_842 = arith.index_cast %scan3A_813 : i32 to index
        %get3A_843 = arith.constant 16 : index
        %get3A_844 = tpu.vector_load %arg14[%get3A_841, %get3A_842, %get3A_843] {strides = array<i32>} : memref<4x128x64xf32, #tpu.memory_space<vmem>>, vector<1x1x16xf32>,
        %get3A_845 = vector.shape_cast %get3A_844 : vector<1x1x16xf32> to vector<16xf32>
        %add3A_846 = arith.addf %get3A_839, %get3A_845 : vector<16xf32>
        %swap3A_847 = arith.constant 0 : i32
        %swap3A_848 = arith.index_cast %swap3A_847 : i32 to index
        %swap3A_849 = arith.index_cast %scan3A_813 : i32 to index
        %swap3A_850 = arith.constant 16 : index
        %swap3A_851 = tpu.vector_load %arg12[%swap3A_848, %swap3A_849, %swap3A_850] {strides = array<i32>} : memref<4x128x64xf32, #tpu.memory_space<vmem>>, vector<1x1x16xf32>,
        %swap3A_852 = vector.shape_cast %swap3A_851 : vector<1x1x16xf32> to vector<16xf32>
        %swap3A_853 = vector.shape_cast %add3A_846 : vector<16xf32> to vector<1x1x16xf32>
        tpu.vector_store %arg12[%swap3A_848, %swap3A_849, %swap3A_850], %swap3A_853 {add = true, strides = array<i32>} : memref<4x128x64xf32, #tpu.memory_space<vmem>>, vector<1x1x16xf32>,
        %get3A_854 = arith.constant 0 : i32
        %get3A_855 = arith.index_cast %get3A_854 : i32 to index
        %get3A_856 = arith.index_cast %scan3A_813 : i32 to index
        %get3A_857 = arith.constant 32 : index
        %get3A_858 = tpu.vector_load %arg13[%get3A_855, %get3A_856, %get3A_857] {strides = array<i32>} : memref<4x128x64xf32, #tpu.memory_space<vmem>>, vector<1x1x16xf32>,
        %get3A_859 = vector.shape_cast %get3A_858 : vector<1x1x16xf32> to vector<16xf32>
        %get3A_860 = arith.constant 0 : i32
        %get3A_861 = arith.index_cast %get3A_860 : i32 to index
        %get3A_862 = arith.index_cast %scan3A_813 : i32 to index
        %get3A_863 = arith.constant 32 : index
        %get3A_864 = tpu.vector_load %arg14[%get3A_861, %get3A_862, %get3A_863] {strides = array<i32>} : memref<4x128x64xf32, #tpu.memory_space<vmem>>, vector<1x1x16xf32>,
        %get3A_865 = vector.shape_cast %get3A_864 : vector<1x1x16xf32> to vector<16xf32>
        %add3A_866 = arith.addf %get3A_859, %get3A_865 : vector<16xf32>
        %swap3A_867 = arith.constant 0 : i32
        %swap3A_868 = arith.index_cast %swap3A_867 : i32 to index
        %swap3A_869 = arith.index_cast %scan3A_813 : i32 to index
        %swap3A_870 = arith.constant 32 : index
        %swap3A_871 = tpu.vector_load %arg12[%swap3A_868, %swap3A_869, %swap3A_870] {strides = array<i32>} : memref<4x128x64xf32, #tpu.memory_space<vmem>>, vector<1x1x16xf32>,
        %swap3A_872 = vector.shape_cast %swap3A_871 : vector<1x1x16xf32> to vector<16xf32>
        %swap3A_873 = vector.shape_cast %add3A_866 : vector<16xf32> to vector<1x1x16xf32>
        tpu.vector_store %arg12[%swap3A_868, %swap3A_869, %swap3A_870], %swap3A_873 {add = true, strides = array<i32>} : memref<4x128x64xf32, #tpu.memory_space<vmem>>, vector<1x1x16xf32>,
        %get3A_874 = arith.constant 0 : i32
        %get3A_875 = arith.index_cast %get3A_874 : i32 to index
        %get3A_876 = arith.index_cast %scan3A_813 : i32 to index
        %get3A_877 = arith.constant 48 : index
        %get3A_878 = tpu.vector_load %arg13[%get3A_875, %get3A_876, %get3A_877] {strides = array<i32>} : memref<4x128x64xf32, #tpu.memory_space<vmem>>, vector<1x1x16xf32>,
        %get3A_879 = vector.shape_cast %get3A_878 : vector<1x1x16xf32> to vector<16xf32>
        %get3A_880 = arith.constant 0 : i32
        %get3A_881 = arith.index_cast %get3A_880 : i32 to index
        %get3A_882 = arith.index_cast %scan3A_813 : i32 to index
        %get3A_883 = arith.constant 48 : index
        %get3A_884 = tpu.vector_load %arg14[%get3A_881, %get3A_882, %get3A_883] {strides = array<i32>} : memref<4x128x64xf32, #tpu.memory_space<vmem>>, vector<1x1x16xf32>,
        %get3A_885 = vector.shape_cast %get3A_884 : vector<1x1x16xf32> to vector<16xf32>
        %add3A_886 = arith.addf %get3A_879, %get3A_885 : vector<16xf32>
        %swap3A_887 = arith.constant 0 : i32
        %swap3A_888 = arith.index_cast %swap3A_887 : i32 to index
        %swap3A_889 = arith.index_cast %scan3A_813 : i32 to index
        %swap3A_890 = arith.constant 48 : index
        %swap3A_891 = tpu.vector_load %arg12[%swap3A_888, %swap3A_889, %swap3A_890] {strides = array<i32>} : memref<4x128x64xf32, #tpu.memory_space<vmem>>, vector<1x1x16xf32>,
        %swap3A_892 = vector.shape_cast %swap3A_891 : vector<1x1x16xf32> to vector<16xf32>
        %swap3A_893 = vector.shape_cast %add3A_886 : vector<16xf32> to vector<1x1x16xf32>
        tpu.vector_store %arg12[%swap3A_888, %swap3A_889, %swap3A_890], %swap3A_893 {add = true, strides = array<i32>} : memref<4x128x64xf32, #tpu.memory_space<vmem>>, vector<1x1x16xf32>,
        %scan3A_894 = arith.constant 2 : i32
        %scan3A_895 = arith.addi %scan3A_733, %scan3A_894 : i32
        %get3A_896 = arith.constant 0 : i32
        %get3A_897 = arith.index_cast %get3A_896 : i32 to index
        %get3A_898 = arith.index_cast %scan3A_895 : i32 to index
        %get3A_899 = arith.constant 0 : index
        %get3A_900 = tpu.vector_load %arg13[%get3A_897, %get3A_898, %get3A_899] {strides = array<i32>} : memref<4x128x64xf32, #tpu.memory_space<vmem>>, vector<1x1x16xf32>,
        %get3A_901 = vector.shape_cast %get3A_900 : vector<1x1x16xf32> to vector<16xf32>
        %get3A_902 = arith.constant 0 : i32
        %get3A_903 = arith.index_cast %get3A_902 : i32 to index
        %get3A_904 = arith.index_cast %scan3A_895 : i32 to index
        %get3A_905 = arith.constant 0 : index
        %get3A_906 = tpu.vector_load %arg14[%get3A_903, %get3A_904, %get3A_905] {strides = array<i32>} : memref<4x128x64xf32, #tpu.memory_space<vmem>>, vector<1x1x16xf32>,
        %get3A_907 = vector.shape_cast %get3A_906 : vector<1x1x16xf32> to vector<16xf32>
        %add3A_908 = arith.addf %get3A_901, %get3A_907 : vector<16xf32>
        %swap3A_909 = arith.constant 0 : i32
        %swap3A_910 = arith.index_cast %swap3A_909 : i32 to index
        %swap3A_911 = arith.index_cast %scan3A_895 : i32 to index
        %swap3A_912 = arith.constant 0 : index
        %swap3A_913 = tpu.vector_load %arg12[%swap3A_910, %swap3A_911, %swap3A_912] {strides = array<i32>} : memref<4x128x64xf32, #tpu.memory_space<vmem>>, vector<1x1x16xf32>,
        %swap3A_914 = vector.shape_cast %swap3A_913 : vector<1x1x16xf32> to vector<16xf32>
        %swap3A_915 = vector.shape_cast %add3A_908 : vector<16xf32> to vector<1x1x16xf32>
        tpu.vector_store %arg12[%swap3A_910, %swap3A_911, %swap3A_912], %swap3A_915 {add = true, strides = array<i32>} : memref<4x128x64xf32, #tpu.memory_space<vmem>>, vector<1x1x16xf32>,
        %get3A_916 = arith.constant 0 : i32
        %get3A_917 = arith.index_cast %get3A_916 : i32 to index
        %get3A_918 = arith.index_cast %scan3A_895 : i32 to index
        %get3A_919 = arith.constant 16 : index
        %get3A_920 = tpu.vector_load %arg13[%get3A_917, %get3A_918, %get3A_919] {strides = array<i32>} : memref<4x128x64xf32, #tpu.memory_space<vmem>>, vector<1x1x16xf32>,
        %get3A_921 = vector.shape_cast %get3A_920 : vector<1x1x16xf32> to vector<16xf32>
        %get3A_922 = arith.constant 0 : i32
        %get3A_923 = arith.index_cast %get3A_922 : i32 to index
        %get3A_924 = arith.index_cast %scan3A_895 : i32 to index
        %get3A_925 = arith.constant 16 : index
        %get3A_926 = tpu.vector_load %arg14[%get3A_923, %get3A_924, %get3A_925] {strides = array<i32>} : memref<4x128x64xf32, #tpu.memory_space<vmem>>, vector<1x1x16xf32>,
        %get3A_927 = vector.shape_cast %get3A_926 : vector<1x1x16xf32> to vector<16xf32>
        %add3A_928 = arith.addf %get3A_921, %get3A_927 : vector<16xf32>
        %swap3A_929 = arith.constant 0 : i32
        %swap3A_930 = arith.index_cast %swap3A_929 : i32 to index
        %swap3A_931 = arith.index_cast %scan3A_895 : i32 to index
        %swap3A_932 = arith.constant 16 : index
        %swap3A_933 = tpu.vector_load %arg12[%swap3A_930, %swap3A_931, %swap3A_932] {strides = array<i32>} : memref<4x128x64xf32, #tpu.memory_space<vmem>>, vector<1x1x16xf32>,
        %swap3A_934 = vector.shape_cast %swap3A_933 : vector<1x1x16xf32> to vector<16xf32>
        %swap3A_935 = vector.shape_cast %add3A_928 : vector<16xf32> to vector<1x1x16xf32>
        tpu.vector_store %arg12[%swap3A_930, %swap3A_931, %swap3A_932], %swap3A_935 {add = true, strides = array<i32>} : memref<4x128x64xf32, #tpu.memory_space<vmem>>, vector<1x1x16xf32>,
        %get3A_936 = arith.constant 0 : i32
        %get3A_937 = arith.index_cast %get3A_936 : i32 to index
        %get3A_938 = arith.index_cast %scan3A_895 : i32 to index
        %get3A_939 = arith.constant 32 : index
        %get3A_940 = tpu.vector_load %arg13[%get3A_937, %get3A_938, %get3A_939] {strides = array<i32>} : memref<4x128x64xf32, #tpu.memory_space<vmem>>, vector<1x1x16xf32>,
        %get3A_941 = vector.shape_cast %get3A_940 : vector<1x1x16xf32> to vector<16xf32>
        %get3A_942 = arith.constant 0 : i32
        %get3A_943 = arith.index_cast %get3A_942 : i32 to index
        %get3A_944 = arith.index_cast %scan3A_895 : i32 to index
        %get3A_945 = arith.constant 32 : index
        %get3A_946 = tpu.vector_load %arg14[%get3A_943, %get3A_944, %get3A_945] {strides = array<i32>} : memref<4x128x64xf32, #tpu.memory_space<vmem>>, vector<1x1x16xf32>,
        %get3A_947 = vector.shape_cast %get3A_946 : vector<1x1x16xf32> to vector<16xf32>
        %add3A_948 = arith.addf %get3A_941, %get3A_947 : vector<16xf32>
        %swap3A_949 = arith.constant 0 : i32
        %swap3A_950 = arith.index_cast %swap3A_949 : i32 to index
        %swap3A_951 = arith.index_cast %scan3A_895 : i32 to index
        %swap3A_952 = arith.constant 32 : index
        %swap3A_953 = tpu.vector_load %arg12[%swap3A_950, %swap3A_951, %swap3A_952] {strides = array<i32>} : memref<4x128x64xf32, #tpu.memory_space<vmem>>, vector<1x1x16xf32>,
        %swap3A_954 = vector.shape_cast %swap3A_953 : vector<1x1x16xf32> to vector<16xf32>
        %swap3A_955 = vector.shape_cast %add3A_948 : vector<16xf32> to vector<1x1x16xf32>
        tpu.vector_store %arg12[%swap3A_950, %swap3A_951, %swap3A_952], %swap3A_955 {add = true, strides = array<i32>} : memref<4x128x64xf32, #tpu.memory_space<vmem>>, vector<1x1x16xf32>,
        %get3A_956 = arith.constant 0 : i32
        %get3A_957 = arith.index_cast %get3A_956 : i32 to index
        %get3A_958 = arith.index_cast %scan3A_895 : i32 to index
        %get3A_959 = arith.constant 48 : index
        %get3A_960 = tpu.vector_load %arg13[%get3A_957, %get3A_958, %get3A_959] {strides = array<i32>} : memref<4x128x64xf32, #tpu.memory_space<vmem>>, vector<1x1x16xf32>,
        %get3A_961 = vector.shape_cast %get3A_960 : vector<1x1x16xf32> to vector<16xf32>
        %get3A_962 = arith.constant 0 : i32
        %get3A_963 = arith.index_cast %get3A_962 : i32 to index
        %get3A_964 = arith.index_cast %scan3A_895 : i32 to index
        %get3A_965 = arith.constant 48 : index
        %get3A_966 = tpu.vector_load %arg14[%get3A_963, %get3A_964, %get3A_965] {strides = array<i32>} : memref<4x128x64xf32, #tpu.memory_space<vmem>>, vector<1x1x16xf32>,
        %get3A_967 = vector.shape_cast %get3A_966 : vector<1x1x16xf32> to vector<16xf32>
        %add3A_968 = arith.addf %get3A_961, %get3A_967 : vector<16xf32>
        %swap3A_969 = arith.constant 0 : i32
        %swap3A_970 = arith.index_cast %swap3A_969 : i32 to index
        %swap3A_971 = arith.index_cast %scan3A_895 : i32 to index
        %swap3A_972 = arith.constant 48 : index
        %swap3A_973 = tpu.vector_load %arg12[%swap3A_970, %swap3A_971, %swap3A_972] {strides = array<i32>} : memref<4x128x64xf32, #tpu.memory_space<vmem>>, vector<1x1x16xf32>,
        %swap3A_974 = vector.shape_cast %swap3A_973 : vector<1x1x16xf32> to vector<16xf32>
        %swap3A_975 = vector.shape_cast %add3A_968 : vector<16xf32> to vector<1x1x16xf32>
        tpu.vector_store %arg12[%swap3A_970, %swap3A_971, %swap3A_972], %swap3A_975 {add = true, strides = array<i32>} : memref<4x128x64xf32, #tpu.memory_space<vmem>>, vector<1x1x16xf32>,
        %scan3A_976 = arith.constant 3 : i32
        %scan3A_977 = arith.addi %scan3A_733, %scan3A_976 : i32
        %get3A_978 = arith.constant 0 : i32
        %get3A_979 = arith.index_cast %get3A_978 : i32 to index
        %get3A_980 = arith.index_cast %scan3A_977 : i32 to index
        %get3A_981 = arith.constant 0 : index
        %get3A_982 = tpu.vector_load %arg13[%get3A_979, %get3A_980, %get3A_981] {strides = array<i32>} : memref<4x128x64xf32, #tpu.memory_space<vmem>>, vector<1x1x16xf32>,
        %get3A_983 = vector.shape_cast %get3A_982 : vector<1x1x16xf32> to vector<16xf32>
        %get3A_984 = arith.constant 0 : i32
        %get3A_985 = arith.index_cast %get3A_984 : i32 to index
        %get3A_986 = arith.index_cast %scan3A_977 : i32 to index
        %get3A_987 = arith.constant 0 : index
        %get3A_988 = tpu.vector_load %arg14[%get3A_985, %get3A_986, %get3A_987] {strides = array<i32>} : memref<4x128x64xf32, #tpu.memory_space<vmem>>, vector<1x1x16xf32>,
        %get3A_989 = vector.shape_cast %get3A_988 : vector<1x1x16xf32> to vector<16xf32>
        %add3A_990 = arith.addf %get3A_983, %get3A_989 : vector<16xf32>
        %swap3A_991 = arith.constant 0 : i32
        %swap3A_992 = arith.index_cast %swap3A_991 : i32 to index
        %swap3A_993 = arith.index_cast %scan3A_977 : i32 to index
        %swap3A_994 = arith.constant 0 : index
        %swap3A_995 = tpu.vector_load %arg12[%swap3A_992, %swap3A_993, %swap3A_994] {strides = array<i32>} : memref<4x128x64xf32, #tpu.memory_space<vmem>>, vector<1x1x16xf32>,
        %swap3A_996 = vector.shape_cast %swap3A_995 : vector<1x1x16xf32> to vector<16xf32>
        %swap3A_997 = vector.shape_cast %add3A_990 : vector<16xf32> to vector<1x1x16xf32>
        tpu.vector_store %arg12[%swap3A_992, %swap3A_993, %swap3A_994], %swap3A_997 {add = true, strides = array<i32>} : memref<4x128x64xf32, #tpu.memory_space<vmem>>, vector<1x1x16xf32>,
        %get3A_998 = arith.constant 0 : i32
        %get3A_999 = arith.index_cast %get3A_998 : i32 to index
        %get3A_1000 = arith.index_cast %scan3A_977 : i32 to index
        %get3A_1001 = arith.constant 16 : index
        %get3A_1002 = tpu.vector_load %arg13[%get3A_999, %get3A_1000, %get3A_1001] {strides = array<i32>} : memref<4x128x64xf32, #tpu.memory_space<vmem>>, vector<1x1x16xf32>,
        %get3A_1003 = vector.shape_cast %get3A_1002 : vector<1x1x16xf32> to vector<16xf32>
        %get3A_1004 = arith.constant 0 : i32
        %get3A_1005 = arith.index_cast %get3A_1004 : i32 to index
        %get3A_1006 = arith.index_cast %scan3A_977 : i32 to index
        %get3A_1007 = arith.constant 16 : index
        %get3A_1008 = tpu.vector_load %arg14[%get3A_1005, %get3A_1006, %get3A_1007] {strides = array<i32>} : memref<4x128x64xf32, #tpu.memory_space<vmem>>, vector<1x1x16xf32>,
        %get3A_1009 = vector.shape_cast %get3A_1008 : vector<1x1x16xf32> to vector<16xf32>
        %add3A_1010 = arith.addf %get3A_1003, %get3A_1009 : vector<16xf32>
        %swap3A_1011 = arith.constant 0 : i32
        %swap3A_1012 = arith.index_cast %swap3A_1011 : i32 to index
        %swap3A_1013 = arith.index_cast %scan3A_977 : i32 to index
        %swap3A_1014 = arith.constant 16 : index
        %swap3A_1015 = tpu.vector_load %arg12[%swap3A_1012, %swap3A_1013, %swap3A_1014] {strides = array<i32>} : memref<4x128x64xf32, #tpu.memory_space<vmem>>, vector<1x1x16xf32>,
        %swap3A_1016 = vector.shape_cast %swap3A_1015 : vector<1x1x16xf32> to vector<16xf32>
        %swap3A_1017 = vector.shape_cast %add3A_1010 : vector<16xf32> to vector<1x1x16xf32>
        tpu.vector_store %arg12[%swap3A_1012, %swap3A_1013, %swap3A_1014], %swap3A_1017 {add = true, strides = array<i32>} : memref<4x128x64xf32, #tpu.memory_space<vmem>>, vector<1x1x16xf32>,
        %get3A_1018 = arith.constant 0 : i32
        %get3A_1019 = arith.index_cast %get3A_1018 : i32 to index
        %get3A_1020 = arith.index_cast %scan3A_977 : i32 to index
        %get3A_1021 = arith.constant 32 : index
        %get3A_1022 = tpu.vector_load %arg13[%get3A_1019, %get3A_1020, %get3A_1021] {strides = array<i32>} : memref<4x128x64xf32, #tpu.memory_space<vmem>>, vector<1x1x16xf32>,
        %get3A_1023 = vector.shape_cast %get3A_1022 : vector<1x1x16xf32> to vector<16xf32>
        %get3A_1024 = arith.constant 0 : i32
        %get3A_1025 = arith.index_cast %get3A_1024 : i32 to index
        %get3A_1026 = arith.index_cast %scan3A_977 : i32 to index
        %get3A_1027 = arith.constant 32 : index
        %get3A_1028 = tpu.vector_load %arg14[%get3A_1025, %get3A_1026, %get3A_1027] {strides = array<i32>} : memref<4x128x64xf32, #tpu.memory_space<vmem>>, vector<1x1x16xf32>,
        %get3A_1029 = vector.shape_cast %get3A_1028 : vector<1x1x16xf32> to vector<16xf32>
        %add3A_1030 = arith.addf %get3A_1023, %get3A_1029 : vector<16xf32>
        %swap3A_1031 = arith.constant 0 : i32
        %swap3A_1032 = arith.index_cast %swap3A_1031 : i32 to index
        %swap3A_1033 = arith.index_cast %scan3A_977 : i32 to index
        %swap3A_1034 = arith.constant 32 : index
        %swap3A_1035 = tpu.vector_load %arg12[%swap3A_1032, %swap3A_1033, %swap3A_1034] {strides = array<i32>} : memref<4x128x64xf32, #tpu.memory_space<vmem>>, vector<1x1x16xf32>,
        %swap3A_1036 = vector.shape_cast %swap3A_1035 : vector<1x1x16xf32> to vector<16xf32>
        %swap3A_1037 = vector.shape_cast %add3A_1030 : vector<16xf32> to vector<1x1x16xf32>
        tpu.vector_store %arg12[%swap3A_1032, %swap3A_1033, %swap3A_1034], %swap3A_1037 {add = true, strides = array<i32>} : memref<4x128x64xf32, #tpu.memory_space<vmem>>, vector<1x1x16xf32>,
        %get3A_1038 = arith.constant 0 : i32
        %get3A_1039 = arith.index_cast %get3A_1038 : i32 to index
        %get3A_1040 = arith.index_cast %scan3A_977 : i32 to index
        %get3A_1041 = arith.constant 48 : index
        %get3A_1042 = tpu.vector_load %arg13[%get3A_1039, %get3A_1040, %get3A_1041] {strides = array<i32>} : memref<4x128x64xf32, #tpu.memory_space<vmem>>, vector<1x1x16xf32>,
        %get3A_1043 = vector.shape_cast %get3A_1042 : vector<1x1x16xf32> to vector<16xf32>
        %get3A_1044 = arith.constant 0 : i32
        %get3A_1045 = arith.index_cast %get3A_1044 : i32 to index
        %get3A_1046 = arith.index_cast %scan3A_977 : i32 to index
        %get3A_1047 = arith.constant 48 : index
        %get3A_1048 = tpu.vector_load %arg14[%get3A_1045, %get3A_1046, %get3A_1047] {strides = array<i32>} : memref<4x128x64xf32, #tpu.memory_space<vmem>>, vector<1x1x16xf32>,
        %get3A_1049 = vector.shape_cast %get3A_1048 : vector<1x1x16xf32> to vector<16xf32>
        %add3A_1050 = arith.addf %get3A_1043, %get3A_1049 : vector<16xf32>
        %swap3A_1051 = arith.constant 0 : i32
        %swap3A_1052 = arith.index_cast %swap3A_1051 : i32 to index
        %swap3A_1053 = arith.index_cast %scan3A_977 : i32 to index
        %swap3A_1054 = arith.constant 48 : index
        %swap3A_1055 = tpu.vector_load %arg12[%swap3A_1052, %swap3A_1053, %swap3A_1054] {strides = array<i32>} : memref<4x128x64xf32, #tpu.memory_space<vmem>>, vector<1x1x16xf32>,
        %swap3A_1056 = vector.shape_cast %swap3A_1055 : vector<1x1x16xf32> to vector<16xf32>
        %swap3A_1057 = vector.shape_cast %add3A_1050 : vector<16xf32> to vector<1x1x16xf32>
        tpu.vector_store %arg12[%swap3A_1052, %swap3A_1053, %swap3A_1054], %swap3A_1057 {add = true, strides = array<i32>} : memref<4x128x64xf32, #tpu.memory_space<vmem>>, vector<1x1x16xf32>,
        %scan3A_1058 = arith.constant 4 : i32
        %scan3A_1059 = arith.addi %scan3A_733, %scan3A_1058 : i32
        %get3A_1060 = arith.constant 0 : i32
        %get3A_1061 = arith.index_cast %get3A_1060 : i32 to index
        %get3A_1062 = arith.index_cast %scan3A_1059 : i32 to index
        %get3A_1063 = arith.constant 0 : index
        %get3A_1064 = tpu.vector_load %arg13[%get3A_1061, %get3A_1062, %get3A_1063] {strides = array<i32>} : memref<4x128x64xf32, #tpu.memory_space<vmem>>, vector<1x1x16xf32>,
        %get3A_1065 = vector.shape_cast %get3A_1064 : vector<1x1x16xf32> to vector<16xf32>
        %get3A_1066 = arith.constant 0 : i32
        %get3A_1067 = arith.index_cast %get3A_1066 : i32 to index
        %get3A_1068 = arith.index_cast %scan3A_1059 : i32 to index
        %get3A_1069 = arith.constant 0 : index
        %get3A_1070 = tpu.vector_load %arg14[%get3A_1067, %get3A_1068, %get3A_1069] {strides = array<i32>} : memref<4x128x64xf32, #tpu.memory_space<vmem>>, vector<1x1x16xf32>,
        %get3A_1071 = vector.shape_cast %get3A_1070 : vector<1x1x16xf32> to vector<16xf32>
        %add3A_1072 = arith.addf %get3A_1065, %get3A_1071 : vector<16xf32>
        %swap3A_1073 = arith.constant 0 : i32
        %swap3A_1074 = arith.index_cast %swap3A_1073 : i32 to index
        %swap3A_1075 = arith.index_cast %scan3A_1059 : i32 to index
        %swap3A_1076 = arith.constant 0 : index
        %swap3A_1077 = tpu.vector_load %arg12[%swap3A_1074, %swap3A_1075, %swap3A_1076] {strides = array<i32>} : memref<4x128x64xf32, #tpu.memory_space<vmem>>, vector<1x1x16xf32>,
        %swap3A_1078 = vector.shape_cast %swap3A_1077 : vector<1x1x16xf32> to vector<16xf32>
        %swap3A_1079 = vector.shape_cast %add3A_1072 : vector<16xf32> to vector<1x1x16xf32>
        tpu.vector_store %arg12[%swap3A_1074, %swap3A_1075, %swap3A_1076], %swap3A_1079 {add = true, strides = array<i32>} : memref<4x128x64xf32, #tpu.memory_space<vmem>>, vector<1x1x16xf32>,
        %get3A_1080 = arith.constant 0 : i32
        %get3A_1081 = arith.index_cast %get3A_1080 : i32 to index
        %get3A_1082 = arith.index_cast %scan3A_1059 : i32 to index
        %get3A_1083 = arith.constant 16 : index
        %get3A_1084 = tpu.vector_load %arg13[%get3A_1081, %get3A_1082, %get3A_1083] {strides = array<i32>} : memref<4x128x64xf32, #tpu.memory_space<vmem>>, vector<1x1x16xf32>,
        %get3A_1085 = vector.shape_cast %get3A_1084 : vector<1x1x16xf32> to vector<16xf32>
        %get3A_1086 = arith.constant 0 : i32
        %get3A_1087 = arith.index_cast %get3A_1086 : i32 to index
        %get3A_1088 = arith.index_cast %scan3A_1059 : i32 to index
        %get3A_1089 = arith.constant 16 : index
        %get3A_1090 = tpu.vector_load %arg14[%get3A_1087, %get3A_1088, %get3A_1089] {strides = array<i32>} : memref<4x128x64xf32, #tpu.memory_space<vmem>>, vector<1x1x16xf32>,
        %get3A_1091 = vector.shape_cast %get3A_1090 : vector<1x1x16xf32> to vector<16xf32>
        %add3A_1092 = arith.addf %get3A_1085, %get3A_1091 : vector<16xf32>
        %swap3A_1093 = arith.constant 0 : i32
        %swap3A_1094 = arith.index_cast %swap3A_1093 : i32 to index
        %swap3A_1095 = arith.index_cast %scan3A_1059 : i32 to index
        %swap3A_1096 = arith.constant 16 : index
        %swap3A_1097 = tpu.vector_load %arg12[%swap3A_1094, %swap3A_1095, %swap3A_1096] {strides = array<i32>} : memref<4x128x64xf32, #tpu.memory_space<vmem>>, vector<1x1x16xf32>,
        %swap3A_1098 = vector.shape_cast %swap3A_1097 : vector<1x1x16xf32> to vector<16xf32>
        %swap3A_1099 = vector.shape_cast %add3A_1092 : vector<16xf32> to vector<1x1x16xf32>
        tpu.vector_store %arg12[%swap3A_1094, %swap3A_1095, %swap3A_1096], %swap3A_1099 {add = true, strides = array<i32>} : memref<4x128x64xf32, #tpu.memory_space<vmem>>, vector<1x1x16xf32>,
        %get3A_1100 = arith.constant 0 : i32
        %get3A_1101 = arith.index_cast %get3A_1100 : i32 to index
        %get3A_1102 = arith.index_cast %scan3A_1059 : i32 to index
        %get3A_1103 = arith.constant 32 : index
        %get3A_1104 = tpu.vector_load %arg13[%get3A_1101, %get3A_1102, %get3A_1103] {strides = array<i32>} : memref<4x128x64xf32, #tpu.memory_space<vmem>>, vector<1x1x16xf32>,
        %get3A_1105 = vector.shape_cast %get3A_1104 : vector<1x1x16xf32> to vector<16xf32>
        %get3A_1106 = arith.constant 0 : i32
        %get3A_1107 = arith.index_cast %get3A_1106 : i32 to index
        %get3A_1108 = arith.index_cast %scan3A_1059 : i32 to index
        %get3A_1109 = arith.constant 32 : index
        %get3A_1110 = tpu.vector_load %arg14[%get3A_1107, %get3A_1108, %get3A_1109] {strides = array<i32>} : memref<4x128x64xf32, #tpu.memory_space<vmem>>, vector<1x1x16xf32>,
        %get3A_1111 = vector.shape_cast %get3A_1110 : vector<1x1x16xf32> to vector<16xf32>
        %add3A_1112 = arith.addf %get3A_1105, %get3A_1111 : vector<16xf32>
        %swap3A_1113 = arith.constant 0 : i32
        %swap3A_1114 = arith.index_cast %swap3A_1113 : i32 to index
        %swap3A_1115 = arith.index_cast %scan3A_1059 : i32 to index
        %swap3A_1116 = arith.constant 32 : index
        %swap3A_1117 = tpu.vector_load %arg12[%swap3A_1114, %swap3A_1115, %swap3A_1116] {strides = array<i32>} : memref<4x128x64xf32, #tpu.memory_space<vmem>>, vector<1x1x16xf32>,
        %swap3A_1118 = vector.shape_cast %swap3A_1117 : vector<1x1x16xf32> to vector<16xf32>
        %swap3A_1119 = vector.shape_cast %add3A_1112 : vector<16xf32> to vector<1x1x16xf32>
        tpu.vector_store %arg12[%swap3A_1114, %swap3A_1115, %swap3A_1116], %swap3A_1119 {add = true, strides = array<i32>} : memref<4x128x64xf32, #tpu.memory_space<vmem>>, vector<1x1x16xf32>,
        %get3A_1120 = arith.constant 0 : i32
        %get3A_1121 = arith.index_cast %get3A_1120 : i32 to index
        %get3A_1122 = arith.index_cast %scan3A_1059 : i32 to index
        %get3A_1123 = arith.constant 48 : index
        %get3A_1124 = tpu.vector_load %arg13[%get3A_1121, %get3A_1122, %get3A_1123] {strides = array<i32>} : memref<4x128x64xf32, #tpu.memory_space<vmem>>, vector<1x1x16xf32>,
        %get3A_1125 = vector.shape_cast %get3A_1124 : vector<1x1x16xf32> to vector<16xf32>
        %get3A_1126 = arith.constant 0 : i32
        %get3A_1127 = arith.index_cast %get3A_1126 : i32 to index
        %get3A_1128 = arith.index_cast %scan3A_1059 : i32 to index
        %get3A_1129 = arith.constant 48 : index
        %get3A_1130 = tpu.vector_load %arg14[%get3A_1127, %get3A_1128, %get3A_1129] {strides = array<i32>} : memref<4x128x64xf32, #tpu.memory_space<vmem>>, vector<1x1x16xf32>,
        %get3A_1131 = vector.shape_cast %get3A_1130 : vector<1x1x16xf32> to vector<16xf32>
        %add3A_1132 = arith.addf %get3A_1125, %get3A_1131 : vector<16xf32>
        %swap3A_1133 = arith.constant 0 : i32
        %swap3A_1134 = arith.index_cast %swap3A_1133 : i32 to index
        %swap3A_1135 = arith.index_cast %scan3A_1059 : i32 to index
        %swap3A_1136 = arith.constant 48 : index
        %swap3A_1137 = tpu.vector_load %arg12[%swap3A_1134, %swap3A_1135, %swap3A_1136] {strides = array<i32>} : memref<4x128x64xf32, #tpu.memory_space<vmem>>, vector<1x1x16xf32>,
        %swap3A_1138 = vector.shape_cast %swap3A_1137 : vector<1x1x16xf32> to vector<16xf32>
        %swap3A_1139 = vector.shape_cast %add3A_1132 : vector<16xf32> to vector<1x1x16xf32>
        tpu.vector_store %arg12[%swap3A_1134, %swap3A_1135, %swap3A_1136], %swap3A_1139 {add = true, strides = array<i32>} : memref<4x128x64xf32, #tpu.memory_space<vmem>>, vector<1x1x16xf32>,
        %scan3A_1140 = arith.constant 5 : i32
        %scan3A_1141 = arith.addi %scan3A_733, %scan3A_1140 : i32
        %get3A_1142 = arith.constant 0 : i32
        %get3A_1143 = arith.index_cast %get3A_1142 : i32 to index
        %get3A_1144 = arith.index_cast %scan3A_1141 : i32 to index
        %get3A_1145 = arith.constant 0 : index
        %get3A_1146 = tpu.vector_load %arg13[%get3A_1143, %get3A_1144, %get3A_1145] {strides = array<i32>} : memref<4x128x64xf32, #tpu.memory_space<vmem>>, vector<1x1x16xf32>,
        %get3A_1147 = vector.shape_cast %get3A_1146 : vector<1x1x16xf32> to vector<16xf32>
        %get3A_1148 = arith.constant 0 : i32
        %get3A_1149 = arith.index_cast %get3A_1148 : i32 to index
        %get3A_1150 = arith.index_cast %scan3A_1141 : i32 to index
        %get3A_1151 = arith.constant 0 : index
        %get3A_1152 = tpu.vector_load %arg14[%get3A_1149, %get3A_1150, %get3A_1151] {strides = array<i32>} : memref<4x128x64xf32, #tpu.memory_space<vmem>>, vector<1x1x16xf32>,
        %get3A_1153 = vector.shape_cast %get3A_1152 : vector<1x1x16xf32> to vector<16xf32>
        %add3A_1154 = arith.addf %get3A_1147, %get3A_1153 : vector<16xf32>
        %swap3A_1155 = arith.constant 0 : i32
        %swap3A_1156 = arith.index_cast %swap3A_1155 : i32 to index
        %swap3A_1157 = arith.index_cast %scan3A_1141 : i32 to index
        %swap3A_1158 = arith.constant 0 : index
        %swap3A_1159 = tpu.vector_load %arg12[%swap3A_1156, %swap3A_1157, %swap3A_1158] {strides = array<i32>} : memref<4x128x64xf32, #tpu.memory_space<vmem>>, vector<1x1x16xf32>,
        %swap3A_1160 = vector.shape_cast %swap3A_1159 : vector<1x1x16xf32> to vector<16xf32>
        %swap3A_1161 = vector.shape_cast %add3A_1154 : vector<16xf32> to vector<1x1x16xf32>
        tpu.vector_store %arg12[%swap3A_1156, %swap3A_1157, %swap3A_1158], %swap3A_1161 {add = true, strides = array<i32>} : memref<4x128x64xf32, #tpu.memory_space<vmem>>, vector<1x1x16xf32>,
        %get3A_1162 = arith.constant 0 : i32
        %get3A_1163 = arith.index_cast %get3A_1162 : i32 to index
        %get3A_1164 = arith.index_cast %scan3A_1141 : i32 to index
        %get3A_1165 = arith.constant 16 : index
        %get3A_1166 = tpu.vector_load %arg13[%get3A_1163, %get3A_1164, %get3A_1165] {strides = array<i32>} : memref<4x128x64xf32, #tpu.memory_space<vmem>>, vector<1x1x16xf32>,
        %get3A_1167 = vector.shape_cast %get3A_1166 : vector<1x1x16xf32> to vector<16xf32>
        %get3A_1168 = arith.constant 0 : i32
        %get3A_1169 = arith.index_cast %get3A_1168 : i32 to index
        %get3A_1170 = arith.index_cast %scan3A_1141 : i32 to index
        %get3A_1171 = arith.constant 16 : index
        %get3A_1172 = tpu.vector_load %arg14[%get3A_1169, %get3A_1170, %get3A_1171] {strides = array<i32>} : memref<4x128x64xf32, #tpu.memory_space<vmem>>, vector<1x1x16xf32>,
        %get3A_1173 = vector.shape_cast %get3A_1172 : vector<1x1x16xf32> to vector<16xf32>
        %add3A_1174 = arith.addf %get3A_1167, %get3A_1173 : vector<16xf32>
        %swap3A_1175 = arith.constant 0 : i32
        %swap3A_1176 = arith.index_cast %swap3A_1175 : i32 to index
        %swap3A_1177 = arith.index_cast %scan3A_1141 : i32 to index
        %swap3A_1178 = arith.constant 16 : index
        %swap3A_1179 = tpu.vector_load %arg12[%swap3A_1176, %swap3A_1177, %swap3A_1178] {strides = array<i32>} : memref<4x128x64xf32, #tpu.memory_space<vmem>>, vector<1x1x16xf32>,
        %swap3A_1180 = vector.shape_cast %swap3A_1179 : vector<1x1x16xf32> to vector<16xf32>
        %swap3A_1181 = vector.shape_cast %add3A_1174 : vector<16xf32> to vector<1x1x16xf32>
        tpu.vector_store %arg12[%swap3A_1176, %swap3A_1177, %swap3A_1178], %swap3A_1181 {add = true, strides = array<i32>} : memref<4x128x64xf32, #tpu.memory_space<vmem>>, vector<1x1x16xf32>,
        %get3A_1182 = arith.constant 0 : i32
        %get3A_1183 = arith.index_cast %get3A_1182 : i32 to index
        %get3A_1184 = arith.index_cast %scan3A_1141 : i32 to index
        %get3A_1185 = arith.constant 32 : index
        %get3A_1186 = tpu.vector_load %arg13[%get3A_1183, %get3A_1184, %get3A_1185] {strides = array<i32>} : memref<4x128x64xf32, #tpu.memory_space<vmem>>, vector<1x1x16xf32>,
        %get3A_1187 = vector.shape_cast %get3A_1186 : vector<1x1x16xf32> to vector<16xf32>
        %get3A_1188 = arith.constant 0 : i32
        %get3A_1189 = arith.index_cast %get3A_1188 : i32 to index
        %get3A_1190 = arith.index_cast %scan3A_1141 : i32 to index
        %get3A_1191 = arith.constant 32 : index
        %get3A_1192 = tpu.vector_load %arg14[%get3A_1189, %get3A_1190, %get3A_1191] {strides = array<i32>} : memref<4x128x64xf32, #tpu.memory_space<vmem>>, vector<1x1x16xf32>,
        %get3A_1193 = vector.shape_cast %get3A_1192 : vector<1x1x16xf32> to vector<16xf32>
        %add3A_1194 = arith.addf %get3A_1187, %get3A_1193 : vector<16xf32>
        %swap3A_1195 = arith.constant 0 : i32
        %swap3A_1196 = arith.index_cast %swap3A_1195 : i32 to index
        %swap3A_1197 = arith.index_cast %scan3A_1141 : i32 to index
        %swap3A_1198 = arith.constant 32 : index
        %swap3A_1199 = tpu.vector_load %arg12[%swap3A_1196, %swap3A_1197, %swap3A_1198] {strides = array<i32>} : memref<4x128x64xf32, #tpu.memory_space<vmem>>, vector<1x1x16xf32>,
        %swap3A_1200 = vector.shape_cast %swap3A_1199 : vector<1x1x16xf32> to vector<16xf32>
        %swap3A_1201 = vector.shape_cast %add3A_1194 : vector<16xf32> to vector<1x1x16xf32>
        tpu.vector_store %arg12[%swap3A_1196, %swap3A_1197, %swap3A_1198], %swap3A_1201 {add = true, strides = array<i32>} : memref<4x128x64xf32, #tpu.memory_space<vmem>>, vector<1x1x16xf32>,
        %get3A_1202 = arith.constant 0 : i32
        %get3A_1203 = arith.index_cast %get3A_1202 : i32 to index
        %get3A_1204 = arith.index_cast %scan3A_1141 : i32 to index
        %get3A_1205 = arith.constant 48 : index
        %get3A_1206 = tpu.vector_load %arg13[%get3A_1203, %get3A_1204, %get3A_1205] {strides = array<i32>} : memref<4x128x64xf32, #tpu.memory_space<vmem>>, vector<1x1x16xf32>,
        %get3A_1207 = vector.shape_cast %get3A_1206 : vector<1x1x16xf32> to vector<16xf32>
        %get3A_1208 = arith.constant 0 : i32
        %get3A_1209 = arith.index_cast %get3A_1208 : i32 to index
        %get3A_1210 = arith.index_cast %scan3A_1141 : i32 to index
        %get3A_1211 = arith.constant 48 : index
        %get3A_1212 = tpu.vector_load %arg14[%get3A_1209, %get3A_1210, %get3A_1211] {strides = array<i32>} : memref<4x128x64xf32, #tpu.memory_space<vmem>>, vector<1x1x16xf32>,
        %get3A_1213 = vector.shape_cast %get3A_1212 : vector<1x1x16xf32> to vector<16xf32>
        %add3A_1214 = arith.addf %get3A_1207, %get3A_1213 : vector<16xf32>
        %swap3A_1215 = arith.constant 0 : i32
        %swap3A_1216 = arith.index_cast %swap3A_1215 : i32 to index
        %swap3A_1217 = arith.index_cast %scan3A_1141 : i32 to index
        %swap3A_1218 = arith.constant 48 : index
        %swap3A_1219 = tpu.vector_load %arg12[%swap3A_1216, %swap3A_1217, %swap3A_1218] {strides = array<i32>} : memref<4x128x64xf32, #tpu.memory_space<vmem>>, vector<1x1x16xf32>,
        %swap3A_1220 = vector.shape_cast %swap3A_1219 : vector<1x1x16xf32> to vector<16xf32>
        %swap3A_1221 = vector.shape_cast %add3A_1214 : vector<16xf32> to vector<1x1x16xf32>
        tpu.vector_store %arg12[%swap3A_1216, %swap3A_1217, %swap3A_1218], %swap3A_1221 {add = true, strides = array<i32>} : memref<4x128x64xf32, #tpu.memory_space<vmem>>, vector<1x1x16xf32>,
        %scan3A_1222 = arith.constant 6 : i32
        %scan3A_1223 = arith.addi %scan3A_733, %scan3A_1222 : i32
        %get3A_1224 = arith.constant 0 : i32
        %get3A_1225 = arith.index_cast %get3A_1224 : i32 to index
        %get3A_1226 = arith.index_cast %scan3A_1223 : i32 to index
        %get3A_1227 = arith.constant 0 : index
        %get3A_1228 = tpu.vector_load %arg13[%get3A_1225, %get3A_1226, %get3A_1227] {strides = array<i32>} : memref<4x128x64xf32, #tpu.memory_space<vmem>>, vector<1x1x16xf32>,
        %get3A_1229 = vector.shape_cast %get3A_1228 : vector<1x1x16xf32> to vector<16xf32>
        %get3A_1230 = arith.constant 0 : i32
        %get3A_1231 = arith.index_cast %get3A_1230 : i32 to index
        %get3A_1232 = arith.index_cast %scan3A_1223 : i32 to index
        %get3A_1233 = arith.constant 0 : index
        %get3A_1234 = tpu.vector_load %arg14[%get3A_1231, %get3A_1232, %get3A_1233] {strides = array<i32>} : memref<4x128x64xf32, #tpu.memory_space<vmem>>, vector<1x1x16xf32>,
        %get3A_1235 = vector.shape_cast %get3A_1234 : vector<1x1x16xf32> to vector<16xf32>
        %add3A_1236 = arith.addf %get3A_1229, %get3A_1235 : vector<16xf32>
        %swap3A_1237 = arith.constant 0 : i32
        %swap3A_1238 = arith.index_cast %swap3A_1237 : i32 to index
        %swap3A_1239 = arith.index_cast %scan3A_1223 : i32 to index
        %swap3A_1240 = arith.constant 0 : index
        %swap3A_1241 = tpu.vector_load %arg12[%swap3A_1238, %swap3A_1239, %swap3A_1240] {strides = array<i32>} : memref<4x128x64xf32, #tpu.memory_space<vmem>>, vector<1x1x16xf32>,
        %swap3A_1242 = vector.shape_cast %swap3A_1241 : vector<1x1x16xf32> to vector<16xf32>
        %swap3A_1243 = vector.shape_cast %add3A_1236 : vector<16xf32> to vector<1x1x16xf32>
        tpu.vector_store %arg12[%swap3A_1238, %swap3A_1239, %swap3A_1240], %swap3A_1243 {add = true, strides = array<i32>} : memref<4x128x64xf32, #tpu.memory_space<vmem>>, vector<1x1x16xf32>,
        %get3A_1244 = arith.constant 0 : i32
        %get3A_1245 = arith.index_cast %get3A_1244 : i32 to index
        %get3A_1246 = arith.index_cast %scan3A_1223 : i32 to index
        %get3A_1247 = arith.constant 16 : index
        %get3A_1248 = tpu.vector_load %arg13[%get3A_1245, %get3A_1246, %get3A_1247] {strides = array<i32>} : memref<4x128x64xf32, #tpu.memory_space<vmem>>, vector<1x1x16xf32>,
        %get3A_1249 = vector.shape_cast %get3A_1248 : vector<1x1x16xf32> to vector<16xf32>
        %get3A_1250 = arith.constant 0 : i32
        %get3A_1251 = arith.index_cast %get3A_1250 : i32 to index
        %get3A_1252 = arith.index_cast %scan3A_1223 : i32 to index
        %get3A_1253 = arith.constant 16 : index
        %get3A_1254 = tpu.vector_load %arg14[%get3A_1251, %get3A_1252, %get3A_1253] {strides = array<i32>} : memref<4x128x64xf32, #tpu.memory_space<vmem>>, vector<1x1x16xf32>,
        %get3A_1255 = vector.shape_cast %get3A_1254 : vector<1x1x16xf32> to vector<16xf32>
        %add3A_1256 = arith.addf %get3A_1249, %get3A_1255 : vector<16xf32>
        %swap3A_1257 = arith.constant 0 : i32
        %swap3A_1258 = arith.index_cast %swap3A_1257 : i32 to index
        %swap3A_1259 = arith.index_cast %scan3A_1223 : i32 to index
        %swap3A_1260 = arith.constant 16 : index
        %swap3A_1261 = tpu.vector_load %arg12[%swap3A_1258, %swap3A_1259, %swap3A_1260] {strides = array<i32>} : memref<4x128x64xf32, #tpu.memory_space<vmem>>, vector<1x1x16xf32>,
        %swap3A_1262 = vector.shape_cast %swap3A_1261 : vector<1x1x16xf32> to vector<16xf32>
        %swap3A_1263 = vector.shape_cast %add3A_1256 : vector<16xf32> to vector<1x1x16xf32>
        tpu.vector_store %arg12[%swap3A_1258, %swap3A_1259, %swap3A_1260], %swap3A_1263 {add = true, strides = array<i32>} : memref<4x128x64xf32, #tpu.memory_space<vmem>>, vector<1x1x16xf32>,
        %get3A_1264 = arith.constant 0 : i32
        %get3A_1265 = arith.index_cast %get3A_1264 : i32 to index
        %get3A_1266 = arith.index_cast %scan3A_1223 : i32 to index
        %get3A_1267 = arith.constant 32 : index
        %get3A_1268 = tpu.vector_load %arg13[%get3A_1265, %get3A_1266, %get3A_1267] {strides = array<i32>} : memref<4x128x64xf32, #tpu.memory_space<vmem>>, vector<1x1x16xf32>,
        %get3A_1269 = vector.shape_cast %get3A_1268 : vector<1x1x16xf32> to vector<16xf32>
        %get3A_1270 = arith.constant 0 : i32
        %get3A_1271 = arith.index_cast %get3A_1270 : i32 to index
        %get3A_1272 = arith.index_cast %scan3A_1223 : i32 to index
        %get3A_1273 = arith.constant 32 : index
        %get3A_1274 = tpu.vector_load %arg14[%get3A_1271, %get3A_1272, %get3A_1273] {strides = array<i32>} : memref<4x128x64xf32, #tpu.memory_space<vmem>>, vector<1x1x16xf32>,
        %get3A_1275 = vector.shape_cast %get3A_1274 : vector<1x1x16xf32> to vector<16xf32>
        %add3A_1276 = arith.addf %get3A_1269, %get3A_1275 : vector<16xf32>
        %swap3A_1277 = arith.constant 0 : i32
        %swap3A_1278 = arith.index_cast %swap3A_1277 : i32 to index
        %swap3A_1279 = arith.index_cast %scan3A_1223 : i32 to index
        %swap3A_1280 = arith.constant 32 : index
        %swap3A_1281 = tpu.vector_load %arg12[%swap3A_1278, %swap3A_1279, %swap3A_1280] {strides = array<i32>} : memref<4x128x64xf32, #tpu.memory_space<vmem>>, vector<1x1x16xf32>,
        %swap3A_1282 = vector.shape_cast %swap3A_1281 : vector<1x1x16xf32> to vector<16xf32>
        %swap3A_1283 = vector.shape_cast %add3A_1276 : vector<16xf32> to vector<1x1x16xf32>
        tpu.vector_store %arg12[%swap3A_1278, %swap3A_1279, %swap3A_1280], %swap3A_1283 {add = true, strides = array<i32>} : memref<4x128x64xf32, #tpu.memory_space<vmem>>, vector<1x1x16xf32>,
        %get3A_1284 = arith.constant 0 : i32
        %get3A_1285 = arith.index_cast %get3A_1284 : i32 to index
        %get3A_1286 = arith.index_cast %scan3A_1223 : i32 to index
        %get3A_1287 = arith.constant 48 : index
        %get3A_1288 = tpu.vector_load %arg13[%get3A_1285, %get3A_1286, %get3A_1287] {strides = array<i32>} : memref<4x128x64xf32, #tpu.memory_space<vmem>>, vector<1x1x16xf32>,
        %get3A_1289 = vector.shape_cast %get3A_1288 : vector<1x1x16xf32> to vector<16xf32>
        %get3A_1290 = arith.constant 0 : i32
        %get3A_1291 = arith.index_cast %get3A_1290 : i32 to index
        %get3A_1292 = arith.index_cast %scan3A_1223 : i32 to index
        %get3A_1293 = arith.constant 48 : index
        %get3A_1294 = tpu.vector_load %arg14[%get3A_1291, %get3A_1292, %get3A_1293] {strides = array<i32>} : memref<4x128x64xf32, #tpu.memory_space<vmem>>, vector<1x1x16xf32>,
        %get3A_1295 = vector.shape_cast %get3A_1294 : vector<1x1x16xf32> to vector<16xf32>
        %add3A_1296 = arith.addf %get3A_1289, %get3A_1295 : vector<16xf32>
        %swap3A_1297 = arith.constant 0 : i32
        %swap3A_1298 = arith.index_cast %swap3A_1297 : i32 to index
        %swap3A_1299 = arith.index_cast %scan3A_1223 : i32 to index
        %swap3A_1300 = arith.constant 48 : index
        %swap3A_1301 = tpu.vector_load %arg12[%swap3A_1298, %swap3A_1299, %swap3A_1300] {strides = array<i32>} : memref<4x128x64xf32, #tpu.memory_space<vmem>>, vector<1x1x16xf32>,
        %swap3A_1302 = vector.shape_cast %swap3A_1301 : vector<1x1x16xf32> to vector<16xf32>
        %swap3A_1303 = vector.shape_cast %add3A_1296 : vector<16xf32> to vector<1x1x16xf32>
        tpu.vector_store %arg12[%swap3A_1298, %swap3A_1299, %swap3A_1300], %swap3A_1303 {add = true, strides = array<i32>} : memref<4x128x64xf32, #tpu.memory_space<vmem>>, vector<1x1x16xf32>,
        %scan3A_1304 = arith.constant 7 : i32
        %scan3A_1305 = arith.addi %scan3A_733, %scan3A_1304 : i32
        %get3A_1306 = arith.constant 0 : i32
        %get3A_1307 = arith.index_cast %get3A_1306 : i32 to index
        %get3A_1308 = arith.index_cast %scan3A_1305 : i32 to index
        %get3A_1309 = arith.constant 0 : index
        %get3A_1310 = tpu.vector_load %arg13[%get3A_1307, %get3A_1308, %get3A_1309] {strides = array<i32>} : memref<4x128x64xf32, #tpu.memory_space<vmem>>, vector<1x1x16xf32>,
        %get3A_1311 = vector.shape_cast %get3A_1310 : vector<1x1x16xf32> to vector<16xf32>
        %get3A_1312 = arith.constant 0 : i32
        %get3A_1313 = arith.index_cast %get3A_1312 : i32 to index
        %get3A_1314 = arith.index_cast %scan3A_1305 : i32 to index
        %get3A_1315 = arith.constant 0 : index
        %get3A_1316 = tpu.vector_load %arg14[%get3A_1313, %get3A_1314, %get3A_1315] {strides = array<i32>} : memref<4x128x64xf32, #tpu.memory_space<vmem>>, vector<1x1x16xf32>,
        %get3A_1317 = vector.shape_cast %get3A_1316 : vector<1x1x16xf32> to vector<16xf32>
        %add3A_1318 = arith.addf %get3A_1311, %get3A_1317 : vector<16xf32>
        %swap3A_1319 = arith.constant 0 : i32
        %swap3A_1320 = arith.index_cast %swap3A_1319 : i32 to index
        %swap3A_1321 = arith.index_cast %scan3A_1305 : i32 to index
        %swap3A_1322 = arith.constant 0 : index
        %swap3A_1323 = tpu.vector_load %arg12[%swap3A_1320, %swap3A_1321, %swap3A_1322] {strides = array<i32>} : memref<4x128x64xf32, #tpu.memory_space<vmem>>, vector<1x1x16xf32>,
        %swap3A_1324 = vector.shape_cast %swap3A_1323 : vector<1x1x16xf32> to vector<16xf32>
        %swap3A_1325 = vector.shape_cast %add3A_1318 : vector<16xf32> to vector<1x1x16xf32>
        tpu.vector_store %arg12[%swap3A_1320, %swap3A_1321, %swap3A_1322], %swap3A_1325 {add = true, strides = array<i32>} : memref<4x128x64xf32, #tpu.memory_space<vmem>>, vector<1x1x16xf32>,
        %get3A_1326 = arith.constant 0 : i32
        %get3A_1327 = arith.index_cast %get3A_1326 : i32 to index
        %get3A_1328 = arith.index_cast %scan3A_1305 : i32 to index
        %get3A_1329 = arith.constant 16 : index
        %get3A_1330 = tpu.vector_load %arg13[%get3A_1327, %get3A_1328, %get3A_1329] {strides = array<i32>} : memref<4x128x64xf32, #tpu.memory_space<vmem>>, vector<1x1x16xf32>,
        %get3A_1331 = vector.shape_cast %get3A_1330 : vector<1x1x16xf32> to vector<16xf32>
        %get3A_1332 = arith.constant 0 : i32
        %get3A_1333 = arith.index_cast %get3A_1332 : i32 to index
        %get3A_1334 = arith.index_cast %scan3A_1305 : i32 to index
        %get3A_1335 = arith.constant 16 : index
        %get3A_1336 = tpu.vector_load %arg14[%get3A_1333, %get3A_1334, %get3A_1335] {strides = array<i32>} : memref<4x128x64xf32, #tpu.memory_space<vmem>>, vector<1x1x16xf32>,
        %get3A_1337 = vector.shape_cast %get3A_1336 : vector<1x1x16xf32> to vector<16xf32>
        %add3A_1338 = arith.addf %get3A_1331, %get3A_1337 : vector<16xf32>
        %swap3A_1339 = arith.constant 0 : i32
        %swap3A_1340 = arith.index_cast %swap3A_1339 : i32 to index
        %swap3A_1341 = arith.index_cast %scan3A_1305 : i32 to index
        %swap3A_1342 = arith.constant 16 : index
        %swap3A_1343 = tpu.vector_load %arg12[%swap3A_1340, %swap3A_1341, %swap3A_1342] {strides = array<i32>} : memref<4x128x64xf32, #tpu.memory_space<vmem>>, vector<1x1x16xf32>,
        %swap3A_1344 = vector.shape_cast %swap3A_1343 : vector<1x1x16xf32> to vector<16xf32>
        %swap3A_1345 = vector.shape_cast %add3A_1338 : vector<16xf32> to vector<1x1x16xf32>
        tpu.vector_store %arg12[%swap3A_1340, %swap3A_1341, %swap3A_1342], %swap3A_1345 {add = true, strides = array<i32>} : memref<4x128x64xf32, #tpu.memory_space<vmem>>, vector<1x1x16xf32>,
        %get3A_1346 = arith.constant 0 : i32
        %get3A_1347 = arith.index_cast %get3A_1346 : i32 to index
        %get3A_1348 = arith.index_cast %scan3A_1305 : i32 to index
        %get3A_1349 = arith.constant 32 : index
        %get3A_1350 = tpu.vector_load %arg13[%get3A_1347, %get3A_1348, %get3A_1349] {strides = array<i32>} : memref<4x128x64xf32, #tpu.memory_space<vmem>>, vector<1x1x16xf32>,
        %get3A_1351 = vector.shape_cast %get3A_1350 : vector<1x1x16xf32> to vector<16xf32>
        %get3A_1352 = arith.constant 0 : i32
        %get3A_1353 = arith.index_cast %get3A_1352 : i32 to index
        %get3A_1354 = arith.index_cast %scan3A_1305 : i32 to index
        %get3A_1355 = arith.constant 32 : index
        %get3A_1356 = tpu.vector_load %arg14[%get3A_1353, %get3A_1354, %get3A_1355] {strides = array<i32>} : memref<4x128x64xf32, #tpu.memory_space<vmem>>, vector<1x1x16xf32>,
        %get3A_1357 = vector.shape_cast %get3A_1356 : vector<1x1x16xf32> to vector<16xf32>
        %add3A_1358 = arith.addf %get3A_1351, %get3A_1357 : vector<16xf32>
        %swap3A_1359 = arith.constant 0 : i32
        %swap3A_1360 = arith.index_cast %swap3A_1359 : i32 to index
        %swap3A_1361 = arith.index_cast %scan3A_1305 : i32 to index
        %swap3A_1362 = arith.constant 32 : index
        %swap3A_1363 = tpu.vector_load %arg12[%swap3A_1360, %swap3A_1361, %swap3A_1362] {strides = array<i32>} : memref<4x128x64xf32, #tpu.memory_space<vmem>>, vector<1x1x16xf32>,
        %swap3A_1364 = vector.shape_cast %swap3A_1363 : vector<1x1x16xf32> to vector<16xf32>
        %swap3A_1365 = vector.shape_cast %add3A_1358 : vector<16xf32> to vector<1x1x16xf32>
        tpu.vector_store %arg12[%swap3A_1360, %swap3A_1361, %swap3A_1362], %swap3A_1365 {add = true, strides = array<i32>} : memref<4x128x64xf32, #tpu.memory_space<vmem>>, vector<1x1x16xf32>,
        %get3A_1366 = arith.constant 0 : i32
        %get3A_1367 = arith.index_cast %get3A_1366 : i32 to index
        %get3A_1368 = arith.index_cast %scan3A_1305 : i32 to index
        %get3A_1369 = arith.constant 48 : index
        %get3A_1370 = tpu.vector_load %arg13[%get3A_1367, %get3A_1368, %get3A_1369] {strides = array<i32>} : memref<4x128x64xf32, #tpu.memory_space<vmem>>, vector<1x1x16xf32>,
        %get3A_1371 = vector.shape_cast %get3A_1370 : vector<1x1x16xf32> to vector<16xf32>
        %get3A_1372 = arith.constant 0 : i32
        %get3A_1373 = arith.index_cast %get3A_1372 : i32 to index
        %get3A_1374 = arith.index_cast %scan3A_1305 : i32 to index
        %get3A_1375 = arith.constant 48 : index
        %get3A_1376 = tpu.vector_load %arg14[%get3A_1373, %get3A_1374, %get3A_1375] {strides = array<i32>} : memref<4x128x64xf32, #tpu.memory_space<vmem>>, vector<1x1x16xf32>,
        %get3A_1377 = vector.shape_cast %get3A_1376 : vector<1x1x16xf32> to vector<16xf32>
        %add3A_1378 = arith.addf %get3A_1371, %get3A_1377 : vector<16xf32>
        %swap3A_1379 = arith.constant 0 : i32
        %swap3A_1380 = arith.index_cast %swap3A_1379 : i32 to index
        %swap3A_1381 = arith.index_cast %scan3A_1305 : i32 to index
        %swap3A_1382 = arith.constant 48 : index
        %swap3A_1383 = tpu.vector_load %arg12[%swap3A_1380, %swap3A_1381, %swap3A_1382] {strides = array<i32>} : memref<4x128x64xf32, #tpu.memory_space<vmem>>, vector<1x1x16xf32>,
        %swap3A_1384 = vector.shape_cast %swap3A_1383 : vector<1x1x16xf32> to vector<16xf32>
        %swap3A_1385 = vector.shape_cast %add3A_1378 : vector<16xf32> to vector<1x1x16xf32>
        tpu.vector_store %arg12[%swap3A_1380, %swap3A_1381, %swap3A_1382], %swap3A_1385 {add = true, strides = array<i32>} : memref<4x128x64xf32, #tpu.memory_space<vmem>>, vector<1x1x16xf32>,
      }
      %scan3A_502 = arith.constant 128 : i32
      %add3A_503 = arith.constant 0 : i32
      %add3A_504 = arith.addi %mul3A_460, %add3A_503 : i32
      %mul3A_505 = arith.constant 128 : i32
      %mul3A_506 = arith.muli %add3A_504, %mul3A_505 : i32
      %add3A_507 = arith.addi %mul3A_2, %mul3A_506 : i32
      %dma_start3A_508 = arith.constant 0 : i32
      %dma_start3A_509 = arith.constant 0 : i32
      %dma_start3A_510 = arith.constant 0 : i32
      %dma_start3A_511 = tpu.memref_slice %arg12[%dma_start3A_508, %dma_start3A_509, %dma_start3A_510] : memref<4x128x64xf32, #tpu.memory_space<vmem>> -> memref<1x128x64xf32, #tpu.memory_space<vmem>>
      %dma_start3A_512 = tpu.memref_squeeze %dma_start3A_511 : memref<1x128x64xf32, #tpu.memory_space<vmem>> -> memref<128x64xf32, #tpu.memory_space<vmem>>
      %dma_start3A_513 = arith.constant 0 : i32
      %dma_start3A_514 = tpu.memref_slice %arg8[%add3A_507, %dma_start3A_513] : memref<819200x64xf32, #tpu.memory_space<hbm>> -> memref<128x64xf32, #tpu.memory_space<hbm>>
      %dma_start3A_515 = arith.constant 0 : i32
      %dma_start3A_516 = tpu.memref_slice %arg8[%add3A_507, %dma_start3A_515] : memref<819200x64xf32, #tpu.memory_space<hbm>> -> memref<128x64xf32, #tpu.memory_space<hbm>>
      %dma_start3A_517 = arith.constant 0 : i32
      %dma_start3A_518 = arith.constant 0 : i32
      %dma_start3A_519 = tpu.memref_slice %arg12[%dma_start3A_508, %dma_start3A_517, %dma_start3A_518] : memref<4x128x64xf32, #tpu.memory_space<vmem>> -> memref<1x128x64xf32, #tpu.memory_space<vmem>>
      %dma_start3A_520 = tpu.memref_squeeze %dma_start3A_519 : memref<1x128x64xf32, #tpu.memory_space<vmem>> -> memref<128x64xf32, #tpu.memory_space<vmem>>
      tpu.enqueue_dma source(%dma_start3A_520 : memref<128x64xf32, #tpu.memory_space<vmem>>) target(%dma_start3A_516 : memref<128x64xf32, #tpu.memory_space<hbm>>) target_semaphore(%arg23 : memref<!tpu.dma_semaphore, #tpu.memory_space<semaphore_mem>>)
      %lt3A = arith.constant 49 : i32
      %lt3A_521 = arith.cmpi slt, %scan3A_458, %lt3A : i32
      %convert_element_type3A = arith.extui %lt3A_521 : i1 to i32
      %cond3A = arith.constant 0 : i32
      %cond3A_522 = arith.cmpi ne, %convert_element_type3A, %cond3A : i32
      scf.if %cond3A_522 {
        %add3A_733 = arith.constant 4 : i32
        %add3A_734 = arith.addi %mul3A_460, %add3A_733 : i32
        %add3A_735 = arith.constant 0 : i32
        %add3A_736 = arith.addi %add3A_734, %add3A_735 : i32
        %mul3A_737 = arith.constant 128 : i32
        %mul3A_738 = arith.muli %add3A_736, %mul3A_737 : i32
        %add3A_739 = arith.addi %mul3A_2, %mul3A_738 : i32
        %dma_start3A_740 = arith.constant 0 : i32
        %dma_start3A_741 = arith.constant 0 : i32
        %dma_start3A_742 = tpu.memref_slice %arg9[%dma_start3A_740, %dma_start3A_741] : memref<4x128xi32, #tpu.memory_space<vmem>> -> memref<1x128xi32, #tpu.memory_space<vmem>>
        %dma_start3A_743 = tpu.memref_squeeze %dma_start3A_742 : memref<1x128xi32, #tpu.memory_space<vmem>> -> memref<128xi32, #tpu.memory_space<vmem>>
        %dma_start3A_744 = tpu.memref_slice %arg2[%add3A_739] : memref<819200xi32, #tpu.memory_space<hbm>> -> memref<128xi32, #tpu.memory_space<hbm>>
        %dma_start3A_745 = arith.constant 0 : i32
        %dma_start3A_746 = tpu.memref_slice %arg9[%dma_start3A_740, %dma_start3A_745] : memref<4x128xi32, #tpu.memory_space<vmem>> -> memref<1x128xi32, #tpu.memory_space<vmem>>
        %dma_start3A_747 = tpu.memref_squeeze %dma_start3A_746 : memref<1x128xi32, #tpu.memory_space<vmem>> -> memref<128xi32, #tpu.memory_space<vmem>>
        %dma_start3A_748 = tpu.memref_slice %arg2[%add3A_739] : memref<819200xi32, #tpu.memory_space<hbm>> -> memref<128xi32, #tpu.memory_space<hbm>>
        tpu.enqueue_dma source(%dma_start3A_748 : memref<128xi32, #tpu.memory_space<hbm>>) target(%dma_start3A_747 : memref<128xi32, #tpu.memory_space<vmem>>) target_semaphore(%arg15 : memref<!tpu.dma_semaphore, #tpu.memory_space<semaphore_mem>>)
        %dma_start3A_749 = arith.constant 0 : i32
        %dma_start3A_750 = arith.constant 0 : i32
        %dma_start3A_751 = tpu.memref_slice %arg10[%dma_start3A_749, %dma_start3A_750] : memref<4x128xi32, #tpu.memory_space<vmem>> -> memref<1x128xi32, #tpu.memory_space<vmem>>
        %dma_start3A_752 = tpu.memref_squeeze %dma_start3A_751 : memref<1x128xi32, #tpu.memory_space<vmem>> -> memref<128xi32, #tpu.memory_space<vmem>>
        %dma_start3A_753 = tpu.memref_slice %arg3[%add3A_739] : memref<819200xi32, #tpu.memory_space<hbm>> -> memref<128xi32, #tpu.memory_space<hbm>>
        %dma_start3A_754 = arith.constant 0 : i32
        %dma_start3A_755 = tpu.memref_slice %arg10[%dma_start3A_749, %dma_start3A_754] : memref<4x128xi32, #tpu.memory_space<vmem>> -> memref<1x128xi32, #tpu.memory_space<vmem>>
        %dma_start3A_756 = tpu.memref_squeeze %dma_start3A_755 : memref<1x128xi32, #tpu.memory_space<vmem>> -> memref<128xi32, #tpu.memory_space<vmem>>
        %dma_start3A_757 = tpu.memref_slice %arg3[%add3A_739] : memref<819200xi32, #tpu.memory_space<hbm>> -> memref<128xi32, #tpu.memory_space<hbm>>
        tpu.enqueue_dma source(%dma_start3A_757 : memref<128xi32, #tpu.memory_space<hbm>>) target(%dma_start3A_756 : memref<128xi32, #tpu.memory_space<vmem>>) target_semaphore(%arg15 : memref<!tpu.dma_semaphore, #tpu.memory_space<semaphore_mem>>)
        %dma_start3A_758 = arith.constant 0 : i32
        %dma_start3A_759 = arith.constant 0 : i32
        %dma_start3A_760 = tpu.memref_slice %arg11[%dma_start3A_758, %dma_start3A_759] : memref<4x128xi32, #tpu.memory_space<vmem>> -> memref<1x128xi32, #tpu.memory_space<vmem>>
        %dma_start3A_761 = tpu.memref_squeeze %dma_start3A_760 : memref<1x128xi32, #tpu.memory_space<vmem>> -> memref<128xi32, #tpu.memory_space<vmem>>
        %dma_start3A_762 = tpu.memref_slice %arg4[%add3A_739] : memref<819200xi32, #tpu.memory_space<hbm>> -> memref<128xi32, #tpu.memory_space<hbm>>
        %dma_start3A_763 = arith.constant 0 : i32
        %dma_start3A_764 = tpu.memref_slice %arg11[%dma_start3A_758, %dma_start3A_763] : memref<4x128xi32, #tpu.memory_space<vmem>> -> memref<1x128xi32, #tpu.memory_space<vmem>>
        %dma_start3A_765 = tpu.memref_squeeze %dma_start3A_764 : memref<1x128xi32, #tpu.memory_space<vmem>> -> memref<128xi32, #tpu.memory_space<vmem>>
        %dma_start3A_766 = tpu.memref_slice %arg4[%add3A_739] : memref<819200xi32, #tpu.memory_space<hbm>> -> memref<128xi32, #tpu.memory_space<hbm>>
        tpu.enqueue_dma source(%dma_start3A_766 : memref<128xi32, #tpu.memory_space<hbm>>) target(%dma_start3A_765 : memref<128xi32, #tpu.memory_space<vmem>>) target_semaphore(%arg15 : memref<!tpu.dma_semaphore, #tpu.memory_space<semaphore_mem>>)
      } else {
      }
      %dma_wait3A_523 = arith.constant 1 : i32
      %dma_wait3A_524 = arith.constant 1 : i32
      %dma_wait3A_525 = arith.constant 0 : i32
      %dma_wait3A_526 = arith.constant 0 : i32
      %dma_wait3A_527 = tpu.memref_slice %arg12[%dma_wait3A_524, %dma_wait3A_525, %dma_wait3A_526] : memref<4x128x64xf32, #tpu.memory_space<vmem>> -> memref<1x128x64xf32, #tpu.memory_space<vmem>>
      %dma_wait3A_528 = tpu.memref_squeeze %dma_wait3A_527 : memref<1x128x64xf32, #tpu.memory_space<vmem>> -> memref<128x64xf32, #tpu.memory_space<vmem>>
      %dma_wait3A_529 = arith.constant 0 : i32
      %dma_wait3A_530 = tpu.memref_slice %arg9[%dma_wait3A_523, %dma_wait3A_529] : memref<4x128xi32, #tpu.memory_space<vmem>> -> memref<1x128xi32, #tpu.memory_space<vmem>>
      %dma_wait3A_531 = tpu.memref_squeeze %dma_wait3A_530 : memref<1x128xi32, #tpu.memory_space<vmem>> -> memref<128xi32, #tpu.memory_space<vmem>>
      %dma_wait3A_532 = arith.constant 0 : i32
      %dma_wait3A_533 = arith.constant 0 : i32
      %dma_wait3A_534 = tpu.memref_slice %arg5[%dma_wait3A_532, %dma_wait3A_533] : memref<1000000x64xf32, #tpu.memory_space<hbm>> -> memref<1000000x64xf32, #tpu.memory_space<hbm>>
      tpu.wait_indirect_dma semaphore(%arg20 : memref<!tpu.dma_semaphore, #tpu.memory_space<semaphore_mem>>) src(%dma_wait3A_534 : memref<1000000x64xf32, #tpu.memory_space<hbm>>) dst(%dma_wait3A_528 : memref<128x64xf32, #tpu.memory_space<vmem>>)
      %dma_wait3A_535 = arith.constant 1 : i32
      %dma_wait3A_536 = arith.constant 1 : i32
      %dma_wait3A_537 = arith.constant 0 : i32
      %dma_wait3A_538 = arith.constant 0 : i32
      %dma_wait3A_539 = tpu.memref_slice %arg13[%dma_wait3A_536, %dma_wait3A_537, %dma_wait3A_538] : memref<4x128x64xf32, #tpu.memory_space<vmem>> -> memref<1x128x64xf32, #tpu.memory_space<vmem>>
      %dma_wait3A_540 = tpu.memref_squeeze %dma_wait3A_539 : memref<1x128x64xf32, #tpu.memory_space<vmem>> -> memref<128x64xf32, #tpu.memory_space<vmem>>
      %dma_wait3A_541 = arith.constant 0 : i32
      %dma_wait3A_542 = tpu.memref_slice %arg10[%dma_wait3A_535, %dma_wait3A_541] : memref<4x128xi32, #tpu.memory_space<vmem>> -> memref<1x128xi32, #tpu.memory_space<vmem>>
      %dma_wait3A_543 = tpu.memref_squeeze %dma_wait3A_542 : memref<1x128xi32, #tpu.memory_space<vmem>> -> memref<128xi32, #tpu.memory_space<vmem>>
      %dma_wait3A_544 = arith.constant 0 : i32
      %dma_wait3A_545 = arith.constant 0 : i32
      %dma_wait3A_546 = tpu.memref_slice %arg6[%dma_wait3A_544, %dma_wait3A_545] : memref<512x64xf32, #tpu.memory_space<hbm>> -> memref<512x64xf32, #tpu.memory_space<hbm>>
      tpu.wait_indirect_dma semaphore(%arg20 : memref<!tpu.dma_semaphore, #tpu.memory_space<semaphore_mem>>) src(%dma_wait3A_546 : memref<512x64xf32, #tpu.memory_space<hbm>>) dst(%dma_wait3A_540 : memref<128x64xf32, #tpu.memory_space<vmem>>)
      %dma_wait3A_547 = arith.constant 1 : i32
      %dma_wait3A_548 = arith.constant 1 : i32
      %dma_wait3A_549 = arith.constant 0 : i32
      %dma_wait3A_550 = arith.constant 0 : i32
      %dma_wait3A_551 = tpu.memref_slice %arg14[%dma_wait3A_548, %dma_wait3A_549, %dma_wait3A_550] : memref<4x128x64xf32, #tpu.memory_space<vmem>> -> memref<1x128x64xf32, #tpu.memory_space<vmem>>
      %dma_wait3A_552 = tpu.memref_squeeze %dma_wait3A_551 : memref<1x128x64xf32, #tpu.memory_space<vmem>> -> memref<128x64xf32, #tpu.memory_space<vmem>>
      %dma_wait3A_553 = arith.constant 0 : i32
      %dma_wait3A_554 = tpu.memref_slice %arg11[%dma_wait3A_547, %dma_wait3A_553] : memref<4x128xi32, #tpu.memory_space<vmem>> -> memref<1x128xi32, #tpu.memory_space<vmem>>
      %dma_wait3A_555 = tpu.memref_squeeze %dma_wait3A_554 : memref<1x128xi32, #tpu.memory_space<vmem>> -> memref<128xi32, #tpu.memory_space<vmem>>
      %dma_wait3A_556 = arith.constant 0 : i32
      %dma_wait3A_557 = arith.constant 0 : i32
      %dma_wait3A_558 = tpu.memref_slice %arg7[%dma_wait3A_556, %dma_wait3A_557] : memref<512x64xf32, #tpu.memory_space<hbm>> -> memref<512x64xf32, #tpu.memory_space<hbm>>
      tpu.wait_indirect_dma semaphore(%arg20 : memref<!tpu.dma_semaphore, #tpu.memory_space<semaphore_mem>>) src(%dma_wait3A_558 : memref<512x64xf32, #tpu.memory_space<hbm>>) dst(%dma_wait3A_552 : memref<128x64xf32, #tpu.memory_space<vmem>>)
      %scan3A_559 = arith.constant 0 : i32
      %scan3A_560 = arith.constant 0 : i32
      %scan3A_561 = arith.constant 128 : i32
      %scan3A_562 = arith.addi %scan3A_560, %scan3A_561 : i32
      %scan3A_563 = arith.constant 8 : i32
      scf.for %scan3A_733 = %scan3A_560 to %scan3A_562 step %scan3A_563  : i32 {
        %get3A = arith.constant 1 : i32
        %get3A_734 = arith.index_cast %get3A : i32 to index
        %get3A_735 = arith.index_cast %scan3A_733 : i32 to index
        %get3A_736 = arith.constant 0 : index
        %get3A_737 = tpu.vector_load %arg13[%get3A_734, %get3A_735, %get3A_736] {strides = array<i32>} : memref<4x128x64xf32, #tpu.memory_space<vmem>>, vector<1x1x16xf32>,
        %get3A_738 = vector.shape_cast %get3A_737 : vector<1x1x16xf32> to vector<16xf32>
        %get3A_739 = arith.constant 1 : i32
        %get3A_740 = arith.index_cast %get3A_739 : i32 to index
        %get3A_741 = arith.index_cast %scan3A_733 : i32 to index
        %get3A_742 = arith.constant 0 : index
        %get3A_743 = tpu.vector_load %arg14[%get3A_740, %get3A_741, %get3A_742] {strides = array<i32>} : memref<4x128x64xf32, #tpu.memory_space<vmem>>, vector<1x1x16xf32>,
        %get3A_744 = vector.shape_cast %get3A_743 : vector<1x1x16xf32> to vector<16xf32>
        %add3A_745 = arith.addf %get3A_738, %get3A_744 : vector<16xf32>
        %swap3A = arith.constant 1 : i32
        %swap3A_746 = arith.index_cast %swap3A : i32 to index
        %swap3A_747 = arith.index_cast %scan3A_733 : i32 to index
        %swap3A_748 = arith.constant 0 : index
        %swap3A_749 = tpu.vector_load %arg12[%swap3A_746, %swap3A_747, %swap3A_748] {strides = array<i32>} : memref<4x128x64xf32, #tpu.memory_space<vmem>>, vector<1x1x16xf32>,
        %swap3A_750 = vector.shape_cast %swap3A_749 : vector<1x1x16xf32> to vector<16xf32>
        %swap3A_751 = vector.shape_cast %add3A_745 : vector<16xf32> to vector<1x1x16xf32>
        tpu.vector_store %arg12[%swap3A_746, %swap3A_747, %swap3A_748], %swap3A_751 {add = true, strides = array<i32>} : memref<4x128x64xf32, #tpu.memory_space<vmem>>, vector<1x1x16xf32>,
        %get3A_752 = arith.constant 1 : i32
        %get3A_753 = arith.index_cast %get3A_752 : i32 to index
        %get3A_754 = arith.index_cast %scan3A_733 : i32 to index
        %get3A_755 = arith.constant 16 : index
        %get3A_756 = tpu.vector_load %arg13[%get3A_753, %get3A_754, %get3A_755] {strides = array<i32>} : memref<4x128x64xf32, #tpu.memory_space<vmem>>, vector<1x1x16xf32>,
        %get3A_757 = vector.shape_cast %get3A_756 : vector<1x1x16xf32> to vector<16xf32>
        %get3A_758 = arith.constant 1 : i32
        %get3A_759 = arith.index_cast %get3A_758 : i32 to index
        %get3A_760 = arith.index_cast %scan3A_733 : i32 to index
        %get3A_761 = arith.constant 16 : index
        %get3A_762 = tpu.vector_load %arg14[%get3A_759, %get3A_760, %get3A_761] {strides = array<i32>} : memref<4x128x64xf32, #tpu.memory_space<vmem>>, vector<1x1x16xf32>,
        %get3A_763 = vector.shape_cast %get3A_762 : vector<1x1x16xf32> to vector<16xf32>
        %add3A_764 = arith.addf %get3A_757, %get3A_763 : vector<16xf32>
        %swap3A_765 = arith.constant 1 : i32
        %swap3A_766 = arith.index_cast %swap3A_765 : i32 to index
        %swap3A_767 = arith.index_cast %scan3A_733 : i32 to index
        %swap3A_768 = arith.constant 16 : index
        %swap3A_769 = tpu.vector_load %arg12[%swap3A_766, %swap3A_767, %swap3A_768] {strides = array<i32>} : memref<4x128x64xf32, #tpu.memory_space<vmem>>, vector<1x1x16xf32>,
        %swap3A_770 = vector.shape_cast %swap3A_769 : vector<1x1x16xf32> to vector<16xf32>
        %swap3A_771 = vector.shape_cast %add3A_764 : vector<16xf32> to vector<1x1x16xf32>
        tpu.vector_store %arg12[%swap3A_766, %swap3A_767, %swap3A_768], %swap3A_771 {add = true, strides = array<i32>} : memref<4x128x64xf32, #tpu.memory_space<vmem>>, vector<1x1x16xf32>,
        %get3A_772 = arith.constant 1 : i32
        %get3A_773 = arith.index_cast %get3A_772 : i32 to index
        %get3A_774 = arith.index_cast %scan3A_733 : i32 to index
        %get3A_775 = arith.constant 32 : index
        %get3A_776 = tpu.vector_load %arg13[%get3A_773, %get3A_774, %get3A_775] {strides = array<i32>} : memref<4x128x64xf32, #tpu.memory_space<vmem>>, vector<1x1x16xf32>,
        %get3A_777 = vector.shape_cast %get3A_776 : vector<1x1x16xf32> to vector<16xf32>
        %get3A_778 = arith.constant 1 : i32
        %get3A_779 = arith.index_cast %get3A_778 : i32 to index
        %get3A_780 = arith.index_cast %scan3A_733 : i32 to index
        %get3A_781 = arith.constant 32 : index
        %get3A_782 = tpu.vector_load %arg14[%get3A_779, %get3A_780, %get3A_781] {strides = array<i32>} : memref<4x128x64xf32, #tpu.memory_space<vmem>>, vector<1x1x16xf32>,
        %get3A_783 = vector.shape_cast %get3A_782 : vector<1x1x16xf32> to vector<16xf32>
        %add3A_784 = arith.addf %get3A_777, %get3A_783 : vector<16xf32>
        %swap3A_785 = arith.constant 1 : i32
        %swap3A_786 = arith.index_cast %swap3A_785 : i32 to index
        %swap3A_787 = arith.index_cast %scan3A_733 : i32 to index
        %swap3A_788 = arith.constant 32 : index
        %swap3A_789 = tpu.vector_load %arg12[%swap3A_786, %swap3A_787, %swap3A_788] {strides = array<i32>} : memref<4x128x64xf32, #tpu.memory_space<vmem>>, vector<1x1x16xf32>,
        %swap3A_790 = vector.shape_cast %swap3A_789 : vector<1x1x16xf32> to vector<16xf32>
        %swap3A_791 = vector.shape_cast %add3A_784 : vector<16xf32> to vector<1x1x16xf32>
        tpu.vector_store %arg12[%swap3A_786, %swap3A_787, %swap3A_788], %swap3A_791 {add = true, strides = array<i32>} : memref<4x128x64xf32, #tpu.memory_space<vmem>>, vector<1x1x16xf32>,
        %get3A_792 = arith.constant 1 : i32
        %get3A_793 = arith.index_cast %get3A_792 : i32 to index
        %get3A_794 = arith.index_cast %scan3A_733 : i32 to index
        %get3A_795 = arith.constant 48 : index
        %get3A_796 = tpu.vector_load %arg13[%get3A_793, %get3A_794, %get3A_795] {strides = array<i32>} : memref<4x128x64xf32, #tpu.memory_space<vmem>>, vector<1x1x16xf32>,
        %get3A_797 = vector.shape_cast %get3A_796 : vector<1x1x16xf32> to vector<16xf32>
        %get3A_798 = arith.constant 1 : i32
        %get3A_799 = arith.index_cast %get3A_798 : i32 to index
        %get3A_800 = arith.index_cast %scan3A_733 : i32 to index
        %get3A_801 = arith.constant 48 : index
        %get3A_802 = tpu.vector_load %arg14[%get3A_799, %get3A_800, %get3A_801] {strides = array<i32>} : memref<4x128x64xf32, #tpu.memory_space<vmem>>, vector<1x1x16xf32>,
        %get3A_803 = vector.shape_cast %get3A_802 : vector<1x1x16xf32> to vector<16xf32>
        %add3A_804 = arith.addf %get3A_797, %get3A_803 : vector<16xf32>
        %swap3A_805 = arith.constant 1 : i32
        %swap3A_806 = arith.index_cast %swap3A_805 : i32 to index
        %swap3A_807 = arith.index_cast %scan3A_733 : i32 to index
        %swap3A_808 = arith.constant 48 : index
        %swap3A_809 = tpu.vector_load %arg12[%swap3A_806, %swap3A_807, %swap3A_808] {strides = array<i32>} : memref<4x128x64xf32, #tpu.memory_space<vmem>>, vector<1x1x16xf32>,
        %swap3A_810 = vector.shape_cast %swap3A_809 : vector<1x1x16xf32> to vector<16xf32>
        %swap3A_811 = vector.shape_cast %add3A_804 : vector<16xf32> to vector<1x1x16xf32>
        tpu.vector_store %arg12[%swap3A_806, %swap3A_807, %swap3A_808], %swap3A_811 {add = true, strides = array<i32>} : memref<4x128x64xf32, #tpu.memory_space<vmem>>, vector<1x1x16xf32>,
        %scan3A_812 = arith.constant 1 : i32
        %scan3A_813 = arith.addi %scan3A_733, %scan3A_812 : i32
        %get3A_814 = arith.constant 1 : i32
        %get3A_815 = arith.index_cast %get3A_814 : i32 to index
        %get3A_816 = arith.index_cast %scan3A_813 : i32 to index
        %get3A_817 = arith.constant 0 : index
        %get3A_818 = tpu.vector_load %arg13[%get3A_815, %get3A_816, %get3A_817] {strides = array<i32>} : memref<4x128x64xf32, #tpu.memory_space<vmem>>, vector<1x1x16xf32>,
        %get3A_819 = vector.shape_cast %get3A_818 : vector<1x1x16xf32> to vector<16xf32>
        %get3A_820 = arith.constant 1 : i32
        %get3A_821 = arith.index_cast %get3A_820 : i32 to index
        %get3A_822 = arith.index_cast %scan3A_813 : i32 to index
        %get3A_823 = arith.constant 0 : index
        %get3A_824 = tpu.vector_load %arg14[%get3A_821, %get3A_822, %get3A_823] {strides = array<i32>} : memref<4x128x64xf32, #tpu.memory_space<vmem>>, vector<1x1x16xf32>,
        %get3A_825 = vector.shape_cast %get3A_824 : vector<1x1x16xf32> to vector<16xf32>
        %add3A_826 = arith.addf %get3A_819, %get3A_825 : vector<16xf32>
        %swap3A_827 = arith.constant 1 : i32
        %swap3A_828 = arith.index_cast %swap3A_827 : i32 to index
        %swap3A_829 = arith.index_cast %scan3A_813 : i32 to index
        %swap3A_830 = arith.constant 0 : index
        %swap3A_831 = tpu.vector_load %arg12[%swap3A_828, %swap3A_829, %swap3A_830] {strides = array<i32>} : memref<4x128x64xf32, #tpu.memory_space<vmem>>, vector<1x1x16xf32>,
        %swap3A_832 = vector.shape_cast %swap3A_831 : vector<1x1x16xf32> to vector<16xf32>
        %swap3A_833 = vector.shape_cast %add3A_826 : vector<16xf32> to vector<1x1x16xf32>
        tpu.vector_store %arg12[%swap3A_828, %swap3A_829, %swap3A_830], %swap3A_833 {add = true, strides = array<i32>} : memref<4x128x64xf32, #tpu.memory_space<vmem>>, vector<1x1x16xf32>,
        %get3A_834 = arith.constant 1 : i32
        %get3A_835 = arith.index_cast %get3A_834 : i32 to index
        %get3A_836 = arith.index_cast %scan3A_813 : i32 to index
        %get3A_837 = arith.constant 16 : index
        %get3A_838 = tpu.vector_load %arg13[%get3A_835, %get3A_836, %get3A_837] {strides = array<i32>} : memref<4x128x64xf32, #tpu.memory_space<vmem>>, vector<1x1x16xf32>,
        %get3A_839 = vector.shape_cast %get3A_838 : vector<1x1x16xf32> to vector<16xf32>
        %get3A_840 = arith.constant 1 : i32
        %get3A_841 = arith.index_cast %get3A_840 : i32 to index
        %get3A_842 = arith.index_cast %scan3A_813 : i32 to index
        %get3A_843 = arith.constant 16 : index
        %get3A_844 = tpu.vector_load %arg14[%get3A_841, %get3A_842, %get3A_843] {strides = array<i32>} : memref<4x128x64xf32, #tpu.memory_space<vmem>>, vector<1x1x16xf32>,
        %get3A_845 = vector.shape_cast %get3A_844 : vector<1x1x16xf32> to vector<16xf32>
        %add3A_846 = arith.addf %get3A_839, %get3A_845 : vector<16xf32>
        %swap3A_847 = arith.constant 1 : i32
        %swap3A_848 = arith.index_cast %swap3A_847 : i32 to index
        %swap3A_849 = arith.index_cast %scan3A_813 : i32 to index
        %swap3A_850 = arith.constant 16 : index
        %swap3A_851 = tpu.vector_load %arg12[%swap3A_848, %swap3A_849, %swap3A_850] {strides = array<i32>} : memref<4x128x64xf32, #tpu.memory_space<vmem>>, vector<1x1x16xf32>,
        %swap3A_852 = vector.shape_cast %swap3A_851 : vector<1x1x16xf32> to vector<16xf32>
        %swap3A_853 = vector.shape_cast %add3A_846 : vector<16xf32> to vector<1x1x16xf32>
        tpu.vector_store %arg12[%swap3A_848, %swap3A_849, %swap3A_850], %swap3A_853 {add = true, strides = array<i32>} : memref<4x128x64xf32, #tpu.memory_space<vmem>>, vector<1x1x16xf32>,
        %get3A_854 = arith.constant 1 : i32
        %get3A_855 = arith.index_cast %get3A_854 : i32 to index
        %get3A_856 = arith.index_cast %scan3A_813 : i32 to index
        %get3A_857 = arith.constant 32 : index
        %get3A_858 = tpu.vector_load %arg13[%get3A_855, %get3A_856, %get3A_857] {strides = array<i32>} : memref<4x128x64xf32, #tpu.memory_space<vmem>>, vector<1x1x16xf32>,
        %get3A_859 = vector.shape_cast %get3A_858 : vector<1x1x16xf32> to vector<16xf32>
        %get3A_860 = arith.constant 1 : i32
        %get3A_861 = arith.index_cast %get3A_860 : i32 to index
        %get3A_862 = arith.index_cast %scan3A_813 : i32 to index
        %get3A_863 = arith.constant 32 : index
        %get3A_864 = tpu.vector_load %arg14[%get3A_861, %get3A_862, %get3A_863] {strides = array<i32>} : memref<4x128x64xf32, #tpu.memory_space<vmem>>, vector<1x1x16xf32>,
        %get3A_865 = vector.shape_cast %get3A_864 : vector<1x1x16xf32> to vector<16xf32>
        %add3A_866 = arith.addf %get3A_859, %get3A_865 : vector<16xf32>
        %swap3A_867 = arith.constant 1 : i32
        %swap3A_868 = arith.index_cast %swap3A_867 : i32 to index
        %swap3A_869 = arith.index_cast %scan3A_813 : i32 to index
        %swap3A_870 = arith.constant 32 : index
        %swap3A_871 = tpu.vector_load %arg12[%swap3A_868, %swap3A_869, %swap3A_870] {strides = array<i32>} : memref<4x128x64xf32, #tpu.memory_space<vmem>>, vector<1x1x16xf32>,
        %swap3A_872 = vector.shape_cast %swap3A_871 : vector<1x1x16xf32> to vector<16xf32>
        %swap3A_873 = vector.shape_cast %add3A_866 : vector<16xf32> to vector<1x1x16xf32>
        tpu.vector_store %arg12[%swap3A_868, %swap3A_869, %swap3A_870], %swap3A_873 {add = true, strides = array<i32>} : memref<4x128x64xf32, #tpu.memory_space<vmem>>, vector<1x1x16xf32>,
        %get3A_874 = arith.constant 1 : i32
        %get3A_875 = arith.index_cast %get3A_874 : i32 to index
        %get3A_876 = arith.index_cast %scan3A_813 : i32 to index
        %get3A_877 = arith.constant 48 : index
        %get3A_878 = tpu.vector_load %arg13[%get3A_875, %get3A_876, %get3A_877] {strides = array<i32>} : memref<4x128x64xf32, #tpu.memory_space<vmem>>, vector<1x1x16xf32>,
        %get3A_879 = vector.shape_cast %get3A_878 : vector<1x1x16xf32> to vector<16xf32>
        %get3A_880 = arith.constant 1 : i32
        %get3A_881 = arith.index_cast %get3A_880 : i32 to index
        %get3A_882 = arith.index_cast %scan3A_813 : i32 to index
        %get3A_883 = arith.constant 48 : index
        %get3A_884 = tpu.vector_load %arg14[%get3A_881, %get3A_882, %get3A_883] {strides = array<i32>} : memref<4x128x64xf32, #tpu.memory_space<vmem>>, vector<1x1x16xf32>,
        %get3A_885 = vector.shape_cast %get3A_884 : vector<1x1x16xf32> to vector<16xf32>
        %add3A_886 = arith.addf %get3A_879, %get3A_885 : vector<16xf32>
        %swap3A_887 = arith.constant 1 : i32
        %swap3A_888 = arith.index_cast %swap3A_887 : i32 to index
        %swap3A_889 = arith.index_cast %scan3A_813 : i32 to index
        %swap3A_890 = arith.constant 48 : index
        %swap3A_891 = tpu.vector_load %arg12[%swap3A_888, %swap3A_889, %swap3A_890] {strides = array<i32>} : memref<4x128x64xf32, #tpu.memory_space<vmem>>, vector<1x1x16xf32>,
        %swap3A_892 = vector.shape_cast %swap3A_891 : vector<1x1x16xf32> to vector<16xf32>
        %swap3A_893 = vector.shape_cast %add3A_886 : vector<16xf32> to vector<1x1x16xf32>
        tpu.vector_store %arg12[%swap3A_888, %swap3A_889, %swap3A_890], %swap3A_893 {add = true, strides = array<i32>} : memref<4x128x64xf32, #tpu.memory_space<vmem>>, vector<1x1x16xf32>,
        %scan3A_894 = arith.constant 2 : i32
        %scan3A_895 = arith.addi %scan3A_733, %scan3A_894 : i32
        %get3A_896 = arith.constant 1 : i32
        %get3A_897 = arith.index_cast %get3A_896 : i32 to index
        %get3A_898 = arith.index_cast %scan3A_895 : i32 to index
        %get3A_899 = arith.constant 0 : index
        %get3A_900 = tpu.vector_load %arg13[%get3A_897, %get3A_898, %get3A_899] {strides = array<i32>} : memref<4x128x64xf32, #tpu.memory_space<vmem>>, vector<1x1x16xf32>,
        %get3A_901 = vector.shape_cast %get3A_900 : vector<1x1x16xf32> to vector<16xf32>
        %get3A_902 = arith.constant 1 : i32
        %get3A_903 = arith.index_cast %get3A_902 : i32 to index
        %get3A_904 = arith.index_cast %scan3A_895 : i32 to index
        %get3A_905 = arith.constant 0 : index
        %get3A_906 = tpu.vector_load %arg14[%get3A_903, %get3A_904, %get3A_905] {strides = array<i32>} : memref<4x128x64xf32, #tpu.memory_space<vmem>>, vector<1x1x16xf32>,
        %get3A_907 = vector.shape_cast %get3A_906 : vector<1x1x16xf32> to vector<16xf32>
        %add3A_908 = arith.addf %get3A_901, %get3A_907 : vector<16xf32>
        %swap3A_909 = arith.constant 1 : i32
        %swap3A_910 = arith.index_cast %swap3A_909 : i32 to index
        %swap3A_911 = arith.index_cast %scan3A_895 : i32 to index
        %swap3A_912 = arith.constant 0 : index
        %swap3A_913 = tpu.vector_load %arg12[%swap3A_910, %swap3A_911, %swap3A_912] {strides = array<i32>} : memref<4x128x64xf32, #tpu.memory_space<vmem>>, vector<1x1x16xf32>,
        %swap3A_914 = vector.shape_cast %swap3A_913 : vector<1x1x16xf32> to vector<16xf32>
        %swap3A_915 = vector.shape_cast %add3A_908 : vector<16xf32> to vector<1x1x16xf32>
        tpu.vector_store %arg12[%swap3A_910, %swap3A_911, %swap3A_912], %swap3A_915 {add = true, strides = array<i32>} : memref<4x128x64xf32, #tpu.memory_space<vmem>>, vector<1x1x16xf32>,
        %get3A_916 = arith.constant 1 : i32
        %get3A_917 = arith.index_cast %get3A_916 : i32 to index
        %get3A_918 = arith.index_cast %scan3A_895 : i32 to index
        %get3A_919 = arith.constant 16 : index
        %get3A_920 = tpu.vector_load %arg13[%get3A_917, %get3A_918, %get3A_919] {strides = array<i32>} : memref<4x128x64xf32, #tpu.memory_space<vmem>>, vector<1x1x16xf32>,
        %get3A_921 = vector.shape_cast %get3A_920 : vector<1x1x16xf32> to vector<16xf32>
        %get3A_922 = arith.constant 1 : i32
        %get3A_923 = arith.index_cast %get3A_922 : i32 to index
        %get3A_924 = arith.index_cast %scan3A_895 : i32 to index
        %get3A_925 = arith.constant 16 : index
        %get3A_926 = tpu.vector_load %arg14[%get3A_923, %get3A_924, %get3A_925] {strides = array<i32>} : memref<4x128x64xf32, #tpu.memory_space<vmem>>, vector<1x1x16xf32>,
        %get3A_927 = vector.shape_cast %get3A_926 : vector<1x1x16xf32> to vector<16xf32>
        %add3A_928 = arith.addf %get3A_921, %get3A_927 : vector<16xf32>
        %swap3A_929 = arith.constant 1 : i32
        %swap3A_930 = arith.index_cast %swap3A_929 : i32 to index
        %swap3A_931 = arith.index_cast %scan3A_895 : i32 to index
        %swap3A_932 = arith.constant 16 : index
        %swap3A_933 = tpu.vector_load %arg12[%swap3A_930, %swap3A_931, %swap3A_932] {strides = array<i32>} : memref<4x128x64xf32, #tpu.memory_space<vmem>>, vector<1x1x16xf32>,
        %swap3A_934 = vector.shape_cast %swap3A_933 : vector<1x1x16xf32> to vector<16xf32>
        %swap3A_935 = vector.shape_cast %add3A_928 : vector<16xf32> to vector<1x1x16xf32>
        tpu.vector_store %arg12[%swap3A_930, %swap3A_931, %swap3A_932], %swap3A_935 {add = true, strides = array<i32>} : memref<4x128x64xf32, #tpu.memory_space<vmem>>, vector<1x1x16xf32>,
        %get3A_936 = arith.constant 1 : i32
        %get3A_937 = arith.index_cast %get3A_936 : i32 to index
        %get3A_938 = arith.index_cast %scan3A_895 : i32 to index
        %get3A_939 = arith.constant 32 : index
        %get3A_940 = tpu.vector_load %arg13[%get3A_937, %get3A_938, %get3A_939] {strides = array<i32>} : memref<4x128x64xf32, #tpu.memory_space<vmem>>, vector<1x1x16xf32>,
        %get3A_941 = vector.shape_cast %get3A_940 : vector<1x1x16xf32> to vector<16xf32>
        %get3A_942 = arith.constant 1 : i32
        %get3A_943 = arith.index_cast %get3A_942 : i32 to index
        %get3A_944 = arith.index_cast %scan3A_895 : i32 to index
        %get3A_945 = arith.constant 32 : index
        %get3A_946 = tpu.vector_load %arg14[%get3A_943, %get3A_944, %get3A_945] {strides = array<i32>} : memref<4x128x64xf32, #tpu.memory_space<vmem>>, vector<1x1x16xf32>,
        %get3A_947 = vector.shape_cast %get3A_946 : vector<1x1x16xf32> to vector<16xf32>
        %add3A_948 = arith.addf %get3A_941, %get3A_947 : vector<16xf32>
        %swap3A_949 = arith.constant 1 : i32
        %swap3A_950 = arith.index_cast %swap3A_949 : i32 to index
        %swap3A_951 = arith.index_cast %scan3A_895 : i32 to index
        %swap3A_952 = arith.constant 32 : index
        %swap3A_953 = tpu.vector_load %arg12[%swap3A_950, %swap3A_951, %swap3A_952] {strides = array<i32>} : memref<4x128x64xf32, #tpu.memory_space<vmem>>, vector<1x1x16xf32>,
        %swap3A_954 = vector.shape_cast %swap3A_953 : vector<1x1x16xf32> to vector<16xf32>
        %swap3A_955 = vector.shape_cast %add3A_948 : vector<16xf32> to vector<1x1x16xf32>
        tpu.vector_store %arg12[%swap3A_950, %swap3A_951, %swap3A_952], %swap3A_955 {add = true, strides = array<i32>} : memref<4x128x64xf32, #tpu.memory_space<vmem>>, vector<1x1x16xf32>,
        %get3A_956 = arith.constant 1 : i32
        %get3A_957 = arith.index_cast %get3A_956 : i32 to index
        %get3A_958 = arith.index_cast %scan3A_895 : i32 to index
        %get3A_959 = arith.constant 48 : index
        %get3A_960 = tpu.vector_load %arg13[%get3A_957, %get3A_958, %get3A_959] {strides = array<i32>} : memref<4x128x64xf32, #tpu.memory_space<vmem>>, vector<1x1x16xf32>,
        %get3A_961 = vector.shape_cast %get3A_960 : vector<1x1x16xf32> to vector<16xf32>
        %get3A_962 = arith.constant 1 : i32
        %get3A_963 = arith.index_cast %get3A_962 : i32 to index
        %get3A_964 = arith.index_cast %scan3A_895 : i32 to index
        %get3A_965 = arith.constant 48 : index
        %get3A_966 = tpu.vector_load %arg14[%get3A_963, %get3A_964, %get3A_965] {strides = array<i32>} : memref<4x128x64xf32, #tpu.memory_space<vmem>>, vector<1x1x16xf32>,
        %get3A_967 = vector.shape_cast %get3A_966 : vector<1x1x16xf32> to vector<16xf32>
        %add3A_968 = arith.addf %get3A_961, %get3A_967 : vector<16xf32>
        %swap3A_969 = arith.constant 1 : i32
        %swap3A_970 = arith.index_cast %swap3A_969 : i32 to index
        %swap3A_971 = arith.index_cast %scan3A_895 : i32 to index
        %swap3A_972 = arith.constant 48 : index
        %swap3A_973 = tpu.vector_load %arg12[%swap3A_970, %swap3A_971, %swap3A_972] {strides = array<i32>} : memref<4x128x64xf32, #tpu.memory_space<vmem>>, vector<1x1x16xf32>,
        %swap3A_974 = vector.shape_cast %swap3A_973 : vector<1x1x16xf32> to vector<16xf32>
        %swap3A_975 = vector.shape_cast %add3A_968 : vector<16xf32> to vector<1x1x16xf32>
        tpu.vector_store %arg12[%swap3A_970, %swap3A_971, %swap3A_972], %swap3A_975 {add = true, strides = array<i32>} : memref<4x128x64xf32, #tpu.memory_space<vmem>>, vector<1x1x16xf32>,
        %scan3A_976 = arith.constant 3 : i32
        %scan3A_977 = arith.addi %scan3A_733, %scan3A_976 : i32
        %get3A_978 = arith.constant 1 : i32
        %get3A_979 = arith.index_cast %get3A_978 : i32 to index
        %get3A_980 = arith.index_cast %scan3A_977 : i32 to index
        %get3A_981 = arith.constant 0 : index
        %get3A_982 = tpu.vector_load %arg13[%get3A_979, %get3A_980, %get3A_981] {strides = array<i32>} : memref<4x128x64xf32, #tpu.memory_space<vmem>>, vector<1x1x16xf32>,
        %get3A_983 = vector.shape_cast %get3A_982 : vector<1x1x16xf32> to vector<16xf32>
        %get3A_984 = arith.constant 1 : i32
        %get3A_985 = arith.index_cast %get3A_984 : i32 to index
        %get3A_986 = arith.index_cast %scan3A_977 : i32 to index
        %get3A_987 = arith.constant 0 : index
        %get3A_988 = tpu.vector_load %arg14[%get3A_985, %get3A_986, %get3A_987] {strides = array<i32>} : memref<4x128x64xf32, #tpu.memory_space<vmem>>, vector<1x1x16xf32>,
        %get3A_989 = vector.shape_cast %get3A_988 : vector<1x1x16xf32> to vector<16xf32>
        %add3A_990 = arith.addf %get3A_983, %get3A_989 : vector<16xf32>
        %swap3A_991 = arith.constant 1 : i32
        %swap3A_992 = arith.index_cast %swap3A_991 : i32 to index
        %swap3A_993 = arith.index_cast %scan3A_977 : i32 to index
        %swap3A_994 = arith.constant 0 : index
        %swap3A_995 = tpu.vector_load %arg12[%swap3A_992, %swap3A_993, %swap3A_994] {strides = array<i32>} : memref<4x128x64xf32, #tpu.memory_space<vmem>>, vector<1x1x16xf32>,
        %swap3A_996 = vector.shape_cast %swap3A_995 : vector<1x1x16xf32> to vector<16xf32>
        %swap3A_997 = vector.shape_cast %add3A_990 : vector<16xf32> to vector<1x1x16xf32>
        tpu.vector_store %arg12[%swap3A_992, %swap3A_993, %swap3A_994], %swap3A_997 {add = true, strides = array<i32>} : memref<4x128x64xf32, #tpu.memory_space<vmem>>, vector<1x1x16xf32>,
        %get3A_998 = arith.constant 1 : i32
        %get3A_999 = arith.index_cast %get3A_998 : i32 to index
        %get3A_1000 = arith.index_cast %scan3A_977 : i32 to index
        %get3A_1001 = arith.constant 16 : index
        %get3A_1002 = tpu.vector_load %arg13[%get3A_999, %get3A_1000, %get3A_1001] {strides = array<i32>} : memref<4x128x64xf32, #tpu.memory_space<vmem>>, vector<1x1x16xf32>,
        %get3A_1003 = vector.shape_cast %get3A_1002 : vector<1x1x16xf32> to vector<16xf32>
        %get3A_1004 = arith.constant 1 : i32
        %get3A_1005 = arith.index_cast %get3A_1004 : i32 to index
        %get3A_1006 = arith.index_cast %scan3A_977 : i32 to index
        %get3A_1007 = arith.constant 16 : index
        %get3A_1008 = tpu.vector_load %arg14[%get3A_1005, %get3A_1006, %get3A_1007] {strides = array<i32>} : memref<4x128x64xf32, #tpu.memory_space<vmem>>, vector<1x1x16xf32>,
        %get3A_1009 = vector.shape_cast %get3A_1008 : vector<1x1x16xf32> to vector<16xf32>
        %add3A_1010 = arith.addf %get3A_1003, %get3A_1009 : vector<16xf32>
        %swap3A_1011 = arith.constant 1 : i32
        %swap3A_1012 = arith.index_cast %swap3A_1011 : i32 to index
        %swap3A_1013 = arith.index_cast %scan3A_977 : i32 to index
        %swap3A_1014 = arith.constant 16 : index
        %swap3A_1015 = tpu.vector_load %arg12[%swap3A_1012, %swap3A_1013, %swap3A_1014] {strides = array<i32>} : memref<4x128x64xf32, #tpu.memory_space<vmem>>, vector<1x1x16xf32>,
        %swap3A_1016 = vector.shape_cast %swap3A_1015 : vector<1x1x16xf32> to vector<16xf32>
        %swap3A_1017 = vector.shape_cast %add3A_1010 : vector<16xf32> to vector<1x1x16xf32>
        tpu.vector_store %arg12[%swap3A_1012, %swap3A_1013, %swap3A_1014], %swap3A_1017 {add = true, strides = array<i32>} : memref<4x128x64xf32, #tpu.memory_space<vmem>>, vector<1x1x16xf32>,
        %get3A_1018 = arith.constant 1 : i32
        %get3A_1019 = arith.index_cast %get3A_1018 : i32 to index
        %get3A_1020 = arith.index_cast %scan3A_977 : i32 to index
        %get3A_1021 = arith.constant 32 : index
        %get3A_1022 = tpu.vector_load %arg13[%get3A_1019, %get3A_1020, %get3A_1021] {strides = array<i32>} : memref<4x128x64xf32, #tpu.memory_space<vmem>>, vector<1x1x16xf32>,
        %get3A_1023 = vector.shape_cast %get3A_1022 : vector<1x1x16xf32> to vector<16xf32>
        %get3A_1024 = arith.constant 1 : i32
        %get3A_1025 = arith.index_cast %get3A_1024 : i32 to index
        %get3A_1026 = arith.index_cast %scan3A_977 : i32 to index
        %get3A_1027 = arith.constant 32 : index
        %get3A_1028 = tpu.vector_load %arg14[%get3A_1025, %get3A_1026, %get3A_1027] {strides = array<i32>} : memref<4x128x64xf32, #tpu.memory_space<vmem>>, vector<1x1x16xf32>,
        %get3A_1029 = vector.shape_cast %get3A_1028 : vector<1x1x16xf32> to vector<16xf32>
        %add3A_1030 = arith.addf %get3A_1023, %get3A_1029 : vector<16xf32>
        %swap3A_1031 = arith.constant 1 : i32
        %swap3A_1032 = arith.index_cast %swap3A_1031 : i32 to index
        %swap3A_1033 = arith.index_cast %scan3A_977 : i32 to index
        %swap3A_1034 = arith.constant 32 : index
        %swap3A_1035 = tpu.vector_load %arg12[%swap3A_1032, %swap3A_1033, %swap3A_1034] {strides = array<i32>} : memref<4x128x64xf32, #tpu.memory_space<vmem>>, vector<1x1x16xf32>,
        %swap3A_1036 = vector.shape_cast %swap3A_1035 : vector<1x1x16xf32> to vector<16xf32>
        %swap3A_1037 = vector.shape_cast %add3A_1030 : vector<16xf32> to vector<1x1x16xf32>
        tpu.vector_store %arg12[%swap3A_1032, %swap3A_1033, %swap3A_1034], %swap3A_1037 {add = true, strides = array<i32>} : memref<4x128x64xf32, #tpu.memory_space<vmem>>, vector<1x1x16xf32>,
        %get3A_1038 = arith.constant 1 : i32
        %get3A_1039 = arith.index_cast %get3A_1038 : i32 to index
        %get3A_1040 = arith.index_cast %scan3A_977 : i32 to index
        %get3A_1041 = arith.constant 48 : index
        %get3A_1042 = tpu.vector_load %arg13[%get3A_1039, %get3A_1040, %get3A_1041] {strides = array<i32>} : memref<4x128x64xf32, #tpu.memory_space<vmem>>, vector<1x1x16xf32>,
        %get3A_1043 = vector.shape_cast %get3A_1042 : vector<1x1x16xf32> to vector<16xf32>
        %get3A_1044 = arith.constant 1 : i32
        %get3A_1045 = arith.index_cast %get3A_1044 : i32 to index
        %get3A_1046 = arith.index_cast %scan3A_977 : i32 to index
        %get3A_1047 = arith.constant 48 : index
        %get3A_1048 = tpu.vector_load %arg14[%get3A_1045, %get3A_1046, %get3A_1047] {strides = array<i32>} : memref<4x128x64xf32, #tpu.memory_space<vmem>>, vector<1x1x16xf32>,
        %get3A_1049 = vector.shape_cast %get3A_1048 : vector<1x1x16xf32> to vector<16xf32>
        %add3A_1050 = arith.addf %get3A_1043, %get3A_1049 : vector<16xf32>
        %swap3A_1051 = arith.constant 1 : i32
        %swap3A_1052 = arith.index_cast %swap3A_1051 : i32 to index
        %swap3A_1053 = arith.index_cast %scan3A_977 : i32 to index
        %swap3A_1054 = arith.constant 48 : index
        %swap3A_1055 = tpu.vector_load %arg12[%swap3A_1052, %swap3A_1053, %swap3A_1054] {strides = array<i32>} : memref<4x128x64xf32, #tpu.memory_space<vmem>>, vector<1x1x16xf32>,
        %swap3A_1056 = vector.shape_cast %swap3A_1055 : vector<1x1x16xf32> to vector<16xf32>
        %swap3A_1057 = vector.shape_cast %add3A_1050 : vector<16xf32> to vector<1x1x16xf32>
        tpu.vector_store %arg12[%swap3A_1052, %swap3A_1053, %swap3A_1054], %swap3A_1057 {add = true, strides = array<i32>} : memref<4x128x64xf32, #tpu.memory_space<vmem>>, vector<1x1x16xf32>,
        %scan3A_1058 = arith.constant 4 : i32
        %scan3A_1059 = arith.addi %scan3A_733, %scan3A_1058 : i32
        %get3A_1060 = arith.constant 1 : i32
        %get3A_1061 = arith.index_cast %get3A_1060 : i32 to index
        %get3A_1062 = arith.index_cast %scan3A_1059 : i32 to index
        %get3A_1063 = arith.constant 0 : index
        %get3A_1064 = tpu.vector_load %arg13[%get3A_1061, %get3A_1062, %get3A_1063] {strides = array<i32>} : memref<4x128x64xf32, #tpu.memory_space<vmem>>, vector<1x1x16xf32>,
        %get3A_1065 = vector.shape_cast %get3A_1064 : vector<1x1x16xf32> to vector<16xf32>
        %get3A_1066 = arith.constant 1 : i32
        %get3A_1067 = arith.index_cast %get3A_1066 : i32 to index
        %get3A_1068 = arith.index_cast %scan3A_1059 : i32 to index
        %get3A_1069 = arith.constant 0 : index
        %get3A_1070 = tpu.vector_load %arg14[%get3A_1067, %get3A_1068, %get3A_1069] {strides = array<i32>} : memref<4x128x64xf32, #tpu.memory_space<vmem>>, vector<1x1x16xf32>,
        %get3A_1071 = vector.shape_cast %get3A_1070 : vector<1x1x16xf32> to vector<16xf32>
        %add3A_1072 = arith.addf %get3A_1065, %get3A_1071 : vector<16xf32>
        %swap3A_1073 = arith.constant 1 : i32
        %swap3A_1074 = arith.index_cast %swap3A_1073 : i32 to index
        %swap3A_1075 = arith.index_cast %scan3A_1059 : i32 to index
        %swap3A_1076 = arith.constant 0 : index
        %swap3A_1077 = tpu.vector_load %arg12[%swap3A_1074, %swap3A_1075, %swap3A_1076] {strides = array<i32>} : memref<4x128x64xf32, #tpu.memory_space<vmem>>, vector<1x1x16xf32>,
        %swap3A_1078 = vector.shape_cast %swap3A_1077 : vector<1x1x16xf32> to vector<16xf32>
        %swap3A_1079 = vector.shape_cast %add3A_1072 : vector<16xf32> to vector<1x1x16xf32>
        tpu.vector_store %arg12[%swap3A_1074, %swap3A_1075, %swap3A_1076], %swap3A_1079 {add = true, strides = array<i32>} : memref<4x128x64xf32, #tpu.memory_space<vmem>>, vector<1x1x16xf32>,
        %get3A_1080 = arith.constant 1 : i32
        %get3A_1081 = arith.index_cast %get3A_1080 : i32 to index
        %get3A_1082 = arith.index_cast %scan3A_1059 : i32 to index
        %get3A_1083 = arith.constant 16 : index
        %get3A_1084 = tpu.vector_load %arg13[%get3A_1081, %get3A_1082, %get3A_1083] {strides = array<i32>} : memref<4x128x64xf32, #tpu.memory_space<vmem>>, vector<1x1x16xf32>,
        %get3A_1085 = vector.shape_cast %get3A_1084 : vector<1x1x16xf32> to vector<16xf32>
        %get3A_1086 = arith.constant 1 : i32
        %get3A_1087 = arith.index_cast %get3A_1086 : i32 to index
        %get3A_1088 = arith.index_cast %scan3A_1059 : i32 to index
        %get3A_1089 = arith.constant 16 : index
        %get3A_1090 = tpu.vector_load %arg14[%get3A_1087, %get3A_1088, %get3A_1089] {strides = array<i32>} : memref<4x128x64xf32, #tpu.memory_space<vmem>>, vector<1x1x16xf32>,
        %get3A_1091 = vector.shape_cast %get3A_1090 : vector<1x1x16xf32> to vector<16xf32>
        %add3A_1092 = arith.addf %get3A_1085, %get3A_1091 : vector<16xf32>
        %swap3A_1093 = arith.constant 1 : i32
        %swap3A_1094 = arith.index_cast %swap3A_1093 : i32 to index
        %swap3A_1095 = arith.index_cast %scan3A_1059 : i32 to index
        %swap3A_1096 = arith.constant 16 : index
        %swap3A_1097 = tpu.vector_load %arg12[%swap3A_1094, %swap3A_1095, %swap3A_1096] {strides = array<i32>} : memref<4x128x64xf32, #tpu.memory_space<vmem>>, vector<1x1x16xf32>,
        %swap3A_1098 = vector.shape_cast %swap3A_1097 : vector<1x1x16xf32> to vector<16xf32>
        %swap3A_1099 = vector.shape_cast %add3A_1092 : vector<16xf32> to vector<1x1x16xf32>
        tpu.vector_store %arg12[%swap3A_1094, %swap3A_1095, %swap3A_1096], %swap3A_1099 {add = true, strides = array<i32>} : memref<4x128x64xf32, #tpu.memory_space<vmem>>, vector<1x1x16xf32>,
        %get3A_1100 = arith.constant 1 : i32
        %get3A_1101 = arith.index_cast %get3A_1100 : i32 to index
        %get3A_1102 = arith.index_cast %scan3A_1059 : i32 to index
        %get3A_1103 = arith.constant 32 : index
        %get3A_1104 = tpu.vector_load %arg13[%get3A_1101, %get3A_1102, %get3A_1103] {strides = array<i32>} : memref<4x128x64xf32, #tpu.memory_space<vmem>>, vector<1x1x16xf32>,
        %get3A_1105 = vector.shape_cast %get3A_1104 : vector<1x1x16xf32> to vector<16xf32>
        %get3A_1106 = arith.constant 1 : i32
        %get3A_1107 = arith.index_cast %get3A_1106 : i32 to index
        %get3A_1108 = arith.index_cast %scan3A_1059 : i32 to index
        %get3A_1109 = arith.constant 32 : index
        %get3A_1110 = tpu.vector_load %arg14[%get3A_1107, %get3A_1108, %get3A_1109] {strides = array<i32>} : memref<4x128x64xf32, #tpu.memory_space<vmem>>, vector<1x1x16xf32>,
        %get3A_1111 = vector.shape_cast %get3A_1110 : vector<1x1x16xf32> to vector<16xf32>
        %add3A_1112 = arith.addf %get3A_1105, %get3A_1111 : vector<16xf32>
        %swap3A_1113 = arith.constant 1 : i32
        %swap3A_1114 = arith.index_cast %swap3A_1113 : i32 to index
        %swap3A_1115 = arith.index_cast %scan3A_1059 : i32 to index
        %swap3A_1116 = arith.constant 32 : index
        %swap3A_1117 = tpu.vector_load %arg12[%swap3A_1114, %swap3A_1115, %swap3A_1116] {strides = array<i32>} : memref<4x128x64xf32, #tpu.memory_space<vmem>>, vector<1x1x16xf32>,
        %swap3A_1118 = vector.shape_cast %swap3A_1117 : vector<1x1x16xf32> to vector<16xf32>
        %swap3A_1119 = vector.shape_cast %add3A_1112 : vector<16xf32> to vector<1x1x16xf32>
        tpu.vector_store %arg12[%swap3A_1114, %swap3A_1115, %swap3A_1116], %swap3A_1119 {add = true, strides = array<i32>} : memref<4x128x64xf32, #tpu.memory_space<vmem>>, vector<1x1x16xf32>,
        %get3A_1120 = arith.constant 1 : i32
        %get3A_1121 = arith.index_cast %get3A_1120 : i32 to index
        %get3A_1122 = arith.index_cast %scan3A_1059 : i32 to index
        %get3A_1123 = arith.constant 48 : index
        %get3A_1124 = tpu.vector_load %arg13[%get3A_1121, %get3A_1122, %get3A_1123] {strides = array<i32>} : memref<4x128x64xf32, #tpu.memory_space<vmem>>, vector<1x1x16xf32>,
        %get3A_1125 = vector.shape_cast %get3A_1124 : vector<1x1x16xf32> to vector<16xf32>
        %get3A_1126 = arith.constant 1 : i32
        %get3A_1127 = arith.index_cast %get3A_1126 : i32 to index
        %get3A_1128 = arith.index_cast %scan3A_1059 : i32 to index
        %get3A_1129 = arith.constant 48 : index
        %get3A_1130 = tpu.vector_load %arg14[%get3A_1127, %get3A_1128, %get3A_1129] {strides = array<i32>} : memref<4x128x64xf32, #tpu.memory_space<vmem>>, vector<1x1x16xf32>,
        %get3A_1131 = vector.shape_cast %get3A_1130 : vector<1x1x16xf32> to vector<16xf32>
        %add3A_1132 = arith.addf %get3A_1125, %get3A_1131 : vector<16xf32>
        %swap3A_1133 = arith.constant 1 : i32
        %swap3A_1134 = arith.index_cast %swap3A_1133 : i32 to index
        %swap3A_1135 = arith.index_cast %scan3A_1059 : i32 to index
        %swap3A_1136 = arith.constant 48 : index
        %swap3A_1137 = tpu.vector_load %arg12[%swap3A_1134, %swap3A_1135, %swap3A_1136] {strides = array<i32>} : memref<4x128x64xf32, #tpu.memory_space<vmem>>, vector<1x1x16xf32>,
        %swap3A_1138 = vector.shape_cast %swap3A_1137 : vector<1x1x16xf32> to vector<16xf32>
        %swap3A_1139 = vector.shape_cast %add3A_1132 : vector<16xf32> to vector<1x1x16xf32>
        tpu.vector_store %arg12[%swap3A_1134, %swap3A_1135, %swap3A_1136], %swap3A_1139 {add = true, strides = array<i32>} : memref<4x128x64xf32, #tpu.memory_space<vmem>>, vector<1x1x16xf32>,
        %scan3A_1140 = arith.constant 5 : i32
        %scan3A_1141 = arith.addi %scan3A_733, %scan3A_1140 : i32
        %get3A_1142 = arith.constant 1 : i32
        %get3A_1143 = arith.index_cast %get3A_1142 : i32 to index
        %get3A_1144 = arith.index_cast %scan3A_1141 : i32 to index
        %get3A_1145 = arith.constant 0 : index
        %get3A_1146 = tpu.vector_load %arg13[%get3A_1143, %get3A_1144, %get3A_1145] {strides = array<i32>} : memref<4x128x64xf32, #tpu.memory_space<vmem>>, vector<1x1x16xf32>,
        %get3A_1147 = vector.shape_cast %get3A_1146 : vector<1x1x16xf32> to vector<16xf32>
        %get3A_1148 = arith.constant 1 : i32
        %get3A_1149 = arith.index_cast %get3A_1148 : i32 to index
        %get3A_1150 = arith.index_cast %scan3A_1141 : i32 to index
        %get3A_1151 = arith.constant 0 : index
        %get3A_1152 = tpu.vector_load %arg14[%get3A_1149, %get3A_1150, %get3A_1151] {strides = array<i32>} : memref<4x128x64xf32, #tpu.memory_space<vmem>>, vector<1x1x16xf32>,
        %get3A_1153 = vector.shape_cast %get3A_1152 : vector<1x1x16xf32> to vector<16xf32>
        %add3A_1154 = arith.addf %get3A_1147, %get3A_1153 : vector<16xf32>
        %swap3A_1155 = arith.constant 1 : i32
        %swap3A_1156 = arith.index_cast %swap3A_1155 : i32 to index
        %swap3A_1157 = arith.index_cast %scan3A_1141 : i32 to index
        %swap3A_1158 = arith.constant 0 : index
        %swap3A_1159 = tpu.vector_load %arg12[%swap3A_1156, %swap3A_1157, %swap3A_1158] {strides = array<i32>} : memref<4x128x64xf32, #tpu.memory_space<vmem>>, vector<1x1x16xf32>,
        %swap3A_1160 = vector.shape_cast %swap3A_1159 : vector<1x1x16xf32> to vector<16xf32>
        %swap3A_1161 = vector.shape_cast %add3A_1154 : vector<16xf32> to vector<1x1x16xf32>
        tpu.vector_store %arg12[%swap3A_1156, %swap3A_1157, %swap3A_1158], %swap3A_1161 {add = true, strides = array<i32>} : memref<4x128x64xf32, #tpu.memory_space<vmem>>, vector<1x1x16xf32>,
        %get3A_1162 = arith.constant 1 : i32
        %get3A_1163 = arith.index_cast %get3A_1162 : i32 to index
        %get3A_1164 = arith.index_cast %scan3A_1141 : i32 to index
        %get3A_1165 = arith.constant 16 : index
        %get3A_1166 = tpu.vector_load %arg13[%get3A_1163, %get3A_1164, %get3A_1165] {strides = array<i32>} : memref<4x128x64xf32, #tpu.memory_space<vmem>>, vector<1x1x16xf32>,
        %get3A_1167 = vector.shape_cast %get3A_1166 : vector<1x1x16xf32> to vector<16xf32>
        %get3A_1168 = arith.constant 1 : i32
        %get3A_1169 = arith.index_cast %get3A_1168 : i32 to index
        %get3A_1170 = arith.index_cast %scan3A_1141 : i32 to index
        %get3A_1171 = arith.constant 16 : index
        %get3A_1172 = tpu.vector_load %arg14[%get3A_1169, %get3A_1170, %get3A_1171] {strides = array<i32>} : memref<4x128x64xf32, #tpu.memory_space<vmem>>, vector<1x1x16xf32>,
        %get3A_1173 = vector.shape_cast %get3A_1172 : vector<1x1x16xf32> to vector<16xf32>
        %add3A_1174 = arith.addf %get3A_1167, %get3A_1173 : vector<16xf32>
        %swap3A_1175 = arith.constant 1 : i32
        %swap3A_1176 = arith.index_cast %swap3A_1175 : i32 to index
        %swap3A_1177 = arith.index_cast %scan3A_1141 : i32 to index
        %swap3A_1178 = arith.constant 16 : index
        %swap3A_1179 = tpu.vector_load %arg12[%swap3A_1176, %swap3A_1177, %swap3A_1178] {strides = array<i32>} : memref<4x128x64xf32, #tpu.memory_space<vmem>>, vector<1x1x16xf32>,
        %swap3A_1180 = vector.shape_cast %swap3A_1179 : vector<1x1x16xf32> to vector<16xf32>
        %swap3A_1181 = vector.shape_cast %add3A_1174 : vector<16xf32> to vector<1x1x16xf32>
        tpu.vector_store %arg12[%swap3A_1176, %swap3A_1177, %swap3A_1178], %swap3A_1181 {add = true, strides = array<i32>} : memref<4x128x64xf32, #tpu.memory_space<vmem>>, vector<1x1x16xf32>,
        %get3A_1182 = arith.constant 1 : i32
        %get3A_1183 = arith.index_cast %get3A_1182 : i32 to index
        %get3A_1184 = arith.index_cast %scan3A_1141 : i32 to index
        %get3A_1185 = arith.constant 32 : index
        %get3A_1186 = tpu.vector_load %arg13[%get3A_1183, %get3A_1184, %get3A_1185] {strides = array<i32>} : memref<4x128x64xf32, #tpu.memory_space<vmem>>, vector<1x1x16xf32>,
        %get3A_1187 = vector.shape_cast %get3A_1186 : vector<1x1x16xf32> to vector<16xf32>
        %get3A_1188 = arith.constant 1 : i32
        %get3A_1189 = arith.index_cast %get3A_1188 : i32 to index
        %get3A_1190 = arith.index_cast %scan3A_1141 : i32 to index
        %get3A_1191 = arith.constant 32 : index
        %get3A_1192 = tpu.vector_load %arg14[%get3A_1189, %get3A_1190, %get3A_1191] {strides = array<i32>} : memref<4x128x64xf32, #tpu.memory_space<vmem>>, vector<1x1x16xf32>,
        %get3A_1193 = vector.shape_cast %get3A_1192 : vector<1x1x16xf32> to vector<16xf32>
        %add3A_1194 = arith.addf %get3A_1187, %get3A_1193 : vector<16xf32>
        %swap3A_1195 = arith.constant 1 : i32
        %swap3A_1196 = arith.index_cast %swap3A_1195 : i32 to index
        %swap3A_1197 = arith.index_cast %scan3A_1141 : i32 to index
        %swap3A_1198 = arith.constant 32 : index
        %swap3A_1199 = tpu.vector_load %arg12[%swap3A_1196, %swap3A_1197, %swap3A_1198] {strides = array<i32>} : memref<4x128x64xf32, #tpu.memory_space<vmem>>, vector<1x1x16xf32>,
        %swap3A_1200 = vector.shape_cast %swap3A_1199 : vector<1x1x16xf32> to vector<16xf32>
        %swap3A_1201 = vector.shape_cast %add3A_1194 : vector<16xf32> to vector<1x1x16xf32>
        tpu.vector_store %arg12[%swap3A_1196, %swap3A_1197, %swap3A_1198], %swap3A_1201 {add = true, strides = array<i32>} : memref<4x128x64xf32, #tpu.memory_space<vmem>>, vector<1x1x16xf32>,
        %get3A_1202 = arith.constant 1 : i32
        %get3A_1203 = arith.index_cast %get3A_1202 : i32 to index
        %get3A_1204 = arith.index_cast %scan3A_1141 : i32 to index
        %get3A_1205 = arith.constant 48 : index
        %get3A_1206 = tpu.vector_load %arg13[%get3A_1203, %get3A_1204, %get3A_1205] {strides = array<i32>} : memref<4x128x64xf32, #tpu.memory_space<vmem>>, vector<1x1x16xf32>,
        %get3A_1207 = vector.shape_cast %get3A_1206 : vector<1x1x16xf32> to vector<16xf32>
        %get3A_1208 = arith.constant 1 : i32
        %get3A_1209 = arith.index_cast %get3A_1208 : i32 to index
        %get3A_1210 = arith.index_cast %scan3A_1141 : i32 to index
        %get3A_1211 = arith.constant 48 : index
        %get3A_1212 = tpu.vector_load %arg14[%get3A_1209, %get3A_1210, %get3A_1211] {strides = array<i32>} : memref<4x128x64xf32, #tpu.memory_space<vmem>>, vector<1x1x16xf32>,
        %get3A_1213 = vector.shape_cast %get3A_1212 : vector<1x1x16xf32> to vector<16xf32>
        %add3A_1214 = arith.addf %get3A_1207, %get3A_1213 : vector<16xf32>
        %swap3A_1215 = arith.constant 1 : i32
        %swap3A_1216 = arith.index_cast %swap3A_1215 : i32 to index
        %swap3A_1217 = arith.index_cast %scan3A_1141 : i32 to index
        %swap3A_1218 = arith.constant 48 : index
        %swap3A_1219 = tpu.vector_load %arg12[%swap3A_1216, %swap3A_1217, %swap3A_1218] {strides = array<i32>} : memref<4x128x64xf32, #tpu.memory_space<vmem>>, vector<1x1x16xf32>,
        %swap3A_1220 = vector.shape_cast %swap3A_1219 : vector<1x1x16xf32> to vector<16xf32>
        %swap3A_1221 = vector.shape_cast %add3A_1214 : vector<16xf32> to vector<1x1x16xf32>
        tpu.vector_store %arg12[%swap3A_1216, %swap3A_1217, %swap3A_1218], %swap3A_1221 {add = true, strides = array<i32>} : memref<4x128x64xf32, #tpu.memory_space<vmem>>, vector<1x1x16xf32>,
        %scan3A_1222 = arith.constant 6 : i32
        %scan3A_1223 = arith.addi %scan3A_733, %scan3A_1222 : i32
        %get3A_1224 = arith.constant 1 : i32
        %get3A_1225 = arith.index_cast %get3A_1224 : i32 to index
        %get3A_1226 = arith.index_cast %scan3A_1223 : i32 to index
        %get3A_1227 = arith.constant 0 : index
        %get3A_1228 = tpu.vector_load %arg13[%get3A_1225, %get3A_1226, %get3A_1227] {strides = array<i32>} : memref<4x128x64xf32, #tpu.memory_space<vmem>>, vector<1x1x16xf32>,
        %get3A_1229 = vector.shape_cast %get3A_1228 : vector<1x1x16xf32> to vector<16xf32>
        %get3A_1230 = arith.constant 1 : i32
        %get3A_1231 = arith.index_cast %get3A_1230 : i32 to index
        %get3A_1232 = arith.index_cast %scan3A_1223 : i32 to index
        %get3A_1233 = arith.constant 0 : index
        %get3A_1234 = tpu.vector_load %arg14[%get3A_1231, %get3A_1232, %get3A_1233] {strides = array<i32>} : memref<4x128x64xf32, #tpu.memory_space<vmem>>, vector<1x1x16xf32>,
        %get3A_1235 = vector.shape_cast %get3A_1234 : vector<1x1x16xf32> to vector<16xf32>
        %add3A_1236 = arith.addf %get3A_1229, %get3A_1235 : vector<16xf32>
        %swap3A_1237 = arith.constant 1 : i32
        %swap3A_1238 = arith.index_cast %swap3A_1237 : i32 to index
        %swap3A_1239 = arith.index_cast %scan3A_1223 : i32 to index
        %swap3A_1240 = arith.constant 0 : index
        %swap3A_1241 = tpu.vector_load %arg12[%swap3A_1238, %swap3A_1239, %swap3A_1240] {strides = array<i32>} : memref<4x128x64xf32, #tpu.memory_space<vmem>>, vector<1x1x16xf32>,
        %swap3A_1242 = vector.shape_cast %swap3A_1241 : vector<1x1x16xf32> to vector<16xf32>
        %swap3A_1243 = vector.shape_cast %add3A_1236 : vector<16xf32> to vector<1x1x16xf32>
        tpu.vector_store %arg12[%swap3A_1238, %swap3A_1239, %swap3A_1240], %swap3A_1243 {add = true, strides = array<i32>} : memref<4x128x64xf32, #tpu.memory_space<vmem>>, vector<1x1x16xf32>,
        %get3A_1244 = arith.constant 1 : i32
        %get3A_1245 = arith.index_cast %get3A_1244 : i32 to index
        %get3A_1246 = arith.index_cast %scan3A_1223 : i32 to index
        %get3A_1247 = arith.constant 16 : index
        %get3A_1248 = tpu.vector_load %arg13[%get3A_1245, %get3A_1246, %get3A_1247] {strides = array<i32>} : memref<4x128x64xf32, #tpu.memory_space<vmem>>, vector<1x1x16xf32>,
        %get3A_1249 = vector.shape_cast %get3A_1248 : vector<1x1x16xf32> to vector<16xf32>
        %get3A_1250 = arith.constant 1 : i32
        %get3A_1251 = arith.index_cast %get3A_1250 : i32 to index
        %get3A_1252 = arith.index_cast %scan3A_1223 : i32 to index
        %get3A_1253 = arith.constant 16 : index
        %get3A_1254 = tpu.vector_load %arg14[%get3A_1251, %get3A_1252, %get3A_1253] {strides = array<i32>} : memref<4x128x64xf32, #tpu.memory_space<vmem>>, vector<1x1x16xf32>,
        %get3A_1255 = vector.shape_cast %get3A_1254 : vector<1x1x16xf32> to vector<16xf32>
        %add3A_1256 = arith.addf %get3A_1249, %get3A_1255 : vector<16xf32>
        %swap3A_1257 = arith.constant 1 : i32
        %swap3A_1258 = arith.index_cast %swap3A_1257 : i32 to index
        %swap3A_1259 = arith.index_cast %scan3A_1223 : i32 to index
        %swap3A_1260 = arith.constant 16 : index
        %swap3A_1261 = tpu.vector_load %arg12[%swap3A_1258, %swap3A_1259, %swap3A_1260] {strides = array<i32>} : memref<4x128x64xf32, #tpu.memory_space<vmem>>, vector<1x1x16xf32>,
        %swap3A_1262 = vector.shape_cast %swap3A_1261 : vector<1x1x16xf32> to vector<16xf32>
        %swap3A_1263 = vector.shape_cast %add3A_1256 : vector<16xf32> to vector<1x1x16xf32>
        tpu.vector_store %arg12[%swap3A_1258, %swap3A_1259, %swap3A_1260], %swap3A_1263 {add = true, strides = array<i32>} : memref<4x128x64xf32, #tpu.memory_space<vmem>>, vector<1x1x16xf32>,
        %get3A_1264 = arith.constant 1 : i32
        %get3A_1265 = arith.index_cast %get3A_1264 : i32 to index
        %get3A_1266 = arith.index_cast %scan3A_1223 : i32 to index
        %get3A_1267 = arith.constant 32 : index
        %get3A_1268 = tpu.vector_load %arg13[%get3A_1265, %get3A_1266, %get3A_1267] {strides = array<i32>} : memref<4x128x64xf32, #tpu.memory_space<vmem>>, vector<1x1x16xf32>,
        %get3A_1269 = vector.shape_cast %get3A_1268 : vector<1x1x16xf32> to vector<16xf32>
        %get3A_1270 = arith.constant 1 : i32
        %get3A_1271 = arith.index_cast %get3A_1270 : i32 to index
        %get3A_1272 = arith.index_cast %scan3A_1223 : i32 to index
        %get3A_1273 = arith.constant 32 : index
        %get3A_1274 = tpu.vector_load %arg14[%get3A_1271, %get3A_1272, %get3A_1273] {strides = array<i32>} : memref<4x128x64xf32, #tpu.memory_space<vmem>>, vector<1x1x16xf32>,
        %get3A_1275 = vector.shape_cast %get3A_1274 : vector<1x1x16xf32> to vector<16xf32>
        %add3A_1276 = arith.addf %get3A_1269, %get3A_1275 : vector<16xf32>
        %swap3A_1277 = arith.constant 1 : i32
        %swap3A_1278 = arith.index_cast %swap3A_1277 : i32 to index
        %swap3A_1279 = arith.index_cast %scan3A_1223 : i32 to index
        %swap3A_1280 = arith.constant 32 : index
        %swap3A_1281 = tpu.vector_load %arg12[%swap3A_1278, %swap3A_1279, %swap3A_1280] {strides = array<i32>} : memref<4x128x64xf32, #tpu.memory_space<vmem>>, vector<1x1x16xf32>,
        %swap3A_1282 = vector.shape_cast %swap3A_1281 : vector<1x1x16xf32> to vector<16xf32>
        %swap3A_1283 = vector.shape_cast %add3A_1276 : vector<16xf32> to vector<1x1x16xf32>
        tpu.vector_store %arg12[%swap3A_1278, %swap3A_1279, %swap3A_1280], %swap3A_1283 {add = true, strides = array<i32>} : memref<4x128x64xf32, #tpu.memory_space<vmem>>, vector<1x1x16xf32>,
        %get3A_1284 = arith.constant 1 : i32
        %get3A_1285 = arith.index_cast %get3A_1284 : i32 to index
        %get3A_1286 = arith.index_cast %scan3A_1223 : i32 to index
        %get3A_1287 = arith.constant 48 : index
        %get3A_1288 = tpu.vector_load %arg13[%get3A_1285, %get3A_1286, %get3A_1287] {strides = array<i32>} : memref<4x128x64xf32, #tpu.memory_space<vmem>>, vector<1x1x16xf32>,
        %get3A_1289 = vector.shape_cast %get3A_1288 : vector<1x1x16xf32> to vector<16xf32>
        %get3A_1290 = arith.constant 1 : i32
        %get3A_1291 = arith.index_cast %get3A_1290 : i32 to index
        %get3A_1292 = arith.index_cast %scan3A_1223 : i32 to index
        %get3A_1293 = arith.constant 48 : index
        %get3A_1294 = tpu.vector_load %arg14[%get3A_1291, %get3A_1292, %get3A_1293] {strides = array<i32>} : memref<4x128x64xf32, #tpu.memory_space<vmem>>, vector<1x1x16xf32>,
        %get3A_1295 = vector.shape_cast %get3A_1294 : vector<1x1x16xf32> to vector<16xf32>
        %add3A_1296 = arith.addf %get3A_1289, %get3A_1295 : vector<16xf32>
        %swap3A_1297 = arith.constant 1 : i32
        %swap3A_1298 = arith.index_cast %swap3A_1297 : i32 to index
        %swap3A_1299 = arith.index_cast %scan3A_1223 : i32 to index
        %swap3A_1300 = arith.constant 48 : index
        %swap3A_1301 = tpu.vector_load %arg12[%swap3A_1298, %swap3A_1299, %swap3A_1300] {strides = array<i32>} : memref<4x128x64xf32, #tpu.memory_space<vmem>>, vector<1x1x16xf32>,
        %swap3A_1302 = vector.shape_cast %swap3A_1301 : vector<1x1x16xf32> to vector<16xf32>
        %swap3A_1303 = vector.shape_cast %add3A_1296 : vector<16xf32> to vector<1x1x16xf32>
        tpu.vector_store %arg12[%swap3A_1298, %swap3A_1299, %swap3A_1300], %swap3A_1303 {add = true, strides = array<i32>} : memref<4x128x64xf32, #tpu.memory_space<vmem>>, vector<1x1x16xf32>,
        %scan3A_1304 = arith.constant 7 : i32
        %scan3A_1305 = arith.addi %scan3A_733, %scan3A_1304 : i32
        %get3A_1306 = arith.constant 1 : i32
        %get3A_1307 = arith.index_cast %get3A_1306 : i32 to index
        %get3A_1308 = arith.index_cast %scan3A_1305 : i32 to index
        %get3A_1309 = arith.constant 0 : index
        %get3A_1310 = tpu.vector_load %arg13[%get3A_1307, %get3A_1308, %get3A_1309] {strides = array<i32>} : memref<4x128x64xf32, #tpu.memory_space<vmem>>, vector<1x1x16xf32>,
        %get3A_1311 = vector.shape_cast %get3A_1310 : vector<1x1x16xf32> to vector<16xf32>
        %get3A_1312 = arith.constant 1 : i32
        %get3A_1313 = arith.index_cast %get3A_1312 : i32 to index
        %get3A_1314 = arith.index_cast %scan3A_1305 : i32 to index
        %get3A_1315 = arith.constant 0 : index
        %get3A_1316 = tpu.vector_load %arg14[%get3A_1313, %get3A_1314, %get3A_1315] {strides = array<i32>} : memref<4x128x64xf32, #tpu.memory_space<vmem>>, vector<1x1x16xf32>,
        %get3A_1317 = vector.shape_cast %get3A_1316 : vector<1x1x16xf32> to vector<16xf32>
        %add3A_1318 = arith.addf %get3A_1311, %get3A_1317 : vector<16xf32>
        %swap3A_1319 = arith.constant 1 : i32
        %swap3A_1320 = arith.index_cast %swap3A_1319 : i32 to index
        %swap3A_1321 = arith.index_cast %scan3A_1305 : i32 to index
        %swap3A_1322 = arith.constant 0 : index
        %swap3A_1323 = tpu.vector_load %arg12[%swap3A_1320, %swap3A_1321, %swap3A_1322] {strides = array<i32>} : memref<4x128x64xf32, #tpu.memory_space<vmem>>, vector<1x1x16xf32>,
        %swap3A_1324 = vector.shape_cast %swap3A_1323 : vector<1x1x16xf32> to vector<16xf32>
        %swap3A_1325 = vector.shape_cast %add3A_1318 : vector<16xf32> to vector<1x1x16xf32>
        tpu.vector_store %arg12[%swap3A_1320, %swap3A_1321, %swap3A_1322], %swap3A_1325 {add = true, strides = array<i32>} : memref<4x128x64xf32, #tpu.memory_space<vmem>>, vector<1x1x16xf32>,
        %get3A_1326 = arith.constant 1 : i32
        %get3A_1327 = arith.index_cast %get3A_1326 : i32 to index
        %get3A_1328 = arith.index_cast %scan3A_1305 : i32 to index
        %get3A_1329 = arith.constant 16 : index
        %get3A_1330 = tpu.vector_load %arg13[%get3A_1327, %get3A_1328, %get3A_1329] {strides = array<i32>} : memref<4x128x64xf32, #tpu.memory_space<vmem>>, vector<1x1x16xf32>,
        %get3A_1331 = vector.shape_cast %get3A_1330 : vector<1x1x16xf32> to vector<16xf32>
        %get3A_1332 = arith.constant 1 : i32
        %get3A_1333 = arith.index_cast %get3A_1332 : i32 to index
        %get3A_1334 = arith.index_cast %scan3A_1305 : i32 to index
        %get3A_1335 = arith.constant 16 : index
        %get3A_1336 = tpu.vector_load %arg14[%get3A_1333, %get3A_1334, %get3A_1335] {strides = array<i32>} : memref<4x128x64xf32, #tpu.memory_space<vmem>>, vector<1x1x16xf32>,
        %get3A_1337 = vector.shape_cast %get3A_1336 : vector<1x1x16xf32> to vector<16xf32>
        %add3A_1338 = arith.addf %get3A_1331, %get3A_1337 : vector<16xf32>
        %swap3A_1339 = arith.constant 1 : i32
        %swap3A_1340 = arith.index_cast %swap3A_1339 : i32 to index
        %swap3A_1341 = arith.index_cast %scan3A_1305 : i32 to index
        %swap3A_1342 = arith.constant 16 : index
        %swap3A_1343 = tpu.vector_load %arg12[%swap3A_1340, %swap3A_1341, %swap3A_1342] {strides = array<i32>} : memref<4x128x64xf32, #tpu.memory_space<vmem>>, vector<1x1x16xf32>,
        %swap3A_1344 = vector.shape_cast %swap3A_1343 : vector<1x1x16xf32> to vector<16xf32>
        %swap3A_1345 = vector.shape_cast %add3A_1338 : vector<16xf32> to vector<1x1x16xf32>
        tpu.vector_store %arg12[%swap3A_1340, %swap3A_1341, %swap3A_1342], %swap3A_1345 {add = true, strides = array<i32>} : memref<4x128x64xf32, #tpu.memory_space<vmem>>, vector<1x1x16xf32>,
        %get3A_1346 = arith.constant 1 : i32
        %get3A_1347 = arith.index_cast %get3A_1346 : i32 to index
        %get3A_1348 = arith.index_cast %scan3A_1305 : i32 to index
        %get3A_1349 = arith.constant 32 : index
        %get3A_1350 = tpu.vector_load %arg13[%get3A_1347, %get3A_1348, %get3A_1349] {strides = array<i32>} : memref<4x128x64xf32, #tpu.memory_space<vmem>>, vector<1x1x16xf32>,
        %get3A_1351 = vector.shape_cast %get3A_1350 : vector<1x1x16xf32> to vector<16xf32>
        %get3A_1352 = arith.constant 1 : i32
        %get3A_1353 = arith.index_cast %get3A_1352 : i32 to index
        %get3A_1354 = arith.index_cast %scan3A_1305 : i32 to index
        %get3A_1355 = arith.constant 32 : index
        %get3A_1356 = tpu.vector_load %arg14[%get3A_1353, %get3A_1354, %get3A_1355] {strides = array<i32>} : memref<4x128x64xf32, #tpu.memory_space<vmem>>, vector<1x1x16xf32>,
        %get3A_1357 = vector.shape_cast %get3A_1356 : vector<1x1x16xf32> to vector<16xf32>
        %add3A_1358 = arith.addf %get3A_1351, %get3A_1357 : vector<16xf32>
        %swap3A_1359 = arith.constant 1 : i32
        %swap3A_1360 = arith.index_cast %swap3A_1359 : i32 to index
        %swap3A_1361 = arith.index_cast %scan3A_1305 : i32 to index
        %swap3A_1362 = arith.constant 32 : index
        %swap3A_1363 = tpu.vector_load %arg12[%swap3A_1360, %swap3A_1361, %swap3A_1362] {strides = array<i32>} : memref<4x128x64xf32, #tpu.memory_space<vmem>>, vector<1x1x16xf32>,
        %swap3A_1364 = vector.shape_cast %swap3A_1363 : vector<1x1x16xf32> to vector<16xf32>
        %swap3A_1365 = vector.shape_cast %add3A_1358 : vector<16xf32> to vector<1x1x16xf32>
        tpu.vector_store %arg12[%swap3A_1360, %swap3A_1361, %swap3A_1362], %swap3A_1365 {add = true, strides = array<i32>} : memref<4x128x64xf32, #tpu.memory_space<vmem>>, vector<1x1x16xf32>,
        %get3A_1366 = arith.constant 1 : i32
        %get3A_1367 = arith.index_cast %get3A_1366 : i32 to index
        %get3A_1368 = arith.index_cast %scan3A_1305 : i32 to index
        %get3A_1369 = arith.constant 48 : index
        %get3A_1370 = tpu.vector_load %arg13[%get3A_1367, %get3A_1368, %get3A_1369] {strides = array<i32>} : memref<4x128x64xf32, #tpu.memory_space<vmem>>, vector<1x1x16xf32>,
        %get3A_1371 = vector.shape_cast %get3A_1370 : vector<1x1x16xf32> to vector<16xf32>
        %get3A_1372 = arith.constant 1 : i32
        %get3A_1373 = arith.index_cast %get3A_1372 : i32 to index
        %get3A_1374 = arith.index_cast %scan3A_1305 : i32 to index
        %get3A_1375 = arith.constant 48 : index
        %get3A_1376 = tpu.vector_load %arg14[%get3A_1373, %get3A_1374, %get3A_1375] {strides = array<i32>} : memref<4x128x64xf32, #tpu.memory_space<vmem>>, vector<1x1x16xf32>,
        %get3A_1377 = vector.shape_cast %get3A_1376 : vector<1x1x16xf32> to vector<16xf32>
        %add3A_1378 = arith.addf %get3A_1371, %get3A_1377 : vector<16xf32>
        %swap3A_1379 = arith.constant 1 : i32
        %swap3A_1380 = arith.index_cast %swap3A_1379 : i32 to index
        %swap3A_1381 = arith.index_cast %scan3A_1305 : i32 to index
        %swap3A_1382 = arith.constant 48 : index
        %swap3A_1383 = tpu.vector_load %arg12[%swap3A_1380, %swap3A_1381, %swap3A_1382] {strides = array<i32>} : memref<4x128x64xf32, #tpu.memory_space<vmem>>, vector<1x1x16xf32>,
        %swap3A_1384 = vector.shape_cast %swap3A_1383 : vector<1x1x16xf32> to vector<16xf32>
        %swap3A_1385 = vector.shape_cast %add3A_1378 : vector<16xf32> to vector<1x1x16xf32>
        tpu.vector_store %arg12[%swap3A_1380, %swap3A_1381, %swap3A_1382], %swap3A_1385 {add = true, strides = array<i32>} : memref<4x128x64xf32, #tpu.memory_space<vmem>>, vector<1x1x16xf32>,
      }
      %scan3A_564 = arith.constant 128 : i32
      %add3A_565 = arith.constant 1 : i32
      %add3A_566 = arith.addi %mul3A_460, %add3A_565 : i32
      %mul3A_567 = arith.constant 128 : i32
      %mul3A_568 = arith.muli %add3A_566, %mul3A_567 : i32
      %add3A_569 = arith.addi %mul3A_2, %mul3A_568 : i32
      %dma_start3A_570 = arith.constant 1 : i32
      %dma_start3A_571 = arith.constant 0 : i32
      %dma_start3A_572 = arith.constant 0 : i32
      %dma_start3A_573 = tpu.memref_slice %arg12[%dma_start3A_570, %dma_start3A_571, %dma_start3A_572] : memref<4x128x64xf32, #tpu.memory_space<vmem>> -> memref<1x128x64xf32, #tpu.memory_space<vmem>>
      %dma_start3A_574 = tpu.memref_squeeze %dma_start3A_573 : memref<1x128x64xf32, #tpu.memory_space<vmem>> -> memref<128x64xf32, #tpu.memory_space<vmem>>
      %dma_start3A_575 = arith.constant 0 : i32
      %dma_start3A_576 = tpu.memref_slice %arg8[%add3A_569, %dma_start3A_575] : memref<819200x64xf32, #tpu.memory_space<hbm>> -> memref<128x64xf32, #tpu.memory_space<hbm>>
      %dma_start3A_577 = arith.constant 0 : i32
      %dma_start3A_578 = tpu.memref_slice %arg8[%add3A_569, %dma_start3A_577] : memref<819200x64xf32, #tpu.memory_space<hbm>> -> memref<128x64xf32, #tpu.memory_space<hbm>>
      %dma_start3A_579 = arith.constant 0 : i32
      %dma_start3A_580 = arith.constant 0 : i32
      %dma_start3A_581 = tpu.memref_slice %arg12[%dma_start3A_570, %dma_start3A_579, %dma_start3A_580] : memref<4x128x64xf32, #tpu.memory_space<vmem>> -> memref<1x128x64xf32, #tpu.memory_space<vmem>>
      %dma_start3A_582 = tpu.memref_squeeze %dma_start3A_581 : memref<1x128x64xf32, #tpu.memory_space<vmem>> -> memref<128x64xf32, #tpu.memory_space<vmem>>
      tpu.enqueue_dma source(%dma_start3A_582 : memref<128x64xf32, #tpu.memory_space<vmem>>) target(%dma_start3A_578 : memref<128x64xf32, #tpu.memory_space<hbm>>) target_semaphore(%arg24 : memref<!tpu.dma_semaphore, #tpu.memory_space<semaphore_mem>>)
      %lt3A_583 = arith.constant 49 : i32
      %lt3A_584 = arith.cmpi slt, %scan3A_458, %lt3A_583 : i32
      %convert_element_type3A_585 = arith.extui %lt3A_584 : i1 to i32
      %cond3A_586 = arith.constant 0 : i32
      %cond3A_587 = arith.cmpi ne, %convert_element_type3A_585, %cond3A_586 : i32
      scf.if %cond3A_587 {
        %add3A_733 = arith.constant 4 : i32
        %add3A_734 = arith.addi %mul3A_460, %add3A_733 : i32
        %add3A_735 = arith.constant 1 : i32
        %add3A_736 = arith.addi %add3A_734, %add3A_735 : i32
        %mul3A_737 = arith.constant 128 : i32
        %mul3A_738 = arith.muli %add3A_736, %mul3A_737 : i32
        %add3A_739 = arith.addi %mul3A_2, %mul3A_738 : i32
        %dma_start3A_740 = arith.constant 1 : i32
        %dma_start3A_741 = arith.constant 0 : i32
        %dma_start3A_742 = tpu.memref_slice %arg9[%dma_start3A_740, %dma_start3A_741] : memref<4x128xi32, #tpu.memory_space<vmem>> -> memref<1x128xi32, #tpu.memory_space<vmem>>
        %dma_start3A_743 = tpu.memref_squeeze %dma_start3A_742 : memref<1x128xi32, #tpu.memory_space<vmem>> -> memref<128xi32, #tpu.memory_space<vmem>>
        %dma_start3A_744 = tpu.memref_slice %arg2[%add3A_739] : memref<819200xi32, #tpu.memory_space<hbm>> -> memref<128xi32, #tpu.memory_space<hbm>>
        %dma_start3A_745 = arith.constant 0 : i32
        %dma_start3A_746 = tpu.memref_slice %arg9[%dma_start3A_740, %dma_start3A_745] : memref<4x128xi32, #tpu.memory_space<vmem>> -> memref<1x128xi32, #tpu.memory_space<vmem>>
        %dma_start3A_747 = tpu.memref_squeeze %dma_start3A_746 : memref<1x128xi32, #tpu.memory_space<vmem>> -> memref<128xi32, #tpu.memory_space<vmem>>
        %dma_start3A_748 = tpu.memref_slice %arg2[%add3A_739] : memref<819200xi32, #tpu.memory_space<hbm>> -> memref<128xi32, #tpu.memory_space<hbm>>
        tpu.enqueue_dma source(%dma_start3A_748 : memref<128xi32, #tpu.memory_space<hbm>>) target(%dma_start3A_747 : memref<128xi32, #tpu.memory_space<vmem>>) target_semaphore(%arg16 : memref<!tpu.dma_semaphore, #tpu.memory_space<semaphore_mem>>)
        %dma_start3A_749 = arith.constant 1 : i32
        %dma_start3A_750 = arith.constant 0 : i32
        %dma_start3A_751 = tpu.memref_slice %arg10[%dma_start3A_749, %dma_start3A_750] : memref<4x128xi32, #tpu.memory_space<vmem>> -> memref<1x128xi32, #tpu.memory_space<vmem>>
        %dma_start3A_752 = tpu.memref_squeeze %dma_start3A_751 : memref<1x128xi32, #tpu.memory_space<vmem>> -> memref<128xi32, #tpu.memory_space<vmem>>
        %dma_start3A_753 = tpu.memref_slice %arg3[%add3A_739] : memref<819200xi32, #tpu.memory_space<hbm>> -> memref<128xi32, #tpu.memory_space<hbm>>
        %dma_start3A_754 = arith.constant 0 : i32
        %dma_start3A_755 = tpu.memref_slice %arg10[%dma_start3A_749, %dma_start3A_754] : memref<4x128xi32, #tpu.memory_space<vmem>> -> memref<1x128xi32, #tpu.memory_space<vmem>>
        %dma_start3A_756 = tpu.memref_squeeze %dma_start3A_755 : memref<1x128xi32, #tpu.memory_space<vmem>> -> memref<128xi32, #tpu.memory_space<vmem>>
        %dma_start3A_757 = tpu.memref_slice %arg3[%add3A_739] : memref<819200xi32, #tpu.memory_space<hbm>> -> memref<128xi32, #tpu.memory_space<hbm>>
        tpu.enqueue_dma source(%dma_start3A_757 : memref<128xi32, #tpu.memory_space<hbm>>) target(%dma_start3A_756 : memref<128xi32, #tpu.memory_space<vmem>>) target_semaphore(%arg16 : memref<!tpu.dma_semaphore, #tpu.memory_space<semaphore_mem>>)
        %dma_start3A_758 = arith.constant 1 : i32
        %dma_start3A_759 = arith.constant 0 : i32
        %dma_start3A_760 = tpu.memref_slice %arg11[%dma_start3A_758, %dma_start3A_759] : memref<4x128xi32, #tpu.memory_space<vmem>> -> memref<1x128xi32, #tpu.memory_space<vmem>>
        %dma_start3A_761 = tpu.memref_squeeze %dma_start3A_760 : memref<1x128xi32, #tpu.memory_space<vmem>> -> memref<128xi32, #tpu.memory_space<vmem>>
        %dma_start3A_762 = tpu.memref_slice %arg4[%add3A_739] : memref<819200xi32, #tpu.memory_space<hbm>> -> memref<128xi32, #tpu.memory_space<hbm>>
        %dma_start3A_763 = arith.constant 0 : i32
        %dma_start3A_764 = tpu.memref_slice %arg11[%dma_start3A_758, %dma_start3A_763] : memref<4x128xi32, #tpu.memory_space<vmem>> -> memref<1x128xi32, #tpu.memory_space<vmem>>
        %dma_start3A_765 = tpu.memref_squeeze %dma_start3A_764 : memref<1x128xi32, #tpu.memory_space<vmem>> -> memref<128xi32, #tpu.memory_space<vmem>>
        %dma_start3A_766 = tpu.memref_slice %arg4[%add3A_739] : memref<819200xi32, #tpu.memory_space<hbm>> -> memref<128xi32, #tpu.memory_space<hbm>>
        tpu.enqueue_dma source(%dma_start3A_766 : memref<128xi32, #tpu.memory_space<hbm>>) target(%dma_start3A_765 : memref<128xi32, #tpu.memory_space<vmem>>) target_semaphore(%arg16 : memref<!tpu.dma_semaphore, #tpu.memory_space<semaphore_mem>>)
      } else {
      }
      %dma_wait3A_588 = arith.constant 2 : i32
      %dma_wait3A_589 = arith.constant 2 : i32
      %dma_wait3A_590 = arith.constant 0 : i32
      %dma_wait3A_591 = arith.constant 0 : i32
      %dma_wait3A_592 = tpu.memref_slice %arg12[%dma_wait3A_589, %dma_wait3A_590, %dma_wait3A_591] : memref<4x128x64xf32, #tpu.memory_space<vmem>> -> memref<1x128x64xf32, #tpu.memory_space<vmem>>
      %dma_wait3A_593 = tpu.memref_squeeze %dma_wait3A_592 : memref<1x128x64xf32, #tpu.memory_space<vmem>> -> memref<128x64xf32, #tpu.memory_space<vmem>>
      %dma_wait3A_594 = arith.constant 0 : i32
      %dma_wait3A_595 = tpu.memref_slice %arg9[%dma_wait3A_588, %dma_wait3A_594] : memref<4x128xi32, #tpu.memory_space<vmem>> -> memref<1x128xi32, #tpu.memory_space<vmem>>
      %dma_wait3A_596 = tpu.memref_squeeze %dma_wait3A_595 : memref<1x128xi32, #tpu.memory_space<vmem>> -> memref<128xi32, #tpu.memory_space<vmem>>
      %dma_wait3A_597 = arith.constant 0 : i32
      %dma_wait3A_598 = arith.constant 0 : i32
      %dma_wait3A_599 = tpu.memref_slice %arg5[%dma_wait3A_597, %dma_wait3A_598] : memref<1000000x64xf32, #tpu.memory_space<hbm>> -> memref<1000000x64xf32, #tpu.memory_space<hbm>>
      tpu.wait_indirect_dma semaphore(%arg21 : memref<!tpu.dma_semaphore, #tpu.memory_space<semaphore_mem>>) src(%dma_wait3A_599 : memref<1000000x64xf32, #tpu.memory_space<hbm>>) dst(%dma_wait3A_593 : memref<128x64xf32, #tpu.memory_space<vmem>>)
      %dma_wait3A_600 = arith.constant 2 : i32
      %dma_wait3A_601 = arith.constant 2 : i32
      %dma_wait3A_602 = arith.constant 0 : i32
      %dma_wait3A_603 = arith.constant 0 : i32
      %dma_wait3A_604 = tpu.memref_slice %arg13[%dma_wait3A_601, %dma_wait3A_602, %dma_wait3A_603] : memref<4x128x64xf32, #tpu.memory_space<vmem>> -> memref<1x128x64xf32, #tpu.memory_space<vmem>>
      %dma_wait3A_605 = tpu.memref_squeeze %dma_wait3A_604 : memref<1x128x64xf32, #tpu.memory_space<vmem>> -> memref<128x64xf32, #tpu.memory_space<vmem>>
      %dma_wait3A_606 = arith.constant 0 : i32
      %dma_wait3A_607 = tpu.memref_slice %arg10[%dma_wait3A_600, %dma_wait3A_606] : memref<4x128xi32, #tpu.memory_space<vmem>> -> memref<1x128xi32, #tpu.memory_space<vmem>>
      %dma_wait3A_608 = tpu.memref_squeeze %dma_wait3A_607 : memref<1x128xi32, #tpu.memory_space<vmem>> -> memref<128xi32, #tpu.memory_space<vmem>>
      %dma_wait3A_609 = arith.constant 0 : i32
      %dma_wait3A_610 = arith.constant 0 : i32
      %dma_wait3A_611 = tpu.memref_slice %arg6[%dma_wait3A_609, %dma_wait3A_610] : memref<512x64xf32, #tpu.memory_space<hbm>> -> memref<512x64xf32, #tpu.memory_space<hbm>>
      tpu.wait_indirect_dma semaphore(%arg21 : memref<!tpu.dma_semaphore, #tpu.memory_space<semaphore_mem>>) src(%dma_wait3A_611 : memref<512x64xf32, #tpu.memory_space<hbm>>) dst(%dma_wait3A_605 : memref<128x64xf32, #tpu.memory_space<vmem>>)
      %dma_wait3A_612 = arith.constant 2 : i32
      %dma_wait3A_613 = arith.constant 2 : i32
      %dma_wait3A_614 = arith.constant 0 : i32
      %dma_wait3A_615 = arith.constant 0 : i32
      %dma_wait3A_616 = tpu.memref_slice %arg14[%dma_wait3A_613, %dma_wait3A_614, %dma_wait3A_615] : memref<4x128x64xf32, #tpu.memory_space<vmem>> -> memref<1x128x64xf32, #tpu.memory_space<vmem>>
      %dma_wait3A_617 = tpu.memref_squeeze %dma_wait3A_616 : memref<1x128x64xf32, #tpu.memory_space<vmem>> -> memref<128x64xf32, #tpu.memory_space<vmem>>
      %dma_wait3A_618 = arith.constant 0 : i32
      %dma_wait3A_619 = tpu.memref_slice %arg11[%dma_wait3A_612, %dma_wait3A_618] : memref<4x128xi32, #tpu.memory_space<vmem>> -> memref<1x128xi32, #tpu.memory_space<vmem>>
      %dma_wait3A_620 = tpu.memref_squeeze %dma_wait3A_619 : memref<1x128xi32, #tpu.memory_space<vmem>> -> memref<128xi32, #tpu.memory_space<vmem>>
      %dma_wait3A_621 = arith.constant 0 : i32
      %dma_wait3A_622 = arith.constant 0 : i32
      %dma_wait3A_623 = tpu.memref_slice %arg7[%dma_wait3A_621, %dma_wait3A_622] : memref<512x64xf32, #tpu.memory_space<hbm>> -> memref<512x64xf32, #tpu.memory_space<hbm>>
      tpu.wait_indirect_dma semaphore(%arg21 : memref<!tpu.dma_semaphore, #tpu.memory_space<semaphore_mem>>) src(%dma_wait3A_623 : memref<512x64xf32, #tpu.memory_space<hbm>>) dst(%dma_wait3A_617 : memref<128x64xf32, #tpu.memory_space<vmem>>)
      %scan3A_624 = arith.constant 0 : i32
      %scan3A_625 = arith.constant 0 : i32
      %scan3A_626 = arith.constant 128 : i32
      %scan3A_627 = arith.addi %scan3A_625, %scan3A_626 : i32
      %scan3A_628 = arith.constant 8 : i32
      scf.for %scan3A_733 = %scan3A_625 to %scan3A_627 step %scan3A_628  : i32 {
        %get3A = arith.constant 2 : i32
        %get3A_734 = arith.index_cast %get3A : i32 to index
        %get3A_735 = arith.index_cast %scan3A_733 : i32 to index
        %get3A_736 = arith.constant 0 : index
        %get3A_737 = tpu.vector_load %arg13[%get3A_734, %get3A_735, %get3A_736] {strides = array<i32>} : memref<4x128x64xf32, #tpu.memory_space<vmem>>, vector<1x1x16xf32>,
        %get3A_738 = vector.shape_cast %get3A_737 : vector<1x1x16xf32> to vector<16xf32>
        %get3A_739 = arith.constant 2 : i32
        %get3A_740 = arith.index_cast %get3A_739 : i32 to index
        %get3A_741 = arith.index_cast %scan3A_733 : i32 to index
        %get3A_742 = arith.constant 0 : index
        %get3A_743 = tpu.vector_load %arg14[%get3A_740, %get3A_741, %get3A_742] {strides = array<i32>} : memref<4x128x64xf32, #tpu.memory_space<vmem>>, vector<1x1x16xf32>,
        %get3A_744 = vector.shape_cast %get3A_743 : vector<1x1x16xf32> to vector<16xf32>
        %add3A_745 = arith.addf %get3A_738, %get3A_744 : vector<16xf32>
        %swap3A = arith.constant 2 : i32
        %swap3A_746 = arith.index_cast %swap3A : i32 to index
        %swap3A_747 = arith.index_cast %scan3A_733 : i32 to index
        %swap3A_748 = arith.constant 0 : index
        %swap3A_749 = tpu.vector_load %arg12[%swap3A_746, %swap3A_747, %swap3A_748] {strides = array<i32>} : memref<4x128x64xf32, #tpu.memory_space<vmem>>, vector<1x1x16xf32>,
        %swap3A_750 = vector.shape_cast %swap3A_749 : vector<1x1x16xf32> to vector<16xf32>
        %swap3A_751 = vector.shape_cast %add3A_745 : vector<16xf32> to vector<1x1x16xf32>
        tpu.vector_store %arg12[%swap3A_746, %swap3A_747, %swap3A_748], %swap3A_751 {add = true, strides = array<i32>} : memref<4x128x64xf32, #tpu.memory_space<vmem>>, vector<1x1x16xf32>,
        %get3A_752 = arith.constant 2 : i32
        %get3A_753 = arith.index_cast %get3A_752 : i32 to index
        %get3A_754 = arith.index_cast %scan3A_733 : i32 to index
        %get3A_755 = arith.constant 16 : index
        %get3A_756 = tpu.vector_load %arg13[%get3A_753, %get3A_754, %get3A_755] {strides = array<i32>} : memref<4x128x64xf32, #tpu.memory_space<vmem>>, vector<1x1x16xf32>,
        %get3A_757 = vector.shape_cast %get3A_756 : vector<1x1x16xf32> to vector<16xf32>
        %get3A_758 = arith.constant 2 : i32
        %get3A_759 = arith.index_cast %get3A_758 : i32 to index
        %get3A_760 = arith.index_cast %scan3A_733 : i32 to index
        %get3A_761 = arith.constant 16 : index
        %get3A_762 = tpu.vector_load %arg14[%get3A_759, %get3A_760, %get3A_761] {strides = array<i32>} : memref<4x128x64xf32, #tpu.memory_space<vmem>>, vector<1x1x16xf32>,
        %get3A_763 = vector.shape_cast %get3A_762 : vector<1x1x16xf32> to vector<16xf32>
        %add3A_764 = arith.addf %get3A_757, %get3A_763 : vector<16xf32>
        %swap3A_765 = arith.constant 2 : i32
        %swap3A_766 = arith.index_cast %swap3A_765 : i32 to index
        %swap3A_767 = arith.index_cast %scan3A_733 : i32 to index
        %swap3A_768 = arith.constant 16 : index
        %swap3A_769 = tpu.vector_load %arg12[%swap3A_766, %swap3A_767, %swap3A_768] {strides = array<i32>} : memref<4x128x64xf32, #tpu.memory_space<vmem>>, vector<1x1x16xf32>,
        %swap3A_770 = vector.shape_cast %swap3A_769 : vector<1x1x16xf32> to vector<16xf32>
        %swap3A_771 = vector.shape_cast %add3A_764 : vector<16xf32> to vector<1x1x16xf32>
        tpu.vector_store %arg12[%swap3A_766, %swap3A_767, %swap3A_768], %swap3A_771 {add = true, strides = array<i32>} : memref<4x128x64xf32, #tpu.memory_space<vmem>>, vector<1x1x16xf32>,
        %get3A_772 = arith.constant 2 : i32
        %get3A_773 = arith.index_cast %get3A_772 : i32 to index
        %get3A_774 = arith.index_cast %scan3A_733 : i32 to index
        %get3A_775 = arith.constant 32 : index
        %get3A_776 = tpu.vector_load %arg13[%get3A_773, %get3A_774, %get3A_775] {strides = array<i32>} : memref<4x128x64xf32, #tpu.memory_space<vmem>>, vector<1x1x16xf32>,
        %get3A_777 = vector.shape_cast %get3A_776 : vector<1x1x16xf32> to vector<16xf32>
        %get3A_778 = arith.constant 2 : i32
        %get3A_779 = arith.index_cast %get3A_778 : i32 to index
        %get3A_780 = arith.index_cast %scan3A_733 : i32 to index
        %get3A_781 = arith.constant 32 : index
        %get3A_782 = tpu.vector_load %arg14[%get3A_779, %get3A_780, %get3A_781] {strides = array<i32>} : memref<4x128x64xf32, #tpu.memory_space<vmem>>, vector<1x1x16xf32>,
        %get3A_783 = vector.shape_cast %get3A_782 : vector<1x1x16xf32> to vector<16xf32>
        %add3A_784 = arith.addf %get3A_777, %get3A_783 : vector<16xf32>
        %swap3A_785 = arith.constant 2 : i32
        %swap3A_786 = arith.index_cast %swap3A_785 : i32 to index
        %swap3A_787 = arith.index_cast %scan3A_733 : i32 to index
        %swap3A_788 = arith.constant 32 : index
        %swap3A_789 = tpu.vector_load %arg12[%swap3A_786, %swap3A_787, %swap3A_788] {strides = array<i32>} : memref<4x128x64xf32, #tpu.memory_space<vmem>>, vector<1x1x16xf32>,
        %swap3A_790 = vector.shape_cast %swap3A_789 : vector<1x1x16xf32> to vector<16xf32>
        %swap3A_791 = vector.shape_cast %add3A_784 : vector<16xf32> to vector<1x1x16xf32>
        tpu.vector_store %arg12[%swap3A_786, %swap3A_787, %swap3A_788], %swap3A_791 {add = true, strides = array<i32>} : memref<4x128x64xf32, #tpu.memory_space<vmem>>, vector<1x1x16xf32>,
        %get3A_792 = arith.constant 2 : i32
        %get3A_793 = arith.index_cast %get3A_792 : i32 to index
        %get3A_794 = arith.index_cast %scan3A_733 : i32 to index
        %get3A_795 = arith.constant 48 : index
        %get3A_796 = tpu.vector_load %arg13[%get3A_793, %get3A_794, %get3A_795] {strides = array<i32>} : memref<4x128x64xf32, #tpu.memory_space<vmem>>, vector<1x1x16xf32>,
        %get3A_797 = vector.shape_cast %get3A_796 : vector<1x1x16xf32> to vector<16xf32>
        %get3A_798 = arith.constant 2 : i32
        %get3A_799 = arith.index_cast %get3A_798 : i32 to index
        %get3A_800 = arith.index_cast %scan3A_733 : i32 to index
        %get3A_801 = arith.constant 48 : index
        %get3A_802 = tpu.vector_load %arg14[%get3A_799, %get3A_800, %get3A_801] {strides = array<i32>} : memref<4x128x64xf32, #tpu.memory_space<vmem>>, vector<1x1x16xf32>,
        %get3A_803 = vector.shape_cast %get3A_802 : vector<1x1x16xf32> to vector<16xf32>
        %add3A_804 = arith.addf %get3A_797, %get3A_803 : vector<16xf32>
        %swap3A_805 = arith.constant 2 : i32
        %swap3A_806 = arith.index_cast %swap3A_805 : i32 to index
        %swap3A_807 = arith.index_cast %scan3A_733 : i32 to index
        %swap3A_808 = arith.constant 48 : index
        %swap3A_809 = tpu.vector_load %arg12[%swap3A_806, %swap3A_807, %swap3A_808] {strides = array<i32>} : memref<4x128x64xf32, #tpu.memory_space<vmem>>, vector<1x1x16xf32>,
        %swap3A_810 = vector.shape_cast %swap3A_809 : vector<1x1x16xf32> to vector<16xf32>
        %swap3A_811 = vector.shape_cast %add3A_804 : vector<16xf32> to vector<1x1x16xf32>
        tpu.vector_store %arg12[%swap3A_806, %swap3A_807, %swap3A_808], %swap3A_811 {add = true, strides = array<i32>} : memref<4x128x64xf32, #tpu.memory_space<vmem>>, vector<1x1x16xf32>,
        %scan3A_812 = arith.constant 1 : i32
        %scan3A_813 = arith.addi %scan3A_733, %scan3A_812 : i32
        %get3A_814 = arith.constant 2 : i32
        %get3A_815 = arith.index_cast %get3A_814 : i32 to index
        %get3A_816 = arith.index_cast %scan3A_813 : i32 to index
        %get3A_817 = arith.constant 0 : index
        %get3A_818 = tpu.vector_load %arg13[%get3A_815, %get3A_816, %get3A_817] {strides = array<i32>} : memref<4x128x64xf32, #tpu.memory_space<vmem>>, vector<1x1x16xf32>,
        %get3A_819 = vector.shape_cast %get3A_818 : vector<1x1x16xf32> to vector<16xf32>
        %get3A_820 = arith.constant 2 : i32
        %get3A_821 = arith.index_cast %get3A_820 : i32 to index
        %get3A_822 = arith.index_cast %scan3A_813 : i32 to index
        %get3A_823 = arith.constant 0 : index
        %get3A_824 = tpu.vector_load %arg14[%get3A_821, %get3A_822, %get3A_823] {strides = array<i32>} : memref<4x128x64xf32, #tpu.memory_space<vmem>>, vector<1x1x16xf32>,
        %get3A_825 = vector.shape_cast %get3A_824 : vector<1x1x16xf32> to vector<16xf32>
        %add3A_826 = arith.addf %get3A_819, %get3A_825 : vector<16xf32>
        %swap3A_827 = arith.constant 2 : i32
        %swap3A_828 = arith.index_cast %swap3A_827 : i32 to index
        %swap3A_829 = arith.index_cast %scan3A_813 : i32 to index
        %swap3A_830 = arith.constant 0 : index
        %swap3A_831 = tpu.vector_load %arg12[%swap3A_828, %swap3A_829, %swap3A_830] {strides = array<i32>} : memref<4x128x64xf32, #tpu.memory_space<vmem>>, vector<1x1x16xf32>,
        %swap3A_832 = vector.shape_cast %swap3A_831 : vector<1x1x16xf32> to vector<16xf32>
        %swap3A_833 = vector.shape_cast %add3A_826 : vector<16xf32> to vector<1x1x16xf32>
        tpu.vector_store %arg12[%swap3A_828, %swap3A_829, %swap3A_830], %swap3A_833 {add = true, strides = array<i32>} : memref<4x128x64xf32, #tpu.memory_space<vmem>>, vector<1x1x16xf32>,
        %get3A_834 = arith.constant 2 : i32
        %get3A_835 = arith.index_cast %get3A_834 : i32 to index
        %get3A_836 = arith.index_cast %scan3A_813 : i32 to index
        %get3A_837 = arith.constant 16 : index
        %get3A_838 = tpu.vector_load %arg13[%get3A_835, %get3A_836, %get3A_837] {strides = array<i32>} : memref<4x128x64xf32, #tpu.memory_space<vmem>>, vector<1x1x16xf32>,
        %get3A_839 = vector.shape_cast %get3A_838 : vector<1x1x16xf32> to vector<16xf32>
        %get3A_840 = arith.constant 2 : i32
        %get3A_841 = arith.index_cast %get3A_840 : i32 to index
        %get3A_842 = arith.index_cast %scan3A_813 : i32 to index
        %get3A_843 = arith.constant 16 : index
        %get3A_844 = tpu.vector_load %arg14[%get3A_841, %get3A_842, %get3A_843] {strides = array<i32>} : memref<4x128x64xf32, #tpu.memory_space<vmem>>, vector<1x1x16xf32>,
        %get3A_845 = vector.shape_cast %get3A_844 : vector<1x1x16xf32> to vector<16xf32>
        %add3A_846 = arith.addf %get3A_839, %get3A_845 : vector<16xf32>
        %swap3A_847 = arith.constant 2 : i32
        %swap3A_848 = arith.index_cast %swap3A_847 : i32 to index
        %swap3A_849 = arith.index_cast %scan3A_813 : i32 to index
        %swap3A_850 = arith.constant 16 : index
        %swap3A_851 = tpu.vector_load %arg12[%swap3A_848, %swap3A_849, %swap3A_850] {strides = array<i32>} : memref<4x128x64xf32, #tpu.memory_space<vmem>>, vector<1x1x16xf32>,
        %swap3A_852 = vector.shape_cast %swap3A_851 : vector<1x1x16xf32> to vector<16xf32>
        %swap3A_853 = vector.shape_cast %add3A_846 : vector<16xf32> to vector<1x1x16xf32>
        tpu.vector_store %arg12[%swap3A_848, %swap3A_849, %swap3A_850], %swap3A_853 {add = true, strides = array<i32>} : memref<4x128x64xf32, #tpu.memory_space<vmem>>, vector<1x1x16xf32>,
        %get3A_854 = arith.constant 2 : i32
        %get3A_855 = arith.index_cast %get3A_854 : i32 to index
        %get3A_856 = arith.index_cast %scan3A_813 : i32 to index
        %get3A_857 = arith.constant 32 : index
        %get3A_858 = tpu.vector_load %arg13[%get3A_855, %get3A_856, %get3A_857] {strides = array<i32>} : memref<4x128x64xf32, #tpu.memory_space<vmem>>, vector<1x1x16xf32>,
        %get3A_859 = vector.shape_cast %get3A_858 : vector<1x1x16xf32> to vector<16xf32>
        %get3A_860 = arith.constant 2 : i32
        %get3A_861 = arith.index_cast %get3A_860 : i32 to index
        %get3A_862 = arith.index_cast %scan3A_813 : i32 to index
        %get3A_863 = arith.constant 32 : index
        %get3A_864 = tpu.vector_load %arg14[%get3A_861, %get3A_862, %get3A_863] {strides = array<i32>} : memref<4x128x64xf32, #tpu.memory_space<vmem>>, vector<1x1x16xf32>,
        %get3A_865 = vector.shape_cast %get3A_864 : vector<1x1x16xf32> to vector<16xf32>
        %add3A_866 = arith.addf %get3A_859, %get3A_865 : vector<16xf32>
        %swap3A_867 = arith.constant 2 : i32
        %swap3A_868 = arith.index_cast %swap3A_867 : i32 to index
        %swap3A_869 = arith.index_cast %scan3A_813 : i32 to index
        %swap3A_870 = arith.constant 32 : index
        %swap3A_871 = tpu.vector_load %arg12[%swap3A_868, %swap3A_869, %swap3A_870] {strides = array<i32>} : memref<4x128x64xf32, #tpu.memory_space<vmem>>, vector<1x1x16xf32>,
        %swap3A_872 = vector.shape_cast %swap3A_871 : vector<1x1x16xf32> to vector<16xf32>
        %swap3A_873 = vector.shape_cast %add3A_866 : vector<16xf32> to vector<1x1x16xf32>
        tpu.vector_store %arg12[%swap3A_868, %swap3A_869, %swap3A_870], %swap3A_873 {add = true, strides = array<i32>} : memref<4x128x64xf32, #tpu.memory_space<vmem>>, vector<1x1x16xf32>,
        %get3A_874 = arith.constant 2 : i32
        %get3A_875 = arith.index_cast %get3A_874 : i32 to index
        %get3A_876 = arith.index_cast %scan3A_813 : i32 to index
        %get3A_877 = arith.constant 48 : index
        %get3A_878 = tpu.vector_load %arg13[%get3A_875, %get3A_876, %get3A_877] {strides = array<i32>} : memref<4x128x64xf32, #tpu.memory_space<vmem>>, vector<1x1x16xf32>,
        %get3A_879 = vector.shape_cast %get3A_878 : vector<1x1x16xf32> to vector<16xf32>
        %get3A_880 = arith.constant 2 : i32
        %get3A_881 = arith.index_cast %get3A_880 : i32 to index
        %get3A_882 = arith.index_cast %scan3A_813 : i32 to index
        %get3A_883 = arith.constant 48 : index
        %get3A_884 = tpu.vector_load %arg14[%get3A_881, %get3A_882, %get3A_883] {strides = array<i32>} : memref<4x128x64xf32, #tpu.memory_space<vmem>>, vector<1x1x16xf32>,
        %get3A_885 = vector.shape_cast %get3A_884 : vector<1x1x16xf32> to vector<16xf32>
        %add3A_886 = arith.addf %get3A_879, %get3A_885 : vector<16xf32>
        %swap3A_887 = arith.constant 2 : i32
        %swap3A_888 = arith.index_cast %swap3A_887 : i32 to index
        %swap3A_889 = arith.index_cast %scan3A_813 : i32 to index
        %swap3A_890 = arith.constant 48 : index
        %swap3A_891 = tpu.vector_load %arg12[%swap3A_888, %swap3A_889, %swap3A_890] {strides = array<i32>} : memref<4x128x64xf32, #tpu.memory_space<vmem>>, vector<1x1x16xf32>,
        %swap3A_892 = vector.shape_cast %swap3A_891 : vector<1x1x16xf32> to vector<16xf32>
        %swap3A_893 = vector.shape_cast %add3A_886 : vector<16xf32> to vector<1x1x16xf32>
        tpu.vector_store %arg12[%swap3A_888, %swap3A_889, %swap3A_890], %swap3A_893 {add = true, strides = array<i32>} : memref<4x128x64xf32, #tpu.memory_space<vmem>>, vector<1x1x16xf32>,
        %scan3A_894 = arith.constant 2 : i32
        %scan3A_895 = arith.addi %scan3A_733, %scan3A_894 : i32
        %get3A_896 = arith.constant 2 : i32
        %get3A_897 = arith.index_cast %get3A_896 : i32 to index
        %get3A_898 = arith.index_cast %scan3A_895 : i32 to index
        %get3A_899 = arith.constant 0 : index
        %get3A_900 = tpu.vector_load %arg13[%get3A_897, %get3A_898, %get3A_899] {strides = array<i32>} : memref<4x128x64xf32, #tpu.memory_space<vmem>>, vector<1x1x16xf32>,
        %get3A_901 = vector.shape_cast %get3A_900 : vector<1x1x16xf32> to vector<16xf32>
        %get3A_902 = arith.constant 2 : i32
        %get3A_903 = arith.index_cast %get3A_902 : i32 to index
        %get3A_904 = arith.index_cast %scan3A_895 : i32 to index
        %get3A_905 = arith.constant 0 : index
        %get3A_906 = tpu.vector_load %arg14[%get3A_903, %get3A_904, %get3A_905] {strides = array<i32>} : memref<4x128x64xf32, #tpu.memory_space<vmem>>, vector<1x1x16xf32>,
        %get3A_907 = vector.shape_cast %get3A_906 : vector<1x1x16xf32> to vector<16xf32>
        %add3A_908 = arith.addf %get3A_901, %get3A_907 : vector<16xf32>
        %swap3A_909 = arith.constant 2 : i32
        %swap3A_910 = arith.index_cast %swap3A_909 : i32 to index
        %swap3A_911 = arith.index_cast %scan3A_895 : i32 to index
        %swap3A_912 = arith.constant 0 : index
        %swap3A_913 = tpu.vector_load %arg12[%swap3A_910, %swap3A_911, %swap3A_912] {strides = array<i32>} : memref<4x128x64xf32, #tpu.memory_space<vmem>>, vector<1x1x16xf32>,
        %swap3A_914 = vector.shape_cast %swap3A_913 : vector<1x1x16xf32> to vector<16xf32>
        %swap3A_915 = vector.shape_cast %add3A_908 : vector<16xf32> to vector<1x1x16xf32>
        tpu.vector_store %arg12[%swap3A_910, %swap3A_911, %swap3A_912], %swap3A_915 {add = true, strides = array<i32>} : memref<4x128x64xf32, #tpu.memory_space<vmem>>, vector<1x1x16xf32>,
        %get3A_916 = arith.constant 2 : i32
        %get3A_917 = arith.index_cast %get3A_916 : i32 to index
        %get3A_918 = arith.index_cast %scan3A_895 : i32 to index
        %get3A_919 = arith.constant 16 : index
        %get3A_920 = tpu.vector_load %arg13[%get3A_917, %get3A_918, %get3A_919] {strides = array<i32>} : memref<4x128x64xf32, #tpu.memory_space<vmem>>, vector<1x1x16xf32>,
        %get3A_921 = vector.shape_cast %get3A_920 : vector<1x1x16xf32> to vector<16xf32>
        %get3A_922 = arith.constant 2 : i32
        %get3A_923 = arith.index_cast %get3A_922 : i32 to index
        %get3A_924 = arith.index_cast %scan3A_895 : i32 to index
        %get3A_925 = arith.constant 16 : index
        %get3A_926 = tpu.vector_load %arg14[%get3A_923, %get3A_924, %get3A_925] {strides = array<i32>} : memref<4x128x64xf32, #tpu.memory_space<vmem>>, vector<1x1x16xf32>,
        %get3A_927 = vector.shape_cast %get3A_926 : vector<1x1x16xf32> to vector<16xf32>
        %add3A_928 = arith.addf %get3A_921, %get3A_927 : vector<16xf32>
        %swap3A_929 = arith.constant 2 : i32
        %swap3A_930 = arith.index_cast %swap3A_929 : i32 to index
        %swap3A_931 = arith.index_cast %scan3A_895 : i32 to index
        %swap3A_932 = arith.constant 16 : index
        %swap3A_933 = tpu.vector_load %arg12[%swap3A_930, %swap3A_931, %swap3A_932] {strides = array<i32>} : memref<4x128x64xf32, #tpu.memory_space<vmem>>, vector<1x1x16xf32>,
        %swap3A_934 = vector.shape_cast %swap3A_933 : vector<1x1x16xf32> to vector<16xf32>
        %swap3A_935 = vector.shape_cast %add3A_928 : vector<16xf32> to vector<1x1x16xf32>
        tpu.vector_store %arg12[%swap3A_930, %swap3A_931, %swap3A_932], %swap3A_935 {add = true, strides = array<i32>} : memref<4x128x64xf32, #tpu.memory_space<vmem>>, vector<1x1x16xf32>,
        %get3A_936 = arith.constant 2 : i32
        %get3A_937 = arith.index_cast %get3A_936 : i32 to index
        %get3A_938 = arith.index_cast %scan3A_895 : i32 to index
        %get3A_939 = arith.constant 32 : index
        %get3A_940 = tpu.vector_load %arg13[%get3A_937, %get3A_938, %get3A_939] {strides = array<i32>} : memref<4x128x64xf32, #tpu.memory_space<vmem>>, vector<1x1x16xf32>,
        %get3A_941 = vector.shape_cast %get3A_940 : vector<1x1x16xf32> to vector<16xf32>
        %get3A_942 = arith.constant 2 : i32
        %get3A_943 = arith.index_cast %get3A_942 : i32 to index
        %get3A_944 = arith.index_cast %scan3A_895 : i32 to index
        %get3A_945 = arith.constant 32 : index
        %get3A_946 = tpu.vector_load %arg14[%get3A_943, %get3A_944, %get3A_945] {strides = array<i32>} : memref<4x128x64xf32, #tpu.memory_space<vmem>>, vector<1x1x16xf32>,
        %get3A_947 = vector.shape_cast %get3A_946 : vector<1x1x16xf32> to vector<16xf32>
        %add3A_948 = arith.addf %get3A_941, %get3A_947 : vector<16xf32>
        %swap3A_949 = arith.constant 2 : i32
        %swap3A_950 = arith.index_cast %swap3A_949 : i32 to index
        %swap3A_951 = arith.index_cast %scan3A_895 : i32 to index
        %swap3A_952 = arith.constant 32 : index
        %swap3A_953 = tpu.vector_load %arg12[%swap3A_950, %swap3A_951, %swap3A_952] {strides = array<i32>} : memref<4x128x64xf32, #tpu.memory_space<vmem>>, vector<1x1x16xf32>,
        %swap3A_954 = vector.shape_cast %swap3A_953 : vector<1x1x16xf32> to vector<16xf32>
        %swap3A_955 = vector.shape_cast %add3A_948 : vector<16xf32> to vector<1x1x16xf32>
        tpu.vector_store %arg12[%swap3A_950, %swap3A_951, %swap3A_952], %swap3A_955 {add = true, strides = array<i32>} : memref<4x128x64xf32, #tpu.memory_space<vmem>>, vector<1x1x16xf32>,
        %get3A_956 = arith.constant 2 : i32
        %get3A_957 = arith.index_cast %get3A_956 : i32 to index
        %get3A_958 = arith.index_cast %scan3A_895 : i32 to index
        %get3A_959 = arith.constant 48 : index
        %get3A_960 = tpu.vector_load %arg13[%get3A_957, %get3A_958, %get3A_959] {strides = array<i32>} : memref<4x128x64xf32, #tpu.memory_space<vmem>>, vector<1x1x16xf32>,
        %get3A_961 = vector.shape_cast %get3A_960 : vector<1x1x16xf32> to vector<16xf32>
        %get3A_962 = arith.constant 2 : i32
        %get3A_963 = arith.index_cast %get3A_962 : i32 to index
        %get3A_964 = arith.index_cast %scan3A_895 : i32 to index
        %get3A_965 = arith.constant 48 : index
        %get3A_966 = tpu.vector_load %arg14[%get3A_963, %get3A_964, %get3A_965] {strides = array<i32>} : memref<4x128x64xf32, #tpu.memory_space<vmem>>, vector<1x1x16xf32>,
        %get3A_967 = vector.shape_cast %get3A_966 : vector<1x1x16xf32> to vector<16xf32>
        %add3A_968 = arith.addf %get3A_961, %get3A_967 : vector<16xf32>
        %swap3A_969 = arith.constant 2 : i32
        %swap3A_970 = arith.index_cast %swap3A_969 : i32 to index
        %swap3A_971 = arith.index_cast %scan3A_895 : i32 to index
        %swap3A_972 = arith.constant 48 : index
        %swap3A_973 = tpu.vector_load %arg12[%swap3A_970, %swap3A_971, %swap3A_972] {strides = array<i32>} : memref<4x128x64xf32, #tpu.memory_space<vmem>>, vector<1x1x16xf32>,
        %swap3A_974 = vector.shape_cast %swap3A_973 : vector<1x1x16xf32> to vector<16xf32>
        %swap3A_975 = vector.shape_cast %add3A_968 : vector<16xf32> to vector<1x1x16xf32>
        tpu.vector_store %arg12[%swap3A_970, %swap3A_971, %swap3A_972], %swap3A_975 {add = true, strides = array<i32>} : memref<4x128x64xf32, #tpu.memory_space<vmem>>, vector<1x1x16xf32>,
        %scan3A_976 = arith.constant 3 : i32
        %scan3A_977 = arith.addi %scan3A_733, %scan3A_976 : i32
        %get3A_978 = arith.constant 2 : i32
        %get3A_979 = arith.index_cast %get3A_978 : i32 to index
        %get3A_980 = arith.index_cast %scan3A_977 : i32 to index
        %get3A_981 = arith.constant 0 : index
        %get3A_982 = tpu.vector_load %arg13[%get3A_979, %get3A_980, %get3A_981] {strides = array<i32>} : memref<4x128x64xf32, #tpu.memory_space<vmem>>, vector<1x1x16xf32>,
        %get3A_983 = vector.shape_cast %get3A_982 : vector<1x1x16xf32> to vector<16xf32>
        %get3A_984 = arith.constant 2 : i32
        %get3A_985 = arith.index_cast %get3A_984 : i32 to index
        %get3A_986 = arith.index_cast %scan3A_977 : i32 to index
        %get3A_987 = arith.constant 0 : index
        %get3A_988 = tpu.vector_load %arg14[%get3A_985, %get3A_986, %get3A_987] {strides = array<i32>} : memref<4x128x64xf32, #tpu.memory_space<vmem>>, vector<1x1x16xf32>,
        %get3A_989 = vector.shape_cast %get3A_988 : vector<1x1x16xf32> to vector<16xf32>
        %add3A_990 = arith.addf %get3A_983, %get3A_989 : vector<16xf32>
        %swap3A_991 = arith.constant 2 : i32
        %swap3A_992 = arith.index_cast %swap3A_991 : i32 to index
        %swap3A_993 = arith.index_cast %scan3A_977 : i32 to index
        %swap3A_994 = arith.constant 0 : index
        %swap3A_995 = tpu.vector_load %arg12[%swap3A_992, %swap3A_993, %swap3A_994] {strides = array<i32>} : memref<4x128x64xf32, #tpu.memory_space<vmem>>, vector<1x1x16xf32>,
        %swap3A_996 = vector.shape_cast %swap3A_995 : vector<1x1x16xf32> to vector<16xf32>
        %swap3A_997 = vector.shape_cast %add3A_990 : vector<16xf32> to vector<1x1x16xf32>
        tpu.vector_store %arg12[%swap3A_992, %swap3A_993, %swap3A_994], %swap3A_997 {add = true, strides = array<i32>} : memref<4x128x64xf32, #tpu.memory_space<vmem>>, vector<1x1x16xf32>,
        %get3A_998 = arith.constant 2 : i32
        %get3A_999 = arith.index_cast %get3A_998 : i32 to index
        %get3A_1000 = arith.index_cast %scan3A_977 : i32 to index
        %get3A_1001 = arith.constant 16 : index
        %get3A_1002 = tpu.vector_load %arg13[%get3A_999, %get3A_1000, %get3A_1001] {strides = array<i32>} : memref<4x128x64xf32, #tpu.memory_space<vmem>>, vector<1x1x16xf32>,
        %get3A_1003 = vector.shape_cast %get3A_1002 : vector<1x1x16xf32> to vector<16xf32>
        %get3A_1004 = arith.constant 2 : i32
        %get3A_1005 = arith.index_cast %get3A_1004 : i32 to index
        %get3A_1006 = arith.index_cast %scan3A_977 : i32 to index
        %get3A_1007 = arith.constant 16 : index
        %get3A_1008 = tpu.vector_load %arg14[%get3A_1005, %get3A_1006, %get3A_1007] {strides = array<i32>} : memref<4x128x64xf32, #tpu.memory_space<vmem>>, vector<1x1x16xf32>,
        %get3A_1009 = vector.shape_cast %get3A_1008 : vector<1x1x16xf32> to vector<16xf32>
        %add3A_1010 = arith.addf %get3A_1003, %get3A_1009 : vector<16xf32>
        %swap3A_1011 = arith.constant 2 : i32
        %swap3A_1012 = arith.index_cast %swap3A_1011 : i32 to index
        %swap3A_1013 = arith.index_cast %scan3A_977 : i32 to index
        %swap3A_1014 = arith.constant 16 : index
        %swap3A_1015 = tpu.vector_load %arg12[%swap3A_1012, %swap3A_1013, %swap3A_1014] {strides = array<i32>} : memref<4x128x64xf32, #tpu.memory_space<vmem>>, vector<1x1x16xf32>,
        %swap3A_1016 = vector.shape_cast %swap3A_1015 : vector<1x1x16xf32> to vector<16xf32>
        %swap3A_1017 = vector.shape_cast %add3A_1010 : vector<16xf32> to vector<1x1x16xf32>
        tpu.vector_store %arg12[%swap3A_1012, %swap3A_1013, %swap3A_1014], %swap3A_1017 {add = true, strides = array<i32>} : memref<4x128x64xf32, #tpu.memory_space<vmem>>, vector<1x1x16xf32>,
        %get3A_1018 = arith.constant 2 : i32
        %get3A_1019 = arith.index_cast %get3A_1018 : i32 to index
        %get3A_1020 = arith.index_cast %scan3A_977 : i32 to index
        %get3A_1021 = arith.constant 32 : index
        %get3A_1022 = tpu.vector_load %arg13[%get3A_1019, %get3A_1020, %get3A_1021] {strides = array<i32>} : memref<4x128x64xf32, #tpu.memory_space<vmem>>, vector<1x1x16xf32>,
        %get3A_1023 = vector.shape_cast %get3A_1022 : vector<1x1x16xf32> to vector<16xf32>
        %get3A_1024 = arith.constant 2 : i32
        %get3A_1025 = arith.index_cast %get3A_1024 : i32 to index
        %get3A_1026 = arith.index_cast %scan3A_977 : i32 to index
        %get3A_1027 = arith.constant 32 : index
        %get3A_1028 = tpu.vector_load %arg14[%get3A_1025, %get3A_1026, %get3A_1027] {strides = array<i32>} : memref<4x128x64xf32, #tpu.memory_space<vmem>>, vector<1x1x16xf32>,
        %get3A_1029 = vector.shape_cast %get3A_1028 : vector<1x1x16xf32> to vector<16xf32>
        %add3A_1030 = arith.addf %get3A_1023, %get3A_1029 : vector<16xf32>
        %swap3A_1031 = arith.constant 2 : i32
        %swap3A_1032 = arith.index_cast %swap3A_1031 : i32 to index
        %swap3A_1033 = arith.index_cast %scan3A_977 : i32 to index
        %swap3A_1034 = arith.constant 32 : index
        %swap3A_1035 = tpu.vector_load %arg12[%swap3A_1032, %swap3A_1033, %swap3A_1034] {strides = array<i32>} : memref<4x128x64xf32, #tpu.memory_space<vmem>>, vector<1x1x16xf32>,
        %swap3A_1036 = vector.shape_cast %swap3A_1035 : vector<1x1x16xf32> to vector<16xf32>
        %swap3A_1037 = vector.shape_cast %add3A_1030 : vector<16xf32> to vector<1x1x16xf32>
        tpu.vector_store %arg12[%swap3A_1032, %swap3A_1033, %swap3A_1034], %swap3A_1037 {add = true, strides = array<i32>} : memref<4x128x64xf32, #tpu.memory_space<vmem>>, vector<1x1x16xf32>,
        %get3A_1038 = arith.constant 2 : i32
        %get3A_1039 = arith.index_cast %get3A_1038 : i32 to index
        %get3A_1040 = arith.index_cast %scan3A_977 : i32 to index
        %get3A_1041 = arith.constant 48 : index
        %get3A_1042 = tpu.vector_load %arg13[%get3A_1039, %get3A_1040, %get3A_1041] {strides = array<i32>} : memref<4x128x64xf32, #tpu.memory_space<vmem>>, vector<1x1x16xf32>,
        %get3A_1043 = vector.shape_cast %get3A_1042 : vector<1x1x16xf32> to vector<16xf32>
        %get3A_1044 = arith.constant 2 : i32
        %get3A_1045 = arith.index_cast %get3A_1044 : i32 to index
        %get3A_1046 = arith.index_cast %scan3A_977 : i32 to index
        %get3A_1047 = arith.constant 48 : index
        %get3A_1048 = tpu.vector_load %arg14[%get3A_1045, %get3A_1046, %get3A_1047] {strides = array<i32>} : memref<4x128x64xf32, #tpu.memory_space<vmem>>, vector<1x1x16xf32>,
        %get3A_1049 = vector.shape_cast %get3A_1048 : vector<1x1x16xf32> to vector<16xf32>
        %add3A_1050 = arith.addf %get3A_1043, %get3A_1049 : vector<16xf32>
        %swap3A_1051 = arith.constant 2 : i32
        %swap3A_1052 = arith.index_cast %swap3A_1051 : i32 to index
        %swap3A_1053 = arith.index_cast %scan3A_977 : i32 to index
        %swap3A_1054 = arith.constant 48 : index
        %swap3A_1055 = tpu.vector_load %arg12[%swap3A_1052, %swap3A_1053, %swap3A_1054] {strides = array<i32>} : memref<4x128x64xf32, #tpu.memory_space<vmem>>, vector<1x1x16xf32>,
        %swap3A_1056 = vector.shape_cast %swap3A_1055 : vector<1x1x16xf32> to vector<16xf32>
        %swap3A_1057 = vector.shape_cast %add3A_1050 : vector<16xf32> to vector<1x1x16xf32>
        tpu.vector_store %arg12[%swap3A_1052, %swap3A_1053, %swap3A_1054], %swap3A_1057 {add = true, strides = array<i32>} : memref<4x128x64xf32, #tpu.memory_space<vmem>>, vector<1x1x16xf32>,
        %scan3A_1058 = arith.constant 4 : i32
        %scan3A_1059 = arith.addi %scan3A_733, %scan3A_1058 : i32
        %get3A_1060 = arith.constant 2 : i32
        %get3A_1061 = arith.index_cast %get3A_1060 : i32 to index
        %get3A_1062 = arith.index_cast %scan3A_1059 : i32 to index
        %get3A_1063 = arith.constant 0 : index
        %get3A_1064 = tpu.vector_load %arg13[%get3A_1061, %get3A_1062, %get3A_1063] {strides = array<i32>} : memref<4x128x64xf32, #tpu.memory_space<vmem>>, vector<1x1x16xf32>,
        %get3A_1065 = vector.shape_cast %get3A_1064 : vector<1x1x16xf32> to vector<16xf32>
        %get3A_1066 = arith.constant 2 : i32
        %get3A_1067 = arith.index_cast %get3A_1066 : i32 to index
        %get3A_1068 = arith.index_cast %scan3A_1059 : i32 to index
        %get3A_1069 = arith.constant 0 : index
        %get3A_1070 = tpu.vector_load %arg14[%get3A_1067, %get3A_1068, %get3A_1069] {strides = array<i32>} : memref<4x128x64xf32, #tpu.memory_space<vmem>>, vector<1x1x16xf32>,
        %get3A_1071 = vector.shape_cast %get3A_1070 : vector<1x1x16xf32> to vector<16xf32>
        %add3A_1072 = arith.addf %get3A_1065, %get3A_1071 : vector<16xf32>
        %swap3A_1073 = arith.constant 2 : i32
        %swap3A_1074 = arith.index_cast %swap3A_1073 : i32 to index
        %swap3A_1075 = arith.index_cast %scan3A_1059 : i32 to index
        %swap3A_1076 = arith.constant 0 : index
        %swap3A_1077 = tpu.vector_load %arg12[%swap3A_1074, %swap3A_1075, %swap3A_1076] {strides = array<i32>} : memref<4x128x64xf32, #tpu.memory_space<vmem>>, vector<1x1x16xf32>,
        %swap3A_1078 = vector.shape_cast %swap3A_1077 : vector<1x1x16xf32> to vector<16xf32>
        %swap3A_1079 = vector.shape_cast %add3A_1072 : vector<16xf32> to vector<1x1x16xf32>
        tpu.vector_store %arg12[%swap3A_1074, %swap3A_1075, %swap3A_1076], %swap3A_1079 {add = true, strides = array<i32>} : memref<4x128x64xf32, #tpu.memory_space<vmem>>, vector<1x1x16xf32>,
        %get3A_1080 = arith.constant 2 : i32
        %get3A_1081 = arith.index_cast %get3A_1080 : i32 to index
        %get3A_1082 = arith.index_cast %scan3A_1059 : i32 to index
        %get3A_1083 = arith.constant 16 : index
        %get3A_1084 = tpu.vector_load %arg13[%get3A_1081, %get3A_1082, %get3A_1083] {strides = array<i32>} : memref<4x128x64xf32, #tpu.memory_space<vmem>>, vector<1x1x16xf32>,
        %get3A_1085 = vector.shape_cast %get3A_1084 : vector<1x1x16xf32> to vector<16xf32>
        %get3A_1086 = arith.constant 2 : i32
        %get3A_1087 = arith.index_cast %get3A_1086 : i32 to index
        %get3A_1088 = arith.index_cast %scan3A_1059 : i32 to index
        %get3A_1089 = arith.constant 16 : index
        %get3A_1090 = tpu.vector_load %arg14[%get3A_1087, %get3A_1088, %get3A_1089] {strides = array<i32>} : memref<4x128x64xf32, #tpu.memory_space<vmem>>, vector<1x1x16xf32>,
        %get3A_1091 = vector.shape_cast %get3A_1090 : vector<1x1x16xf32> to vector<16xf32>
        %add3A_1092 = arith.addf %get3A_1085, %get3A_1091 : vector<16xf32>
        %swap3A_1093 = arith.constant 2 : i32
        %swap3A_1094 = arith.index_cast %swap3A_1093 : i32 to index
        %swap3A_1095 = arith.index_cast %scan3A_1059 : i32 to index
        %swap3A_1096 = arith.constant 16 : index
        %swap3A_1097 = tpu.vector_load %arg12[%swap3A_1094, %swap3A_1095, %swap3A_1096] {strides = array<i32>} : memref<4x128x64xf32, #tpu.memory_space<vmem>>, vector<1x1x16xf32>,
        %swap3A_1098 = vector.shape_cast %swap3A_1097 : vector<1x1x16xf32> to vector<16xf32>
        %swap3A_1099 = vector.shape_cast %add3A_1092 : vector<16xf32> to vector<1x1x16xf32>
        tpu.vector_store %arg12[%swap3A_1094, %swap3A_1095, %swap3A_1096], %swap3A_1099 {add = true, strides = array<i32>} : memref<4x128x64xf32, #tpu.memory_space<vmem>>, vector<1x1x16xf32>,
        %get3A_1100 = arith.constant 2 : i32
        %get3A_1101 = arith.index_cast %get3A_1100 : i32 to index
        %get3A_1102 = arith.index_cast %scan3A_1059 : i32 to index
        %get3A_1103 = arith.constant 32 : index
        %get3A_1104 = tpu.vector_load %arg13[%get3A_1101, %get3A_1102, %get3A_1103] {strides = array<i32>} : memref<4x128x64xf32, #tpu.memory_space<vmem>>, vector<1x1x16xf32>,
        %get3A_1105 = vector.shape_cast %get3A_1104 : vector<1x1x16xf32> to vector<16xf32>
        %get3A_1106 = arith.constant 2 : i32
        %get3A_1107 = arith.index_cast %get3A_1106 : i32 to index
        %get3A_1108 = arith.index_cast %scan3A_1059 : i32 to index
        %get3A_1109 = arith.constant 32 : index
        %get3A_1110 = tpu.vector_load %arg14[%get3A_1107, %get3A_1108, %get3A_1109] {strides = array<i32>} : memref<4x128x64xf32, #tpu.memory_space<vmem>>, vector<1x1x16xf32>,
        %get3A_1111 = vector.shape_cast %get3A_1110 : vector<1x1x16xf32> to vector<16xf32>
        %add3A_1112 = arith.addf %get3A_1105, %get3A_1111 : vector<16xf32>
        %swap3A_1113 = arith.constant 2 : i32
        %swap3A_1114 = arith.index_cast %swap3A_1113 : i32 to index
        %swap3A_1115 = arith.index_cast %scan3A_1059 : i32 to index
        %swap3A_1116 = arith.constant 32 : index
        %swap3A_1117 = tpu.vector_load %arg12[%swap3A_1114, %swap3A_1115, %swap3A_1116] {strides = array<i32>} : memref<4x128x64xf32, #tpu.memory_space<vmem>>, vector<1x1x16xf32>,
        %swap3A_1118 = vector.shape_cast %swap3A_1117 : vector<1x1x16xf32> to vector<16xf32>
        %swap3A_1119 = vector.shape_cast %add3A_1112 : vector<16xf32> to vector<1x1x16xf32>
        tpu.vector_store %arg12[%swap3A_1114, %swap3A_1115, %swap3A_1116], %swap3A_1119 {add = true, strides = array<i32>} : memref<4x128x64xf32, #tpu.memory_space<vmem>>, vector<1x1x16xf32>,
        %get3A_1120 = arith.constant 2 : i32
        %get3A_1121 = arith.index_cast %get3A_1120 : i32 to index
        %get3A_1122 = arith.index_cast %scan3A_1059 : i32 to index
        %get3A_1123 = arith.constant 48 : index
        %get3A_1124 = tpu.vector_load %arg13[%get3A_1121, %get3A_1122, %get3A_1123] {strides = array<i32>} : memref<4x128x64xf32, #tpu.memory_space<vmem>>, vector<1x1x16xf32>,
        %get3A_1125 = vector.shape_cast %get3A_1124 : vector<1x1x16xf32> to vector<16xf32>
        %get3A_1126 = arith.constant 2 : i32
        %get3A_1127 = arith.index_cast %get3A_1126 : i32 to index
        %get3A_1128 = arith.index_cast %scan3A_1059 : i32 to index
        %get3A_1129 = arith.constant 48 : index
        %get3A_1130 = tpu.vector_load %arg14[%get3A_1127, %get3A_1128, %get3A_1129] {strides = array<i32>} : memref<4x128x64xf32, #tpu.memory_space<vmem>>, vector<1x1x16xf32>,
        %get3A_1131 = vector.shape_cast %get3A_1130 : vector<1x1x16xf32> to vector<16xf32>
        %add3A_1132 = arith.addf %get3A_1125, %get3A_1131 : vector<16xf32>
        %swap3A_1133 = arith.constant 2 : i32
        %swap3A_1134 = arith.index_cast %swap3A_1133 : i32 to index
        %swap3A_1135 = arith.index_cast %scan3A_1059 : i32 to index
        %swap3A_1136 = arith.constant 48 : index
        %swap3A_1137 = tpu.vector_load %arg12[%swap3A_1134, %swap3A_1135, %swap3A_1136] {strides = array<i32>} : memref<4x128x64xf32, #tpu.memory_space<vmem>>, vector<1x1x16xf32>,
        %swap3A_1138 = vector.shape_cast %swap3A_1137 : vector<1x1x16xf32> to vector<16xf32>
        %swap3A_1139 = vector.shape_cast %add3A_1132 : vector<16xf32> to vector<1x1x16xf32>
        tpu.vector_store %arg12[%swap3A_1134, %swap3A_1135, %swap3A_1136], %swap3A_1139 {add = true, strides = array<i32>} : memref<4x128x64xf32, #tpu.memory_space<vmem>>, vector<1x1x16xf32>,
        %scan3A_1140 = arith.constant 5 : i32
        %scan3A_1141 = arith.addi %scan3A_733, %scan3A_1140 : i32
        %get3A_1142 = arith.constant 2 : i32
        %get3A_1143 = arith.index_cast %get3A_1142 : i32 to index
        %get3A_1144 = arith.index_cast %scan3A_1141 : i32 to index
        %get3A_1145 = arith.constant 0 : index
        %get3A_1146 = tpu.vector_load %arg13[%get3A_1143, %get3A_1144, %get3A_1145] {strides = array<i32>} : memref<4x128x64xf32, #tpu.memory_space<vmem>>, vector<1x1x16xf32>,
        %get3A_1147 = vector.shape_cast %get3A_1146 : vector<1x1x16xf32> to vector<16xf32>
        %get3A_1148 = arith.constant 2 : i32
        %get3A_1149 = arith.index_cast %get3A_1148 : i32 to index
        %get3A_1150 = arith.index_cast %scan3A_1141 : i32 to index
        %get3A_1151 = arith.constant 0 : index
        %get3A_1152 = tpu.vector_load %arg14[%get3A_1149, %get3A_1150, %get3A_1151] {strides = array<i32>} : memref<4x128x64xf32, #tpu.memory_space<vmem>>, vector<1x1x16xf32>,
        %get3A_1153 = vector.shape_cast %get3A_1152 : vector<1x1x16xf32> to vector<16xf32>
        %add3A_1154 = arith.addf %get3A_1147, %get3A_1153 : vector<16xf32>
        %swap3A_1155 = arith.constant 2 : i32
        %swap3A_1156 = arith.index_cast %swap3A_1155 : i32 to index
        %swap3A_1157 = arith.index_cast %scan3A_1141 : i32 to index
        %swap3A_1158 = arith.constant 0 : index
        %swap3A_1159 = tpu.vector_load %arg12[%swap3A_1156, %swap3A_1157, %swap3A_1158] {strides = array<i32>} : memref<4x128x64xf32, #tpu.memory_space<vmem>>, vector<1x1x16xf32>,
        %swap3A_1160 = vector.shape_cast %swap3A_1159 : vector<1x1x16xf32> to vector<16xf32>
        %swap3A_1161 = vector.shape_cast %add3A_1154 : vector<16xf32> to vector<1x1x16xf32>
        tpu.vector_store %arg12[%swap3A_1156, %swap3A_1157, %swap3A_1158], %swap3A_1161 {add = true, strides = array<i32>} : memref<4x128x64xf32, #tpu.memory_space<vmem>>, vector<1x1x16xf32>,
        %get3A_1162 = arith.constant 2 : i32
        %get3A_1163 = arith.index_cast %get3A_1162 : i32 to index
        %get3A_1164 = arith.index_cast %scan3A_1141 : i32 to index
        %get3A_1165 = arith.constant 16 : index
        %get3A_1166 = tpu.vector_load %arg13[%get3A_1163, %get3A_1164, %get3A_1165] {strides = array<i32>} : memref<4x128x64xf32, #tpu.memory_space<vmem>>, vector<1x1x16xf32>,
        %get3A_1167 = vector.shape_cast %get3A_1166 : vector<1x1x16xf32> to vector<16xf32>
        %get3A_1168 = arith.constant 2 : i32
        %get3A_1169 = arith.index_cast %get3A_1168 : i32 to index
        %get3A_1170 = arith.index_cast %scan3A_1141 : i32 to index
        %get3A_1171 = arith.constant 16 : index
        %get3A_1172 = tpu.vector_load %arg14[%get3A_1169, %get3A_1170, %get3A_1171] {strides = array<i32>} : memref<4x128x64xf32, #tpu.memory_space<vmem>>, vector<1x1x16xf32>,
        %get3A_1173 = vector.shape_cast %get3A_1172 : vector<1x1x16xf32> to vector<16xf32>
        %add3A_1174 = arith.addf %get3A_1167, %get3A_1173 : vector<16xf32>
        %swap3A_1175 = arith.constant 2 : i32
        %swap3A_1176 = arith.index_cast %swap3A_1175 : i32 to index
        %swap3A_1177 = arith.index_cast %scan3A_1141 : i32 to index
        %swap3A_1178 = arith.constant 16 : index
        %swap3A_1179 = tpu.vector_load %arg12[%swap3A_1176, %swap3A_1177, %swap3A_1178] {strides = array<i32>} : memref<4x128x64xf32, #tpu.memory_space<vmem>>, vector<1x1x16xf32>,
        %swap3A_1180 = vector.shape_cast %swap3A_1179 : vector<1x1x16xf32> to vector<16xf32>
        %swap3A_1181 = vector.shape_cast %add3A_1174 : vector<16xf32> to vector<1x1x16xf32>
        tpu.vector_store %arg12[%swap3A_1176, %swap3A_1177, %swap3A_1178], %swap3A_1181 {add = true, strides = array<i32>} : memref<4x128x64xf32, #tpu.memory_space<vmem>>, vector<1x1x16xf32>,
        %get3A_1182 = arith.constant 2 : i32
        %get3A_1183 = arith.index_cast %get3A_1182 : i32 to index
        %get3A_1184 = arith.index_cast %scan3A_1141 : i32 to index
        %get3A_1185 = arith.constant 32 : index
        %get3A_1186 = tpu.vector_load %arg13[%get3A_1183, %get3A_1184, %get3A_1185] {strides = array<i32>} : memref<4x128x64xf32, #tpu.memory_space<vmem>>, vector<1x1x16xf32>,
        %get3A_1187 = vector.shape_cast %get3A_1186 : vector<1x1x16xf32> to vector<16xf32>
        %get3A_1188 = arith.constant 2 : i32
        %get3A_1189 = arith.index_cast %get3A_1188 : i32 to index
        %get3A_1190 = arith.index_cast %scan3A_1141 : i32 to index
        %get3A_1191 = arith.constant 32 : index
        %get3A_1192 = tpu.vector_load %arg14[%get3A_1189, %get3A_1190, %get3A_1191] {strides = array<i32>} : memref<4x128x64xf32, #tpu.memory_space<vmem>>, vector<1x1x16xf32>,
        %get3A_1193 = vector.shape_cast %get3A_1192 : vector<1x1x16xf32> to vector<16xf32>
        %add3A_1194 = arith.addf %get3A_1187, %get3A_1193 : vector<16xf32>
        %swap3A_1195 = arith.constant 2 : i32
        %swap3A_1196 = arith.index_cast %swap3A_1195 : i32 to index
        %swap3A_1197 = arith.index_cast %scan3A_1141 : i32 to index
        %swap3A_1198 = arith.constant 32 : index
        %swap3A_1199 = tpu.vector_load %arg12[%swap3A_1196, %swap3A_1197, %swap3A_1198] {strides = array<i32>} : memref<4x128x64xf32, #tpu.memory_space<vmem>>, vector<1x1x16xf32>,
        %swap3A_1200 = vector.shape_cast %swap3A_1199 : vector<1x1x16xf32> to vector<16xf32>
        %swap3A_1201 = vector.shape_cast %add3A_1194 : vector<16xf32> to vector<1x1x16xf32>
        tpu.vector_store %arg12[%swap3A_1196, %swap3A_1197, %swap3A_1198], %swap3A_1201 {add = true, strides = array<i32>} : memref<4x128x64xf32, #tpu.memory_space<vmem>>, vector<1x1x16xf32>,
        %get3A_1202 = arith.constant 2 : i32
        %get3A_1203 = arith.index_cast %get3A_1202 : i32 to index
        %get3A_1204 = arith.index_cast %scan3A_1141 : i32 to index
        %get3A_1205 = arith.constant 48 : index
        %get3A_1206 = tpu.vector_load %arg13[%get3A_1203, %get3A_1204, %get3A_1205] {strides = array<i32>} : memref<4x128x64xf32, #tpu.memory_space<vmem>>, vector<1x1x16xf32>,
        %get3A_1207 = vector.shape_cast %get3A_1206 : vector<1x1x16xf32> to vector<16xf32>
        %get3A_1208 = arith.constant 2 : i32
        %get3A_1209 = arith.index_cast %get3A_1208 : i32 to index
        %get3A_1210 = arith.index_cast %scan3A_1141 : i32 to index
        %get3A_1211 = arith.constant 48 : index
        %get3A_1212 = tpu.vector_load %arg14[%get3A_1209, %get3A_1210, %get3A_1211] {strides = array<i32>} : memref<4x128x64xf32, #tpu.memory_space<vmem>>, vector<1x1x16xf32>,
        %get3A_1213 = vector.shape_cast %get3A_1212 : vector<1x1x16xf32> to vector<16xf32>
        %add3A_1214 = arith.addf %get3A_1207, %get3A_1213 : vector<16xf32>
        %swap3A_1215 = arith.constant 2 : i32
        %swap3A_1216 = arith.index_cast %swap3A_1215 : i32 to index
        %swap3A_1217 = arith.index_cast %scan3A_1141 : i32 to index
        %swap3A_1218 = arith.constant 48 : index
        %swap3A_1219 = tpu.vector_load %arg12[%swap3A_1216, %swap3A_1217, %swap3A_1218] {strides = array<i32>} : memref<4x128x64xf32, #tpu.memory_space<vmem>>, vector<1x1x16xf32>,
        %swap3A_1220 = vector.shape_cast %swap3A_1219 : vector<1x1x16xf32> to vector<16xf32>
        %swap3A_1221 = vector.shape_cast %add3A_1214 : vector<16xf32> to vector<1x1x16xf32>
        tpu.vector_store %arg12[%swap3A_1216, %swap3A_1217, %swap3A_1218], %swap3A_1221 {add = true, strides = array<i32>} : memref<4x128x64xf32, #tpu.memory_space<vmem>>, vector<1x1x16xf32>,
        %scan3A_1222 = arith.constant 6 : i32
        %scan3A_1223 = arith.addi %scan3A_733, %scan3A_1222 : i32
        %get3A_1224 = arith.constant 2 : i32
        %get3A_1225 = arith.index_cast %get3A_1224 : i32 to index
        %get3A_1226 = arith.index_cast %scan3A_1223 : i32 to index
        %get3A_1227 = arith.constant 0 : index
        %get3A_1228 = tpu.vector_load %arg13[%get3A_1225, %get3A_1226, %get3A_1227] {strides = array<i32>} : memref<4x128x64xf32, #tpu.memory_space<vmem>>, vector<1x1x16xf32>,
        %get3A_1229 = vector.shape_cast %get3A_1228 : vector<1x1x16xf32> to vector<16xf32>
        %get3A_1230 = arith.constant 2 : i32
        %get3A_1231 = arith.index_cast %get3A_1230 : i32 to index
        %get3A_1232 = arith.index_cast %scan3A_1223 : i32 to index
        %get3A_1233 = arith.constant 0 : index
        %get3A_1234 = tpu.vector_load %arg14[%get3A_1231, %get3A_1232, %get3A_1233] {strides = array<i32>} : memref<4x128x64xf32, #tpu.memory_space<vmem>>, vector<1x1x16xf32>,
        %get3A_1235 = vector.shape_cast %get3A_1234 : vector<1x1x16xf32> to vector<16xf32>
        %add3A_1236 = arith.addf %get3A_1229, %get3A_1235 : vector<16xf32>
        %swap3A_1237 = arith.constant 2 : i32
        %swap3A_1238 = arith.index_cast %swap3A_1237 : i32 to index
        %swap3A_1239 = arith.index_cast %scan3A_1223 : i32 to index
        %swap3A_1240 = arith.constant 0 : index
        %swap3A_1241 = tpu.vector_load %arg12[%swap3A_1238, %swap3A_1239, %swap3A_1240] {strides = array<i32>} : memref<4x128x64xf32, #tpu.memory_space<vmem>>, vector<1x1x16xf32>,
        %swap3A_1242 = vector.shape_cast %swap3A_1241 : vector<1x1x16xf32> to vector<16xf32>
        %swap3A_1243 = vector.shape_cast %add3A_1236 : vector<16xf32> to vector<1x1x16xf32>
        tpu.vector_store %arg12[%swap3A_1238, %swap3A_1239, %swap3A_1240], %swap3A_1243 {add = true, strides = array<i32>} : memref<4x128x64xf32, #tpu.memory_space<vmem>>, vector<1x1x16xf32>,
        %get3A_1244 = arith.constant 2 : i32
        %get3A_1245 = arith.index_cast %get3A_1244 : i32 to index
        %get3A_1246 = arith.index_cast %scan3A_1223 : i32 to index
        %get3A_1247 = arith.constant 16 : index
        %get3A_1248 = tpu.vector_load %arg13[%get3A_1245, %get3A_1246, %get3A_1247] {strides = array<i32>} : memref<4x128x64xf32, #tpu.memory_space<vmem>>, vector<1x1x16xf32>,
        %get3A_1249 = vector.shape_cast %get3A_1248 : vector<1x1x16xf32> to vector<16xf32>
        %get3A_1250 = arith.constant 2 : i32
        %get3A_1251 = arith.index_cast %get3A_1250 : i32 to index
        %get3A_1252 = arith.index_cast %scan3A_1223 : i32 to index
        %get3A_1253 = arith.constant 16 : index
        %get3A_1254 = tpu.vector_load %arg14[%get3A_1251, %get3A_1252, %get3A_1253] {strides = array<i32>} : memref<4x128x64xf32, #tpu.memory_space<vmem>>, vector<1x1x16xf32>,
        %get3A_1255 = vector.shape_cast %get3A_1254 : vector<1x1x16xf32> to vector<16xf32>
        %add3A_1256 = arith.addf %get3A_1249, %get3A_1255 : vector<16xf32>
        %swap3A_1257 = arith.constant 2 : i32
        %swap3A_1258 = arith.index_cast %swap3A_1257 : i32 to index
        %swap3A_1259 = arith.index_cast %scan3A_1223 : i32 to index
        %swap3A_1260 = arith.constant 16 : index
        %swap3A_1261 = tpu.vector_load %arg12[%swap3A_1258, %swap3A_1259, %swap3A_1260] {strides = array<i32>} : memref<4x128x64xf32, #tpu.memory_space<vmem>>, vector<1x1x16xf32>,
        %swap3A_1262 = vector.shape_cast %swap3A_1261 : vector<1x1x16xf32> to vector<16xf32>
        %swap3A_1263 = vector.shape_cast %add3A_1256 : vector<16xf32> to vector<1x1x16xf32>
        tpu.vector_store %arg12[%swap3A_1258, %swap3A_1259, %swap3A_1260], %swap3A_1263 {add = true, strides = array<i32>} : memref<4x128x64xf32, #tpu.memory_space<vmem>>, vector<1x1x16xf32>,
        %get3A_1264 = arith.constant 2 : i32
        %get3A_1265 = arith.index_cast %get3A_1264 : i32 to index
        %get3A_1266 = arith.index_cast %scan3A_1223 : i32 to index
        %get3A_1267 = arith.constant 32 : index
        %get3A_1268 = tpu.vector_load %arg13[%get3A_1265, %get3A_1266, %get3A_1267] {strides = array<i32>} : memref<4x128x64xf32, #tpu.memory_space<vmem>>, vector<1x1x16xf32>,
        %get3A_1269 = vector.shape_cast %get3A_1268 : vector<1x1x16xf32> to vector<16xf32>
        %get3A_1270 = arith.constant 2 : i32
        %get3A_1271 = arith.index_cast %get3A_1270 : i32 to index
        %get3A_1272 = arith.index_cast %scan3A_1223 : i32 to index
        %get3A_1273 = arith.constant 32 : index
        %get3A_1274 = tpu.vector_load %arg14[%get3A_1271, %get3A_1272, %get3A_1273] {strides = array<i32>} : memref<4x128x64xf32, #tpu.memory_space<vmem>>, vector<1x1x16xf32>,
        %get3A_1275 = vector.shape_cast %get3A_1274 : vector<1x1x16xf32> to vector<16xf32>
        %add3A_1276 = arith.addf %get3A_1269, %get3A_1275 : vector<16xf32>
        %swap3A_1277 = arith.constant 2 : i32
        %swap3A_1278 = arith.index_cast %swap3A_1277 : i32 to index
        %swap3A_1279 = arith.index_cast %scan3A_1223 : i32 to index
        %swap3A_1280 = arith.constant 32 : index
        %swap3A_1281 = tpu.vector_load %arg12[%swap3A_1278, %swap3A_1279, %swap3A_1280] {strides = array<i32>} : memref<4x128x64xf32, #tpu.memory_space<vmem>>, vector<1x1x16xf32>,
        %swap3A_1282 = vector.shape_cast %swap3A_1281 : vector<1x1x16xf32> to vector<16xf32>
        %swap3A_1283 = vector.shape_cast %add3A_1276 : vector<16xf32> to vector<1x1x16xf32>
        tpu.vector_store %arg12[%swap3A_1278, %swap3A_1279, %swap3A_1280], %swap3A_1283 {add = true, strides = array<i32>} : memref<4x128x64xf32, #tpu.memory_space<vmem>>, vector<1x1x16xf32>,
        %get3A_1284 = arith.constant 2 : i32
        %get3A_1285 = arith.index_cast %get3A_1284 : i32 to index
        %get3A_1286 = arith.index_cast %scan3A_1223 : i32 to index
        %get3A_1287 = arith.constant 48 : index
        %get3A_1288 = tpu.vector_load %arg13[%get3A_1285, %get3A_1286, %get3A_1287] {strides = array<i32>} : memref<4x128x64xf32, #tpu.memory_space<vmem>>, vector<1x1x16xf32>,
        %get3A_1289 = vector.shape_cast %get3A_1288 : vector<1x1x16xf32> to vector<16xf32>
        %get3A_1290 = arith.constant 2 : i32
        %get3A_1291 = arith.index_cast %get3A_1290 : i32 to index
        %get3A_1292 = arith.index_cast %scan3A_1223 : i32 to index
        %get3A_1293 = arith.constant 48 : index
        %get3A_1294 = tpu.vector_load %arg14[%get3A_1291, %get3A_1292, %get3A_1293] {strides = array<i32>} : memref<4x128x64xf32, #tpu.memory_space<vmem>>, vector<1x1x16xf32>,
        %get3A_1295 = vector.shape_cast %get3A_1294 : vector<1x1x16xf32> to vector<16xf32>
        %add3A_1296 = arith.addf %get3A_1289, %get3A_1295 : vector<16xf32>
        %swap3A_1297 = arith.constant 2 : i32
        %swap3A_1298 = arith.index_cast %swap3A_1297 : i32 to index
        %swap3A_1299 = arith.index_cast %scan3A_1223 : i32 to index
        %swap3A_1300 = arith.constant 48 : index
        %swap3A_1301 = tpu.vector_load %arg12[%swap3A_1298, %swap3A_1299, %swap3A_1300] {strides = array<i32>} : memref<4x128x64xf32, #tpu.memory_space<vmem>>, vector<1x1x16xf32>,
        %swap3A_1302 = vector.shape_cast %swap3A_1301 : vector<1x1x16xf32> to vector<16xf32>
        %swap3A_1303 = vector.shape_cast %add3A_1296 : vector<16xf32> to vector<1x1x16xf32>
        tpu.vector_store %arg12[%swap3A_1298, %swap3A_1299, %swap3A_1300], %swap3A_1303 {add = true, strides = array<i32>} : memref<4x128x64xf32, #tpu.memory_space<vmem>>, vector<1x1x16xf32>,
        %scan3A_1304 = arith.constant 7 : i32
        %scan3A_1305 = arith.addi %scan3A_733, %scan3A_1304 : i32
        %get3A_1306 = arith.constant 2 : i32
        %get3A_1307 = arith.index_cast %get3A_1306 : i32 to index
        %get3A_1308 = arith.index_cast %scan3A_1305 : i32 to index
        %get3A_1309 = arith.constant 0 : index
        %get3A_1310 = tpu.vector_load %arg13[%get3A_1307, %get3A_1308, %get3A_1309] {strides = array<i32>} : memref<4x128x64xf32, #tpu.memory_space<vmem>>, vector<1x1x16xf32>,
        %get3A_1311 = vector.shape_cast %get3A_1310 : vector<1x1x16xf32> to vector<16xf32>
        %get3A_1312 = arith.constant 2 : i32
        %get3A_1313 = arith.index_cast %get3A_1312 : i32 to index
        %get3A_1314 = arith.index_cast %scan3A_1305 : i32 to index
        %get3A_1315 = arith.constant 0 : index
        %get3A_1316 = tpu.vector_load %arg14[%get3A_1313, %get3A_1314, %get3A_1315] {strides = array<i32>} : memref<4x128x64xf32, #tpu.memory_space<vmem>>, vector<1x1x16xf32>,
        %get3A_1317 = vector.shape_cast %get3A_1316 : vector<1x1x16xf32> to vector<16xf32>
        %add3A_1318 = arith.addf %get3A_1311, %get3A_1317 : vector<16xf32>
        %swap3A_1319 = arith.constant 2 : i32
        %swap3A_1320 = arith.index_cast %swap3A_1319 : i32 to index
        %swap3A_1321 = arith.index_cast %scan3A_1305 : i32 to index
        %swap3A_1322 = arith.constant 0 : index
        %swap3A_1323 = tpu.vector_load %arg12[%swap3A_1320, %swap3A_1321, %swap3A_1322] {strides = array<i32>} : memref<4x128x64xf32, #tpu.memory_space<vmem>>, vector<1x1x16xf32>,
        %swap3A_1324 = vector.shape_cast %swap3A_1323 : vector<1x1x16xf32> to vector<16xf32>
        %swap3A_1325 = vector.shape_cast %add3A_1318 : vector<16xf32> to vector<1x1x16xf32>
        tpu.vector_store %arg12[%swap3A_1320, %swap3A_1321, %swap3A_1322], %swap3A_1325 {add = true, strides = array<i32>} : memref<4x128x64xf32, #tpu.memory_space<vmem>>, vector<1x1x16xf32>,
        %get3A_1326 = arith.constant 2 : i32
        %get3A_1327 = arith.index_cast %get3A_1326 : i32 to index
        %get3A_1328 = arith.index_cast %scan3A_1305 : i32 to index
        %get3A_1329 = arith.constant 16 : index
        %get3A_1330 = tpu.vector_load %arg13[%get3A_1327, %get3A_1328, %get3A_1329] {strides = array<i32>} : memref<4x128x64xf32, #tpu.memory_space<vmem>>, vector<1x1x16xf32>,
        %get3A_1331 = vector.shape_cast %get3A_1330 : vector<1x1x16xf32> to vector<16xf32>
        %get3A_1332 = arith.constant 2 : i32
        %get3A_1333 = arith.index_cast %get3A_1332 : i32 to index
        %get3A_1334 = arith.index_cast %scan3A_1305 : i32 to index
        %get3A_1335 = arith.constant 16 : index
        %get3A_1336 = tpu.vector_load %arg14[%get3A_1333, %get3A_1334, %get3A_1335] {strides = array<i32>} : memref<4x128x64xf32, #tpu.memory_space<vmem>>, vector<1x1x16xf32>,
        %get3A_1337 = vector.shape_cast %get3A_1336 : vector<1x1x16xf32> to vector<16xf32>
        %add3A_1338 = arith.addf %get3A_1331, %get3A_1337 : vector<16xf32>
        %swap3A_1339 = arith.constant 2 : i32
        %swap3A_1340 = arith.index_cast %swap3A_1339 : i32 to index
        %swap3A_1341 = arith.index_cast %scan3A_1305 : i32 to index
        %swap3A_1342 = arith.constant 16 : index
        %swap3A_1343 = tpu.vector_load %arg12[%swap3A_1340, %swap3A_1341, %swap3A_1342] {strides = array<i32>} : memref<4x128x64xf32, #tpu.memory_space<vmem>>, vector<1x1x16xf32>,
        %swap3A_1344 = vector.shape_cast %swap3A_1343 : vector<1x1x16xf32> to vector<16xf32>
        %swap3A_1345 = vector.shape_cast %add3A_1338 : vector<16xf32> to vector<1x1x16xf32>
        tpu.vector_store %arg12[%swap3A_1340, %swap3A_1341, %swap3A_1342], %swap3A_1345 {add = true, strides = array<i32>} : memref<4x128x64xf32, #tpu.memory_space<vmem>>, vector<1x1x16xf32>,
        %get3A_1346 = arith.constant 2 : i32
        %get3A_1347 = arith.index_cast %get3A_1346 : i32 to index
        %get3A_1348 = arith.index_cast %scan3A_1305 : i32 to index
        %get3A_1349 = arith.constant 32 : index
        %get3A_1350 = tpu.vector_load %arg13[%get3A_1347, %get3A_1348, %get3A_1349] {strides = array<i32>} : memref<4x128x64xf32, #tpu.memory_space<vmem>>, vector<1x1x16xf32>,
        %get3A_1351 = vector.shape_cast %get3A_1350 : vector<1x1x16xf32> to vector<16xf32>
        %get3A_1352 = arith.constant 2 : i32
        %get3A_1353 = arith.index_cast %get3A_1352 : i32 to index
        %get3A_1354 = arith.index_cast %scan3A_1305 : i32 to index
        %get3A_1355 = arith.constant 32 : index
        %get3A_1356 = tpu.vector_load %arg14[%get3A_1353, %get3A_1354, %get3A_1355] {strides = array<i32>} : memref<4x128x64xf32, #tpu.memory_space<vmem>>, vector<1x1x16xf32>,
        %get3A_1357 = vector.shape_cast %get3A_1356 : vector<1x1x16xf32> to vector<16xf32>
        %add3A_1358 = arith.addf %get3A_1351, %get3A_1357 : vector<16xf32>
        %swap3A_1359 = arith.constant 2 : i32
        %swap3A_1360 = arith.index_cast %swap3A_1359 : i32 to index
        %swap3A_1361 = arith.index_cast %scan3A_1305 : i32 to index
        %swap3A_1362 = arith.constant 32 : index
        %swap3A_1363 = tpu.vector_load %arg12[%swap3A_1360, %swap3A_1361, %swap3A_1362] {strides = array<i32>} : memref<4x128x64xf32, #tpu.memory_space<vmem>>, vector<1x1x16xf32>,
        %swap3A_1364 = vector.shape_cast %swap3A_1363 : vector<1x1x16xf32> to vector<16xf32>
        %swap3A_1365 = vector.shape_cast %add3A_1358 : vector<16xf32> to vector<1x1x16xf32>
        tpu.vector_store %arg12[%swap3A_1360, %swap3A_1361, %swap3A_1362], %swap3A_1365 {add = true, strides = array<i32>} : memref<4x128x64xf32, #tpu.memory_space<vmem>>, vector<1x1x16xf32>,
        %get3A_1366 = arith.constant 2 : i32
        %get3A_1367 = arith.index_cast %get3A_1366 : i32 to index
        %get3A_1368 = arith.index_cast %scan3A_1305 : i32 to index
        %get3A_1369 = arith.constant 48 : index
        %get3A_1370 = tpu.vector_load %arg13[%get3A_1367, %get3A_1368, %get3A_1369] {strides = array<i32>} : memref<4x128x64xf32, #tpu.memory_space<vmem>>, vector<1x1x16xf32>,
        %get3A_1371 = vector.shape_cast %get3A_1370 : vector<1x1x16xf32> to vector<16xf32>
        %get3A_1372 = arith.constant 2 : i32
        %get3A_1373 = arith.index_cast %get3A_1372 : i32 to index
        %get3A_1374 = arith.index_cast %scan3A_1305 : i32 to index
        %get3A_1375 = arith.constant 48 : index
        %get3A_1376 = tpu.vector_load %arg14[%get3A_1373, %get3A_1374, %get3A_1375] {strides = array<i32>} : memref<4x128x64xf32, #tpu.memory_space<vmem>>, vector<1x1x16xf32>,
        %get3A_1377 = vector.shape_cast %get3A_1376 : vector<1x1x16xf32> to vector<16xf32>
        %add3A_1378 = arith.addf %get3A_1371, %get3A_1377 : vector<16xf32>
        %swap3A_1379 = arith.constant 2 : i32
        %swap3A_1380 = arith.index_cast %swap3A_1379 : i32 to index
        %swap3A_1381 = arith.index_cast %scan3A_1305 : i32 to index
        %swap3A_1382 = arith.constant 48 : index
        %swap3A_1383 = tpu.vector_load %arg12[%swap3A_1380, %swap3A_1381, %swap3A_1382] {strides = array<i32>} : memref<4x128x64xf32, #tpu.memory_space<vmem>>, vector<1x1x16xf32>,
        %swap3A_1384 = vector.shape_cast %swap3A_1383 : vector<1x1x16xf32> to vector<16xf32>
        %swap3A_1385 = vector.shape_cast %add3A_1378 : vector<16xf32> to vector<1x1x16xf32>
        tpu.vector_store %arg12[%swap3A_1380, %swap3A_1381, %swap3A_1382], %swap3A_1385 {add = true, strides = array<i32>} : memref<4x128x64xf32, #tpu.memory_space<vmem>>, vector<1x1x16xf32>,
      }
      %scan3A_629 = arith.constant 128 : i32
      %add3A_630 = arith.constant 2 : i32
      %add3A_631 = arith.addi %mul3A_460, %add3A_630 : i32
      %mul3A_632 = arith.constant 128 : i32
      %mul3A_633 = arith.muli %add3A_631, %mul3A_632 : i32
      %add3A_634 = arith.addi %mul3A_2, %mul3A_633 : i32
      %dma_start3A_635 = arith.constant 2 : i32
      %dma_start3A_636 = arith.constant 0 : i32
      %dma_start3A_637 = arith.constant 0 : i32
      %dma_start3A_638 = tpu.memref_slice %arg12[%dma_start3A_635, %dma_start3A_636, %dma_start3A_637] : memref<4x128x64xf32, #tpu.memory_space<vmem>> -> memref<1x128x64xf32, #tpu.memory_space<vmem>>
      %dma_start3A_639 = tpu.memref_squeeze %dma_start3A_638 : memref<1x128x64xf32, #tpu.memory_space<vmem>> -> memref<128x64xf32, #tpu.memory_space<vmem>>
      %dma_start3A_640 = arith.constant 0 : i32
      %dma_start3A_641 = tpu.memref_slice %arg8[%add3A_634, %dma_start3A_640] : memref<819200x64xf32, #tpu.memory_space<hbm>> -> memref<128x64xf32, #tpu.memory_space<hbm>>
      %dma_start3A_642 = arith.constant 0 : i32
      %dma_start3A_643 = tpu.memref_slice %arg8[%add3A_634, %dma_start3A_642] : memref<819200x64xf32, #tpu.memory_space<hbm>> -> memref<128x64xf32, #tpu.memory_space<hbm>>
      %dma_start3A_644 = arith.constant 0 : i32
      %dma_start3A_645 = arith.constant 0 : i32
      %dma_start3A_646 = tpu.memref_slice %arg12[%dma_start3A_635, %dma_start3A_644, %dma_start3A_645] : memref<4x128x64xf32, #tpu.memory_space<vmem>> -> memref<1x128x64xf32, #tpu.memory_space<vmem>>
      %dma_start3A_647 = tpu.memref_squeeze %dma_start3A_646 : memref<1x128x64xf32, #tpu.memory_space<vmem>> -> memref<128x64xf32, #tpu.memory_space<vmem>>
      tpu.enqueue_dma source(%dma_start3A_647 : memref<128x64xf32, #tpu.memory_space<vmem>>) target(%dma_start3A_643 : memref<128x64xf32, #tpu.memory_space<hbm>>) target_semaphore(%arg25 : memref<!tpu.dma_semaphore, #tpu.memory_space<semaphore_mem>>)
      %lt3A_648 = arith.constant 49 : i32
      %lt3A_649 = arith.cmpi slt, %scan3A_458, %lt3A_648 : i32
      %convert_element_type3A_650 = arith.extui %lt3A_649 : i1 to i32
      %cond3A_651 = arith.constant 0 : i32
      %cond3A_652 = arith.cmpi ne, %convert_element_type3A_650, %cond3A_651 : i32
      scf.if %cond3A_652 {
        %add3A_733 = arith.constant 4 : i32
        %add3A_734 = arith.addi %mul3A_460, %add3A_733 : i32
        %add3A_735 = arith.constant 2 : i32
        %add3A_736 = arith.addi %add3A_734, %add3A_735 : i32
        %mul3A_737 = arith.constant 128 : i32
        %mul3A_738 = arith.muli %add3A_736, %mul3A_737 : i32
        %add3A_739 = arith.addi %mul3A_2, %mul3A_738 : i32
        %dma_start3A_740 = arith.constant 2 : i32
        %dma_start3A_741 = arith.constant 0 : i32
        %dma_start3A_742 = tpu.memref_slice %arg9[%dma_start3A_740, %dma_start3A_741] : memref<4x128xi32, #tpu.memory_space<vmem>> -> memref<1x128xi32, #tpu.memory_space<vmem>>
        %dma_start3A_743 = tpu.memref_squeeze %dma_start3A_742 : memref<1x128xi32, #tpu.memory_space<vmem>> -> memref<128xi32, #tpu.memory_space<vmem>>
        %dma_start3A_744 = tpu.memref_slice %arg2[%add3A_739] : memref<819200xi32, #tpu.memory_space<hbm>> -> memref<128xi32, #tpu.memory_space<hbm>>
        %dma_start3A_745 = arith.constant 0 : i32
        %dma_start3A_746 = tpu.memref_slice %arg9[%dma_start3A_740, %dma_start3A_745] : memref<4x128xi32, #tpu.memory_space<vmem>> -> memref<1x128xi32, #tpu.memory_space<vmem>>
        %dma_start3A_747 = tpu.memref_squeeze %dma_start3A_746 : memref<1x128xi32, #tpu.memory_space<vmem>> -> memref<128xi32, #tpu.memory_space<vmem>>
        %dma_start3A_748 = tpu.memref_slice %arg2[%add3A_739] : memref<819200xi32, #tpu.memory_space<hbm>> -> memref<128xi32, #tpu.memory_space<hbm>>
        tpu.enqueue_dma source(%dma_start3A_748 : memref<128xi32, #tpu.memory_space<hbm>>) target(%dma_start3A_747 : memref<128xi32, #tpu.memory_space<vmem>>) target_semaphore(%arg17 : memref<!tpu.dma_semaphore, #tpu.memory_space<semaphore_mem>>)
        %dma_start3A_749 = arith.constant 2 : i32
        %dma_start3A_750 = arith.constant 0 : i32
        %dma_start3A_751 = tpu.memref_slice %arg10[%dma_start3A_749, %dma_start3A_750] : memref<4x128xi32, #tpu.memory_space<vmem>> -> memref<1x128xi32, #tpu.memory_space<vmem>>
        %dma_start3A_752 = tpu.memref_squeeze %dma_start3A_751 : memref<1x128xi32, #tpu.memory_space<vmem>> -> memref<128xi32, #tpu.memory_space<vmem>>
        %dma_start3A_753 = tpu.memref_slice %arg3[%add3A_739] : memref<819200xi32, #tpu.memory_space<hbm>> -> memref<128xi32, #tpu.memory_space<hbm>>
        %dma_start3A_754 = arith.constant 0 : i32
        %dma_start3A_755 = tpu.memref_slice %arg10[%dma_start3A_749, %dma_start3A_754] : memref<4x128xi32, #tpu.memory_space<vmem>> -> memref<1x128xi32, #tpu.memory_space<vmem>>
        %dma_start3A_756 = tpu.memref_squeeze %dma_start3A_755 : memref<1x128xi32, #tpu.memory_space<vmem>> -> memref<128xi32, #tpu.memory_space<vmem>>
        %dma_start3A_757 = tpu.memref_slice %arg3[%add3A_739] : memref<819200xi32, #tpu.memory_space<hbm>> -> memref<128xi32, #tpu.memory_space<hbm>>
        tpu.enqueue_dma source(%dma_start3A_757 : memref<128xi32, #tpu.memory_space<hbm>>) target(%dma_start3A_756 : memref<128xi32, #tpu.memory_space<vmem>>) target_semaphore(%arg17 : memref<!tpu.dma_semaphore, #tpu.memory_space<semaphore_mem>>)
        %dma_start3A_758 = arith.constant 2 : i32
        %dma_start3A_759 = arith.constant 0 : i32
        %dma_start3A_760 = tpu.memref_slice %arg11[%dma_start3A_758, %dma_start3A_759] : memref<4x128xi32, #tpu.memory_space<vmem>> -> memref<1x128xi32, #tpu.memory_space<vmem>>
        %dma_start3A_761 = tpu.memref_squeeze %dma_start3A_760 : memref<1x128xi32, #tpu.memory_space<vmem>> -> memref<128xi32, #tpu.memory_space<vmem>>
        %dma_start3A_762 = tpu.memref_slice %arg4[%add3A_739] : memref<819200xi32, #tpu.memory_space<hbm>> -> memref<128xi32, #tpu.memory_space<hbm>>
        %dma_start3A_763 = arith.constant 0 : i32
        %dma_start3A_764 = tpu.memref_slice %arg11[%dma_start3A_758, %dma_start3A_763] : memref<4x128xi32, #tpu.memory_space<vmem>> -> memref<1x128xi32, #tpu.memory_space<vmem>>
        %dma_start3A_765 = tpu.memref_squeeze %dma_start3A_764 : memref<1x128xi32, #tpu.memory_space<vmem>> -> memref<128xi32, #tpu.memory_space<vmem>>
        %dma_start3A_766 = tpu.memref_slice %arg4[%add3A_739] : memref<819200xi32, #tpu.memory_space<hbm>> -> memref<128xi32, #tpu.memory_space<hbm>>
        tpu.enqueue_dma source(%dma_start3A_766 : memref<128xi32, #tpu.memory_space<hbm>>) target(%dma_start3A_765 : memref<128xi32, #tpu.memory_space<vmem>>) target_semaphore(%arg17 : memref<!tpu.dma_semaphore, #tpu.memory_space<semaphore_mem>>)
      } else {
      }
      %lt3A_653 = arith.constant 49 : i32
      %lt3A_654 = arith.cmpi slt, %scan3A_458, %lt3A_653 : i32
      %convert_element_type3A_655 = arith.extui %lt3A_654 : i1 to i32
      %cond3A_656 = arith.constant 0 : i32
      %cond3A_657 = arith.cmpi ne, %convert_element_type3A_655, %cond3A_656 : i32
      scf.if %cond3A_657 {
        %dma_wait3A_733 = arith.constant 0 : i32
        %dma_wait3A_734 = arith.constant 0 : i32
        %dma_wait3A_735 = tpu.memref_slice %arg9[%dma_wait3A_733, %dma_wait3A_734] : memref<4x128xi32, #tpu.memory_space<vmem>> -> memref<1x128xi32, #tpu.memory_space<vmem>>
        %dma_wait3A_736 = tpu.memref_squeeze %dma_wait3A_735 : memref<1x128xi32, #tpu.memory_space<vmem>> -> memref<128xi32, #tpu.memory_space<vmem>>
        %dma_wait3A_737 = arith.constant 0 : i32
        %dma_wait3A_738 = tpu.memref_slice %arg2[%dma_wait3A_737] : memref<819200xi32, #tpu.memory_space<hbm>> -> memref<128xi32, #tpu.memory_space<hbm>>
        %dma_wait3A_739 = arith.constant 0 : i32
        %dma_wait3A_740 = tpu.memref_slice %arg9[%dma_wait3A_733, %dma_wait3A_739] : memref<4x128xi32, #tpu.memory_space<vmem>> -> memref<1x128xi32, #tpu.memory_space<vmem>>
        %dma_wait3A_741 = tpu.memref_squeeze %dma_wait3A_740 : memref<1x128xi32, #tpu.memory_space<vmem>> -> memref<128xi32, #tpu.memory_space<vmem>>
        %dma_wait3A_742 = arith.constant 0 : i32
        %dma_wait3A_743 = tpu.memref_slice %arg2[%dma_wait3A_742] : memref<819200xi32, #tpu.memory_space<hbm>> -> memref<128xi32, #tpu.memory_space<hbm>>
        tpu.wait_dma2 semaphore(%arg15 : memref<!tpu.dma_semaphore, #tpu.memory_space<semaphore_mem>>) src(%dma_wait3A_743 : memref<128xi32, #tpu.memory_space<hbm>>) dst(%dma_wait3A_741 : memref<128xi32, #tpu.memory_space<vmem>>)
        %dma_wait3A_744 = arith.constant 0 : i32
        %dma_wait3A_745 = arith.constant 0 : i32
        %dma_wait3A_746 = tpu.memref_slice %arg10[%dma_wait3A_744, %dma_wait3A_745] : memref<4x128xi32, #tpu.memory_space<vmem>> -> memref<1x128xi32, #tpu.memory_space<vmem>>
        %dma_wait3A_747 = tpu.memref_squeeze %dma_wait3A_746 : memref<1x128xi32, #tpu.memory_space<vmem>> -> memref<128xi32, #tpu.memory_space<vmem>>
        %dma_wait3A_748 = arith.constant 0 : i32
        %dma_wait3A_749 = tpu.memref_slice %arg3[%dma_wait3A_748] : memref<819200xi32, #tpu.memory_space<hbm>> -> memref<128xi32, #tpu.memory_space<hbm>>
        %dma_wait3A_750 = arith.constant 0 : i32
        %dma_wait3A_751 = tpu.memref_slice %arg10[%dma_wait3A_744, %dma_wait3A_750] : memref<4x128xi32, #tpu.memory_space<vmem>> -> memref<1x128xi32, #tpu.memory_space<vmem>>
        %dma_wait3A_752 = tpu.memref_squeeze %dma_wait3A_751 : memref<1x128xi32, #tpu.memory_space<vmem>> -> memref<128xi32, #tpu.memory_space<vmem>>
        %dma_wait3A_753 = arith.constant 0 : i32
        %dma_wait3A_754 = tpu.memref_slice %arg3[%dma_wait3A_753] : memref<819200xi32, #tpu.memory_space<hbm>> -> memref<128xi32, #tpu.memory_space<hbm>>
        tpu.wait_dma2 semaphore(%arg15 : memref<!tpu.dma_semaphore, #tpu.memory_space<semaphore_mem>>) src(%dma_wait3A_754 : memref<128xi32, #tpu.memory_space<hbm>>) dst(%dma_wait3A_752 : memref<128xi32, #tpu.memory_space<vmem>>)
        %dma_wait3A_755 = arith.constant 0 : i32
        %dma_wait3A_756 = arith.constant 0 : i32
        %dma_wait3A_757 = tpu.memref_slice %arg11[%dma_wait3A_755, %dma_wait3A_756] : memref<4x128xi32, #tpu.memory_space<vmem>> -> memref<1x128xi32, #tpu.memory_space<vmem>>
        %dma_wait3A_758 = tpu.memref_squeeze %dma_wait3A_757 : memref<1x128xi32, #tpu.memory_space<vmem>> -> memref<128xi32, #tpu.memory_space<vmem>>
        %dma_wait3A_759 = arith.constant 0 : i32
        %dma_wait3A_760 = tpu.memref_slice %arg4[%dma_wait3A_759] : memref<819200xi32, #tpu.memory_space<hbm>> -> memref<128xi32, #tpu.memory_space<hbm>>
        %dma_wait3A_761 = arith.constant 0 : i32
        %dma_wait3A_762 = tpu.memref_slice %arg11[%dma_wait3A_755, %dma_wait3A_761] : memref<4x128xi32, #tpu.memory_space<vmem>> -> memref<1x128xi32, #tpu.memory_space<vmem>>
        %dma_wait3A_763 = tpu.memref_squeeze %dma_wait3A_762 : memref<1x128xi32, #tpu.memory_space<vmem>> -> memref<128xi32, #tpu.memory_space<vmem>>
        %dma_wait3A_764 = arith.constant 0 : i32
        %dma_wait3A_765 = tpu.memref_slice %arg4[%dma_wait3A_764] : memref<819200xi32, #tpu.memory_space<hbm>> -> memref<128xi32, #tpu.memory_space<hbm>>
        tpu.wait_dma2 semaphore(%arg15 : memref<!tpu.dma_semaphore, #tpu.memory_space<semaphore_mem>>) src(%dma_wait3A_765 : memref<128xi32, #tpu.memory_space<hbm>>) dst(%dma_wait3A_763 : memref<128xi32, #tpu.memory_space<vmem>>)
        %dma_wait3A_766 = arith.constant 0 : i32
        %dma_wait3A_767 = arith.constant 0 : i32
        %dma_wait3A_768 = arith.constant 0 : i32
        %dma_wait3A_769 = tpu.memref_slice %arg12[%dma_wait3A_766, %dma_wait3A_767, %dma_wait3A_768] : memref<4x128x64xf32, #tpu.memory_space<vmem>> -> memref<1x128x64xf32, #tpu.memory_space<vmem>>
        %dma_wait3A_770 = tpu.memref_squeeze %dma_wait3A_769 : memref<1x128x64xf32, #tpu.memory_space<vmem>> -> memref<128x64xf32, #tpu.memory_space<vmem>>
        %dma_wait3A_771 = arith.constant 0 : i32
        %dma_wait3A_772 = arith.constant 0 : i32
        %dma_wait3A_773 = tpu.memref_slice %arg8[%dma_wait3A_771, %dma_wait3A_772] : memref<819200x64xf32, #tpu.memory_space<hbm>> -> memref<128x64xf32, #tpu.memory_space<hbm>>
        %dma_wait3A_774 = arith.constant 0 : i32
        %dma_wait3A_775 = arith.constant 0 : i32
        %dma_wait3A_776 = tpu.memref_slice %arg8[%dma_wait3A_774, %dma_wait3A_775] : memref<819200x64xf32, #tpu.memory_space<hbm>> -> memref<128x64xf32, #tpu.memory_space<hbm>>
        %dma_wait3A_777 = arith.constant 0 : i32
        %dma_wait3A_778 = arith.constant 0 : i32
        %dma_wait3A_779 = tpu.memref_slice %arg12[%dma_wait3A_766, %dma_wait3A_777, %dma_wait3A_778] : memref<4x128x64xf32, #tpu.memory_space<vmem>> -> memref<1x128x64xf32, #tpu.memory_space<vmem>>
        %dma_wait3A_780 = tpu.memref_squeeze %dma_wait3A_779 : memref<1x128x64xf32, #tpu.memory_space<vmem>> -> memref<128x64xf32, #tpu.memory_space<vmem>>
        tpu.wait_dma2 semaphore(%arg23 : memref<!tpu.dma_semaphore, #tpu.memory_space<semaphore_mem>>) src(%dma_wait3A_780 : memref<128x64xf32, #tpu.memory_space<vmem>>) dst(%dma_wait3A_776 : memref<128x64xf32, #tpu.memory_space<hbm>>)
        %dma_start3A_781 = arith.constant 0 : i32
        %dma_start3A_782 = arith.constant 0 : i32
        %dma_start3A_783 = arith.constant 0 : i32
        %dma_start3A_784 = arith.constant 0 : i32
        %dma_start3A_785 = tpu.memref_slice %arg12[%dma_start3A_782, %dma_start3A_783, %dma_start3A_784] : memref<4x128x64xf32, #tpu.memory_space<vmem>> -> memref<1x128x64xf32, #tpu.memory_space<vmem>>
        %dma_start3A_786 = tpu.memref_squeeze %dma_start3A_785 : memref<1x128x64xf32, #tpu.memory_space<vmem>> -> memref<128x64xf32, #tpu.memory_space<vmem>>
        %dma_start3A_787 = arith.constant 0 : i32
        %dma_start3A_788 = tpu.memref_slice %arg9[%dma_start3A_781, %dma_start3A_787] : memref<4x128xi32, #tpu.memory_space<vmem>> -> memref<1x128xi32, #tpu.memory_space<vmem>>
        %dma_start3A_789 = tpu.memref_squeeze %dma_start3A_788 : memref<1x128xi32, #tpu.memory_space<vmem>> -> memref<128xi32, #tpu.memory_space<vmem>>
        %dma_start3A_790 = arith.constant 0 : i32
        %dma_start3A_791 = arith.constant 0 : i32
        %dma_start3A_792 = tpu.memref_slice %arg5[%dma_start3A_790, %dma_start3A_791] : memref<1000000x64xf32, #tpu.memory_space<hbm>> -> memref<1000000x64xf32, #tpu.memory_space<hbm>>
        tpu.enqueue_indirect_dma source(%dma_start3A_792 : memref<1000000x64xf32, #tpu.memory_space<hbm>>) target(%dma_start3A_786 : memref<128x64xf32, #tpu.memory_space<vmem>>) offsets(%dma_start3A_789 : memref<128xi32, #tpu.memory_space<vmem>>) semaphore(%arg19 : memref<!tpu.dma_semaphore, #tpu.memory_space<semaphore_mem>>)
        %dma_start3A_793 = arith.constant 0 : i32
        %dma_start3A_794 = arith.constant 0 : i32
        %dma_start3A_795 = arith.constant 0 : i32
        %dma_start3A_796 = arith.constant 0 : i32
        %dma_start3A_797 = tpu.memref_slice %arg13[%dma_start3A_794, %dma_start3A_795, %dma_start3A_796] : memref<4x128x64xf32, #tpu.memory_space<vmem>> -> memref<1x128x64xf32, #tpu.memory_space<vmem>>
        %dma_start3A_798 = tpu.memref_squeeze %dma_start3A_797 : memref<1x128x64xf32, #tpu.memory_space<vmem>> -> memref<128x64xf32, #tpu.memory_space<vmem>>
        %dma_start3A_799 = arith.constant 0 : i32
        %dma_start3A_800 = tpu.memref_slice %arg10[%dma_start3A_793, %dma_start3A_799] : memref<4x128xi32, #tpu.memory_space<vmem>> -> memref<1x128xi32, #tpu.memory_space<vmem>>
        %dma_start3A_801 = tpu.memref_squeeze %dma_start3A_800 : memref<1x128xi32, #tpu.memory_space<vmem>> -> memref<128xi32, #tpu.memory_space<vmem>>
        %dma_start3A_802 = arith.constant 0 : i32
        %dma_start3A_803 = arith.constant 0 : i32
        %dma_start3A_804 = tpu.memref_slice %arg6[%dma_start3A_802, %dma_start3A_803] : memref<512x64xf32, #tpu.memory_space<hbm>> -> memref<512x64xf32, #tpu.memory_space<hbm>>
        tpu.enqueue_indirect_dma source(%dma_start3A_804 : memref<512x64xf32, #tpu.memory_space<hbm>>) target(%dma_start3A_798 : memref<128x64xf32, #tpu.memory_space<vmem>>) offsets(%dma_start3A_801 : memref<128xi32, #tpu.memory_space<vmem>>) semaphore(%arg19 : memref<!tpu.dma_semaphore, #tpu.memory_space<semaphore_mem>>)
        %dma_start3A_805 = arith.constant 0 : i32
        %dma_start3A_806 = arith.constant 0 : i32
        %dma_start3A_807 = arith.constant 0 : i32
        %dma_start3A_808 = arith.constant 0 : i32
        %dma_start3A_809 = tpu.memref_slice %arg14[%dma_start3A_806, %dma_start3A_807, %dma_start3A_808] : memref<4x128x64xf32, #tpu.memory_space<vmem>> -> memref<1x128x64xf32, #tpu.memory_space<vmem>>
        %dma_start3A_810 = tpu.memref_squeeze %dma_start3A_809 : memref<1x128x64xf32, #tpu.memory_space<vmem>> -> memref<128x64xf32, #tpu.memory_space<vmem>>
        %dma_start3A_811 = arith.constant 0 : i32
        %dma_start3A_812 = tpu.memref_slice %arg11[%dma_start3A_805, %dma_start3A_811] : memref<4x128xi32, #tpu.memory_space<vmem>> -> memref<1x128xi32, #tpu.memory_space<vmem>>
        %dma_start3A_813 = tpu.memref_squeeze %dma_start3A_812 : memref<1x128xi32, #tpu.memory_space<vmem>> -> memref<128xi32, #tpu.memory_space<vmem>>
        %dma_start3A_814 = arith.constant 0 : i32
        %dma_start3A_815 = arith.constant 0 : i32
        %dma_start3A_816 = tpu.memref_slice %arg7[%dma_start3A_814, %dma_start3A_815] : memref<512x64xf32, #tpu.memory_space<hbm>> -> memref<512x64xf32, #tpu.memory_space<hbm>>
        tpu.enqueue_indirect_dma source(%dma_start3A_816 : memref<512x64xf32, #tpu.memory_space<hbm>>) target(%dma_start3A_810 : memref<128x64xf32, #tpu.memory_space<vmem>>) offsets(%dma_start3A_813 : memref<128xi32, #tpu.memory_space<vmem>>) semaphore(%arg19 : memref<!tpu.dma_semaphore, #tpu.memory_space<semaphore_mem>>)
      } else {
      }
      %dma_wait3A_658 = arith.constant 3 : i32
      %dma_wait3A_659 = arith.constant 3 : i32
      %dma_wait3A_660 = arith.constant 0 : i32
      %dma_wait3A_661 = arith.constant 0 : i32
      %dma_wait3A_662 = tpu.memref_slice %arg12[%dma_wait3A_659, %dma_wait3A_660, %dma_wait3A_661] : memref<4x128x64xf32, #tpu.memory_space<vmem>> -> memref<1x128x64xf32, #tpu.memory_space<vmem>>
      %dma_wait3A_663 = tpu.memref_squeeze %dma_wait3A_662 : memref<1x128x64xf32, #tpu.memory_space<vmem>> -> memref<128x64xf32, #tpu.memory_space<vmem>>
      %dma_wait3A_664 = arith.constant 0 : i32
      %dma_wait3A_665 = tpu.memref_slice %arg9[%dma_wait3A_658, %dma_wait3A_664] : memref<4x128xi32, #tpu.memory_space<vmem>> -> memref<1x128xi32, #tpu.memory_space<vmem>>
      %dma_wait3A_666 = tpu.memref_squeeze %dma_wait3A_665 : memref<1x128xi32, #tpu.memory_space<vmem>> -> memref<128xi32, #tpu.memory_space<vmem>>
      %dma_wait3A_667 = arith.constant 0 : i32
      %dma_wait3A_668 = arith.constant 0 : i32
      %dma_wait3A_669 = tpu.memref_slice %arg5[%dma_wait3A_667, %dma_wait3A_668] : memref<1000000x64xf32, #tpu.memory_space<hbm>> -> memref<1000000x64xf32, #tpu.memory_space<hbm>>
      tpu.wait_indirect_dma semaphore(%arg22 : memref<!tpu.dma_semaphore, #tpu.memory_space<semaphore_mem>>) src(%dma_wait3A_669 : memref<1000000x64xf32, #tpu.memory_space<hbm>>) dst(%dma_wait3A_663 : memref<128x64xf32, #tpu.memory_space<vmem>>)
      %dma_wait3A_670 = arith.constant 3 : i32
      %dma_wait3A_671 = arith.constant 3 : i32
      %dma_wait3A_672 = arith.constant 0 : i32
      %dma_wait3A_673 = arith.constant 0 : i32
      %dma_wait3A_674 = tpu.memref_slice %arg13[%dma_wait3A_671, %dma_wait3A_672, %dma_wait3A_673] : memref<4x128x64xf32, #tpu.memory_space<vmem>> -> memref<1x128x64xf32, #tpu.memory_space<vmem>>
      %dma_wait3A_675 = tpu.memref_squeeze %dma_wait3A_674 : memref<1x128x64xf32, #tpu.memory_space<vmem>> -> memref<128x64xf32, #tpu.memory_space<vmem>>
      %dma_wait3A_676 = arith.constant 0 : i32
      %dma_wait3A_677 = tpu.memref_slice %arg10[%dma_wait3A_670, %dma_wait3A_676] : memref<4x128xi32, #tpu.memory_space<vmem>> -> memref<1x128xi32, #tpu.memory_space<vmem>>
      %dma_wait3A_678 = tpu.memref_squeeze %dma_wait3A_677 : memref<1x128xi32, #tpu.memory_space<vmem>> -> memref<128xi32, #tpu.memory_space<vmem>>
      %dma_wait3A_679 = arith.constant 0 : i32
      %dma_wait3A_680 = arith.constant 0 : i32
      %dma_wait3A_681 = tpu.memref_slice %arg6[%dma_wait3A_679, %dma_wait3A_680] : memref<512x64xf32, #tpu.memory_space<hbm>> -> memref<512x64xf32, #tpu.memory_space<hbm>>
      tpu.wait_indirect_dma semaphore(%arg22 : memref<!tpu.dma_semaphore, #tpu.memory_space<semaphore_mem>>) src(%dma_wait3A_681 : memref<512x64xf32, #tpu.memory_space<hbm>>) dst(%dma_wait3A_675 : memref<128x64xf32, #tpu.memory_space<vmem>>)
      %dma_wait3A_682 = arith.constant 3 : i32
      %dma_wait3A_683 = arith.constant 3 : i32
      %dma_wait3A_684 = arith.constant 0 : i32
      %dma_wait3A_685 = arith.constant 0 : i32
      %dma_wait3A_686 = tpu.memref_slice %arg14[%dma_wait3A_683, %dma_wait3A_684, %dma_wait3A_685] : memref<4x128x64xf32, #tpu.memory_space<vmem>> -> memref<1x128x64xf32, #tpu.memory_space<vmem>>
      %dma_wait3A_687 = tpu.memref_squeeze %dma_wait3A_686 : memref<1x128x64xf32, #tpu.memory_space<vmem>> -> memref<128x64xf32, #tpu.memory_space<vmem>>
      %dma_wait3A_688 = arith.constant 0 : i32
      %dma_wait3A_689 = tpu.memref_slice %arg11[%dma_wait3A_682, %dma_wait3A_688] : memref<4x128xi32, #tpu.memory_space<vmem>> -> memref<1x128xi32, #tpu.memory_space<vmem>>
      %dma_wait3A_690 = tpu.memref_squeeze %dma_wait3A_689 : memref<1x128xi32, #tpu.memory_space<vmem>> -> memref<128xi32, #tpu.memory_space<vmem>>
      %dma_wait3A_691 = arith.constant 0 : i32
      %dma_wait3A_692 = arith.constant 0 : i32
      %dma_wait3A_693 = tpu.memref_slice %arg7[%dma_wait3A_691, %dma_wait3A_692] : memref<512x64xf32, #tpu.memory_space<hbm>> -> memref<512x64xf32, #tpu.memory_space<hbm>>
      tpu.wait_indirect_dma semaphore(%arg22 : memref<!tpu.dma_semaphore, #tpu.memory_space<semaphore_mem>>) src(%dma_wait3A_693 : memref<512x64xf32, #tpu.memory_space<hbm>>) dst(%dma_wait3A_687 : memref<128x64xf32, #tpu.memory_space<vmem>>)
      %scan3A_694 = arith.constant 0 : i32
      %scan3A_695 = arith.constant 0 : i32
      %scan3A_696 = arith.constant 128 : i32
      %scan3A_697 = arith.addi %scan3A_695, %scan3A_696 : i32
      %scan3A_698 = arith.constant 8 : i32
      scf.for %scan3A_733 = %scan3A_695 to %scan3A_697 step %scan3A_698  : i32 {
        %get3A = arith.constant 3 : i32
        %get3A_734 = arith.index_cast %get3A : i32 to index
        %get3A_735 = arith.index_cast %scan3A_733 : i32 to index
        %get3A_736 = arith.constant 0 : index
        %get3A_737 = tpu.vector_load %arg13[%get3A_734, %get3A_735, %get3A_736] {strides = array<i32>} : memref<4x128x64xf32, #tpu.memory_space<vmem>>, vector<1x1x16xf32>,
        %get3A_738 = vector.shape_cast %get3A_737 : vector<1x1x16xf32> to vector<16xf32>
        %get3A_739 = arith.constant 3 : i32
        %get3A_740 = arith.index_cast %get3A_739 : i32 to index
        %get3A_741 = arith.index_cast %scan3A_733 : i32 to index
        %get3A_742 = arith.constant 0 : index
        %get3A_743 = tpu.vector_load %arg14[%get3A_740, %get3A_741, %get3A_742] {strides = array<i32>} : memref<4x128x64xf32, #tpu.memory_space<vmem>>, vector<1x1x16xf32>,
        %get3A_744 = vector.shape_cast %get3A_743 : vector<1x1x16xf32> to vector<16xf32>
        %add3A_745 = arith.addf %get3A_738, %get3A_744 : vector<16xf32>
        %swap3A = arith.constant 3 : i32
        %swap3A_746 = arith.index_cast %swap3A : i32 to index
        %swap3A_747 = arith.index_cast %scan3A_733 : i32 to index
        %swap3A_748 = arith.constant 0 : index
        %swap3A_749 = tpu.vector_load %arg12[%swap3A_746, %swap3A_747, %swap3A_748] {strides = array<i32>} : memref<4x128x64xf32, #tpu.memory_space<vmem>>, vector<1x1x16xf32>,
        %swap3A_750 = vector.shape_cast %swap3A_749 : vector<1x1x16xf32> to vector<16xf32>
        %swap3A_751 = vector.shape_cast %add3A_745 : vector<16xf32> to vector<1x1x16xf32>
        tpu.vector_store %arg12[%swap3A_746, %swap3A_747, %swap3A_748], %swap3A_751 {add = true, strides = array<i32>} : memref<4x128x64xf32, #tpu.memory_space<vmem>>, vector<1x1x16xf32>,
        %get3A_752 = arith.constant 3 : i32
        %get3A_753 = arith.index_cast %get3A_752 : i32 to index
        %get3A_754 = arith.index_cast %scan3A_733 : i32 to index
        %get3A_755 = arith.constant 16 : index
        %get3A_756 = tpu.vector_load %arg13[%get3A_753, %get3A_754, %get3A_755] {strides = array<i32>} : memref<4x128x64xf32, #tpu.memory_space<vmem>>, vector<1x1x16xf32>,
        %get3A_757 = vector.shape_cast %get3A_756 : vector<1x1x16xf32> to vector<16xf32>
        %get3A_758 = arith.constant 3 : i32
        %get3A_759 = arith.index_cast %get3A_758 : i32 to index
        %get3A_760 = arith.index_cast %scan3A_733 : i32 to index
        %get3A_761 = arith.constant 16 : index
        %get3A_762 = tpu.vector_load %arg14[%get3A_759, %get3A_760, %get3A_761] {strides = array<i32>} : memref<4x128x64xf32, #tpu.memory_space<vmem>>, vector<1x1x16xf32>,
        %get3A_763 = vector.shape_cast %get3A_762 : vector<1x1x16xf32> to vector<16xf32>
        %add3A_764 = arith.addf %get3A_757, %get3A_763 : vector<16xf32>
        %swap3A_765 = arith.constant 3 : i32
        %swap3A_766 = arith.index_cast %swap3A_765 : i32 to index
        %swap3A_767 = arith.index_cast %scan3A_733 : i32 to index
        %swap3A_768 = arith.constant 16 : index
        %swap3A_769 = tpu.vector_load %arg12[%swap3A_766, %swap3A_767, %swap3A_768] {strides = array<i32>} : memref<4x128x64xf32, #tpu.memory_space<vmem>>, vector<1x1x16xf32>,
        %swap3A_770 = vector.shape_cast %swap3A_769 : vector<1x1x16xf32> to vector<16xf32>
        %swap3A_771 = vector.shape_cast %add3A_764 : vector<16xf32> to vector<1x1x16xf32>
        tpu.vector_store %arg12[%swap3A_766, %swap3A_767, %swap3A_768], %swap3A_771 {add = true, strides = array<i32>} : memref<4x128x64xf32, #tpu.memory_space<vmem>>, vector<1x1x16xf32>,
        %get3A_772 = arith.constant 3 : i32
        %get3A_773 = arith.index_cast %get3A_772 : i32 to index
        %get3A_774 = arith.index_cast %scan3A_733 : i32 to index
        %get3A_775 = arith.constant 32 : index
        %get3A_776 = tpu.vector_load %arg13[%get3A_773, %get3A_774, %get3A_775] {strides = array<i32>} : memref<4x128x64xf32, #tpu.memory_space<vmem>>, vector<1x1x16xf32>,
        %get3A_777 = vector.shape_cast %get3A_776 : vector<1x1x16xf32> to vector<16xf32>
        %get3A_778 = arith.constant 3 : i32
        %get3A_779 = arith.index_cast %get3A_778 : i32 to index
        %get3A_780 = arith.index_cast %scan3A_733 : i32 to index
        %get3A_781 = arith.constant 32 : index
        %get3A_782 = tpu.vector_load %arg14[%get3A_779, %get3A_780, %get3A_781] {strides = array<i32>} : memref<4x128x64xf32, #tpu.memory_space<vmem>>, vector<1x1x16xf32>,
        %get3A_783 = vector.shape_cast %get3A_782 : vector<1x1x16xf32> to vector<16xf32>
        %add3A_784 = arith.addf %get3A_777, %get3A_783 : vector<16xf32>
        %swap3A_785 = arith.constant 3 : i32
        %swap3A_786 = arith.index_cast %swap3A_785 : i32 to index
        %swap3A_787 = arith.index_cast %scan3A_733 : i32 to index
        %swap3A_788 = arith.constant 32 : index
        %swap3A_789 = tpu.vector_load %arg12[%swap3A_786, %swap3A_787, %swap3A_788] {strides = array<i32>} : memref<4x128x64xf32, #tpu.memory_space<vmem>>, vector<1x1x16xf32>,
        %swap3A_790 = vector.shape_cast %swap3A_789 : vector<1x1x16xf32> to vector<16xf32>
        %swap3A_791 = vector.shape_cast %add3A_784 : vector<16xf32> to vector<1x1x16xf32>
        tpu.vector_store %arg12[%swap3A_786, %swap3A_787, %swap3A_788], %swap3A_791 {add = true, strides = array<i32>} : memref<4x128x64xf32, #tpu.memory_space<vmem>>, vector<1x1x16xf32>,
        %get3A_792 = arith.constant 3 : i32
        %get3A_793 = arith.index_cast %get3A_792 : i32 to index
        %get3A_794 = arith.index_cast %scan3A_733 : i32 to index
        %get3A_795 = arith.constant 48 : index
        %get3A_796 = tpu.vector_load %arg13[%get3A_793, %get3A_794, %get3A_795] {strides = array<i32>} : memref<4x128x64xf32, #tpu.memory_space<vmem>>, vector<1x1x16xf32>,
        %get3A_797 = vector.shape_cast %get3A_796 : vector<1x1x16xf32> to vector<16xf32>
        %get3A_798 = arith.constant 3 : i32
        %get3A_799 = arith.index_cast %get3A_798 : i32 to index
        %get3A_800 = arith.index_cast %scan3A_733 : i32 to index
        %get3A_801 = arith.constant 48 : index
        %get3A_802 = tpu.vector_load %arg14[%get3A_799, %get3A_800, %get3A_801] {strides = array<i32>} : memref<4x128x64xf32, #tpu.memory_space<vmem>>, vector<1x1x16xf32>,
        %get3A_803 = vector.shape_cast %get3A_802 : vector<1x1x16xf32> to vector<16xf32>
        %add3A_804 = arith.addf %get3A_797, %get3A_803 : vector<16xf32>
        %swap3A_805 = arith.constant 3 : i32
        %swap3A_806 = arith.index_cast %swap3A_805 : i32 to index
        %swap3A_807 = arith.index_cast %scan3A_733 : i32 to index
        %swap3A_808 = arith.constant 48 : index
        %swap3A_809 = tpu.vector_load %arg12[%swap3A_806, %swap3A_807, %swap3A_808] {strides = array<i32>} : memref<4x128x64xf32, #tpu.memory_space<vmem>>, vector<1x1x16xf32>,
        %swap3A_810 = vector.shape_cast %swap3A_809 : vector<1x1x16xf32> to vector<16xf32>
        %swap3A_811 = vector.shape_cast %add3A_804 : vector<16xf32> to vector<1x1x16xf32>
        tpu.vector_store %arg12[%swap3A_806, %swap3A_807, %swap3A_808], %swap3A_811 {add = true, strides = array<i32>} : memref<4x128x64xf32, #tpu.memory_space<vmem>>, vector<1x1x16xf32>,
        %scan3A_812 = arith.constant 1 : i32
        %scan3A_813 = arith.addi %scan3A_733, %scan3A_812 : i32
        %get3A_814 = arith.constant 3 : i32
        %get3A_815 = arith.index_cast %get3A_814 : i32 to index
        %get3A_816 = arith.index_cast %scan3A_813 : i32 to index
        %get3A_817 = arith.constant 0 : index
        %get3A_818 = tpu.vector_load %arg13[%get3A_815, %get3A_816, %get3A_817] {strides = array<i32>} : memref<4x128x64xf32, #tpu.memory_space<vmem>>, vector<1x1x16xf32>,
        %get3A_819 = vector.shape_cast %get3A_818 : vector<1x1x16xf32> to vector<16xf32>
        %get3A_820 = arith.constant 3 : i32
        %get3A_821 = arith.index_cast %get3A_820 : i32 to index
        %get3A_822 = arith.index_cast %scan3A_813 : i32 to index
        %get3A_823 = arith.constant 0 : index
        %get3A_824 = tpu.vector_load %arg14[%get3A_821, %get3A_822, %get3A_823] {strides = array<i32>} : memref<4x128x64xf32, #tpu.memory_space<vmem>>, vector<1x1x16xf32>,
        %get3A_825 = vector.shape_cast %get3A_824 : vector<1x1x16xf32> to vector<16xf32>
        %add3A_826 = arith.addf %get3A_819, %get3A_825 : vector<16xf32>
        %swap3A_827 = arith.constant 3 : i32
        %swap3A_828 = arith.index_cast %swap3A_827 : i32 to index
        %swap3A_829 = arith.index_cast %scan3A_813 : i32 to index
        %swap3A_830 = arith.constant 0 : index
        %swap3A_831 = tpu.vector_load %arg12[%swap3A_828, %swap3A_829, %swap3A_830] {strides = array<i32>} : memref<4x128x64xf32, #tpu.memory_space<vmem>>, vector<1x1x16xf32>,
        %swap3A_832 = vector.shape_cast %swap3A_831 : vector<1x1x16xf32> to vector<16xf32>
        %swap3A_833 = vector.shape_cast %add3A_826 : vector<16xf32> to vector<1x1x16xf32>
        tpu.vector_store %arg12[%swap3A_828, %swap3A_829, %swap3A_830], %swap3A_833 {add = true, strides = array<i32>} : memref<4x128x64xf32, #tpu.memory_space<vmem>>, vector<1x1x16xf32>,
        %get3A_834 = arith.constant 3 : i32
        %get3A_835 = arith.index_cast %get3A_834 : i32 to index
        %get3A_836 = arith.index_cast %scan3A_813 : i32 to index
        %get3A_837 = arith.constant 16 : index
        %get3A_838 = tpu.vector_load %arg13[%get3A_835, %get3A_836, %get3A_837] {strides = array<i32>} : memref<4x128x64xf32, #tpu.memory_space<vmem>>, vector<1x1x16xf32>,
        %get3A_839 = vector.shape_cast %get3A_838 : vector<1x1x16xf32> to vector<16xf32>
        %get3A_840 = arith.constant 3 : i32
        %get3A_841 = arith.index_cast %get3A_840 : i32 to index
        %get3A_842 = arith.index_cast %scan3A_813 : i32 to index
        %get3A_843 = arith.constant 16 : index
        %get3A_844 = tpu.vector_load %arg14[%get3A_841, %get3A_842, %get3A_843] {strides = array<i32>} : memref<4x128x64xf32, #tpu.memory_space<vmem>>, vector<1x1x16xf32>,
        %get3A_845 = vector.shape_cast %get3A_844 : vector<1x1x16xf32> to vector<16xf32>
        %add3A_846 = arith.addf %get3A_839, %get3A_845 : vector<16xf32>
        %swap3A_847 = arith.constant 3 : i32
        %swap3A_848 = arith.index_cast %swap3A_847 : i32 to index
        %swap3A_849 = arith.index_cast %scan3A_813 : i32 to index
        %swap3A_850 = arith.constant 16 : index
        %swap3A_851 = tpu.vector_load %arg12[%swap3A_848, %swap3A_849, %swap3A_850] {strides = array<i32>} : memref<4x128x64xf32, #tpu.memory_space<vmem>>, vector<1x1x16xf32>,
        %swap3A_852 = vector.shape_cast %swap3A_851 : vector<1x1x16xf32> to vector<16xf32>
        %swap3A_853 = vector.shape_cast %add3A_846 : vector<16xf32> to vector<1x1x16xf32>
        tpu.vector_store %arg12[%swap3A_848, %swap3A_849, %swap3A_850], %swap3A_853 {add = true, strides = array<i32>} : memref<4x128x64xf32, #tpu.memory_space<vmem>>, vector<1x1x16xf32>,
        %get3A_854 = arith.constant 3 : i32
        %get3A_855 = arith.index_cast %get3A_854 : i32 to index
        %get3A_856 = arith.index_cast %scan3A_813 : i32 to index
        %get3A_857 = arith.constant 32 : index
        %get3A_858 = tpu.vector_load %arg13[%get3A_855, %get3A_856, %get3A_857] {strides = array<i32>} : memref<4x128x64xf32, #tpu.memory_space<vmem>>, vector<1x1x16xf32>,
        %get3A_859 = vector.shape_cast %get3A_858 : vector<1x1x16xf32> to vector<16xf32>
        %get3A_860 = arith.constant 3 : i32
        %get3A_861 = arith.index_cast %get3A_860 : i32 to index
        %get3A_862 = arith.index_cast %scan3A_813 : i32 to index
        %get3A_863 = arith.constant 32 : index
        %get3A_864 = tpu.vector_load %arg14[%get3A_861, %get3A_862, %get3A_863] {strides = array<i32>} : memref<4x128x64xf32, #tpu.memory_space<vmem>>, vector<1x1x16xf32>,
        %get3A_865 = vector.shape_cast %get3A_864 : vector<1x1x16xf32> to vector<16xf32>
        %add3A_866 = arith.addf %get3A_859, %get3A_865 : vector<16xf32>
        %swap3A_867 = arith.constant 3 : i32
        %swap3A_868 = arith.index_cast %swap3A_867 : i32 to index
        %swap3A_869 = arith.index_cast %scan3A_813 : i32 to index
        %swap3A_870 = arith.constant 32 : index
        %swap3A_871 = tpu.vector_load %arg12[%swap3A_868, %swap3A_869, %swap3A_870] {strides = array<i32>} : memref<4x128x64xf32, #tpu.memory_space<vmem>>, vector<1x1x16xf32>,
        %swap3A_872 = vector.shape_cast %swap3A_871 : vector<1x1x16xf32> to vector<16xf32>
        %swap3A_873 = vector.shape_cast %add3A_866 : vector<16xf32> to vector<1x1x16xf32>
        tpu.vector_store %arg12[%swap3A_868, %swap3A_869, %swap3A_870], %swap3A_873 {add = true, strides = array<i32>} : memref<4x128x64xf32, #tpu.memory_space<vmem>>, vector<1x1x16xf32>,
        %get3A_874 = arith.constant 3 : i32
        %get3A_875 = arith.index_cast %get3A_874 : i32 to index
        %get3A_876 = arith.index_cast %scan3A_813 : i32 to index
        %get3A_877 = arith.constant 48 : index
        %get3A_878 = tpu.vector_load %arg13[%get3A_875, %get3A_876, %get3A_877] {strides = array<i32>} : memref<4x128x64xf32, #tpu.memory_space<vmem>>, vector<1x1x16xf32>,
        %get3A_879 = vector.shape_cast %get3A_878 : vector<1x1x16xf32> to vector<16xf32>
        %get3A_880 = arith.constant 3 : i32
        %get3A_881 = arith.index_cast %get3A_880 : i32 to index
        %get3A_882 = arith.index_cast %scan3A_813 : i32 to index
        %get3A_883 = arith.constant 48 : index
        %get3A_884 = tpu.vector_load %arg14[%get3A_881, %get3A_882, %get3A_883] {strides = array<i32>} : memref<4x128x64xf32, #tpu.memory_space<vmem>>, vector<1x1x16xf32>,
        %get3A_885 = vector.shape_cast %get3A_884 : vector<1x1x16xf32> to vector<16xf32>
        %add3A_886 = arith.addf %get3A_879, %get3A_885 : vector<16xf32>
        %swap3A_887 = arith.constant 3 : i32
        %swap3A_888 = arith.index_cast %swap3A_887 : i32 to index
        %swap3A_889 = arith.index_cast %scan3A_813 : i32 to index
        %swap3A_890 = arith.constant 48 : index
        %swap3A_891 = tpu.vector_load %arg12[%swap3A_888, %swap3A_889, %swap3A_890] {strides = array<i32>} : memref<4x128x64xf32, #tpu.memory_space<vmem>>, vector<1x1x16xf32>,
        %swap3A_892 = vector.shape_cast %swap3A_891 : vector<1x1x16xf32> to vector<16xf32>
        %swap3A_893 = vector.shape_cast %add3A_886 : vector<16xf32> to vector<1x1x16xf32>
        tpu.vector_store %arg12[%swap3A_888, %swap3A_889, %swap3A_890], %swap3A_893 {add = true, strides = array<i32>} : memref<4x128x64xf32, #tpu.memory_space<vmem>>, vector<1x1x16xf32>,
        %scan3A_894 = arith.constant 2 : i32
        %scan3A_895 = arith.addi %scan3A_733, %scan3A_894 : i32
        %get3A_896 = arith.constant 3 : i32
        %get3A_897 = arith.index_cast %get3A_896 : i32 to index
        %get3A_898 = arith.index_cast %scan3A_895 : i32 to index
        %get3A_899 = arith.constant 0 : index
        %get3A_900 = tpu.vector_load %arg13[%get3A_897, %get3A_898, %get3A_899] {strides = array<i32>} : memref<4x128x64xf32, #tpu.memory_space<vmem>>, vector<1x1x16xf32>,
        %get3A_901 = vector.shape_cast %get3A_900 : vector<1x1x16xf32> to vector<16xf32>
        %get3A_902 = arith.constant 3 : i32
        %get3A_903 = arith.index_cast %get3A_902 : i32 to index
        %get3A_904 = arith.index_cast %scan3A_895 : i32 to index
        %get3A_905 = arith.constant 0 : index
        %get3A_906 = tpu.vector_load %arg14[%get3A_903, %get3A_904, %get3A_905] {strides = array<i32>} : memref<4x128x64xf32, #tpu.memory_space<vmem>>, vector<1x1x16xf32>,
        %get3A_907 = vector.shape_cast %get3A_906 : vector<1x1x16xf32> to vector<16xf32>
        %add3A_908 = arith.addf %get3A_901, %get3A_907 : vector<16xf32>
        %swap3A_909 = arith.constant 3 : i32
        %swap3A_910 = arith.index_cast %swap3A_909 : i32 to index
        %swap3A_911 = arith.index_cast %scan3A_895 : i32 to index
        %swap3A_912 = arith.constant 0 : index
        %swap3A_913 = tpu.vector_load %arg12[%swap3A_910, %swap3A_911, %swap3A_912] {strides = array<i32>} : memref<4x128x64xf32, #tpu.memory_space<vmem>>, vector<1x1x16xf32>,
        %swap3A_914 = vector.shape_cast %swap3A_913 : vector<1x1x16xf32> to vector<16xf32>
        %swap3A_915 = vector.shape_cast %add3A_908 : vector<16xf32> to vector<1x1x16xf32>
        tpu.vector_store %arg12[%swap3A_910, %swap3A_911, %swap3A_912], %swap3A_915 {add = true, strides = array<i32>} : memref<4x128x64xf32, #tpu.memory_space<vmem>>, vector<1x1x16xf32>,
        %get3A_916 = arith.constant 3 : i32
        %get3A_917 = arith.index_cast %get3A_916 : i32 to index
        %get3A_918 = arith.index_cast %scan3A_895 : i32 to index
        %get3A_919 = arith.constant 16 : index
        %get3A_920 = tpu.vector_load %arg13[%get3A_917, %get3A_918, %get3A_919] {strides = array<i32>} : memref<4x128x64xf32, #tpu.memory_space<vmem>>, vector<1x1x16xf32>,
        %get3A_921 = vector.shape_cast %get3A_920 : vector<1x1x16xf32> to vector<16xf32>
        %get3A_922 = arith.constant 3 : i32
        %get3A_923 = arith.index_cast %get3A_922 : i32 to index
        %get3A_924 = arith.index_cast %scan3A_895 : i32 to index
        %get3A_925 = arith.constant 16 : index
        %get3A_926 = tpu.vector_load %arg14[%get3A_923, %get3A_924, %get3A_925] {strides = array<i32>} : memref<4x128x64xf32, #tpu.memory_space<vmem>>, vector<1x1x16xf32>,
        %get3A_927 = vector.shape_cast %get3A_926 : vector<1x1x16xf32> to vector<16xf32>
        %add3A_928 = arith.addf %get3A_921, %get3A_927 : vector<16xf32>
        %swap3A_929 = arith.constant 3 : i32
        %swap3A_930 = arith.index_cast %swap3A_929 : i32 to index
        %swap3A_931 = arith.index_cast %scan3A_895 : i32 to index
        %swap3A_932 = arith.constant 16 : index
        %swap3A_933 = tpu.vector_load %arg12[%swap3A_930, %swap3A_931, %swap3A_932] {strides = array<i32>} : memref<4x128x64xf32, #tpu.memory_space<vmem>>, vector<1x1x16xf32>,
        %swap3A_934 = vector.shape_cast %swap3A_933 : vector<1x1x16xf32> to vector<16xf32>
        %swap3A_935 = vector.shape_cast %add3A_928 : vector<16xf32> to vector<1x1x16xf32>
        tpu.vector_store %arg12[%swap3A_930, %swap3A_931, %swap3A_932], %swap3A_935 {add = true, strides = array<i32>} : memref<4x128x64xf32, #tpu.memory_space<vmem>>, vector<1x1x16xf32>,
        %get3A_936 = arith.constant 3 : i32
        %get3A_937 = arith.index_cast %get3A_936 : i32 to index
        %get3A_938 = arith.index_cast %scan3A_895 : i32 to index
        %get3A_939 = arith.constant 32 : index
        %get3A_940 = tpu.vector_load %arg13[%get3A_937, %get3A_938, %get3A_939] {strides = array<i32>} : memref<4x128x64xf32, #tpu.memory_space<vmem>>, vector<1x1x16xf32>,
        %get3A_941 = vector.shape_cast %get3A_940 : vector<1x1x16xf32> to vector<16xf32>
        %get3A_942 = arith.constant 3 : i32
        %get3A_943 = arith.index_cast %get3A_942 : i32 to index
        %get3A_944 = arith.index_cast %scan3A_895 : i32 to index
        %get3A_945 = arith.constant 32 : index
        %get3A_946 = tpu.vector_load %arg14[%get3A_943, %get3A_944, %get3A_945] {strides = array<i32>} : memref<4x128x64xf32, #tpu.memory_space<vmem>>, vector<1x1x16xf32>,
        %get3A_947 = vector.shape_cast %get3A_946 : vector<1x1x16xf32> to vector<16xf32>
        %add3A_948 = arith.addf %get3A_941, %get3A_947 : vector<16xf32>
        %swap3A_949 = arith.constant 3 : i32
        %swap3A_950 = arith.index_cast %swap3A_949 : i32 to index
        %swap3A_951 = arith.index_cast %scan3A_895 : i32 to index
        %swap3A_952 = arith.constant 32 : index
        %swap3A_953 = tpu.vector_load %arg12[%swap3A_950, %swap3A_951, %swap3A_952] {strides = array<i32>} : memref<4x128x64xf32, #tpu.memory_space<vmem>>, vector<1x1x16xf32>,
        %swap3A_954 = vector.shape_cast %swap3A_953 : vector<1x1x16xf32> to vector<16xf32>
        %swap3A_955 = vector.shape_cast %add3A_948 : vector<16xf32> to vector<1x1x16xf32>
        tpu.vector_store %arg12[%swap3A_950, %swap3A_951, %swap3A_952], %swap3A_955 {add = true, strides = array<i32>} : memref<4x128x64xf32, #tpu.memory_space<vmem>>, vector<1x1x16xf32>,
        %get3A_956 = arith.constant 3 : i32
        %get3A_957 = arith.index_cast %get3A_956 : i32 to index
        %get3A_958 = arith.index_cast %scan3A_895 : i32 to index
        %get3A_959 = arith.constant 48 : index
        %get3A_960 = tpu.vector_load %arg13[%get3A_957, %get3A_958, %get3A_959] {strides = array<i32>} : memref<4x128x64xf32, #tpu.memory_space<vmem>>, vector<1x1x16xf32>,
        %get3A_961 = vector.shape_cast %get3A_960 : vector<1x1x16xf32> to vector<16xf32>
        %get3A_962 = arith.constant 3 : i32
        %get3A_963 = arith.index_cast %get3A_962 : i32 to index
        %get3A_964 = arith.index_cast %scan3A_895 : i32 to index
        %get3A_965 = arith.constant 48 : index
        %get3A_966 = tpu.vector_load %arg14[%get3A_963, %get3A_964, %get3A_965] {strides = array<i32>} : memref<4x128x64xf32, #tpu.memory_space<vmem>>, vector<1x1x16xf32>,
        %get3A_967 = vector.shape_cast %get3A_966 : vector<1x1x16xf32> to vector<16xf32>
        %add3A_968 = arith.addf %get3A_961, %get3A_967 : vector<16xf32>
        %swap3A_969 = arith.constant 3 : i32
        %swap3A_970 = arith.index_cast %swap3A_969 : i32 to index
        %swap3A_971 = arith.index_cast %scan3A_895 : i32 to index
        %swap3A_972 = arith.constant 48 : index
        %swap3A_973 = tpu.vector_load %arg12[%swap3A_970, %swap3A_971, %swap3A_972] {strides = array<i32>} : memref<4x128x64xf32, #tpu.memory_space<vmem>>, vector<1x1x16xf32>,
        %swap3A_974 = vector.shape_cast %swap3A_973 : vector<1x1x16xf32> to vector<16xf32>
        %swap3A_975 = vector.shape_cast %add3A_968 : vector<16xf32> to vector<1x1x16xf32>
        tpu.vector_store %arg12[%swap3A_970, %swap3A_971, %swap3A_972], %swap3A_975 {add = true, strides = array<i32>} : memref<4x128x64xf32, #tpu.memory_space<vmem>>, vector<1x1x16xf32>,
        %scan3A_976 = arith.constant 3 : i32
        %scan3A_977 = arith.addi %scan3A_733, %scan3A_976 : i32
        %get3A_978 = arith.constant 3 : i32
        %get3A_979 = arith.index_cast %get3A_978 : i32 to index
        %get3A_980 = arith.index_cast %scan3A_977 : i32 to index
        %get3A_981 = arith.constant 0 : index
        %get3A_982 = tpu.vector_load %arg13[%get3A_979, %get3A_980, %get3A_981] {strides = array<i32>} : memref<4x128x64xf32, #tpu.memory_space<vmem>>, vector<1x1x16xf32>,
        %get3A_983 = vector.shape_cast %get3A_982 : vector<1x1x16xf32> to vector<16xf32>
        %get3A_984 = arith.constant 3 : i32
        %get3A_985 = arith.index_cast %get3A_984 : i32 to index
        %get3A_986 = arith.index_cast %scan3A_977 : i32 to index
        %get3A_987 = arith.constant 0 : index
        %get3A_988 = tpu.vector_load %arg14[%get3A_985, %get3A_986, %get3A_987] {strides = array<i32>} : memref<4x128x64xf32, #tpu.memory_space<vmem>>, vector<1x1x16xf32>,
        %get3A_989 = vector.shape_cast %get3A_988 : vector<1x1x16xf32> to vector<16xf32>
        %add3A_990 = arith.addf %get3A_983, %get3A_989 : vector<16xf32>
        %swap3A_991 = arith.constant 3 : i32
        %swap3A_992 = arith.index_cast %swap3A_991 : i32 to index
        %swap3A_993 = arith.index_cast %scan3A_977 : i32 to index
        %swap3A_994 = arith.constant 0 : index
        %swap3A_995 = tpu.vector_load %arg12[%swap3A_992, %swap3A_993, %swap3A_994] {strides = array<i32>} : memref<4x128x64xf32, #tpu.memory_space<vmem>>, vector<1x1x16xf32>,
        %swap3A_996 = vector.shape_cast %swap3A_995 : vector<1x1x16xf32> to vector<16xf32>
        %swap3A_997 = vector.shape_cast %add3A_990 : vector<16xf32> to vector<1x1x16xf32>
        tpu.vector_store %arg12[%swap3A_992, %swap3A_993, %swap3A_994], %swap3A_997 {add = true, strides = array<i32>} : memref<4x128x64xf32, #tpu.memory_space<vmem>>, vector<1x1x16xf32>,
        %get3A_998 = arith.constant 3 : i32
        %get3A_999 = arith.index_cast %get3A_998 : i32 to index
        %get3A_1000 = arith.index_cast %scan3A_977 : i32 to index
        %get3A_1001 = arith.constant 16 : index
        %get3A_1002 = tpu.vector_load %arg13[%get3A_999, %get3A_1000, %get3A_1001] {strides = array<i32>} : memref<4x128x64xf32, #tpu.memory_space<vmem>>, vector<1x1x16xf32>,
        %get3A_1003 = vector.shape_cast %get3A_1002 : vector<1x1x16xf32> to vector<16xf32>
        %get3A_1004 = arith.constant 3 : i32
        %get3A_1005 = arith.index_cast %get3A_1004 : i32 to index
        %get3A_1006 = arith.index_cast %scan3A_977 : i32 to index
        %get3A_1007 = arith.constant 16 : index
        %get3A_1008 = tpu.vector_load %arg14[%get3A_1005, %get3A_1006, %get3A_1007] {strides = array<i32>} : memref<4x128x64xf32, #tpu.memory_space<vmem>>, vector<1x1x16xf32>,
        %get3A_1009 = vector.shape_cast %get3A_1008 : vector<1x1x16xf32> to vector<16xf32>
        %add3A_1010 = arith.addf %get3A_1003, %get3A_1009 : vector<16xf32>
        %swap3A_1011 = arith.constant 3 : i32
        %swap3A_1012 = arith.index_cast %swap3A_1011 : i32 to index
        %swap3A_1013 = arith.index_cast %scan3A_977 : i32 to index
        %swap3A_1014 = arith.constant 16 : index
        %swap3A_1015 = tpu.vector_load %arg12[%swap3A_1012, %swap3A_1013, %swap3A_1014] {strides = array<i32>} : memref<4x128x64xf32, #tpu.memory_space<vmem>>, vector<1x1x16xf32>,
        %swap3A_1016 = vector.shape_cast %swap3A_1015 : vector<1x1x16xf32> to vector<16xf32>
        %swap3A_1017 = vector.shape_cast %add3A_1010 : vector<16xf32> to vector<1x1x16xf32>
        tpu.vector_store %arg12[%swap3A_1012, %swap3A_1013, %swap3A_1014], %swap3A_1017 {add = true, strides = array<i32>} : memref<4x128x64xf32, #tpu.memory_space<vmem>>, vector<1x1x16xf32>,
        %get3A_1018 = arith.constant 3 : i32
        %get3A_1019 = arith.index_cast %get3A_1018 : i32 to index
        %get3A_1020 = arith.index_cast %scan3A_977 : i32 to index
        %get3A_1021 = arith.constant 32 : index
        %get3A_1022 = tpu.vector_load %arg13[%get3A_1019, %get3A_1020, %get3A_1021] {strides = array<i32>} : memref<4x128x64xf32, #tpu.memory_space<vmem>>, vector<1x1x16xf32>,
        %get3A_1023 = vector.shape_cast %get3A_1022 : vector<1x1x16xf32> to vector<16xf32>
        %get3A_1024 = arith.constant 3 : i32
        %get3A_1025 = arith.index_cast %get3A_1024 : i32 to index
        %get3A_1026 = arith.index_cast %scan3A_977 : i32 to index
        %get3A_1027 = arith.constant 32 : index
        %get3A_1028 = tpu.vector_load %arg14[%get3A_1025, %get3A_1026, %get3A_1027] {strides = array<i32>} : memref<4x128x64xf32, #tpu.memory_space<vmem>>, vector<1x1x16xf32>,
        %get3A_1029 = vector.shape_cast %get3A_1028 : vector<1x1x16xf32> to vector<16xf32>
        %add3A_1030 = arith.addf %get3A_1023, %get3A_1029 : vector<16xf32>
        %swap3A_1031 = arith.constant 3 : i32
        %swap3A_1032 = arith.index_cast %swap3A_1031 : i32 to index
        %swap3A_1033 = arith.index_cast %scan3A_977 : i32 to index
        %swap3A_1034 = arith.constant 32 : index
        %swap3A_1035 = tpu.vector_load %arg12[%swap3A_1032, %swap3A_1033, %swap3A_1034] {strides = array<i32>} : memref<4x128x64xf32, #tpu.memory_space<vmem>>, vector<1x1x16xf32>,
        %swap3A_1036 = vector.shape_cast %swap3A_1035 : vector<1x1x16xf32> to vector<16xf32>
        %swap3A_1037 = vector.shape_cast %add3A_1030 : vector<16xf32> to vector<1x1x16xf32>
        tpu.vector_store %arg12[%swap3A_1032, %swap3A_1033, %swap3A_1034], %swap3A_1037 {add = true, strides = array<i32>} : memref<4x128x64xf32, #tpu.memory_space<vmem>>, vector<1x1x16xf32>,
        %get3A_1038 = arith.constant 3 : i32
        %get3A_1039 = arith.index_cast %get3A_1038 : i32 to index
        %get3A_1040 = arith.index_cast %scan3A_977 : i32 to index
        %get3A_1041 = arith.constant 48 : index
        %get3A_1042 = tpu.vector_load %arg13[%get3A_1039, %get3A_1040, %get3A_1041] {strides = array<i32>} : memref<4x128x64xf32, #tpu.memory_space<vmem>>, vector<1x1x16xf32>,
        %get3A_1043 = vector.shape_cast %get3A_1042 : vector<1x1x16xf32> to vector<16xf32>
        %get3A_1044 = arith.constant 3 : i32
        %get3A_1045 = arith.index_cast %get3A_1044 : i32 to index
        %get3A_1046 = arith.index_cast %scan3A_977 : i32 to index
        %get3A_1047 = arith.constant 48 : index
        %get3A_1048 = tpu.vector_load %arg14[%get3A_1045, %get3A_1046, %get3A_1047] {strides = array<i32>} : memref<4x128x64xf32, #tpu.memory_space<vmem>>, vector<1x1x16xf32>,
        %get3A_1049 = vector.shape_cast %get3A_1048 : vector<1x1x16xf32> to vector<16xf32>
        %add3A_1050 = arith.addf %get3A_1043, %get3A_1049 : vector<16xf32>
        %swap3A_1051 = arith.constant 3 : i32
        %swap3A_1052 = arith.index_cast %swap3A_1051 : i32 to index
        %swap3A_1053 = arith.index_cast %scan3A_977 : i32 to index
        %swap3A_1054 = arith.constant 48 : index
        %swap3A_1055 = tpu.vector_load %arg12[%swap3A_1052, %swap3A_1053, %swap3A_1054] {strides = array<i32>} : memref<4x128x64xf32, #tpu.memory_space<vmem>>, vector<1x1x16xf32>,
        %swap3A_1056 = vector.shape_cast %swap3A_1055 : vector<1x1x16xf32> to vector<16xf32>
        %swap3A_1057 = vector.shape_cast %add3A_1050 : vector<16xf32> to vector<1x1x16xf32>
        tpu.vector_store %arg12[%swap3A_1052, %swap3A_1053, %swap3A_1054], %swap3A_1057 {add = true, strides = array<i32>} : memref<4x128x64xf32, #tpu.memory_space<vmem>>, vector<1x1x16xf32>,
        %scan3A_1058 = arith.constant 4 : i32
        %scan3A_1059 = arith.addi %scan3A_733, %scan3A_1058 : i32
        %get3A_1060 = arith.constant 3 : i32
        %get3A_1061 = arith.index_cast %get3A_1060 : i32 to index
        %get3A_1062 = arith.index_cast %scan3A_1059 : i32 to index
        %get3A_1063 = arith.constant 0 : index
        %get3A_1064 = tpu.vector_load %arg13[%get3A_1061, %get3A_1062, %get3A_1063] {strides = array<i32>} : memref<4x128x64xf32, #tpu.memory_space<vmem>>, vector<1x1x16xf32>,
        %get3A_1065 = vector.shape_cast %get3A_1064 : vector<1x1x16xf32> to vector<16xf32>
        %get3A_1066 = arith.constant 3 : i32
        %get3A_1067 = arith.index_cast %get3A_1066 : i32 to index
        %get3A_1068 = arith.index_cast %scan3A_1059 : i32 to index
        %get3A_1069 = arith.constant 0 : index
        %get3A_1070 = tpu.vector_load %arg14[%get3A_1067, %get3A_1068, %get3A_1069] {strides = array<i32>} : memref<4x128x64xf32, #tpu.memory_space<vmem>>, vector<1x1x16xf32>,
        %get3A_1071 = vector.shape_cast %get3A_1070 : vector<1x1x16xf32> to vector<16xf32>
        %add3A_1072 = arith.addf %get3A_1065, %get3A_1071 : vector<16xf32>
        %swap3A_1073 = arith.constant 3 : i32
        %swap3A_1074 = arith.index_cast %swap3A_1073 : i32 to index
        %swap3A_1075 = arith.index_cast %scan3A_1059 : i32 to index
        %swap3A_1076 = arith.constant 0 : index
        %swap3A_1077 = tpu.vector_load %arg12[%swap3A_1074, %swap3A_1075, %swap3A_1076] {strides = array<i32>} : memref<4x128x64xf32, #tpu.memory_space<vmem>>, vector<1x1x16xf32>,
        %swap3A_1078 = vector.shape_cast %swap3A_1077 : vector<1x1x16xf32> to vector<16xf32>
        %swap3A_1079 = vector.shape_cast %add3A_1072 : vector<16xf32> to vector<1x1x16xf32>
        tpu.vector_store %arg12[%swap3A_1074, %swap3A_1075, %swap3A_1076], %swap3A_1079 {add = true, strides = array<i32>} : memref<4x128x64xf32, #tpu.memory_space<vmem>>, vector<1x1x16xf32>,
        %get3A_1080 = arith.constant 3 : i32
        %get3A_1081 = arith.index_cast %get3A_1080 : i32 to index
        %get3A_1082 = arith.index_cast %scan3A_1059 : i32 to index
        %get3A_1083 = arith.constant 16 : index
        %get3A_1084 = tpu.vector_load %arg13[%get3A_1081, %get3A_1082, %get3A_1083] {strides = array<i32>} : memref<4x128x64xf32, #tpu.memory_space<vmem>>, vector<1x1x16xf32>,
        %get3A_1085 = vector.shape_cast %get3A_1084 : vector<1x1x16xf32> to vector<16xf32>
        %get3A_1086 = arith.constant 3 : i32
        %get3A_1087 = arith.index_cast %get3A_1086 : i32 to index
        %get3A_1088 = arith.index_cast %scan3A_1059 : i32 to index
        %get3A_1089 = arith.constant 16 : index
        %get3A_1090 = tpu.vector_load %arg14[%get3A_1087, %get3A_1088, %get3A_1089] {strides = array<i32>} : memref<4x128x64xf32, #tpu.memory_space<vmem>>, vector<1x1x16xf32>,
        %get3A_1091 = vector.shape_cast %get3A_1090 : vector<1x1x16xf32> to vector<16xf32>
        %add3A_1092 = arith.addf %get3A_1085, %get3A_1091 : vector<16xf32>
        %swap3A_1093 = arith.constant 3 : i32
        %swap3A_1094 = arith.index_cast %swap3A_1093 : i32 to index
        %swap3A_1095 = arith.index_cast %scan3A_1059 : i32 to index
        %swap3A_1096 = arith.constant 16 : index
        %swap3A_1097 = tpu.vector_load %arg12[%swap3A_1094, %swap3A_1095, %swap3A_1096] {strides = array<i32>} : memref<4x128x64xf32, #tpu.memory_space<vmem>>, vector<1x1x16xf32>,
        %swap3A_1098 = vector.shape_cast %swap3A_1097 : vector<1x1x16xf32> to vector<16xf32>
        %swap3A_1099 = vector.shape_cast %add3A_1092 : vector<16xf32> to vector<1x1x16xf32>
        tpu.vector_store %arg12[%swap3A_1094, %swap3A_1095, %swap3A_1096], %swap3A_1099 {add = true, strides = array<i32>} : memref<4x128x64xf32, #tpu.memory_space<vmem>>, vector<1x1x16xf32>,
        %get3A_1100 = arith.constant 3 : i32
        %get3A_1101 = arith.index_cast %get3A_1100 : i32 to index
        %get3A_1102 = arith.index_cast %scan3A_1059 : i32 to index
        %get3A_1103 = arith.constant 32 : index
        %get3A_1104 = tpu.vector_load %arg13[%get3A_1101, %get3A_1102, %get3A_1103] {strides = array<i32>} : memref<4x128x64xf32, #tpu.memory_space<vmem>>, vector<1x1x16xf32>,
        %get3A_1105 = vector.shape_cast %get3A_1104 : vector<1x1x16xf32> to vector<16xf32>
        %get3A_1106 = arith.constant 3 : i32
        %get3A_1107 = arith.index_cast %get3A_1106 : i32 to index
        %get3A_1108 = arith.index_cast %scan3A_1059 : i32 to index
        %get3A_1109 = arith.constant 32 : index
        %get3A_1110 = tpu.vector_load %arg14[%get3A_1107, %get3A_1108, %get3A_1109] {strides = array<i32>} : memref<4x128x64xf32, #tpu.memory_space<vmem>>, vector<1x1x16xf32>,
        %get3A_1111 = vector.shape_cast %get3A_1110 : vector<1x1x16xf32> to vector<16xf32>
        %add3A_1112 = arith.addf %get3A_1105, %get3A_1111 : vector<16xf32>
        %swap3A_1113 = arith.constant 3 : i32
        %swap3A_1114 = arith.index_cast %swap3A_1113 : i32 to index
        %swap3A_1115 = arith.index_cast %scan3A_1059 : i32 to index
        %swap3A_1116 = arith.constant 32 : index
        %swap3A_1117 = tpu.vector_load %arg12[%swap3A_1114, %swap3A_1115, %swap3A_1116] {strides = array<i32>} : memref<4x128x64xf32, #tpu.memory_space<vmem>>, vector<1x1x16xf32>,
        %swap3A_1118 = vector.shape_cast %swap3A_1117 : vector<1x1x16xf32> to vector<16xf32>
        %swap3A_1119 = vector.shape_cast %add3A_1112 : vector<16xf32> to vector<1x1x16xf32>
        tpu.vector_store %arg12[%swap3A_1114, %swap3A_1115, %swap3A_1116], %swap3A_1119 {add = true, strides = array<i32>} : memref<4x128x64xf32, #tpu.memory_space<vmem>>, vector<1x1x16xf32>,
        %get3A_1120 = arith.constant 3 : i32
        %get3A_1121 = arith.index_cast %get3A_1120 : i32 to index
        %get3A_1122 = arith.index_cast %scan3A_1059 : i32 to index
        %get3A_1123 = arith.constant 48 : index
        %get3A_1124 = tpu.vector_load %arg13[%get3A_1121, %get3A_1122, %get3A_1123] {strides = array<i32>} : memref<4x128x64xf32, #tpu.memory_space<vmem>>, vector<1x1x16xf32>,
        %get3A_1125 = vector.shape_cast %get3A_1124 : vector<1x1x16xf32> to vector<16xf32>
        %get3A_1126 = arith.constant 3 : i32
        %get3A_1127 = arith.index_cast %get3A_1126 : i32 to index
        %get3A_1128 = arith.index_cast %scan3A_1059 : i32 to index
        %get3A_1129 = arith.constant 48 : index
        %get3A_1130 = tpu.vector_load %arg14[%get3A_1127, %get3A_1128, %get3A_1129] {strides = array<i32>} : memref<4x128x64xf32, #tpu.memory_space<vmem>>, vector<1x1x16xf32>,
        %get3A_1131 = vector.shape_cast %get3A_1130 : vector<1x1x16xf32> to vector<16xf32>
        %add3A_1132 = arith.addf %get3A_1125, %get3A_1131 : vector<16xf32>
        %swap3A_1133 = arith.constant 3 : i32
        %swap3A_1134 = arith.index_cast %swap3A_1133 : i32 to index
        %swap3A_1135 = arith.index_cast %scan3A_1059 : i32 to index
        %swap3A_1136 = arith.constant 48 : index
        %swap3A_1137 = tpu.vector_load %arg12[%swap3A_1134, %swap3A_1135, %swap3A_1136] {strides = array<i32>} : memref<4x128x64xf32, #tpu.memory_space<vmem>>, vector<1x1x16xf32>,
        %swap3A_1138 = vector.shape_cast %swap3A_1137 : vector<1x1x16xf32> to vector<16xf32>
        %swap3A_1139 = vector.shape_cast %add3A_1132 : vector<16xf32> to vector<1x1x16xf32>
        tpu.vector_store %arg12[%swap3A_1134, %swap3A_1135, %swap3A_1136], %swap3A_1139 {add = true, strides = array<i32>} : memref<4x128x64xf32, #tpu.memory_space<vmem>>, vector<1x1x16xf32>,
        %scan3A_1140 = arith.constant 5 : i32
        %scan3A_1141 = arith.addi %scan3A_733, %scan3A_1140 : i32
        %get3A_1142 = arith.constant 3 : i32
        %get3A_1143 = arith.index_cast %get3A_1142 : i32 to index
        %get3A_1144 = arith.index_cast %scan3A_1141 : i32 to index
        %get3A_1145 = arith.constant 0 : index
        %get3A_1146 = tpu.vector_load %arg13[%get3A_1143, %get3A_1144, %get3A_1145] {strides = array<i32>} : memref<4x128x64xf32, #tpu.memory_space<vmem>>, vector<1x1x16xf32>,
        %get3A_1147 = vector.shape_cast %get3A_1146 : vector<1x1x16xf32> to vector<16xf32>
        %get3A_1148 = arith.constant 3 : i32
        %get3A_1149 = arith.index_cast %get3A_1148 : i32 to index
        %get3A_1150 = arith.index_cast %scan3A_1141 : i32 to index
        %get3A_1151 = arith.constant 0 : index
        %get3A_1152 = tpu.vector_load %arg14[%get3A_1149, %get3A_1150, %get3A_1151] {strides = array<i32>} : memref<4x128x64xf32, #tpu.memory_space<vmem>>, vector<1x1x16xf32>,
        %get3A_1153 = vector.shape_cast %get3A_1152 : vector<1x1x16xf32> to vector<16xf32>
        %add3A_1154 = arith.addf %get3A_1147, %get3A_1153 : vector<16xf32>
        %swap3A_1155 = arith.constant 3 : i32
        %swap3A_1156 = arith.index_cast %swap3A_1155 : i32 to index
        %swap3A_1157 = arith.index_cast %scan3A_1141 : i32 to index
        %swap3A_1158 = arith.constant 0 : index
        %swap3A_1159 = tpu.vector_load %arg12[%swap3A_1156, %swap3A_1157, %swap3A_1158] {strides = array<i32>} : memref<4x128x64xf32, #tpu.memory_space<vmem>>, vector<1x1x16xf32>,
        %swap3A_1160 = vector.shape_cast %swap3A_1159 : vector<1x1x16xf32> to vector<16xf32>
        %swap3A_1161 = vector.shape_cast %add3A_1154 : vector<16xf32> to vector<1x1x16xf32>
        tpu.vector_store %arg12[%swap3A_1156, %swap3A_1157, %swap3A_1158], %swap3A_1161 {add = true, strides = array<i32>} : memref<4x128x64xf32, #tpu.memory_space<vmem>>, vector<1x1x16xf32>,
        %get3A_1162 = arith.constant 3 : i32
        %get3A_1163 = arith.index_cast %get3A_1162 : i32 to index
        %get3A_1164 = arith.index_cast %scan3A_1141 : i32 to index
        %get3A_1165 = arith.constant 16 : index
        %get3A_1166 = tpu.vector_load %arg13[%get3A_1163, %get3A_1164, %get3A_1165] {strides = array<i32>} : memref<4x128x64xf32, #tpu.memory_space<vmem>>, vector<1x1x16xf32>,
        %get3A_1167 = vector.shape_cast %get3A_1166 : vector<1x1x16xf32> to vector<16xf32>
        %get3A_1168 = arith.constant 3 : i32
        %get3A_1169 = arith.index_cast %get3A_1168 : i32 to index
        %get3A_1170 = arith.index_cast %scan3A_1141 : i32 to index
        %get3A_1171 = arith.constant 16 : index
        %get3A_1172 = tpu.vector_load %arg14[%get3A_1169, %get3A_1170, %get3A_1171] {strides = array<i32>} : memref<4x128x64xf32, #tpu.memory_space<vmem>>, vector<1x1x16xf32>,
        %get3A_1173 = vector.shape_cast %get3A_1172 : vector<1x1x16xf32> to vector<16xf32>
        %add3A_1174 = arith.addf %get3A_1167, %get3A_1173 : vector<16xf32>
        %swap3A_1175 = arith.constant 3 : i32
        %swap3A_1176 = arith.index_cast %swap3A_1175 : i32 to index
        %swap3A_1177 = arith.index_cast %scan3A_1141 : i32 to index
        %swap3A_1178 = arith.constant 16 : index
        %swap3A_1179 = tpu.vector_load %arg12[%swap3A_1176, %swap3A_1177, %swap3A_1178] {strides = array<i32>} : memref<4x128x64xf32, #tpu.memory_space<vmem>>, vector<1x1x16xf32>,
        %swap3A_1180 = vector.shape_cast %swap3A_1179 : vector<1x1x16xf32> to vector<16xf32>
        %swap3A_1181 = vector.shape_cast %add3A_1174 : vector<16xf32> to vector<1x1x16xf32>
        tpu.vector_store %arg12[%swap3A_1176, %swap3A_1177, %swap3A_1178], %swap3A_1181 {add = true, strides = array<i32>} : memref<4x128x64xf32, #tpu.memory_space<vmem>>, vector<1x1x16xf32>,
        %get3A_1182 = arith.constant 3 : i32
        %get3A_1183 = arith.index_cast %get3A_1182 : i32 to index
        %get3A_1184 = arith.index_cast %scan3A_1141 : i32 to index
        %get3A_1185 = arith.constant 32 : index
        %get3A_1186 = tpu.vector_load %arg13[%get3A_1183, %get3A_1184, %get3A_1185] {strides = array<i32>} : memref<4x128x64xf32, #tpu.memory_space<vmem>>, vector<1x1x16xf32>,
        %get3A_1187 = vector.shape_cast %get3A_1186 : vector<1x1x16xf32> to vector<16xf32>
        %get3A_1188 = arith.constant 3 : i32
        %get3A_1189 = arith.index_cast %get3A_1188 : i32 to index
        %get3A_1190 = arith.index_cast %scan3A_1141 : i32 to index
        %get3A_1191 = arith.constant 32 : index
        %get3A_1192 = tpu.vector_load %arg14[%get3A_1189, %get3A_1190, %get3A_1191] {strides = array<i32>} : memref<4x128x64xf32, #tpu.memory_space<vmem>>, vector<1x1x16xf32>,
        %get3A_1193 = vector.shape_cast %get3A_1192 : vector<1x1x16xf32> to vector<16xf32>
        %add3A_1194 = arith.addf %get3A_1187, %get3A_1193 : vector<16xf32>
        %swap3A_1195 = arith.constant 3 : i32
        %swap3A_1196 = arith.index_cast %swap3A_1195 : i32 to index
        %swap3A_1197 = arith.index_cast %scan3A_1141 : i32 to index
        %swap3A_1198 = arith.constant 32 : index
        %swap3A_1199 = tpu.vector_load %arg12[%swap3A_1196, %swap3A_1197, %swap3A_1198] {strides = array<i32>} : memref<4x128x64xf32, #tpu.memory_space<vmem>>, vector<1x1x16xf32>,
        %swap3A_1200 = vector.shape_cast %swap3A_1199 : vector<1x1x16xf32> to vector<16xf32>
        %swap3A_1201 = vector.shape_cast %add3A_1194 : vector<16xf32> to vector<1x1x16xf32>
        tpu.vector_store %arg12[%swap3A_1196, %swap3A_1197, %swap3A_1198], %swap3A_1201 {add = true, strides = array<i32>} : memref<4x128x64xf32, #tpu.memory_space<vmem>>, vector<1x1x16xf32>,
        %get3A_1202 = arith.constant 3 : i32
        %get3A_1203 = arith.index_cast %get3A_1202 : i32 to index
        %get3A_1204 = arith.index_cast %scan3A_1141 : i32 to index
        %get3A_1205 = arith.constant 48 : index
        %get3A_1206 = tpu.vector_load %arg13[%get3A_1203, %get3A_1204, %get3A_1205] {strides = array<i32>} : memref<4x128x64xf32, #tpu.memory_space<vmem>>, vector<1x1x16xf32>,
        %get3A_1207 = vector.shape_cast %get3A_1206 : vector<1x1x16xf32> to vector<16xf32>
        %get3A_1208 = arith.constant 3 : i32
        %get3A_1209 = arith.index_cast %get3A_1208 : i32 to index
        %get3A_1210 = arith.index_cast %scan3A_1141 : i32 to index
        %get3A_1211 = arith.constant 48 : index
        %get3A_1212 = tpu.vector_load %arg14[%get3A_1209, %get3A_1210, %get3A_1211] {strides = array<i32>} : memref<4x128x64xf32, #tpu.memory_space<vmem>>, vector<1x1x16xf32>,
        %get3A_1213 = vector.shape_cast %get3A_1212 : vector<1x1x16xf32> to vector<16xf32>
        %add3A_1214 = arith.addf %get3A_1207, %get3A_1213 : vector<16xf32>
        %swap3A_1215 = arith.constant 3 : i32
        %swap3A_1216 = arith.index_cast %swap3A_1215 : i32 to index
        %swap3A_1217 = arith.index_cast %scan3A_1141 : i32 to index
        %swap3A_1218 = arith.constant 48 : index
        %swap3A_1219 = tpu.vector_load %arg12[%swap3A_1216, %swap3A_1217, %swap3A_1218] {strides = array<i32>} : memref<4x128x64xf32, #tpu.memory_space<vmem>>, vector<1x1x16xf32>,
        %swap3A_1220 = vector.shape_cast %swap3A_1219 : vector<1x1x16xf32> to vector<16xf32>
        %swap3A_1221 = vector.shape_cast %add3A_1214 : vector<16xf32> to vector<1x1x16xf32>
        tpu.vector_store %arg12[%swap3A_1216, %swap3A_1217, %swap3A_1218], %swap3A_1221 {add = true, strides = array<i32>} : memref<4x128x64xf32, #tpu.memory_space<vmem>>, vector<1x1x16xf32>,
        %scan3A_1222 = arith.constant 6 : i32
        %scan3A_1223 = arith.addi %scan3A_733, %scan3A_1222 : i32
        %get3A_1224 = arith.constant 3 : i32
        %get3A_1225 = arith.index_cast %get3A_1224 : i32 to index
        %get3A_1226 = arith.index_cast %scan3A_1223 : i32 to index
        %get3A_1227 = arith.constant 0 : index
        %get3A_1228 = tpu.vector_load %arg13[%get3A_1225, %get3A_1226, %get3A_1227] {strides = array<i32>} : memref<4x128x64xf32, #tpu.memory_space<vmem>>, vector<1x1x16xf32>,
        %get3A_1229 = vector.shape_cast %get3A_1228 : vector<1x1x16xf32> to vector<16xf32>
        %get3A_1230 = arith.constant 3 : i32
        %get3A_1231 = arith.index_cast %get3A_1230 : i32 to index
        %get3A_1232 = arith.index_cast %scan3A_1223 : i32 to index
        %get3A_1233 = arith.constant 0 : index
        %get3A_1234 = tpu.vector_load %arg14[%get3A_1231, %get3A_1232, %get3A_1233] {strides = array<i32>} : memref<4x128x64xf32, #tpu.memory_space<vmem>>, vector<1x1x16xf32>,
        %get3A_1235 = vector.shape_cast %get3A_1234 : vector<1x1x16xf32> to vector<16xf32>
        %add3A_1236 = arith.addf %get3A_1229, %get3A_1235 : vector<16xf32>
        %swap3A_1237 = arith.constant 3 : i32
        %swap3A_1238 = arith.index_cast %swap3A_1237 : i32 to index
        %swap3A_1239 = arith.index_cast %scan3A_1223 : i32 to index
        %swap3A_1240 = arith.constant 0 : index
        %swap3A_1241 = tpu.vector_load %arg12[%swap3A_1238, %swap3A_1239, %swap3A_1240] {strides = array<i32>} : memref<4x128x64xf32, #tpu.memory_space<vmem>>, vector<1x1x16xf32>,
        %swap3A_1242 = vector.shape_cast %swap3A_1241 : vector<1x1x16xf32> to vector<16xf32>
        %swap3A_1243 = vector.shape_cast %add3A_1236 : vector<16xf32> to vector<1x1x16xf32>
        tpu.vector_store %arg12[%swap3A_1238, %swap3A_1239, %swap3A_1240], %swap3A_1243 {add = true, strides = array<i32>} : memref<4x128x64xf32, #tpu.memory_space<vmem>>, vector<1x1x16xf32>,
        %get3A_1244 = arith.constant 3 : i32
        %get3A_1245 = arith.index_cast %get3A_1244 : i32 to index
        %get3A_1246 = arith.index_cast %scan3A_1223 : i32 to index
        %get3A_1247 = arith.constant 16 : index
        %get3A_1248 = tpu.vector_load %arg13[%get3A_1245, %get3A_1246, %get3A_1247] {strides = array<i32>} : memref<4x128x64xf32, #tpu.memory_space<vmem>>, vector<1x1x16xf32>,
        %get3A_1249 = vector.shape_cast %get3A_1248 : vector<1x1x16xf32> to vector<16xf32>
        %get3A_1250 = arith.constant 3 : i32
        %get3A_1251 = arith.index_cast %get3A_1250 : i32 to index
        %get3A_1252 = arith.index_cast %scan3A_1223 : i32 to index
        %get3A_1253 = arith.constant 16 : index
        %get3A_1254 = tpu.vector_load %arg14[%get3A_1251, %get3A_1252, %get3A_1253] {strides = array<i32>} : memref<4x128x64xf32, #tpu.memory_space<vmem>>, vector<1x1x16xf32>,
        %get3A_1255 = vector.shape_cast %get3A_1254 : vector<1x1x16xf32> to vector<16xf32>
        %add3A_1256 = arith.addf %get3A_1249, %get3A_1255 : vector<16xf32>
        %swap3A_1257 = arith.constant 3 : i32
        %swap3A_1258 = arith.index_cast %swap3A_1257 : i32 to index
        %swap3A_1259 = arith.index_cast %scan3A_1223 : i32 to index
        %swap3A_1260 = arith.constant 16 : index
        %swap3A_1261 = tpu.vector_load %arg12[%swap3A_1258, %swap3A_1259, %swap3A_1260] {strides = array<i32>} : memref<4x128x64xf32, #tpu.memory_space<vmem>>, vector<1x1x16xf32>,
        %swap3A_1262 = vector.shape_cast %swap3A_1261 : vector<1x1x16xf32> to vector<16xf32>
        %swap3A_1263 = vector.shape_cast %add3A_1256 : vector<16xf32> to vector<1x1x16xf32>
        tpu.vector_store %arg12[%swap3A_1258, %swap3A_1259, %swap3A_1260], %swap3A_1263 {add = true, strides = array<i32>} : memref<4x128x64xf32, #tpu.memory_space<vmem>>, vector<1x1x16xf32>,
        %get3A_1264 = arith.constant 3 : i32
        %get3A_1265 = arith.index_cast %get3A_1264 : i32 to index
        %get3A_1266 = arith.index_cast %scan3A_1223 : i32 to index
        %get3A_1267 = arith.constant 32 : index
        %get3A_1268 = tpu.vector_load %arg13[%get3A_1265, %get3A_1266, %get3A_1267] {strides = array<i32>} : memref<4x128x64xf32, #tpu.memory_space<vmem>>, vector<1x1x16xf32>,
        %get3A_1269 = vector.shape_cast %get3A_1268 : vector<1x1x16xf32> to vector<16xf32>
        %get3A_1270 = arith.constant 3 : i32
        %get3A_1271 = arith.index_cast %get3A_1270 : i32 to index
        %get3A_1272 = arith.index_cast %scan3A_1223 : i32 to index
        %get3A_1273 = arith.constant 32 : index
        %get3A_1274 = tpu.vector_load %arg14[%get3A_1271, %get3A_1272, %get3A_1273] {strides = array<i32>} : memref<4x128x64xf32, #tpu.memory_space<vmem>>, vector<1x1x16xf32>,
        %get3A_1275 = vector.shape_cast %get3A_1274 : vector<1x1x16xf32> to vector<16xf32>
        %add3A_1276 = arith.addf %get3A_1269, %get3A_1275 : vector<16xf32>
        %swap3A_1277 = arith.constant 3 : i32
        %swap3A_1278 = arith.index_cast %swap3A_1277 : i32 to index
        %swap3A_1279 = arith.index_cast %scan3A_1223 : i32 to index
        %swap3A_1280 = arith.constant 32 : index
        %swap3A_1281 = tpu.vector_load %arg12[%swap3A_1278, %swap3A_1279, %swap3A_1280] {strides = array<i32>} : memref<4x128x64xf32, #tpu.memory_space<vmem>>, vector<1x1x16xf32>,
        %swap3A_1282 = vector.shape_cast %swap3A_1281 : vector<1x1x16xf32> to vector<16xf32>
        %swap3A_1283 = vector.shape_cast %add3A_1276 : vector<16xf32> to vector<1x1x16xf32>
        tpu.vector_store %arg12[%swap3A_1278, %swap3A_1279, %swap3A_1280], %swap3A_1283 {add = true, strides = array<i32>} : memref<4x128x64xf32, #tpu.memory_space<vmem>>, vector<1x1x16xf32>,
        %get3A_1284 = arith.constant 3 : i32
        %get3A_1285 = arith.index_cast %get3A_1284 : i32 to index
        %get3A_1286 = arith.index_cast %scan3A_1223 : i32 to index
        %get3A_1287 = arith.constant 48 : index
        %get3A_1288 = tpu.vector_load %arg13[%get3A_1285, %get3A_1286, %get3A_1287] {strides = array<i32>} : memref<4x128x64xf32, #tpu.memory_space<vmem>>, vector<1x1x16xf32>,
        %get3A_1289 = vector.shape_cast %get3A_1288 : vector<1x1x16xf32> to vector<16xf32>
        %get3A_1290 = arith.constant 3 : i32
        %get3A_1291 = arith.index_cast %get3A_1290 : i32 to index
        %get3A_1292 = arith.index_cast %scan3A_1223 : i32 to index
        %get3A_1293 = arith.constant 48 : index
        %get3A_1294 = tpu.vector_load %arg14[%get3A_1291, %get3A_1292, %get3A_1293] {strides = array<i32>} : memref<4x128x64xf32, #tpu.memory_space<vmem>>, vector<1x1x16xf32>,
        %get3A_1295 = vector.shape_cast %get3A_1294 : vector<1x1x16xf32> to vector<16xf32>
        %add3A_1296 = arith.addf %get3A_1289, %get3A_1295 : vector<16xf32>
        %swap3A_1297 = arith.constant 3 : i32
        %swap3A_1298 = arith.index_cast %swap3A_1297 : i32 to index
        %swap3A_1299 = arith.index_cast %scan3A_1223 : i32 to index
        %swap3A_1300 = arith.constant 48 : index
        %swap3A_1301 = tpu.vector_load %arg12[%swap3A_1298, %swap3A_1299, %swap3A_1300] {strides = array<i32>} : memref<4x128x64xf32, #tpu.memory_space<vmem>>, vector<1x1x16xf32>,
        %swap3A_1302 = vector.shape_cast %swap3A_1301 : vector<1x1x16xf32> to vector<16xf32>
        %swap3A_1303 = vector.shape_cast %add3A_1296 : vector<16xf32> to vector<1x1x16xf32>
        tpu.vector_store %arg12[%swap3A_1298, %swap3A_1299, %swap3A_1300], %swap3A_1303 {add = true, strides = array<i32>} : memref<4x128x64xf32, #tpu.memory_space<vmem>>, vector<1x1x16xf32>,
        %scan3A_1304 = arith.constant 7 : i32
        %scan3A_1305 = arith.addi %scan3A_733, %scan3A_1304 : i32
        %get3A_1306 = arith.constant 3 : i32
        %get3A_1307 = arith.index_cast %get3A_1306 : i32 to index
        %get3A_1308 = arith.index_cast %scan3A_1305 : i32 to index
        %get3A_1309 = arith.constant 0 : index
        %get3A_1310 = tpu.vector_load %arg13[%get3A_1307, %get3A_1308, %get3A_1309] {strides = array<i32>} : memref<4x128x64xf32, #tpu.memory_space<vmem>>, vector<1x1x16xf32>,
        %get3A_1311 = vector.shape_cast %get3A_1310 : vector<1x1x16xf32> to vector<16xf32>
        %get3A_1312 = arith.constant 3 : i32
        %get3A_1313 = arith.index_cast %get3A_1312 : i32 to index
        %get3A_1314 = arith.index_cast %scan3A_1305 : i32 to index
        %get3A_1315 = arith.constant 0 : index
        %get3A_1316 = tpu.vector_load %arg14[%get3A_1313, %get3A_1314, %get3A_1315] {strides = array<i32>} : memref<4x128x64xf32, #tpu.memory_space<vmem>>, vector<1x1x16xf32>,
        %get3A_1317 = vector.shape_cast %get3A_1316 : vector<1x1x16xf32> to vector<16xf32>
        %add3A_1318 = arith.addf %get3A_1311, %get3A_1317 : vector<16xf32>
        %swap3A_1319 = arith.constant 3 : i32
        %swap3A_1320 = arith.index_cast %swap3A_1319 : i32 to index
        %swap3A_1321 = arith.index_cast %scan3A_1305 : i32 to index
        %swap3A_1322 = arith.constant 0 : index
        %swap3A_1323 = tpu.vector_load %arg12[%swap3A_1320, %swap3A_1321, %swap3A_1322] {strides = array<i32>} : memref<4x128x64xf32, #tpu.memory_space<vmem>>, vector<1x1x16xf32>,
        %swap3A_1324 = vector.shape_cast %swap3A_1323 : vector<1x1x16xf32> to vector<16xf32>
        %swap3A_1325 = vector.shape_cast %add3A_1318 : vector<16xf32> to vector<1x1x16xf32>
        tpu.vector_store %arg12[%swap3A_1320, %swap3A_1321, %swap3A_1322], %swap3A_1325 {add = true, strides = array<i32>} : memref<4x128x64xf32, #tpu.memory_space<vmem>>, vector<1x1x16xf32>,
        %get3A_1326 = arith.constant 3 : i32
        %get3A_1327 = arith.index_cast %get3A_1326 : i32 to index
        %get3A_1328 = arith.index_cast %scan3A_1305 : i32 to index
        %get3A_1329 = arith.constant 16 : index
        %get3A_1330 = tpu.vector_load %arg13[%get3A_1327, %get3A_1328, %get3A_1329] {strides = array<i32>} : memref<4x128x64xf32, #tpu.memory_space<vmem>>, vector<1x1x16xf32>,
        %get3A_1331 = vector.shape_cast %get3A_1330 : vector<1x1x16xf32> to vector<16xf32>
        %get3A_1332 = arith.constant 3 : i32
        %get3A_1333 = arith.index_cast %get3A_1332 : i32 to index
        %get3A_1334 = arith.index_cast %scan3A_1305 : i32 to index
        %get3A_1335 = arith.constant 16 : index
        %get3A_1336 = tpu.vector_load %arg14[%get3A_1333, %get3A_1334, %get3A_1335] {strides = array<i32>} : memref<4x128x64xf32, #tpu.memory_space<vmem>>, vector<1x1x16xf32>,
        %get3A_1337 = vector.shape_cast %get3A_1336 : vector<1x1x16xf32> to vector<16xf32>
        %add3A_1338 = arith.addf %get3A_1331, %get3A_1337 : vector<16xf32>
        %swap3A_1339 = arith.constant 3 : i32
        %swap3A_1340 = arith.index_cast %swap3A_1339 : i32 to index
        %swap3A_1341 = arith.index_cast %scan3A_1305 : i32 to index
        %swap3A_1342 = arith.constant 16 : index
        %swap3A_1343 = tpu.vector_load %arg12[%swap3A_1340, %swap3A_1341, %swap3A_1342] {strides = array<i32>} : memref<4x128x64xf32, #tpu.memory_space<vmem>>, vector<1x1x16xf32>,
        %swap3A_1344 = vector.shape_cast %swap3A_1343 : vector<1x1x16xf32> to vector<16xf32>
        %swap3A_1345 = vector.shape_cast %add3A_1338 : vector<16xf32> to vector<1x1x16xf32>
        tpu.vector_store %arg12[%swap3A_1340, %swap3A_1341, %swap3A_1342], %swap3A_1345 {add = true, strides = array<i32>} : memref<4x128x64xf32, #tpu.memory_space<vmem>>, vector<1x1x16xf32>,
        %get3A_1346 = arith.constant 3 : i32
        %get3A_1347 = arith.index_cast %get3A_1346 : i32 to index
        %get3A_1348 = arith.index_cast %scan3A_1305 : i32 to index
        %get3A_1349 = arith.constant 32 : index
        %get3A_1350 = tpu.vector_load %arg13[%get3A_1347, %get3A_1348, %get3A_1349] {strides = array<i32>} : memref<4x128x64xf32, #tpu.memory_space<vmem>>, vector<1x1x16xf32>,
        %get3A_1351 = vector.shape_cast %get3A_1350 : vector<1x1x16xf32> to vector<16xf32>
        %get3A_1352 = arith.constant 3 : i32
        %get3A_1353 = arith.index_cast %get3A_1352 : i32 to index
        %get3A_1354 = arith.index_cast %scan3A_1305 : i32 to index
        %get3A_1355 = arith.constant 32 : index
        %get3A_1356 = tpu.vector_load %arg14[%get3A_1353, %get3A_1354, %get3A_1355] {strides = array<i32>} : memref<4x128x64xf32, #tpu.memory_space<vmem>>, vector<1x1x16xf32>,
        %get3A_1357 = vector.shape_cast %get3A_1356 : vector<1x1x16xf32> to vector<16xf32>
        %add3A_1358 = arith.addf %get3A_1351, %get3A_1357 : vector<16xf32>
        %swap3A_1359 = arith.constant 3 : i32
        %swap3A_1360 = arith.index_cast %swap3A_1359 : i32 to index
        %swap3A_1361 = arith.index_cast %scan3A_1305 : i32 to index
        %swap3A_1362 = arith.constant 32 : index
        %swap3A_1363 = tpu.vector_load %arg12[%swap3A_1360, %swap3A_1361, %swap3A_1362] {strides = array<i32>} : memref<4x128x64xf32, #tpu.memory_space<vmem>>, vector<1x1x16xf32>,
        %swap3A_1364 = vector.shape_cast %swap3A_1363 : vector<1x1x16xf32> to vector<16xf32>
        %swap3A_1365 = vector.shape_cast %add3A_1358 : vector<16xf32> to vector<1x1x16xf32>
        tpu.vector_store %arg12[%swap3A_1360, %swap3A_1361, %swap3A_1362], %swap3A_1365 {add = true, strides = array<i32>} : memref<4x128x64xf32, #tpu.memory_space<vmem>>, vector<1x1x16xf32>,
        %get3A_1366 = arith.constant 3 : i32
        %get3A_1367 = arith.index_cast %get3A_1366 : i32 to index
        %get3A_1368 = arith.index_cast %scan3A_1305 : i32 to index
        %get3A_1369 = arith.constant 48 : index
        %get3A_1370 = tpu.vector_load %arg13[%get3A_1367, %get3A_1368, %get3A_1369] {strides = array<i32>} : memref<4x128x64xf32, #tpu.memory_space<vmem>>, vector<1x1x16xf32>,
        %get3A_1371 = vector.shape_cast %get3A_1370 : vector<1x1x16xf32> to vector<16xf32>
        %get3A_1372 = arith.constant 3 : i32
        %get3A_1373 = arith.index_cast %get3A_1372 : i32 to index
        %get3A_1374 = arith.index_cast %scan3A_1305 : i32 to index
        %get3A_1375 = arith.constant 48 : index
        %get3A_1376 = tpu.vector_load %arg14[%get3A_1373, %get3A_1374, %get3A_1375] {strides = array<i32>} : memref<4x128x64xf32, #tpu.memory_space<vmem>>, vector<1x1x16xf32>,
        %get3A_1377 = vector.shape_cast %get3A_1376 : vector<1x1x16xf32> to vector<16xf32>
        %add3A_1378 = arith.addf %get3A_1371, %get3A_1377 : vector<16xf32>
        %swap3A_1379 = arith.constant 3 : i32
        %swap3A_1380 = arith.index_cast %swap3A_1379 : i32 to index
        %swap3A_1381 = arith.index_cast %scan3A_1305 : i32 to index
        %swap3A_1382 = arith.constant 48 : index
        %swap3A_1383 = tpu.vector_load %arg12[%swap3A_1380, %swap3A_1381, %swap3A_1382] {strides = array<i32>} : memref<4x128x64xf32, #tpu.memory_space<vmem>>, vector<1x1x16xf32>,
        %swap3A_1384 = vector.shape_cast %swap3A_1383 : vector<1x1x16xf32> to vector<16xf32>
        %swap3A_1385 = vector.shape_cast %add3A_1378 : vector<16xf32> to vector<1x1x16xf32>
        tpu.vector_store %arg12[%swap3A_1380, %swap3A_1381, %swap3A_1382], %swap3A_1385 {add = true, strides = array<i32>} : memref<4x128x64xf32, #tpu.memory_space<vmem>>, vector<1x1x16xf32>,
      }
      %scan3A_699 = arith.constant 128 : i32
      %add3A_700 = arith.constant 3 : i32
      %add3A_701 = arith.addi %mul3A_460, %add3A_700 : i32
      %mul3A_702 = arith.constant 128 : i32
      %mul3A_703 = arith.muli %add3A_701, %mul3A_702 : i32
      %add3A_704 = arith.addi %mul3A_2, %mul3A_703 : i32
      %dma_start3A_705 = arith.constant 3 : i32
      %dma_start3A_706 = arith.constant 0 : i32
      %dma_start3A_707 = arith.constant 0 : i32
      %dma_start3A_708 = tpu.memref_slice %arg12[%dma_start3A_705, %dma_start3A_706, %dma_start3A_707] : memref<4x128x64xf32, #tpu.memory_space<vmem>> -> memref<1x128x64xf32, #tpu.memory_space<vmem>>
      %dma_start3A_709 = tpu.memref_squeeze %dma_start3A_708 : memref<1x128x64xf32, #tpu.memory_space<vmem>> -> memref<128x64xf32, #tpu.memory_space<vmem>>
      %dma_start3A_710 = arith.constant 0 : i32
      %dma_start3A_711 = tpu.memref_slice %arg8[%add3A_704, %dma_start3A_710] : memref<819200x64xf32, #tpu.memory_space<hbm>> -> memref<128x64xf32, #tpu.memory_space<hbm>>
      %dma_start3A_712 = arith.constant 0 : i32
      %dma_start3A_713 = tpu.memref_slice %arg8[%add3A_704, %dma_start3A_712] : memref<819200x64xf32, #tpu.memory_space<hbm>> -> memref<128x64xf32, #tpu.memory_space<hbm>>
      %dma_start3A_714 = arith.constant 0 : i32
      %dma_start3A_715 = arith.constant 0 : i32
      %dma_start3A_716 = tpu.memref_slice %arg12[%dma_start3A_705, %dma_start3A_714, %dma_start3A_715] : memref<4x128x64xf32, #tpu.memory_space<vmem>> -> memref<1x128x64xf32, #tpu.memory_space<vmem>>
      %dma_start3A_717 = tpu.memref_squeeze %dma_start3A_716 : memref<1x128x64xf32, #tpu.memory_space<vmem>> -> memref<128x64xf32, #tpu.memory_space<vmem>>
      tpu.enqueue_dma source(%dma_start3A_717 : memref<128x64xf32, #tpu.memory_space<vmem>>) target(%dma_start3A_713 : memref<128x64xf32, #tpu.memory_space<hbm>>) target_semaphore(%arg26 : memref<!tpu.dma_semaphore, #tpu.memory_space<semaphore_mem>>)
      %lt3A_718 = arith.constant 49 : i32
      %lt3A_719 = arith.cmpi slt, %scan3A_458, %lt3A_718 : i32
      %convert_element_type3A_720 = arith.extui %lt3A_719 : i1 to i32
      %cond3A_721 = arith.constant 0 : i32
      %cond3A_722 = arith.cmpi ne, %convert_element_type3A_720, %cond3A_721 : i32
      scf.if %cond3A_722 {
        %add3A_733 = arith.constant 4 : i32
        %add3A_734 = arith.addi %mul3A_460, %add3A_733 : i32
        %add3A_735 = arith.constant 3 : i32
        %add3A_736 = arith.addi %add3A_734, %add3A_735 : i32
        %mul3A_737 = arith.constant 128 : i32
        %mul3A_738 = arith.muli %add3A_736, %mul3A_737 : i32
        %add3A_739 = arith.addi %mul3A_2, %mul3A_738 : i32
        %dma_start3A_740 = arith.constant 3 : i32
        %dma_start3A_741 = arith.constant 0 : i32
        %dma_start3A_742 = tpu.memref_slice %arg9[%dma_start3A_740, %dma_start3A_741] : memref<4x128xi32, #tpu.memory_space<vmem>> -> memref<1x128xi32, #tpu.memory_space<vmem>>
        %dma_start3A_743 = tpu.memref_squeeze %dma_start3A_742 : memref<1x128xi32, #tpu.memory_space<vmem>> -> memref<128xi32, #tpu.memory_space<vmem>>
        %dma_start3A_744 = tpu.memref_slice %arg2[%add3A_739] : memref<819200xi32, #tpu.memory_space<hbm>> -> memref<128xi32, #tpu.memory_space<hbm>>
        %dma_start3A_745 = arith.constant 0 : i32
        %dma_start3A_746 = tpu.memref_slice %arg9[%dma_start3A_740, %dma_start3A_745] : memref<4x128xi32, #tpu.memory_space<vmem>> -> memref<1x128xi32, #tpu.memory_space<vmem>>
        %dma_start3A_747 = tpu.memref_squeeze %dma_start3A_746 : memref<1x128xi32, #tpu.memory_space<vmem>> -> memref<128xi32, #tpu.memory_space<vmem>>
        %dma_start3A_748 = tpu.memref_slice %arg2[%add3A_739] : memref<819200xi32, #tpu.memory_space<hbm>> -> memref<128xi32, #tpu.memory_space<hbm>>
        tpu.enqueue_dma source(%dma_start3A_748 : memref<128xi32, #tpu.memory_space<hbm>>) target(%dma_start3A_747 : memref<128xi32, #tpu.memory_space<vmem>>) target_semaphore(%arg18 : memref<!tpu.dma_semaphore, #tpu.memory_space<semaphore_mem>>)
        %dma_start3A_749 = arith.constant 3 : i32
        %dma_start3A_750 = arith.constant 0 : i32
        %dma_start3A_751 = tpu.memref_slice %arg10[%dma_start3A_749, %dma_start3A_750] : memref<4x128xi32, #tpu.memory_space<vmem>> -> memref<1x128xi32, #tpu.memory_space<vmem>>
        %dma_start3A_752 = tpu.memref_squeeze %dma_start3A_751 : memref<1x128xi32, #tpu.memory_space<vmem>> -> memref<128xi32, #tpu.memory_space<vmem>>
        %dma_start3A_753 = tpu.memref_slice %arg3[%add3A_739] : memref<819200xi32, #tpu.memory_space<hbm>> -> memref<128xi32, #tpu.memory_space<hbm>>
        %dma_start3A_754 = arith.constant 0 : i32
        %dma_start3A_755 = tpu.memref_slice %arg10[%dma_start3A_749, %dma_start3A_754] : memref<4x128xi32, #tpu.memory_space<vmem>> -> memref<1x128xi32, #tpu.memory_space<vmem>>
        %dma_start3A_756 = tpu.memref_squeeze %dma_start3A_755 : memref<1x128xi32, #tpu.memory_space<vmem>> -> memref<128xi32, #tpu.memory_space<vmem>>
        %dma_start3A_757 = tpu.memref_slice %arg3[%add3A_739] : memref<819200xi32, #tpu.memory_space<hbm>> -> memref<128xi32, #tpu.memory_space<hbm>>
        tpu.enqueue_dma source(%dma_start3A_757 : memref<128xi32, #tpu.memory_space<hbm>>) target(%dma_start3A_756 : memref<128xi32, #tpu.memory_space<vmem>>) target_semaphore(%arg18 : memref<!tpu.dma_semaphore, #tpu.memory_space<semaphore_mem>>)
        %dma_start3A_758 = arith.constant 3 : i32
        %dma_start3A_759 = arith.constant 0 : i32
        %dma_start3A_760 = tpu.memref_slice %arg11[%dma_start3A_758, %dma_start3A_759] : memref<4x128xi32, #tpu.memory_space<vmem>> -> memref<1x128xi32, #tpu.memory_space<vmem>>
        %dma_start3A_761 = tpu.memref_squeeze %dma_start3A_760 : memref<1x128xi32, #tpu.memory_space<vmem>> -> memref<128xi32, #tpu.memory_space<vmem>>
        %dma_start3A_762 = tpu.memref_slice %arg4[%add3A_739] : memref<819200xi32, #tpu.memory_space<hbm>> -> memref<128xi32, #tpu.memory_space<hbm>>
        %dma_start3A_763 = arith.constant 0 : i32
        %dma_start3A_764 = tpu.memref_slice %arg11[%dma_start3A_758, %dma_start3A_763] : memref<4x128xi32, #tpu.memory_space<vmem>> -> memref<1x128xi32, #tpu.memory_space<vmem>>
        %dma_start3A_765 = tpu.memref_squeeze %dma_start3A_764 : memref<1x128xi32, #tpu.memory_space<vmem>> -> memref<128xi32, #tpu.memory_space<vmem>>
        %dma_start3A_766 = tpu.memref_slice %arg4[%add3A_739] : memref<819200xi32, #tpu.memory_space<hbm>> -> memref<128xi32, #tpu.memory_space<hbm>>
        tpu.enqueue_dma source(%dma_start3A_766 : memref<128xi32, #tpu.memory_space<hbm>>) target(%dma_start3A_765 : memref<128xi32, #tpu.memory_space<vmem>>) target_semaphore(%arg18 : memref<!tpu.dma_semaphore, #tpu.memory_space<semaphore_mem>>)
      } else {
      }
      %lt3A_723 = arith.constant 49 : i32
      %lt3A_724 = arith.cmpi slt, %scan3A_458, %lt3A_723 : i32
      %convert_element_type3A_725 = arith.extui %lt3A_724 : i1 to i32
      %cond3A_726 = arith.constant 0 : i32
      %cond3A_727 = arith.cmpi ne, %convert_element_type3A_725, %cond3A_726 : i32
      scf.if %cond3A_727 {
        %dma_wait3A_733 = arith.constant 1 : i32
        %dma_wait3A_734 = arith.constant 0 : i32
        %dma_wait3A_735 = tpu.memref_slice %arg9[%dma_wait3A_733, %dma_wait3A_734] : memref<4x128xi32, #tpu.memory_space<vmem>> -> memref<1x128xi32, #tpu.memory_space<vmem>>
        %dma_wait3A_736 = tpu.memref_squeeze %dma_wait3A_735 : memref<1x128xi32, #tpu.memory_space<vmem>> -> memref<128xi32, #tpu.memory_space<vmem>>
        %dma_wait3A_737 = arith.constant 0 : i32
        %dma_wait3A_738 = tpu.memref_slice %arg2[%dma_wait3A_737] : memref<819200xi32, #tpu.memory_space<hbm>> -> memref<128xi32, #tpu.memory_space<hbm>>
        %dma_wait3A_739 = arith.constant 0 : i32
        %dma_wait3A_740 = tpu.memref_slice %arg9[%dma_wait3A_733, %dma_wait3A_739] : memref<4x128xi32, #tpu.memory_space<vmem>> -> memref<1x128xi32, #tpu.memory_space<vmem>>
        %dma_wait3A_741 = tpu.memref_squeeze %dma_wait3A_740 : memref<1x128xi32, #tpu.memory_space<vmem>> -> memref<128xi32, #tpu.memory_space<vmem>>
        %dma_wait3A_742 = arith.constant 0 : i32
        %dma_wait3A_743 = tpu.memref_slice %arg2[%dma_wait3A_742] : memref<819200xi32, #tpu.memory_space<hbm>> -> memref<128xi32, #tpu.memory_space<hbm>>
        tpu.wait_dma2 semaphore(%arg16 : memref<!tpu.dma_semaphore, #tpu.memory_space<semaphore_mem>>) src(%dma_wait3A_743 : memref<128xi32, #tpu.memory_space<hbm>>) dst(%dma_wait3A_741 : memref<128xi32, #tpu.memory_space<vmem>>)
        %dma_wait3A_744 = arith.constant 1 : i32
        %dma_wait3A_745 = arith.constant 0 : i32
        %dma_wait3A_746 = tpu.memref_slice %arg10[%dma_wait3A_744, %dma_wait3A_745] : memref<4x128xi32, #tpu.memory_space<vmem>> -> memref<1x128xi32, #tpu.memory_space<vmem>>
        %dma_wait3A_747 = tpu.memref_squeeze %dma_wait3A_746 : memref<1x128xi32, #tpu.memory_space<vmem>> -> memref<128xi32, #tpu.memory_space<vmem>>
        %dma_wait3A_748 = arith.constant 0 : i32
        %dma_wait3A_749 = tpu.memref_slice %arg3[%dma_wait3A_748] : memref<819200xi32, #tpu.memory_space<hbm>> -> memref<128xi32, #tpu.memory_space<hbm>>
        %dma_wait3A_750 = arith.constant 0 : i32
        %dma_wait3A_751 = tpu.memref_slice %arg10[%dma_wait3A_744, %dma_wait3A_750] : memref<4x128xi32, #tpu.memory_space<vmem>> -> memref<1x128xi32, #tpu.memory_space<vmem>>
        %dma_wait3A_752 = tpu.memref_squeeze %dma_wait3A_751 : memref<1x128xi32, #tpu.memory_space<vmem>> -> memref<128xi32, #tpu.memory_space<vmem>>
        %dma_wait3A_753 = arith.constant 0 : i32
        %dma_wait3A_754 = tpu.memref_slice %arg3[%dma_wait3A_753] : memref<819200xi32, #tpu.memory_space<hbm>> -> memref<128xi32, #tpu.memory_space<hbm>>
        tpu.wait_dma2 semaphore(%arg16 : memref<!tpu.dma_semaphore, #tpu.memory_space<semaphore_mem>>) src(%dma_wait3A_754 : memref<128xi32, #tpu.memory_space<hbm>>) dst(%dma_wait3A_752 : memref<128xi32, #tpu.memory_space<vmem>>)
        %dma_wait3A_755 = arith.constant 1 : i32
        %dma_wait3A_756 = arith.constant 0 : i32
        %dma_wait3A_757 = tpu.memref_slice %arg11[%dma_wait3A_755, %dma_wait3A_756] : memref<4x128xi32, #tpu.memory_space<vmem>> -> memref<1x128xi32, #tpu.memory_space<vmem>>
        %dma_wait3A_758 = tpu.memref_squeeze %dma_wait3A_757 : memref<1x128xi32, #tpu.memory_space<vmem>> -> memref<128xi32, #tpu.memory_space<vmem>>
        %dma_wait3A_759 = arith.constant 0 : i32
        %dma_wait3A_760 = tpu.memref_slice %arg4[%dma_wait3A_759] : memref<819200xi32, #tpu.memory_space<hbm>> -> memref<128xi32, #tpu.memory_space<hbm>>
        %dma_wait3A_761 = arith.constant 0 : i32
        %dma_wait3A_762 = tpu.memref_slice %arg11[%dma_wait3A_755, %dma_wait3A_761] : memref<4x128xi32, #tpu.memory_space<vmem>> -> memref<1x128xi32, #tpu.memory_space<vmem>>
        %dma_wait3A_763 = tpu.memref_squeeze %dma_wait3A_762 : memref<1x128xi32, #tpu.memory_space<vmem>> -> memref<128xi32, #tpu.memory_space<vmem>>
        %dma_wait3A_764 = arith.constant 0 : i32
        %dma_wait3A_765 = tpu.memref_slice %arg4[%dma_wait3A_764] : memref<819200xi32, #tpu.memory_space<hbm>> -> memref<128xi32, #tpu.memory_space<hbm>>
        tpu.wait_dma2 semaphore(%arg16 : memref<!tpu.dma_semaphore, #tpu.memory_space<semaphore_mem>>) src(%dma_wait3A_765 : memref<128xi32, #tpu.memory_space<hbm>>) dst(%dma_wait3A_763 : memref<128xi32, #tpu.memory_space<vmem>>)
        %dma_wait3A_766 = arith.constant 1 : i32
        %dma_wait3A_767 = arith.constant 0 : i32
        %dma_wait3A_768 = arith.constant 0 : i32
        %dma_wait3A_769 = tpu.memref_slice %arg12[%dma_wait3A_766, %dma_wait3A_767, %dma_wait3A_768] : memref<4x128x64xf32, #tpu.memory_space<vmem>> -> memref<1x128x64xf32, #tpu.memory_space<vmem>>
        %dma_wait3A_770 = tpu.memref_squeeze %dma_wait3A_769 : memref<1x128x64xf32, #tpu.memory_space<vmem>> -> memref<128x64xf32, #tpu.memory_space<vmem>>
        %dma_wait3A_771 = arith.constant 0 : i32
        %dma_wait3A_772 = arith.constant 0 : i32
        %dma_wait3A_773 = tpu.memref_slice %arg8[%dma_wait3A_771, %dma_wait3A_772] : memref<819200x64xf32, #tpu.memory_space<hbm>> -> memref<128x64xf32, #tpu.memory_space<hbm>>
        %dma_wait3A_774 = arith.constant 0 : i32
        %dma_wait3A_775 = arith.constant 0 : i32
        %dma_wait3A_776 = tpu.memref_slice %arg8[%dma_wait3A_774, %dma_wait3A_775] : memref<819200x64xf32, #tpu.memory_space<hbm>> -> memref<128x64xf32, #tpu.memory_space<hbm>>
        %dma_wait3A_777 = arith.constant 0 : i32
        %dma_wait3A_778 = arith.constant 0 : i32
        %dma_wait3A_779 = tpu.memref_slice %arg12[%dma_wait3A_766, %dma_wait3A_777, %dma_wait3A_778] : memref<4x128x64xf32, #tpu.memory_space<vmem>> -> memref<1x128x64xf32, #tpu.memory_space<vmem>>
        %dma_wait3A_780 = tpu.memref_squeeze %dma_wait3A_779 : memref<1x128x64xf32, #tpu.memory_space<vmem>> -> memref<128x64xf32, #tpu.memory_space<vmem>>
        tpu.wait_dma2 semaphore(%arg24 : memref<!tpu.dma_semaphore, #tpu.memory_space<semaphore_mem>>) src(%dma_wait3A_780 : memref<128x64xf32, #tpu.memory_space<vmem>>) dst(%dma_wait3A_776 : memref<128x64xf32, #tpu.memory_space<hbm>>)
        %dma_start3A_781 = arith.constant 1 : i32
        %dma_start3A_782 = arith.constant 1 : i32
        %dma_start3A_783 = arith.constant 0 : i32
        %dma_start3A_784 = arith.constant 0 : i32
        %dma_start3A_785 = tpu.memref_slice %arg12[%dma_start3A_782, %dma_start3A_783, %dma_start3A_784] : memref<4x128x64xf32, #tpu.memory_space<vmem>> -> memref<1x128x64xf32, #tpu.memory_space<vmem>>
        %dma_start3A_786 = tpu.memref_squeeze %dma_start3A_785 : memref<1x128x64xf32, #tpu.memory_space<vmem>> -> memref<128x64xf32, #tpu.memory_space<vmem>>
        %dma_start3A_787 = arith.constant 0 : i32
        %dma_start3A_788 = tpu.memref_slice %arg9[%dma_start3A_781, %dma_start3A_787] : memref<4x128xi32, #tpu.memory_space<vmem>> -> memref<1x128xi32, #tpu.memory_space<vmem>>
        %dma_start3A_789 = tpu.memref_squeeze %dma_start3A_788 : memref<1x128xi32, #tpu.memory_space<vmem>> -> memref<128xi32, #tpu.memory_space<vmem>>
        %dma_start3A_790 = arith.constant 0 : i32
        %dma_start3A_791 = arith.constant 0 : i32
        %dma_start3A_792 = tpu.memref_slice %arg5[%dma_start3A_790, %dma_start3A_791] : memref<1000000x64xf32, #tpu.memory_space<hbm>> -> memref<1000000x64xf32, #tpu.memory_space<hbm>>
        tpu.enqueue_indirect_dma source(%dma_start3A_792 : memref<1000000x64xf32, #tpu.memory_space<hbm>>) target(%dma_start3A_786 : memref<128x64xf32, #tpu.memory_space<vmem>>) offsets(%dma_start3A_789 : memref<128xi32, #tpu.memory_space<vmem>>) semaphore(%arg20 : memref<!tpu.dma_semaphore, #tpu.memory_space<semaphore_mem>>)
        %dma_start3A_793 = arith.constant 1 : i32
        %dma_start3A_794 = arith.constant 1 : i32
        %dma_start3A_795 = arith.constant 0 : i32
        %dma_start3A_796 = arith.constant 0 : i32
        %dma_start3A_797 = tpu.memref_slice %arg13[%dma_start3A_794, %dma_start3A_795, %dma_start3A_796] : memref<4x128x64xf32, #tpu.memory_space<vmem>> -> memref<1x128x64xf32, #tpu.memory_space<vmem>>
        %dma_start3A_798 = tpu.memref_squeeze %dma_start3A_797 : memref<1x128x64xf32, #tpu.memory_space<vmem>> -> memref<128x64xf32, #tpu.memory_space<vmem>>
        %dma_start3A_799 = arith.constant 0 : i32
        %dma_start3A_800 = tpu.memref_slice %arg10[%dma_start3A_793, %dma_start3A_799] : memref<4x128xi32, #tpu.memory_space<vmem>> -> memref<1x128xi32, #tpu.memory_space<vmem>>
        %dma_start3A_801 = tpu.memref_squeeze %dma_start3A_800 : memref<1x128xi32, #tpu.memory_space<vmem>> -> memref<128xi32, #tpu.memory_space<vmem>>
        %dma_start3A_802 = arith.constant 0 : i32
        %dma_start3A_803 = arith.constant 0 : i32
        %dma_start3A_804 = tpu.memref_slice %arg6[%dma_start3A_802, %dma_start3A_803] : memref<512x64xf32, #tpu.memory_space<hbm>> -> memref<512x64xf32, #tpu.memory_space<hbm>>
        tpu.enqueue_indirect_dma source(%dma_start3A_804 : memref<512x64xf32, #tpu.memory_space<hbm>>) target(%dma_start3A_798 : memref<128x64xf32, #tpu.memory_space<vmem>>) offsets(%dma_start3A_801 : memref<128xi32, #tpu.memory_space<vmem>>) semaphore(%arg20 : memref<!tpu.dma_semaphore, #tpu.memory_space<semaphore_mem>>)
        %dma_start3A_805 = arith.constant 1 : i32
        %dma_start3A_806 = arith.constant 1 : i32
        %dma_start3A_807 = arith.constant 0 : i32
        %dma_start3A_808 = arith.constant 0 : i32
        %dma_start3A_809 = tpu.memref_slice %arg14[%dma_start3A_806, %dma_start3A_807, %dma_start3A_808] : memref<4x128x64xf32, #tpu.memory_space<vmem>> -> memref<1x128x64xf32, #tpu.memory_space<vmem>>
        %dma_start3A_810 = tpu.memref_squeeze %dma_start3A_809 : memref<1x128x64xf32, #tpu.memory_space<vmem>> -> memref<128x64xf32, #tpu.memory_space<vmem>>
        %dma_start3A_811 = arith.constant 0 : i32
        %dma_start3A_812 = tpu.memref_slice %arg11[%dma_start3A_805, %dma_start3A_811] : memref<4x128xi32, #tpu.memory_space<vmem>> -> memref<1x128xi32, #tpu.memory_space<vmem>>
        %dma_start3A_813 = tpu.memref_squeeze %dma_start3A_812 : memref<1x128xi32, #tpu.memory_space<vmem>> -> memref<128xi32, #tpu.memory_space<vmem>>
        %dma_start3A_814 = arith.constant 0 : i32
        %dma_start3A_815 = arith.constant 0 : i32
        %dma_start3A_816 = tpu.memref_slice %arg7[%dma_start3A_814, %dma_start3A_815] : memref<512x64xf32, #tpu.memory_space<hbm>> -> memref<512x64xf32, #tpu.memory_space<hbm>>
        tpu.enqueue_indirect_dma source(%dma_start3A_816 : memref<512x64xf32, #tpu.memory_space<hbm>>) target(%dma_start3A_810 : memref<128x64xf32, #tpu.memory_space<vmem>>) offsets(%dma_start3A_813 : memref<128xi32, #tpu.memory_space<vmem>>) semaphore(%arg20 : memref<!tpu.dma_semaphore, #tpu.memory_space<semaphore_mem>>)
      } else {
      }
      %lt3A_728 = arith.constant 49 : i32
      %lt3A_729 = arith.cmpi slt, %scan3A_458, %lt3A_728 : i32
      %convert_element_type3A_730 = arith.extui %lt3A_729 : i1 to i32
      %cond3A_731 = arith.constant 0 : i32
      %cond3A_732 = arith.cmpi ne, %convert_element_type3A_730, %cond3A_731 : i32
      scf.if %cond3A_732 {
        %dma_wait3A_733 = arith.constant 2 : i32
        %dma_wait3A_734 = arith.constant 0 : i32
        %dma_wait3A_735 = tpu.memref_slice %arg9[%dma_wait3A_733, %dma_wait3A_734] : memref<4x128xi32, #tpu.memory_space<vmem>> -> memref<1x128xi32, #tpu.memory_space<vmem>>
        %dma_wait3A_736 = tpu.memref_squeeze %dma_wait3A_735 : memref<1x128xi32, #tpu.memory_space<vmem>> -> memref<128xi32, #tpu.memory_space<vmem>>
        %dma_wait3A_737 = arith.constant 0 : i32
        %dma_wait3A_738 = tpu.memref_slice %arg2[%dma_wait3A_737] : memref<819200xi32, #tpu.memory_space<hbm>> -> memref<128xi32, #tpu.memory_space<hbm>>
        %dma_wait3A_739 = arith.constant 0 : i32
        %dma_wait3A_740 = tpu.memref_slice %arg9[%dma_wait3A_733, %dma_wait3A_739] : memref<4x128xi32, #tpu.memory_space<vmem>> -> memref<1x128xi32, #tpu.memory_space<vmem>>
        %dma_wait3A_741 = tpu.memref_squeeze %dma_wait3A_740 : memref<1x128xi32, #tpu.memory_space<vmem>> -> memref<128xi32, #tpu.memory_space<vmem>>
        %dma_wait3A_742 = arith.constant 0 : i32
        %dma_wait3A_743 = tpu.memref_slice %arg2[%dma_wait3A_742] : memref<819200xi32, #tpu.memory_space<hbm>> -> memref<128xi32, #tpu.memory_space<hbm>>
        tpu.wait_dma2 semaphore(%arg17 : memref<!tpu.dma_semaphore, #tpu.memory_space<semaphore_mem>>) src(%dma_wait3A_743 : memref<128xi32, #tpu.memory_space<hbm>>) dst(%dma_wait3A_741 : memref<128xi32, #tpu.memory_space<vmem>>)
        %dma_wait3A_744 = arith.constant 2 : i32
        %dma_wait3A_745 = arith.constant 0 : i32
        %dma_wait3A_746 = tpu.memref_slice %arg10[%dma_wait3A_744, %dma_wait3A_745] : memref<4x128xi32, #tpu.memory_space<vmem>> -> memref<1x128xi32, #tpu.memory_space<vmem>>
        %dma_wait3A_747 = tpu.memref_squeeze %dma_wait3A_746 : memref<1x128xi32, #tpu.memory_space<vmem>> -> memref<128xi32, #tpu.memory_space<vmem>>
        %dma_wait3A_748 = arith.constant 0 : i32
        %dma_wait3A_749 = tpu.memref_slice %arg3[%dma_wait3A_748] : memref<819200xi32, #tpu.memory_space<hbm>> -> memref<128xi32, #tpu.memory_space<hbm>>
        %dma_wait3A_750 = arith.constant 0 : i32
        %dma_wait3A_751 = tpu.memref_slice %arg10[%dma_wait3A_744, %dma_wait3A_750] : memref<4x128xi32, #tpu.memory_space<vmem>> -> memref<1x128xi32, #tpu.memory_space<vmem>>
        %dma_wait3A_752 = tpu.memref_squeeze %dma_wait3A_751 : memref<1x128xi32, #tpu.memory_space<vmem>> -> memref<128xi32, #tpu.memory_space<vmem>>
        %dma_wait3A_753 = arith.constant 0 : i32
        %dma_wait3A_754 = tpu.memref_slice %arg3[%dma_wait3A_753] : memref<819200xi32, #tpu.memory_space<hbm>> -> memref<128xi32, #tpu.memory_space<hbm>>
        tpu.wait_dma2 semaphore(%arg17 : memref<!tpu.dma_semaphore, #tpu.memory_space<semaphore_mem>>) src(%dma_wait3A_754 : memref<128xi32, #tpu.memory_space<hbm>>) dst(%dma_wait3A_752 : memref<128xi32, #tpu.memory_space<vmem>>)
        %dma_wait3A_755 = arith.constant 2 : i32
        %dma_wait3A_756 = arith.constant 0 : i32
        %dma_wait3A_757 = tpu.memref_slice %arg11[%dma_wait3A_755, %dma_wait3A_756] : memref<4x128xi32, #tpu.memory_space<vmem>> -> memref<1x128xi32, #tpu.memory_space<vmem>>
        %dma_wait3A_758 = tpu.memref_squeeze %dma_wait3A_757 : memref<1x128xi32, #tpu.memory_space<vmem>> -> memref<128xi32, #tpu.memory_space<vmem>>
        %dma_wait3A_759 = arith.constant 0 : i32
        %dma_wait3A_760 = tpu.memref_slice %arg4[%dma_wait3A_759] : memref<819200xi32, #tpu.memory_space<hbm>> -> memref<128xi32, #tpu.memory_space<hbm>>
        %dma_wait3A_761 = arith.constant 0 : i32
        %dma_wait3A_762 = tpu.memref_slice %arg11[%dma_wait3A_755, %dma_wait3A_761] : memref<4x128xi32, #tpu.memory_space<vmem>> -> memref<1x128xi32, #tpu.memory_space<vmem>>
        %dma_wait3A_763 = tpu.memref_squeeze %dma_wait3A_762 : memref<1x128xi32, #tpu.memory_space<vmem>> -> memref<128xi32, #tpu.memory_space<vmem>>
        %dma_wait3A_764 = arith.constant 0 : i32
        %dma_wait3A_765 = tpu.memref_slice %arg4[%dma_wait3A_764] : memref<819200xi32, #tpu.memory_space<hbm>> -> memref<128xi32, #tpu.memory_space<hbm>>
        tpu.wait_dma2 semaphore(%arg17 : memref<!tpu.dma_semaphore, #tpu.memory_space<semaphore_mem>>) src(%dma_wait3A_765 : memref<128xi32, #tpu.memory_space<hbm>>) dst(%dma_wait3A_763 : memref<128xi32, #tpu.memory_space<vmem>>)
        %dma_wait3A_766 = arith.constant 2 : i32
        %dma_wait3A_767 = arith.constant 0 : i32
        %dma_wait3A_768 = arith.constant 0 : i32
        %dma_wait3A_769 = tpu.memref_slice %arg12[%dma_wait3A_766, %dma_wait3A_767, %dma_wait3A_768] : memref<4x128x64xf32, #tpu.memory_space<vmem>> -> memref<1x128x64xf32, #tpu.memory_space<vmem>>
        %dma_wait3A_770 = tpu.memref_squeeze %dma_wait3A_769 : memref<1x128x64xf32, #tpu.memory_space<vmem>> -> memref<128x64xf32, #tpu.memory_space<vmem>>
        %dma_wait3A_771 = arith.constant 0 : i32
        %dma_wait3A_772 = arith.constant 0 : i32
        %dma_wait3A_773 = tpu.memref_slice %arg8[%dma_wait3A_771, %dma_wait3A_772] : memref<819200x64xf32, #tpu.memory_space<hbm>> -> memref<128x64xf32, #tpu.memory_space<hbm>>
        %dma_wait3A_774 = arith.constant 0 : i32
        %dma_wait3A_775 = arith.constant 0 : i32
        %dma_wait3A_776 = tpu.memref_slice %arg8[%dma_wait3A_774, %dma_wait3A_775] : memref<819200x64xf32, #tpu.memory_space<hbm>> -> memref<128x64xf32, #tpu.memory_space<hbm>>
        %dma_wait3A_777 = arith.constant 0 : i32
        %dma_wait3A_778 = arith.constant 0 : i32
        %dma_wait3A_779 = tpu.memref_slice %arg12[%dma_wait3A_766, %dma_wait3A_777, %dma_wait3A_778] : memref<4x128x64xf32, #tpu.memory_space<vmem>> -> memref<1x128x64xf32, #tpu.memory_space<vmem>>
        %dma_wait3A_780 = tpu.memref_squeeze %dma_wait3A_779 : memref<1x128x64xf32, #tpu.memory_space<vmem>> -> memref<128x64xf32, #tpu.memory_space<vmem>>
        tpu.wait_dma2 semaphore(%arg25 : memref<!tpu.dma_semaphore, #tpu.memory_space<semaphore_mem>>) src(%dma_wait3A_780 : memref<128x64xf32, #tpu.memory_space<vmem>>) dst(%dma_wait3A_776 : memref<128x64xf32, #tpu.memory_space<hbm>>)
        %dma_start3A_781 = arith.constant 2 : i32
        %dma_start3A_782 = arith.constant 2 : i32
        %dma_start3A_783 = arith.constant 0 : i32
        %dma_start3A_784 = arith.constant 0 : i32
        %dma_start3A_785 = tpu.memref_slice %arg12[%dma_start3A_782, %dma_start3A_783, %dma_start3A_784] : memref<4x128x64xf32, #tpu.memory_space<vmem>> -> memref<1x128x64xf32, #tpu.memory_space<vmem>>
        %dma_start3A_786 = tpu.memref_squeeze %dma_start3A_785 : memref<1x128x64xf32, #tpu.memory_space<vmem>> -> memref<128x64xf32, #tpu.memory_space<vmem>>
        %dma_start3A_787 = arith.constant 0 : i32
        %dma_start3A_788 = tpu.memref_slice %arg9[%dma_start3A_781, %dma_start3A_787] : memref<4x128xi32, #tpu.memory_space<vmem>> -> memref<1x128xi32, #tpu.memory_space<vmem>>
        %dma_start3A_789 = tpu.memref_squeeze %dma_start3A_788 : memref<1x128xi32, #tpu.memory_space<vmem>> -> memref<128xi32, #tpu.memory_space<vmem>>
        %dma_start3A_790 = arith.constant 0 : i32
        %dma_start3A_791 = arith.constant 0 : i32
        %dma_start3A_792 = tpu.memref_slice %arg5[%dma_start3A_790, %dma_start3A_791] : memref<1000000x64xf32, #tpu.memory_space<hbm>> -> memref<1000000x64xf32, #tpu.memory_space<hbm>>
        tpu.enqueue_indirect_dma source(%dma_start3A_792 : memref<1000000x64xf32, #tpu.memory_space<hbm>>) target(%dma_start3A_786 : memref<128x64xf32, #tpu.memory_space<vmem>>) offsets(%dma_start3A_789 : memref<128xi32, #tpu.memory_space<vmem>>) semaphore(%arg21 : memref<!tpu.dma_semaphore, #tpu.memory_space<semaphore_mem>>)
        %dma_start3A_793 = arith.constant 2 : i32
        %dma_start3A_794 = arith.constant 2 : i32
        %dma_start3A_795 = arith.constant 0 : i32
        %dma_start3A_796 = arith.constant 0 : i32
        %dma_start3A_797 = tpu.memref_slice %arg13[%dma_start3A_794, %dma_start3A_795, %dma_start3A_796] : memref<4x128x64xf32, #tpu.memory_space<vmem>> -> memref<1x128x64xf32, #tpu.memory_space<vmem>>
        %dma_start3A_798 = tpu.memref_squeeze %dma_start3A_797 : memref<1x128x64xf32, #tpu.memory_space<vmem>> -> memref<128x64xf32, #tpu.memory_space<vmem>>
        %dma_start3A_799 = arith.constant 0 : i32
        %dma_start3A_800 = tpu.memref_slice %arg10[%dma_start3A_793, %dma_start3A_799] : memref<4x128xi32, #tpu.memory_space<vmem>> -> memref<1x128xi32, #tpu.memory_space<vmem>>
        %dma_start3A_801 = tpu.memref_squeeze %dma_start3A_800 : memref<1x128xi32, #tpu.memory_space<vmem>> -> memref<128xi32, #tpu.memory_space<vmem>>
        %dma_start3A_802 = arith.constant 0 : i32
        %dma_start3A_803 = arith.constant 0 : i32
        %dma_start3A_804 = tpu.memref_slice %arg6[%dma_start3A_802, %dma_start3A_803] : memref<512x64xf32, #tpu.memory_space<hbm>> -> memref<512x64xf32, #tpu.memory_space<hbm>>
        tpu.enqueue_indirect_dma source(%dma_start3A_804 : memref<512x64xf32, #tpu.memory_space<hbm>>) target(%dma_start3A_798 : memref<128x64xf32, #tpu.memory_space<vmem>>) offsets(%dma_start3A_801 : memref<128xi32, #tpu.memory_space<vmem>>) semaphore(%arg21 : memref<!tpu.dma_semaphore, #tpu.memory_space<semaphore_mem>>)
        %dma_start3A_805 = arith.constant 2 : i32
        %dma_start3A_806 = arith.constant 2 : i32
        %dma_start3A_807 = arith.constant 0 : i32
        %dma_start3A_808 = arith.constant 0 : i32
        %dma_start3A_809 = tpu.memref_slice %arg14[%dma_start3A_806, %dma_start3A_807, %dma_start3A_808] : memref<4x128x64xf32, #tpu.memory_space<vmem>> -> memref<1x128x64xf32, #tpu.memory_space<vmem>>
        %dma_start3A_810 = tpu.memref_squeeze %dma_start3A_809 : memref<1x128x64xf32, #tpu.memory_space<vmem>> -> memref<128x64xf32, #tpu.memory_space<vmem>>
        %dma_start3A_811 = arith.constant 0 : i32
        %dma_start3A_812 = tpu.memref_slice %arg11[%dma_start3A_805, %dma_start3A_811] : memref<4x128xi32, #tpu.memory_space<vmem>> -> memref<1x128xi32, #tpu.memory_space<vmem>>
        %dma_start3A_813 = tpu.memref_squeeze %dma_start3A_812 : memref<1x128xi32, #tpu.memory_space<vmem>> -> memref<128xi32, #tpu.memory_space<vmem>>
        %dma_start3A_814 = arith.constant 0 : i32
        %dma_start3A_815 = arith.constant 0 : i32
        %dma_start3A_816 = tpu.memref_slice %arg7[%dma_start3A_814, %dma_start3A_815] : memref<512x64xf32, #tpu.memory_space<hbm>> -> memref<512x64xf32, #tpu.memory_space<hbm>>
        tpu.enqueue_indirect_dma source(%dma_start3A_816 : memref<512x64xf32, #tpu.memory_space<hbm>>) target(%dma_start3A_810 : memref<128x64xf32, #tpu.memory_space<vmem>>) offsets(%dma_start3A_813 : memref<128xi32, #tpu.memory_space<vmem>>) semaphore(%arg21 : memref<!tpu.dma_semaphore, #tpu.memory_space<semaphore_mem>>)
        %dma_wait3A_817 = arith.constant 3 : i32
        %dma_wait3A_818 = arith.constant 0 : i32
        %dma_wait3A_819 = tpu.memref_slice %arg9[%dma_wait3A_817, %dma_wait3A_818] : memref<4x128xi32, #tpu.memory_space<vmem>> -> memref<1x128xi32, #tpu.memory_space<vmem>>
        %dma_wait3A_820 = tpu.memref_squeeze %dma_wait3A_819 : memref<1x128xi32, #tpu.memory_space<vmem>> -> memref<128xi32, #tpu.memory_space<vmem>>
        %dma_wait3A_821 = arith.constant 0 : i32
        %dma_wait3A_822 = tpu.memref_slice %arg2[%dma_wait3A_821] : memref<819200xi32, #tpu.memory_space<hbm>> -> memref<128xi32, #tpu.memory_space<hbm>>
        %dma_wait3A_823 = arith.constant 0 : i32
        %dma_wait3A_824 = tpu.memref_slice %arg9[%dma_wait3A_817, %dma_wait3A_823] : memref<4x128xi32, #tpu.memory_space<vmem>> -> memref<1x128xi32, #tpu.memory_space<vmem>>
        %dma_wait3A_825 = tpu.memref_squeeze %dma_wait3A_824 : memref<1x128xi32, #tpu.memory_space<vmem>> -> memref<128xi32, #tpu.memory_space<vmem>>
        %dma_wait3A_826 = arith.constant 0 : i32
        %dma_wait3A_827 = tpu.memref_slice %arg2[%dma_wait3A_826] : memref<819200xi32, #tpu.memory_space<hbm>> -> memref<128xi32, #tpu.memory_space<hbm>>
        tpu.wait_dma2 semaphore(%arg18 : memref<!tpu.dma_semaphore, #tpu.memory_space<semaphore_mem>>) src(%dma_wait3A_827 : memref<128xi32, #tpu.memory_space<hbm>>) dst(%dma_wait3A_825 : memref<128xi32, #tpu.memory_space<vmem>>)
        %dma_wait3A_828 = arith.constant 3 : i32
        %dma_wait3A_829 = arith.constant 0 : i32
        %dma_wait3A_830 = tpu.memref_slice %arg10[%dma_wait3A_828, %dma_wait3A_829] : memref<4x128xi32, #tpu.memory_space<vmem>> -> memref<1x128xi32, #tpu.memory_space<vmem>>
        %dma_wait3A_831 = tpu.memref_squeeze %dma_wait3A_830 : memref<1x128xi32, #tpu.memory_space<vmem>> -> memref<128xi32, #tpu.memory_space<vmem>>
        %dma_wait3A_832 = arith.constant 0 : i32
        %dma_wait3A_833 = tpu.memref_slice %arg3[%dma_wait3A_832] : memref<819200xi32, #tpu.memory_space<hbm>> -> memref<128xi32, #tpu.memory_space<hbm>>
        %dma_wait3A_834 = arith.constant 0 : i32
        %dma_wait3A_835 = tpu.memref_slice %arg10[%dma_wait3A_828, %dma_wait3A_834] : memref<4x128xi32, #tpu.memory_space<vmem>> -> memref<1x128xi32, #tpu.memory_space<vmem>>
        %dma_wait3A_836 = tpu.memref_squeeze %dma_wait3A_835 : memref<1x128xi32, #tpu.memory_space<vmem>> -> memref<128xi32, #tpu.memory_space<vmem>>
        %dma_wait3A_837 = arith.constant 0 : i32
        %dma_wait3A_838 = tpu.memref_slice %arg3[%dma_wait3A_837] : memref<819200xi32, #tpu.memory_space<hbm>> -> memref<128xi32, #tpu.memory_space<hbm>>
        tpu.wait_dma2 semaphore(%arg18 : memref<!tpu.dma_semaphore, #tpu.memory_space<semaphore_mem>>) src(%dma_wait3A_838 : memref<128xi32, #tpu.memory_space<hbm>>) dst(%dma_wait3A_836 : memref<128xi32, #tpu.memory_space<vmem>>)
        %dma_wait3A_839 = arith.constant 3 : i32
        %dma_wait3A_840 = arith.constant 0 : i32
        %dma_wait3A_841 = tpu.memref_slice %arg11[%dma_wait3A_839, %dma_wait3A_840] : memref<4x128xi32, #tpu.memory_space<vmem>> -> memref<1x128xi32, #tpu.memory_space<vmem>>
        %dma_wait3A_842 = tpu.memref_squeeze %dma_wait3A_841 : memref<1x128xi32, #tpu.memory_space<vmem>> -> memref<128xi32, #tpu.memory_space<vmem>>
        %dma_wait3A_843 = arith.constant 0 : i32
        %dma_wait3A_844 = tpu.memref_slice %arg4[%dma_wait3A_843] : memref<819200xi32, #tpu.memory_space<hbm>> -> memref<128xi32, #tpu.memory_space<hbm>>
        %dma_wait3A_845 = arith.constant 0 : i32
        %dma_wait3A_846 = tpu.memref_slice %arg11[%dma_wait3A_839, %dma_wait3A_845] : memref<4x128xi32, #tpu.memory_space<vmem>> -> memref<1x128xi32, #tpu.memory_space<vmem>>
        %dma_wait3A_847 = tpu.memref_squeeze %dma_wait3A_846 : memref<1x128xi32, #tpu.memory_space<vmem>> -> memref<128xi32, #tpu.memory_space<vmem>>
        %dma_wait3A_848 = arith.constant 0 : i32
        %dma_wait3A_849 = tpu.memref_slice %arg4[%dma_wait3A_848] : memref<819200xi32, #tpu.memory_space<hbm>> -> memref<128xi32, #tpu.memory_space<hbm>>
        tpu.wait_dma2 semaphore(%arg18 : memref<!tpu.dma_semaphore, #tpu.memory_space<semaphore_mem>>) src(%dma_wait3A_849 : memref<128xi32, #tpu.memory_space<hbm>>) dst(%dma_wait3A_847 : memref<128xi32, #tpu.memory_space<vmem>>)
        %dma_wait3A_850 = arith.constant 3 : i32
        %dma_wait3A_851 = arith.constant 0 : i32
        %dma_wait3A_852 = arith.constant 0 : i32
        %dma_wait3A_853 = tpu.memref_slice %arg12[%dma_wait3A_850, %dma_wait3A_851, %dma_wait3A_852] : memref<4x128x64xf32, #tpu.memory_space<vmem>> -> memref<1x128x64xf32, #tpu.memory_space<vmem>>
        %dma_wait3A_854 = tpu.memref_squeeze %dma_wait3A_853 : memref<1x128x64xf32, #tpu.memory_space<vmem>> -> memref<128x64xf32, #tpu.memory_space<vmem>>
        %dma_wait3A_855 = arith.constant 0 : i32
        %dma_wait3A_856 = arith.constant 0 : i32
        %dma_wait3A_857 = tpu.memref_slice %arg8[%dma_wait3A_855, %dma_wait3A_856] : memref<819200x64xf32, #tpu.memory_space<hbm>> -> memref<128x64xf32, #tpu.memory_space<hbm>>
        %dma_wait3A_858 = arith.constant 0 : i32
        %dma_wait3A_859 = arith.constant 0 : i32
        %dma_wait3A_860 = tpu.memref_slice %arg8[%dma_wait3A_858, %dma_wait3A_859] : memref<819200x64xf32, #tpu.memory_space<hbm>> -> memref<128x64xf32, #tpu.memory_space<hbm>>
        %dma_wait3A_861 = arith.constant 0 : i32
        %dma_wait3A_862 = arith.constant 0 : i32
        %dma_wait3A_863 = tpu.memref_slice %arg12[%dma_wait3A_850, %dma_wait3A_861, %dma_wait3A_862] : memref<4x128x64xf32, #tpu.memory_space<vmem>> -> memref<1x128x64xf32, #tpu.memory_space<vmem>>
        %dma_wait3A_864 = tpu.memref_squeeze %dma_wait3A_863 : memref<1x128x64xf32, #tpu.memory_space<vmem>> -> memref<128x64xf32, #tpu.memory_space<vmem>>
        tpu.wait_dma2 semaphore(%arg26 : memref<!tpu.dma_semaphore, #tpu.memory_space<semaphore_mem>>) src(%dma_wait3A_864 : memref<128x64xf32, #tpu.memory_space<vmem>>) dst(%dma_wait3A_860 : memref<128x64xf32, #tpu.memory_space<hbm>>)
        %dma_start3A_865 = arith.constant 3 : i32
        %dma_start3A_866 = arith.constant 3 : i32
        %dma_start3A_867 = arith.constant 0 : i32
        %dma_start3A_868 = arith.constant 0 : i32
        %dma_start3A_869 = tpu.memref_slice %arg12[%dma_start3A_866, %dma_start3A_867, %dma_start3A_868] : memref<4x128x64xf32, #tpu.memory_space<vmem>> -> memref<1x128x64xf32, #tpu.memory_space<vmem>>
        %dma_start3A_870 = tpu.memref_squeeze %dma_start3A_869 : memref<1x128x64xf32, #tpu.memory_space<vmem>> -> memref<128x64xf32, #tpu.memory_space<vmem>>
        %dma_start3A_871 = arith.constant 0 : i32
        %dma_start3A_872 = tpu.memref_slice %arg9[%dma_start3A_865, %dma_start3A_871] : memref<4x128xi32, #tpu.memory_space<vmem>> -> memref<1x128xi32, #tpu.memory_space<vmem>>
        %dma_start3A_873 = tpu.memref_squeeze %dma_start3A_872 : memref<1x128xi32, #tpu.memory_space<vmem>> -> memref<128xi32, #tpu.memory_space<vmem>>
        %dma_start3A_874 = arith.constant 0 : i32
        %dma_start3A_875 = arith.constant 0 : i32
        %dma_start3A_876 = tpu.memref_slice %arg5[%dma_start3A_874, %dma_start3A_875] : memref<1000000x64xf32, #tpu.memory_space<hbm>> -> memref<1000000x64xf32, #tpu.memory_space<hbm>>
        tpu.enqueue_indirect_dma source(%dma_start3A_876 : memref<1000000x64xf32, #tpu.memory_space<hbm>>) target(%dma_start3A_870 : memref<128x64xf32, #tpu.memory_space<vmem>>) offsets(%dma_start3A_873 : memref<128xi32, #tpu.memory_space<vmem>>) semaphore(%arg22 : memref<!tpu.dma_semaphore, #tpu.memory_space<semaphore_mem>>)
        %dma_start3A_877 = arith.constant 3 : i32
        %dma_start3A_878 = arith.constant 3 : i32
        %dma_start3A_879 = arith.constant 0 : i32
        %dma_start3A_880 = arith.constant 0 : i32
        %dma_start3A_881 = tpu.memref_slice %arg13[%dma_start3A_878, %dma_start3A_879, %dma_start3A_880] : memref<4x128x64xf32, #tpu.memory_space<vmem>> -> memref<1x128x64xf32, #tpu.memory_space<vmem>>
        %dma_start3A_882 = tpu.memref_squeeze %dma_start3A_881 : memref<1x128x64xf32, #tpu.memory_space<vmem>> -> memref<128x64xf32, #tpu.memory_space<vmem>>
        %dma_start3A_883 = arith.constant 0 : i32
        %dma_start3A_884 = tpu.memref_slice %arg10[%dma_start3A_877, %dma_start3A_883] : memref<4x128xi32, #tpu.memory_space<vmem>> -> memref<1x128xi32, #tpu.memory_space<vmem>>
        %dma_start3A_885 = tpu.memref_squeeze %dma_start3A_884 : memref<1x128xi32, #tpu.memory_space<vmem>> -> memref<128xi32, #tpu.memory_space<vmem>>
        %dma_start3A_886 = arith.constant 0 : i32
        %dma_start3A_887 = arith.constant 0 : i32
        %dma_start3A_888 = tpu.memref_slice %arg6[%dma_start3A_886, %dma_start3A_887] : memref<512x64xf32, #tpu.memory_space<hbm>> -> memref<512x64xf32, #tpu.memory_space<hbm>>
        tpu.enqueue_indirect_dma source(%dma_start3A_888 : memref<512x64xf32, #tpu.memory_space<hbm>>) target(%dma_start3A_882 : memref<128x64xf32, #tpu.memory_space<vmem>>) offsets(%dma_start3A_885 : memref<128xi32, #tpu.memory_space<vmem>>) semaphore(%arg22 : memref<!tpu.dma_semaphore, #tpu.memory_space<semaphore_mem>>)
        %dma_start3A_889 = arith.constant 3 : i32
        %dma_start3A_890 = arith.constant 3 : i32
        %dma_start3A_891 = arith.constant 0 : i32
        %dma_start3A_892 = arith.constant 0 : i32
        %dma_start3A_893 = tpu.memref_slice %arg14[%dma_start3A_890, %dma_start3A_891, %dma_start3A_892] : memref<4x128x64xf32, #tpu.memory_space<vmem>> -> memref<1x128x64xf32, #tpu.memory_space<vmem>>
        %dma_start3A_894 = tpu.memref_squeeze %dma_start3A_893 : memref<1x128x64xf32, #tpu.memory_space<vmem>> -> memref<128x64xf32, #tpu.memory_space<vmem>>
        %dma_start3A_895 = arith.constant 0 : i32
        %dma_start3A_896 = tpu.memref_slice %arg11[%dma_start3A_889, %dma_start3A_895] : memref<4x128xi32, #tpu.memory_space<vmem>> -> memref<1x128xi32, #tpu.memory_space<vmem>>
        %dma_start3A_897 = tpu.memref_squeeze %dma_start3A_896 : memref<1x128xi32, #tpu.memory_space<vmem>> -> memref<128xi32, #tpu.memory_space<vmem>>
        %dma_start3A_898 = arith.constant 0 : i32
        %dma_start3A_899 = arith.constant 0 : i32
        %dma_start3A_900 = tpu.memref_slice %arg7[%dma_start3A_898, %dma_start3A_899] : memref<512x64xf32, #tpu.memory_space<hbm>> -> memref<512x64xf32, #tpu.memory_space<hbm>>
        tpu.enqueue_indirect_dma source(%dma_start3A_900 : memref<512x64xf32, #tpu.memory_space<hbm>>) target(%dma_start3A_894 : memref<128x64xf32, #tpu.memory_space<vmem>>) offsets(%dma_start3A_897 : memref<128xi32, #tpu.memory_space<vmem>>) semaphore(%arg22 : memref<!tpu.dma_semaphore, #tpu.memory_space<semaphore_mem>>)
      } else {
      }
    }
    %scan3A_397 = arith.constant 50 : i32
    %dma_wait3A_398 = arith.constant 0 : i32
    %dma_wait3A_399 = arith.constant 0 : i32
    %dma_wait3A_400 = arith.constant 0 : i32
    %dma_wait3A_401 = tpu.memref_slice %arg12[%dma_wait3A_398, %dma_wait3A_399, %dma_wait3A_400] : memref<4x128x64xf32, #tpu.memory_space<vmem>> -> memref<1x128x64xf32, #tpu.memory_space<vmem>>
    %dma_wait3A_402 = tpu.memref_squeeze %dma_wait3A_401 : memref<1x128x64xf32, #tpu.memory_space<vmem>> -> memref<128x64xf32, #tpu.memory_space<vmem>>
    %dma_wait3A_403 = arith.constant 0 : i32
    %dma_wait3A_404 = arith.constant 0 : i32
    %dma_wait3A_405 = tpu.memref_slice %arg8[%dma_wait3A_403, %dma_wait3A_404] : memref<819200x64xf32, #tpu.memory_space<hbm>> -> memref<128x64xf32, #tpu.memory_space<hbm>>
    %dma_wait3A_406 = arith.constant 0 : i32
    %dma_wait3A_407 = arith.constant 0 : i32
    %dma_wait3A_408 = tpu.memref_slice %arg8[%dma_wait3A_406, %dma_wait3A_407] : memref<819200x64xf32, #tpu.memory_space<hbm>> -> memref<128x64xf32, #tpu.memory_space<hbm>>
    %dma_wait3A_409 = arith.constant 0 : i32
    %dma_wait3A_410 = arith.constant 0 : i32
    %dma_wait3A_411 = tpu.memref_slice %arg12[%dma_wait3A_398, %dma_wait3A_409, %dma_wait3A_410] : memref<4x128x64xf32, #tpu.memory_space<vmem>> -> memref<1x128x64xf32, #tpu.memory_space<vmem>>
    %dma_wait3A_412 = tpu.memref_squeeze %dma_wait3A_411 : memref<1x128x64xf32, #tpu.memory_space<vmem>> -> memref<128x64xf32, #tpu.memory_space<vmem>>
    tpu.wait_dma2 semaphore(%arg23 : memref<!tpu.dma_semaphore, #tpu.memory_space<semaphore_mem>>) src(%dma_wait3A_412 : memref<128x64xf32, #tpu.memory_space<vmem>>) dst(%dma_wait3A_408 : memref<128x64xf32, #tpu.memory_space<hbm>>)
    %dma_wait3A_413 = arith.constant 1 : i32
    %dma_wait3A_414 = arith.constant 0 : i32
    %dma_wait3A_415 = arith.constant 0 : i32
    %dma_wait3A_416 = tpu.memref_slice %arg12[%dma_wait3A_413, %dma_wait3A_414, %dma_wait3A_415] : memref<4x128x64xf32, #tpu.memory_space<vmem>> -> memref<1x128x64xf32, #tpu.memory_space<vmem>>
    %dma_wait3A_417 = tpu.memref_squeeze %dma_wait3A_416 : memref<1x128x64xf32, #tpu.memory_space<vmem>> -> memref<128x64xf32, #tpu.memory_space<vmem>>
    %dma_wait3A_418 = arith.constant 0 : i32
    %dma_wait3A_419 = arith.constant 0 : i32
    %dma_wait3A_420 = tpu.memref_slice %arg8[%dma_wait3A_418, %dma_wait3A_419] : memref<819200x64xf32, #tpu.memory_space<hbm>> -> memref<128x64xf32, #tpu.memory_space<hbm>>
    %dma_wait3A_421 = arith.constant 0 : i32
    %dma_wait3A_422 = arith.constant 0 : i32
    %dma_wait3A_423 = tpu.memref_slice %arg8[%dma_wait3A_421, %dma_wait3A_422] : memref<819200x64xf32, #tpu.memory_space<hbm>> -> memref<128x64xf32, #tpu.memory_space<hbm>>
    %dma_wait3A_424 = arith.constant 0 : i32
    %dma_wait3A_425 = arith.constant 0 : i32
    %dma_wait3A_426 = tpu.memref_slice %arg12[%dma_wait3A_413, %dma_wait3A_424, %dma_wait3A_425] : memref<4x128x64xf32, #tpu.memory_space<vmem>> -> memref<1x128x64xf32, #tpu.memory_space<vmem>>
    %dma_wait3A_427 = tpu.memref_squeeze %dma_wait3A_426 : memref<1x128x64xf32, #tpu.memory_space<vmem>> -> memref<128x64xf32, #tpu.memory_space<vmem>>
    tpu.wait_dma2 semaphore(%arg24 : memref<!tpu.dma_semaphore, #tpu.memory_space<semaphore_mem>>) src(%dma_wait3A_427 : memref<128x64xf32, #tpu.memory_space<vmem>>) dst(%dma_wait3A_423 : memref<128x64xf32, #tpu.memory_space<hbm>>)
    %dma_wait3A_428 = arith.constant 2 : i32
    %dma_wait3A_429 = arith.constant 0 : i32
    %dma_wait3A_430 = arith.constant 0 : i32
    %dma_wait3A_431 = tpu.memref_slice %arg12[%dma_wait3A_428, %dma_wait3A_429, %dma_wait3A_430] : memref<4x128x64xf32, #tpu.memory_space<vmem>> -> memref<1x128x64xf32, #tpu.memory_space<vmem>>
    %dma_wait3A_432 = tpu.memref_squeeze %dma_wait3A_431 : memref<1x128x64xf32, #tpu.memory_space<vmem>> -> memref<128x64xf32, #tpu.memory_space<vmem>>
    %dma_wait3A_433 = arith.constant 0 : i32
    %dma_wait3A_434 = arith.constant 0 : i32
    %dma_wait3A_435 = tpu.memref_slice %arg8[%dma_wait3A_433, %dma_wait3A_434] : memref<819200x64xf32, #tpu.memory_space<hbm>> -> memref<128x64xf32, #tpu.memory_space<hbm>>
    %dma_wait3A_436 = arith.constant 0 : i32
    %dma_wait3A_437 = arith.constant 0 : i32
    %dma_wait3A_438 = tpu.memref_slice %arg8[%dma_wait3A_436, %dma_wait3A_437] : memref<819200x64xf32, #tpu.memory_space<hbm>> -> memref<128x64xf32, #tpu.memory_space<hbm>>
    %dma_wait3A_439 = arith.constant 0 : i32
    %dma_wait3A_440 = arith.constant 0 : i32
    %dma_wait3A_441 = tpu.memref_slice %arg12[%dma_wait3A_428, %dma_wait3A_439, %dma_wait3A_440] : memref<4x128x64xf32, #tpu.memory_space<vmem>> -> memref<1x128x64xf32, #tpu.memory_space<vmem>>
    %dma_wait3A_442 = tpu.memref_squeeze %dma_wait3A_441 : memref<1x128x64xf32, #tpu.memory_space<vmem>> -> memref<128x64xf32, #tpu.memory_space<vmem>>
    tpu.wait_dma2 semaphore(%arg25 : memref<!tpu.dma_semaphore, #tpu.memory_space<semaphore_mem>>) src(%dma_wait3A_442 : memref<128x64xf32, #tpu.memory_space<vmem>>) dst(%dma_wait3A_438 : memref<128x64xf32, #tpu.memory_space<hbm>>)
    %dma_wait3A_443 = arith.constant 3 : i32
    %dma_wait3A_444 = arith.constant 0 : i32
    %dma_wait3A_445 = arith.constant 0 : i32
    %dma_wait3A_446 = tpu.memref_slice %arg12[%dma_wait3A_443, %dma_wait3A_444, %dma_wait3A_445] : memref<4x128x64xf32, #tpu.memory_space<vmem>> -> memref<1x128x64xf32, #tpu.memory_space<vmem>>
    %dma_wait3A_447 = tpu.memref_squeeze %dma_wait3A_446 : memref<1x128x64xf32, #tpu.memory_space<vmem>> -> memref<128x64xf32, #tpu.memory_space<vmem>>
    %dma_wait3A_448 = arith.constant 0 : i32
    %dma_wait3A_449 = arith.constant 0 : i32
    %dma_wait3A_450 = tpu.memref_slice %arg8[%dma_wait3A_448, %dma_wait3A_449] : memref<819200x64xf32, #tpu.memory_space<hbm>> -> memref<128x64xf32, #tpu.memory_space<hbm>>
    %dma_wait3A_451 = arith.constant 0 : i32
    %dma_wait3A_452 = arith.constant 0 : i32
    %dma_wait3A_453 = tpu.memref_slice %arg8[%dma_wait3A_451, %dma_wait3A_452] : memref<819200x64xf32, #tpu.memory_space<hbm>> -> memref<128x64xf32, #tpu.memory_space<hbm>>
    %dma_wait3A_454 = arith.constant 0 : i32
    %dma_wait3A_455 = arith.constant 0 : i32
    %dma_wait3A_456 = tpu.memref_slice %arg12[%dma_wait3A_443, %dma_wait3A_454, %dma_wait3A_455] : memref<4x128x64xf32, #tpu.memory_space<vmem>> -> memref<1x128x64xf32, #tpu.memory_space<vmem>>
    %dma_wait3A_457 = tpu.memref_squeeze %dma_wait3A_456 : memref<1x128x64xf32, #tpu.memory_space<vmem>> -> memref<128x64xf32, #tpu.memory_space<vmem>>
    tpu.wait_dma2 semaphore(%arg26 : memref<!tpu.dma_semaphore, #tpu.memory_space<semaphore_mem>>) src(%dma_wait3A_457 : memref<128x64xf32, #tpu.memory_space<vmem>>) dst(%dma_wait3A_453 : memref<128x64xf32, #tpu.memory_space<hbm>>)
    return
  }
}

</mosaic_0001>

<sc_bundles>
// kernel: kernel.3.cloned.1.call-start
scs
__scs_entry_jumppad:
0x0: {  	(pc) =	sbr.rel $0x88, $3  }
0x1: {  	(tag) =	ssettag $0x0;
	lr =	simm.s32 $0x1  }
0x2: {  	[smem:$0x3F9B] =	sst lr;
	_ =	strace $0xD0000000  }
0x3: {  	_ = 	snop  }
0x4: {  	_ = 	snop  }
0x5: {  	_ = 	snop  }
0x6: {  	_ = 	snop  }
0x7: {  	_ = 	snop  }
__scs_overlays_trampoline_lowered:
0x8: {  	[smem:$0x3FAA] =	sst s0  }
0x9: {  	[smem:$0x3FAB] =	sst s1  }
0xa: {  	[smem:$0x3FAC] =	sst s2  }
0xb: {  	[smem:$0x3FAD] =	sst s3  }
0xc: {  	[smem:$0x3FAE] =	sst s4  }
0xd: {  	[smem:$0x3FAF] =	sst s5  }
0xe: {  	[smem:$0x3FB0] =	sst s6  }
0xf: {  	[smem:$0x3FB1] =	sst s7  }
0x10: {  	[smem:$0x3FB2] =	sst s8  }
0x11: {  	[smem:$0x3FB3] =	sst s9;
	s0 =	simm.s32 @!p0 $0x0  }
0x12: {  	s1 =	sld [smem:$0x3F99];
	s0 =	simm.s32 @p0 $0x1  }
0x13: {  	[smem:$0x3FB4] =	sst s0;
	s0 =	simm.s32 @!p1 $0x0  }
0x14: {  	s2 =	sld [smem:$0x3F98];
	s0 =	simm.s32 @p1 $0x1  }
0x15: {  	[smem:$0x3FB5] =	sst s0;
	s0 =	simm.s32 @!p2 $0x0  }
0x16: {  	s3 =	sld [smem:$0x3FDB];
	s0 =	simm.s32 @p2 $0x1  }
0x17: {  	s4 =	simm.s32 $0x1BF5;
	[smem:$0x3FB7] =	sst s0  }
0x18: {  	s0 =	sld [smem:$0x3F9A];
	_ =	swait.ge [sflag:s4], $0x0  }
0x19: {  	s7 =	sld [smem:$0x3F9B]  }
0x1a: {  	s8 =	sadd.s32 $0xFFFFE003, lr  }
0x1b: {  	s9 =	sadd.s32 $0xFFFFFEF7, lr;
	s5 =	simm.s32 $0xFFFFFFFF;
	p2 =	slt.u32 s8, $0xFFFFF086  }
0x1c: {  	p1 =	slt.u32 s9, $0xF7A;
	s5 =	simm.s32 @!p2 $0x0  }
0x1d: {  	s5 =	simm.s32 @p1 $0x1;
	p0 =	seq.s32 s7, s2  }
0x1e: {  	s7 =	smul.u32 @!p0 $0xF7A, s2;
	p2 =	seq.s32 @!p0 s5, $0x0  }
0x1f: {  	s9 =	smul.u32 $0xF7A, s1;
	s8 =	simm.s32 @!p0 $0x1BF5;
	p2 =	por !p2, p0  }
0x20: {  	[sflag:s8] =	ssyncset.s32 @!p0 $0xFFFFF086;
	s6 =	sadd.s32 @!p0 s3, s7;
	s7 =	simm.s32 @!p0 $0x108  }
0x21: {  	s3 =	sadd.s32 s3, s9;
	s6 =	sadd.s32 @!p0 $0x88, s6;
	s7 =	simm.s32 @p2 $0x1082  }
0x22: {  	[simem:s7], [sflag:s8] =	dma.local @!p0 [hbm:s6], $0xF7A  }
0x23: {  	s9 =	sor.u32 $0xD0000000, s2;
	s6 =	simm.s32 $0x108;
	_ =	swait.ge @!p0 [sflag:s8], $0x0  }
0x24: {  	s3 =	sadd.s32 $0x88, s3;
	s6 =	simm.s32 @!p1 $0x1082;
	[sflag:s4] =	ssyncset.s32 $0xFFFFF086  }
0x25: {  	[simem:s6], [sflag:s4] =	dma.local [hbm:s3], $0xF7A  }
0x26: {  	[smem:$0x3F9B] =	sst s1;
	(tag) =	ssettag s2;
	_ =	strace s9  }
0x27: {  	s1 =	sld [smem:$0x3FAB]  }
0x28: {  	s2 =	sld [smem:$0x3FAC]  }
0x29: {  	s4 =	sld [smem:$0x3FAE]  }
0x2a: {  	p0 =	seq.s32 s5, $0x0;
	s5 =	sld [smem:$0x3FAF]  }
0x2b: {  	s6 =	sld [smem:$0x3FB0]  }
0x2c: {  	s7 =	sld [smem:$0x3FB1]  }
0x2d: {  	s3 =	simm.s32 $0x108;
	s8 =	sld [smem:$0x3FB2]  }
0x2e: {  	s3 =	simm.s32 @!p0 $0x1082;
	s9 =	sld [smem:$0x3FB3]  }
0x2f: {  	lr =	sadd.s32 s0, s3;
	s0 =	sld [smem:$0x3FAA]  }
0x30: {  	s3 =	sld [smem:$0x3FAD]  }
0x31: {  	[smem:$0x3FB6] =	sst s10  }
0x32: {  	s10 =	sld [smem:$0x3FB4];
	_ =	sdelay $0x3  }
0x33: {  	p0 =	seq.s32 s10, $0x1;
	s10 =	sld [smem:$0x3FB6];
	_ =	sdelay $0x3  }
0x34: {  	[smem:$0x3FB6] =	sst s10  }
0x35: {  	s10 =	sld [smem:$0x3FB5];
	_ =	sdelay $0x3  }
0x36: {  	p1 =	seq.s32 s10, $0x1;
	s10 =	sld [smem:$0x3FB6];
	_ =	sdelay $0x3  }
0x37: {  	[smem:$0x3FB6] =	sst s10  }
0x38: {  	s10 =	sld [smem:$0x3FB7]  }
0x39: {  	_ = 	snop;
	(pc) =	sbr.ind lr, $3  }
0x3a: {  	_ = 	snop  }
0x3b: {  	_ = 	snop  }
0x3c: {  	p2 =	seq.s32 s10, $0x1;
	s10 =	sld [smem:$0x3FB6]  }
0x3d: {  	_ =	shalt  }
0x3e: {  	_ =	shalt  }
0x3f: {  	_ =	shalt  }
0x40: {  	_ =	shalt  }
0x41: {  	_ =	shalt  }
0x42: {  	_ =	shalt  }
0x43: {  	_ =	shalt  }
0x44: {  	_ =	shalt  }
0x45: {  	_ =	shalt  }
0x46: {  	_ =	shalt  }
0x47: {  	_ =	shalt  }
0x48: {  	_ =	shalt  }
0x49: {  	_ =	shalt  }
0x4a: {  	_ =	shalt  }
0x4b: {  	_ =	shalt  }
0x4c: {  	_ =	shalt  }
0x4d: {  	_ =	shalt  }
0x4e: {  	_ =	shalt  }
0x4f: {  	_ =	shalt  }
0x50: {  	_ =	shalt  }
0x51: {  	_ =	shalt  }
0x52: {  	_ =	shalt  }
0x53: {  	_ =	shalt  }
0x54: {  	_ =	shalt  }
0x55: {  	_ =	shalt  }
0x56: {  	_ =	shalt  }
0x57: {  	_ =	shalt  }
0x58: {  	_ =	shalt  }
0x59: {  	_ =	shalt  }
0x5a: {  	_ =	shalt  }
0x5b: {  	_ =	shalt  }
0x5c: {  	_ =	shalt  }
0x5d: {  	_ =	shalt  }
0x5e: {  	_ =	shalt  }
0x5f: {  	_ =	shalt  }
0x60: {  	_ =	shalt  }
0x61: {  	_ =	shalt  }
0x62: {  	_ =	shalt  }
0x63: {  	_ =	shalt  }
0x64: {  	_ =	shalt  }
0x65: {  	_ =	shalt  }
0x66: {  	_ =	shalt  }
0x67: {  	_ =	shalt  }
0x68: {  	_ =	shalt  }
0x69: {  	_ =	shalt  }
0x6a: {  	_ =	shalt  }
0x6b: {  	_ =	shalt  }
0x6c: {  	_ =	shalt  }
0x6d: {  	_ =	shalt  }
0x6e: {  	_ =	shalt  }
0x6f: {  	_ =	shalt  }
0x70: {  	_ =	shalt  }
0x71: {  	_ =	shalt  }
0x72: {  	_ =	shalt  }
0x73: {  	_ =	shalt  }
0x74: {  	_ =	shalt  }
0x75: {  	_ =	shalt  }
0x76: {  	_ =	shalt  }
0x77: {  	_ =	shalt  }
0x78: {  	_ =	shalt  }
0x79: {  	_ =	shalt  }
0x7a: {  	_ =	shalt  }
0x7b: {  	_ =	shalt  }
0x7c: {  	_ =	shalt  }
0x7d: {  	_ =	shalt  }
0x7e: {  	_ =	shalt  }
0x7f: {  	_ =	shalt  }
0x80: {  	_ =	shalt  }
0x81: {  	_ =	shalt  }
0x82: {  	_ =	shalt  }
0x83: {  	_ =	shalt  }
0x84: {  	_ =	shalt  }
0x85: {  	_ =	shalt  }
0x86: {  	_ =	shalt  }
0x87: {  	_ =	shalt  }
.Lfunc_end0:
.L_simem_size_0:
called_computation.1_lowered:
.L_overlay_start_0:
0x88: {  	s2 =	sld [smem:$0x3FD9]  }
0x89: {  	s3 =	sld [smem:$0x3FFE];
	_ =	sdelay $0x1  }
0x8a: {  	s1 =	srdreg.scid  }
0x8b: {  	s0 =	sand.u32 $0x1, s1  }
0x8c: {  	s17 =	sshll.u32 s0, $0xA;
	s2 =	sadd.s32 s3, s2  }
0x8d: {  	s2 =	sadd.s32 s2, s17  }
0x8e: {  	[smem:$0x3FC2] =	sst s2  }
0x8f: {  	_ = 	snop  }
0x90: {  	s2 =	sld [smem:$0x3FD0];
	(tm) =	ssettm $0x1  }
0x91: {  	s18 =	sld [smem:$0x3FFB];
	_ =	sdelay $0x3  }
0x92: {  	_ =	strace s18  }
0x93: {  	s3 =	sld [smem:$0x3FFC];
	_ =	sdelay $0x3  }
0x94: {  	_ =	strace s3  }
0x95: {  	s3 =	sld [smem:$0x3FFD];
	_ =	sdelay $0x3  }
0x96: {  	_ =	strace s3  }
0x97: {  	_ =	strace $0x8FFFFFFF  }
0x98: {  	s19 =	sld [smem:$0x3FDB];
	_ =	sdelay $0x1  }
0x99: {  	s4 =	simm.s32 $_scs_section_size  }
0x9a: {  	s5 =	simm.s32 $_size__tile_overlayer_lowered;
	s6 =	simm.s32 $_tile_overlayer_lowered  }
0x9b: {  	s22 =	simm.s32 $0x1BFF;
	s21 =	sshll.u32 s6, $0x1;
	s3 =	sadd.s32 s4, s19  }
0x9c: {  	s7 =	simm.s32 $0x0;
	s20 =	sshll.u32 s5, $0x1;
	s5 =	sadd.s32 s21, s3  }
0x9d: {  	[timem:s7], [sflag:s22] =	dma.local [hbm:s5], s20  }
0x9e: {  	_ =	swait.ge [sflag:s22], s20  }
0x9f: {  	s4 =	ssub.s32 $0x0, s20;
	[sflag:s22] =	ssyncset.done $0x0  }
0xa0: {  	[sflag:s22] =	ssyncadd.s32 s4;
	_ =	sdelay $0x1  }
0xa1: {  	s23 =	simm.s32 $0x1B8B  }
0xa2: {  	_ =	swait.ge [sflag:s23], $0x1  }
0xa3: {  	[sflag:s23] =	ssyncset.done $0x0  }
0xa4: {  	s25 =	simm.s32 $0x1B8E;
	s24 =	sld [smem:$0x3FFE];
	[sflag:s23] =	ssyncadd.s32 $0xFFFFFFFF  }
0xa5: {  	s26 =	simm.s32 $execute0_lowered;
	[smem:$0x3FD2] =	sst s25  }
0xa6: {  	s5 =	sshll.u32 s26, $0x1;
	_ =	strace $0x80000046;
	[dreg:$0x1] =	wrdreg $0xFFFFFFFF  }
0xa7: {  	s28 =	simm.s32 $_size_execute0_lowered;
	s3 =	sadd.s32 s3, s5;
	[dreg:$0x0] =	wrdreg $0x0  }
0xa8: {  	s5 =	sshll.u32 s28, $0x1;
	[dreg:$0x2] =	wrdreg s3  }
0xa9: {  	[dreg:$0x3] =	wrdreg s5  }
0xaa: {  	[dreg:$0x4] =	wrdreg $0xC0  }
0xab: {  	_ =	task [dreg:s7], $0x5FFFF  }
0xac: {  	[dreg:$0x1] =	wrdreg $0xFFFFFFFF  }
0xad: {  	[dreg:$0x0] =	wrdreg $0x60  }
0xae: {  	[dreg:$0x2] =	wrdreg s24  }
0xaf: {  	[dreg:$0x3] =	wrdreg s2  }
0xb0: {  	[dreg:$0x4] =	wrdreg $0x9  }
0xb1: {  	_ =	task.clear_ibuf [dreg:s7], $0x5FFFF;
	_ =	strace $0x90000046  }
0xb2: {  	s29 =	simm.s32 $0x9;
	_ =	strace $0x80000048  }
0xb3: {  	_ =	swait.ge [sflag:s29], $0x1  }
0xb4: {  	[sflag:s29] =	ssyncadd.s32 $0xFFFFFFFF  }
0xb5: {  	_ =	strace $0x90000048  }
0xb6: {  	_ =	sfence  }
0xb7: {  	s30 =	sld [smem:$0x0];
	_ =	sdelay $0x2  }
0xb8: {  	s31 =	sshll.u32 s1, $0xD;
	s1 =	sshrl.u32 s1, $0x2  }
0xb9: {  	s3 =	sand.u32 $0x4000, s31;
	s1 =	sadd.s32 s1, s30  }
0xba: {  	s0 =	sor.u32 s3, s0;
	s1 =	sshll.u32 s1, $0x11  }
0xbb: {  	s0 =	sor.u32 s1, s0  }
0xbc: {  	s0 =	sadd.s32 $0x8F2B, s0  }
0xbd: {  	[sflag:s0] =	ssyncadd.remote.s32 $0x1  }
0xbe: {  	_ =	sfence.sel $0xFFFF  }
0xbf: {  	[dreg:$0x0] =	wrdreg $0xFFFFFFFF;
	(pc) =	sbr.abs _section_cstart, $3  }
0xc0: {  	[dreg:$0x1] =	wrdreg $0xFFFFFFFF  }
0xc1: {  	_ =	task.clear_ibuf [dreg:s7], $0x2FFFF;
	_ =	strace $0x9FFFFFFF  }
0xc2: {  	(tm) =	ssettm $0x7FFFFFFF  }
0xc3: {  	_ =	shalt  }
tec
execute0_lowered:
.L_overlay_start_1:
0x0: {  	(tag) =	ssettag $0x1  }
0x1: {  	s0 =	rddreg [dreg:$0x0]  }
0x2: {  	s1 =	rddreg [dreg:$0x1]  }
0x3: {  	s2 =	srdreg.scid;
	s4 =	stileid.u32  }
0x4: {  	s3 =	simm.s32 $0x0;
	s2 =	sand.u32 $0x1, s2;
	s6 =	sshll.u32 s4, $0x1  }
0x5: {  	[smem:$0x7FF] =	sst s3;
	s10 =	sor.u32 s2, s6  }
0x6: {  	s4 =	sadd.s32 $0x33200, s0;
	s5 =	sadd.s32 $0x1A200, s0;
	s11 =	smul.u32 $0x6400, s10  }
0x7: {  	s7 =	sadd.s32 $0xF43600, s0;
	s8 =	sadd.s32 $0x4D200, s0;
	s21 =	smul.u32 $0x190000, s10  }
0x8: {  	s9 =	sadd.s32 $0x4C200, s0;
	_ =	strace $0x80000047;
	s6 =	sadd.s32 $0x1200, s0  }
0x9: {  	s2 =	ssub.s32 $0x2, s2;
	[dreg:$0xf] =	wrdreg s21;
	s22 =	sor.u32 $0x200, s11  }
0xa: {  	s12 =	sshrl.u32 s2, $0x1;
	s23 =	sor.u32 $0x80, s11;
	[dreg:$0x10] =	wrdreg s22  }
0xb: {  	s0 =	ssub.s32 s2, s12;
	s24 =	sor.u32 $0x280, s11;
	[dreg:$0x11] =	wrdreg s23  }
0xc: {  	s25 =	sshrl.u32 s11, $0x3;
	s0 =	smax.u32 s0, $0x1;
	[dreg:$0x12] =	wrdreg s24  }
0xd: {  	s26 =	sadd.s32 s4, s25;
	[dreg:$0x17] =	wrdreg s0  }
0xe: {  	s28 =	sadd.s32 s5, s25;
	s29 =	sor.u32 $0x10, s25;
	[dreg:$0x3] =	wrdreg s26  }
0xf: {  	s13 =	sadd.s32 s6, s25;
	s15 =	sor.u32 $0x20, s25;
	[dreg:$0x4] =	wrdreg s28  }
0x10: {  	s2 =	sor.u32 $0x30, s25;
	s25 =	sor.u32 $0x100, s11;
	[dreg:$0x5] =	wrdreg s13  }
0x11: {  	s14 =	sadd.s32 s4, s29;
	[dreg:$0x13] =	wrdreg s25  }
0x12: {  	s12 =	sadd.s32 s6, s29;
	[dreg:$0x6] =	wrdreg s14  }
0x13: {  	s31 =	simm.s32 $0x4;
	s16 =	sadd.s32 s4, s15;
	[dreg:$0x8] =	wrdreg s12  }
0x14: {  	s30 =	simm.s32 $0xB;
	s17 =	sadd.s32 s5, s15;
	[dreg:$0x9] =	wrdreg s16  }
0x15: {  	s10 =	simm.s32 $0x5;
	s18 =	sadd.s32 s6, s15;
	[dreg:$0xa] =	wrdreg s17  }
0x16: {  	s21 =	simm.s32 $0x4600;
	s19 =	sadd.s32 s4, s2;
	[dreg:$0xb] =	wrdreg s18  }
0x17: {  	s0 =	simm.s32 $0x80;
	s20 =	sadd.s32 s5, s2;
	[dreg:$0xc] =	wrdreg s19  }
0x18: {  	s22 =	simm.s32 $0xC;
	s2 =	sadd.s32 s6, s2;
	[dreg:$0xd] =	wrdreg s20  }
0x19: {  	s26 =	sor.u32 $0x300, s11;
	s28 =	sor.u32 $0x180, s11;
	[dreg:$0xe] =	wrdreg s2  }
.Ltmp0:
0x1a: {  	s13 =	simm.s32 $0x8;
	[dreg:$0x14] =	wrdreg s26;
	(pc) =	sbr.rel .LBB2_1-.Ltmp0, $4  }
0x1b: {  	s14 =	sadd.s32 s5, s29;
	[dreg:$0x15] =	wrdreg s28;
	s29 =	sor.u32 $0x380, s11  }
0x1c: {  	s19 =	simm.s32 $0x2;
	s17 =	simm.s32 $0x3;
	s2 =	simm.s32 $0x6600  }
0x1d: {  	s11 =	simm.s32 $0x6;
	s12 =	simm.s32 $0x7;
	[dreg:$0x7] =	wrdreg s14  }
0x1e: {  	s18 =	simm.s32 $0xA;
	[dreg:$0x16] =	wrdreg s29;
	s14 =	simm.s32 $0x0  }
.LBB2_12:
0x1f: {  	s14 =	simm.s32 $0x9  }
0x20: {  	_ =	swait.ge [sflag:s14], $0x2000  }
0x21: {  	[sflag:s14] =	ssyncset.done $0x0  }
0x22: {  	[sflag:s14] =	ssyncadd.s32 $0xFFFFE000  }
0x23: {  	_ =	swait.ge [sflag:s18], $0x2000  }
0x24: {  	[sflag:s18] =	ssyncset.done $0x0  }
0x25: {  	[sflag:s18] =	ssyncadd.s32 $0xFFFFE000  }
0x26: {  	_ =	swait.ge [sflag:s30], $0x2000  }
0x27: {  	[sflag:s30] =	ssyncset.done $0x0  }
0x28: {  	[sflag:s30] =	ssyncadd.s32 $0xFFFFE000  }
0x29: {  	_ =	swait.ge [sflag:s22], $0x2000  }
0x2a: {  	s29 =	rddreg [dreg:$0x18]  }
0x2b: {  	s23 =	rddreg [dreg:$0x17];
	s14 =	sadd.s32 $0x1, s29  }
0x2c: {  	p0 =	sne.s32 s14, s23  }
.Ltmp1:
0x2d: {  	_ = 	snop;
	(pc) =	sbr.rel @!p0 .LBB2_13-.Ltmp1, $3  }
0x2e: {  	_ =	sdelay $0x1  }
0x2f: {  	[sflag:s22] =	ssyncset.done $0x0  }
0x30: {  	[sflag:s22] =	ssyncadd.s32 $0xFFFFE000  }
.LBB2_1:
0x31: {  	[dreg:$0x18] =	wrdreg s14  }
0x32: {  	s23 =	rddreg [dreg:$0x3]  }
0x33: {  	[tilespmem:s3], [sflag:$0x1] =	stream.linear.gather [hbm4b:s23+s3], $0x80, $0x38;
	[tilespmem:$0x18600] =	vst v63  }
0x34: {  	s25 =	rddreg [dreg:$0x4];
	s24 =	simm.s32 $0x200  }
0x35: {  	[tilespmem:s24], [sflag:$0x1] =	stream.linear.gather [hbm4b:s25+s3], $0x80, $0x38;
	[tilespmem:$0x18600] =	vst v63  }
0x36: {  	s26 =	rddreg [dreg:$0x5];
	s25 =	simm.s32 $0x400  }
0x37: {  	[tilespmem:s25], [sflag:$0x1] =	stream.linear.gather [hbm4b:s26+s3], $0x80, $0x38;
	[tilespmem:$0x18600] =	vst v63  }
0x38: {  	s28 =	rddreg [dreg:$0x6]  }
0x39: {  	[tilespmem:s0], [sflag:$0x2] =	stream.linear.gather [hbm4b:s28+s3], $0x80, $0x38;
	[tilespmem:$0x18600] =	vst v63  }
0x3a: {  	s29 =	rddreg [dreg:$0x7];
	s26 =	simm.s32 $0x280  }
0x3b: {  	[tilespmem:s26], [sflag:$0x2] =	stream.linear.gather [hbm4b:s29+s3], $0x80, $0x38;
	[tilespmem:$0x18600] =	vst v63  }
0x3c: {  	s14 =	rddreg [dreg:$0x8];
	s28 =	simm.s32 $0x480  }
0x3d: {  	[tilespmem:s28], [sflag:$0x2] =	stream.linear.gather [hbm4b:s14+s3], $0x80, $0x38;
	[tilespmem:$0x18600] =	vst v63  }
0x3e: {  	s15 =	rddreg [dreg:$0x9];
	s29 =	simm.s32 $0x100  }
0x3f: {  	[tilespmem:s29], [sflag:$0x3] =	stream.linear.gather [hbm4b:s15+s3], $0x80, $0x38;
	[tilespmem:$0x18600] =	vst v63  }
0x40: {  	s16 =	rddreg [dreg:$0xa];
	s14 =	simm.s32 $0x300  }
0x41: {  	[tilespmem:s14], [sflag:$0x3] =	stream.linear.gather [hbm4b:s16+s3], $0x80, $0x38;
	[tilespmem:$0x18600] =	vst v63  }
0x42: {  	s20 =	rddreg [dreg:$0xb];
	s15 =	simm.s32 $0x500  }
0x43: {  	[tilespmem:s15], [sflag:$0x3] =	stream.linear.gather [hbm4b:s20+s3], $0x80, $0x38;
	[tilespmem:$0x18600] =	vst v63  }
0x44: {  	s16 =	rddreg [dreg:$0xc];
	s15 =	simm.s32 $0x180  }
0x45: {  	[tilespmem:s15], [sflag:$0x4] =	stream.linear.gather [hbm4b:s16+s3], $0x80, $0x38;
	[tilespmem:$0x18600] =	vst v63  }
0x46: {  	s20 =	rddreg [dreg:$0xd];
	s16 =	simm.s32 $0x380  }
0x47: {  	[tilespmem:s16], [sflag:$0x4] =	stream.linear.gather [hbm4b:s20+s3], $0x80, $0x38;
	[tilespmem:$0x18600] =	vst v63  }
0x48: {  	s23 =	rddreg [dreg:$0xe];
	s20 =	simm.s32 $0x580  }
0x49: {  	[tilespmem:s20], [sflag:$0x4] =	stream.linear.gather [hbm4b:s23+s3], $0x80, $0x38;
	[tilespmem:$0x18600] =	vst v63  }
0x4a: {  	s23 =	simm.s32 $0x1  }
0x4b: {  	_ =	swait.ge [sflag:s23], $0x80  }
0x4c: {  	[sflag:s23] =	ssyncset.done $0x0  }
0x4d: {  	[sflag:s23] =	ssyncadd.s32 $0xFFFFFF80  }
0x4e: {  	_ =	swait.ge [sflag:s23], $0x80  }
0x4f: {  	[sflag:s23] =	ssyncset.done $0x0  }
0x50: {  	[sflag:s23] =	ssyncadd.s32 $0xFFFFFF80  }
0x51: {  	_ =	swait.ge [sflag:s23], $0x80  }
0x52: {  	[sflag:s23] =	ssyncset.done $0x0  }
0x53: {  	[sflag:s23] =	ssyncadd.s32 $0xFFFFFF80;
	s23 =	simm.s32 $0x600  }
0x54: {  	[tilespmem:s23], [sflag:$0x5] =	stream.indirect.gather [hbm4b:s7+s0], $0x40, s3, s0, $0xb8;
	[tilespmem:$0x18600] =	vst v63  }
0x55: {  	s23 =	simm.s32 $0x8600  }
0x56: {  	[tilespmem:s23], [sflag:$0x5] =	stream.indirect.gather [hbm4b:s8+s0], $0x40, s24, s0, $0xb8;
	[tilespmem:$0x18600] =	vst v63  }
0x57: {  	s24 =	simm.s32 $0x10600  }
0x58: {  	[tilespmem:s24], [sflag:$0x5] =	stream.indirect.gather [hbm4b:s9+s0], $0x40, s25, s0, $0xb8;
	[tilespmem:$0x18600] =	vst v63  }
0x59: {  	_ =	swait.ge [sflag:s19], $0x80  }
0x5a: {  	[sflag:s19] =	ssyncset.done $0x0  }
0x5b: {  	[sflag:s19] =	ssyncadd.s32 $0xFFFFFF80  }
0x5c: {  	_ =	swait.ge [sflag:s19], $0x80  }
0x5d: {  	[sflag:s19] =	ssyncset.done $0x0  }
0x5e: {  	[sflag:s19] =	ssyncadd.s32 $0xFFFFFF80  }
0x5f: {  	_ =	swait.ge [sflag:s19], $0x80  }
0x60: {  	[sflag:s19] =	ssyncset.done $0x0  }
0x61: {  	s24 =	simm.s32 $0x2600;
	[sflag:s19] =	ssyncadd.s32 $0xFFFFFF80  }
0x62: {  	[tilespmem:s24], [sflag:$0x6] =	stream.indirect.gather [hbm4b:s7+s0], $0x40, s0, s0, $0xb8;
	[tilespmem:$0x18600] =	vst v63  }
0x63: {  	s25 =	simm.s32 $0xA600  }
0x64: {  	[tilespmem:s25], [sflag:$0x6] =	stream.indirect.gather [hbm4b:s8+s0], $0x40, s26, s0, $0xb8;
	[tilespmem:$0x18600] =	vst v63  }
0x65: {  	s24 =	simm.s32 $0x12600  }
0x66: {  	[tilespmem:s24], [sflag:$0x6] =	stream.indirect.gather [hbm4b:s9+s0], $0x40, s28, s0, $0xb8;
	[tilespmem:$0x18600] =	vst v63  }
0x67: {  	_ =	swait.ge [sflag:s17], $0x80  }
0x68: {  	[sflag:s17] =	ssyncset.done $0x0  }
0x69: {  	[sflag:s17] =	ssyncadd.s32 $0xFFFFFF80  }
0x6a: {  	_ =	swait.ge [sflag:s17], $0x80  }
0x6b: {  	[sflag:s17] =	ssyncset.done $0x0  }
0x6c: {  	[sflag:s17] =	ssyncadd.s32 $0xFFFFFF80  }
0x6d: {  	_ =	swait.ge [sflag:s17], $0x80  }
0x6e: {  	[sflag:s17] =	ssyncset.done $0x0  }
0x6f: {  	[sflag:s17] =	ssyncadd.s32 $0xFFFFFF80  }
0x70: {  	[tilespmem:s21], [sflag:$0x7] =	stream.indirect.gather [hbm4b:s7+s0], $0x40, s29, s0, $0xb8;
	[tilespmem:$0x18600] =	vst v63  }
0x71: {  	s25 =	simm.s32 $0xC600  }
0x72: {  	[tilespmem:s25], [sflag:$0x7] =	stream.indirect.gather [hbm4b:s8+s0], $0x40, s14, s0, $0xb8;
	[tilespmem:$0x18600] =	vst v63  }
0x73: {  	s26 =	simm.s32 $0x14600;
	s14 =	simm.s32 $0x500  }
0x74: {  	[tilespmem:s26], [sflag:$0x7] =	stream.indirect.gather [hbm4b:s9+s0], $0x40, s14, s0, $0xb8;
	[tilespmem:$0x18600] =	vst v63  }
0x75: {  	_ =	swait.ge [sflag:s31], $0x80  }
0x76: {  	[sflag:s31] =	ssyncset.done $0x0  }
0x77: {  	[sflag:s31] =	ssyncadd.s32 $0xFFFFFF80  }
0x78: {  	_ =	swait.ge [sflag:s31], $0x80  }
0x79: {  	[sflag:s31] =	ssyncset.done $0x0  }
0x7a: {  	[sflag:s31] =	ssyncadd.s32 $0xFFFFFF80  }
0x7b: {  	_ =	swait.ge [sflag:s31], $0x80  }
0x7c: {  	[sflag:s31] =	ssyncset.done $0x0  }
0x7d: {  	[sflag:s31] =	ssyncadd.s32 $0xFFFFFF80  }
0x7e: {  	[tilespmem:s2], [sflag:$0x8] =	stream.indirect.gather [hbm4b:s7+s0], $0x40, s15, s0, $0xb8;
	[tilespmem:$0x18600] =	vst v63  }
0x7f: {  	s28 =	simm.s32 $0xE600  }
0x80: {  	[tilespmem:s28], [sflag:$0x8] =	stream.indirect.gather [hbm4b:s8+s0], $0x40, s16, s0, $0xb8;
	[tilespmem:$0x18600] =	vst v63  }
0x81: {  	s23 =	simm.s32 $0x0;
	s29 =	simm.s32 $0x16600  }
0x82: {  	[tilespmem:s29], [sflag:$0x8] =	stream.indirect.gather [hbm4b:s9+s0], $0x40, s20, s0, $0xb8;
	[tilespmem:$0x18600] =	vst v63  }
.LBB2_2:
0x83: {  	_ =	swait.ge [sflag:s10], $0x2000  }
0x84: {  	[sflag:s10] =	ssyncset.done $0x0  }
0x85: {  	[sflag:s10] =	ssyncadd.s32 $0xFFFFE000  }
0x86: {  	_ =	swait.ge [sflag:s10], $0x2000  }
0x87: {  	[sflag:s10] =	ssyncset.done $0x0  }
0x88: {  	[sflag:s10] =	ssyncadd.s32 $0xFFFFE000  }
0x89: {  	_ =	swait.ge [sflag:s10], $0x2000  }
0x8a: {  	[sflag:s10] =	ssyncset.done $0x0  }
0x8b: {  	s24 =	simm.s32 $0x0;
	[sflag:s10] =	ssyncadd.s32 $0xFFFFE000  }
0x8c: {  	v0 =	vld [tilespmem:s24+$0x87F0]  }
0x8d: {  	v1 =	vld [tilespmem:s24+$0x107F0]  }
0x8e: {  	v2 =	vld [tilespmem:s24+$0x8600]  }
0x8f: {  	v3 =	vld [tilespmem:s24+$0x10600]  }
0x90: {  	v4 =	vld [tilespmem:s24+$0x8610]  }
0x91: {  	v5 =	vld [tilespmem:s24+$0x10610]  }
0x92: {  	v6 =	vld [tilespmem:s24+$0x8620]  }
0x93: {  	v7 =	vld [tilespmem:s24+$0x10630]  }
0x94: {  	v8 =	vld [tilespmem:s24+$0x8640]  }
0x95: {  	v9 =	vld [tilespmem:s24+$0x10640]  }
0x96: {  	v10 =	vld [tilespmem:s24+$0x8650]  }
0x97: {  	v11 =	vld [tilespmem:s24+$0x10650]  }
0x98: {  	v12 =	vld [tilespmem:s24+$0x8660]  }
0x99: {  	v13 =	vld [tilespmem:s24+$0x10660]  }
0x9a: {  	v14 =	vld [tilespmem:s24+$0x8670]  }
0x9b: {  	v15 =	vld [tilespmem:s24+$0x10670]  }
0x9c: {  	v16 =	vld [tilespmem:s24+$0x8680]  }
0x9d: {  	v17 =	vld [tilespmem:s24+$0x10680]  }
0x9e: {  	v18 =	vld [tilespmem:s24+$0x8690]  }
0x9f: {  	v19 =	vld [tilespmem:s24+$0x10690]  }
0xa0: {  	v20 =	vld [tilespmem:s24+$0x86A0]  }
0xa1: {  	v21 =	vld [tilespmem:s24+$0x106A0]  }
0xa2: {  	v22 =	vld [tilespmem:s24+$0x86B0]  }
0xa3: {  	v23 =	vld [tilespmem:s24+$0x106B0]  }
0xa4: {  	v24 =	vld [tilespmem:s24+$0x86C0]  }
0xa5: {  	v25 =	vld [tilespmem:s24+$0x106C0]  }
0xa6: {  	v26 =	vld [tilespmem:s24+$0x86D0]  }
0xa7: {  	v27 =	vld [tilespmem:s24+$0x106D0]  }
0xa8: {  	v28 =	vld [tilespmem:s24+$0x86E0]  }
0xa9: {  	v29 =	vld [tilespmem:s24+$0x106E0]  }
0xaa: {  	v30 =	vld [tilespmem:s24+$0x86F0]  }
0xab: {  	v31 =	vld [tilespmem:s24+$0x106F0]  }
0xac: {  	v32 =	vld [tilespmem:s24+$0x8700]  }
0xad: {  	v33 =	vld [tilespmem:s24+$0x10700]  }
0xae: {  	v34 =	vld [tilespmem:s24+$0x8710]  }
0xaf: {  	v35 =	vld [tilespmem:s24+$0x10710]  }
0xb0: {  	v36 =	vld [tilespmem:s24+$0x8720]  }
0xb1: {  	v37 =	vld [tilespmem:s24+$0x10720]  }
0xb2: {  	v38 =	vld [tilespmem:s24+$0x8730]  }
0xb3: {  	v39 =	vld [tilespmem:s24+$0x10730]  }
0xb4: {  	v40 =	vld [tilespmem:s24+$0x8740]  }
0xb5: {  	v41 =	vld [tilespmem:s24+$0x10740]  }
0xb6: {  	v42 =	vld [tilespmem:s24+$0x8750]  }
0xb7: {  	v43 =	vld [tilespmem:s24+$0x10750]  }
0xb8: {  	v44 =	vld [tilespmem:s24+$0x8760]  }
0xb9: {  	v45 =	vld [tilespmem:s24+$0x10760]  }
0xba: {  	v46 =	vld [tilespmem:s24+$0x8770]  }
0xbb: {  	v47 =	vld [tilespmem:s24+$0x10770]  }
0xbc: {  	v48 =	vld [tilespmem:s24+$0x8780]  }
0xbd: {  	v49 =	vld [tilespmem:s24+$0x10780]  }
0xbe: {  	v50 =	vld [tilespmem:s24+$0x8790]  }
0xbf: {  	v51 =	vld [tilespmem:s24+$0x10790]  }
0xc0: {  	v52 =	vld [tilespmem:s24+$0x87A0]  }
0xc1: {  	v53 =	vld [tilespmem:s24+$0x107A0]  }
0xc2: {  	v54 =	vld [tilespmem:s24+$0x87B0]  }
0xc3: {  	v55 =	vld [tilespmem:s24+$0x107B0]  }
0xc4: {  	v56 =	vld [tilespmem:s24+$0x87C0]  }
0xc5: {  	v57 =	vld [tilespmem:s24+$0x107C0]  }
0xc6: {  	v58 =	vld [tilespmem:s24+$0x87D0]  }
0xc7: {  	v59 =	vld [tilespmem:s24+$0x107D0]  }
0xc8: {  	v63 =	vld [tilespmem:s24+$0x107E0];
	v0 =	vadd.f32 v1, v0  }
0xc9: {  	v1 =	vld [tilespmem:s24+$0x10620]  }
0xca: {  	v2 =	vadd.f32 v3, v2;
	[tilespmem:s24+$0x7F0] =	vst.add.f32.msk $0xffff, v0  }
0xcb: {  	v0 =	vld [tilespmem:s24+$0x8630]  }
0xcc: {  	[tilespmem:s24+$0x600] =	vst.add.f32.msk $0xffff, v2;
	v2 =	vadd.f32 v9, v8  }
0xcd: {  	v3 =	vld [tilespmem:s24+$0x87E0];
	v4 =	vadd.f32 v5, v4  }
0xce: {  	[tilespmem:s24+$0x640] =	vst.add.f32.msk $0xffff, v2;
	v2 =	vadd.f32 v15, v14  }
0xcf: {  	[tilespmem:s24+$0x610] =	vst.add.f32.msk $0xffff, v4;
	v1 =	vadd.f32 v1, v6  }
0xd0: {  	[tilespmem:s24+$0x670] =	vst.add.f32.msk $0xffff, v2;
	v2 =	vadd.f32 v21, v20  }
0xd1: {  	v0 =	vadd.f32 v7, v0;
	[tilespmem:s24+$0x620] =	vst.add.f32.msk $0xffff, v1  }
0xd2: {  	v1 =	vadd.f32 v11, v10;
	[tilespmem:s24+$0x6A0] =	vst.add.f32.msk $0xffff, v2  }
0xd3: {  	v2 =	vadd.f32 v27, v26;
	[tilespmem:s24+$0x630] =	vst.add.f32.msk $0xffff, v0  }
0xd4: {  	v0 =	vadd.f32 v13, v12;
	[tilespmem:s24+$0x650] =	vst.add.f32.msk $0xffff, v1  }
0xd5: {  	v1 =	vadd.f32 v17, v16;
	[tilespmem:s24+$0x6D0] =	vst.add.f32.msk $0xffff, v2  }
0xd6: {  	v2 =	vadd.f32 v33, v32;
	[tilespmem:s24+$0x660] =	vst.add.f32.msk $0xffff, v0  }
0xd7: {  	v0 =	vadd.f32 v19, v18;
	[tilespmem:s24+$0x680] =	vst.add.f32.msk $0xffff, v1  }
0xd8: {  	v1 =	vadd.f32 v23, v22;
	[tilespmem:s24+$0x700] =	vst.add.f32.msk $0xffff, v2  }
0xd9: {  	v2 =	vadd.f32 v39, v38;
	[tilespmem:s24+$0x690] =	vst.add.f32.msk $0xffff, v0  }
0xda: {  	v0 =	vadd.f32 v25, v24;
	[tilespmem:s24+$0x6B0] =	vst.add.f32.msk $0xffff, v1  }
0xdb: {  	v1 =	vadd.f32 v29, v28;
	[tilespmem:s24+$0x730] =	vst.add.f32.msk $0xffff, v2  }
0xdc: {  	v2 =	vadd.f32 v45, v44;
	[tilespmem:s24+$0x6C0] =	vst.add.f32.msk $0xffff, v0  }
0xdd: {  	v0 =	vadd.f32 v31, v30;
	[tilespmem:s24+$0x6E0] =	vst.add.f32.msk $0xffff, v1  }
0xde: {  	v1 =	vadd.f32 v35, v34;
	[tilespmem:s24+$0x760] =	vst.add.f32.msk $0xffff, v2  }
0xdf: {  	v2 =	vadd.f32 v51, v50;
	[tilespmem:s24+$0x6F0] =	vst.add.f32.msk $0xffff, v0  }
0xe0: {  	v0 =	vadd.f32 v37, v36;
	[tilespmem:s24+$0x710] =	vst.add.f32.msk $0xffff, v1  }
0xe1: {  	v1 =	vadd.f32 v41, v40;
	[tilespmem:s24+$0x790] =	vst.add.f32.msk $0xffff, v2  }
0xe2: {  	v2 =	vadd.f32 v57, v56;
	[tilespmem:s24+$0x720] =	vst.add.f32.msk $0xffff, v0  }
0xe3: {  	v0 =	vadd.f32 v43, v42;
	[tilespmem:s24+$0x740] =	vst.add.f32.msk $0xffff, v1  }
0xe4: {  	v1 =	vadd.f32 v47, v46;
	[tilespmem:s24+$0x7C0] =	vst.add.f32.msk $0xffff, v2  }
0xe5: {  	[tilespmem:s24+$0x750] =	vst.add.f32.msk $0xffff, v0;
	v0 =	vadd.f32 v49, v48  }
0xe6: {  	[tilespmem:s24+$0x770] =	vst.add.f32.msk $0xffff, v1;
	v1 =	vadd.f32 v53, v52  }
0xe7: {  	[tilespmem:s24+$0x780] =	vst.add.f32.msk $0xffff, v0;
	v0 =	vadd.f32 v55, v54  }
0xe8: {  	[tilespmem:s24+$0x7A0] =	vst.add.f32.msk $0xffff, v1;
	v1 =	vadd.f32 v59, v58  }
0xe9: {  	[tilespmem:s24+$0x7B0] =	vst.add.f32.msk $0xffff, v0;
	v0 =	vadd.f32 v63, v3  }
0xea: {  	s25 =	simm.s32 $0x0;
	s26 =	simm.s32 $0x800;
	[tilespmem:s24+$0x7D0] =	vst.add.f32.msk $0xffff, v1  }
.LBB2_3:
0xeb: {  	[tilespmem:s24+$0x7E0] =	vst.add.f32.msk $0xffff, v0;
	s24 =	sshra.s32 s26, $0x2  }
0xec: {  	s25 =	sadd.s32 $0x8, s25;
	v0 =	vld [tilespmem:s24+$0x87F0]  }
0xed: {  	p0 =	slt.u32 s25, $0x78;
	v1 =	vld [tilespmem:s24+$0x107F0]  }
0xee: {  	v2 =	vld [tilespmem:s24+$0x8600]  }
0xef: {  	v3 =	vld [tilespmem:s24+$0x10600]  }
0xf0: {  	v4 =	vld [tilespmem:s24+$0x8610]  }
0xf1: {  	v5 =	vld [tilespmem:s24+$0x10610]  }
0xf2: {  	v6 =	vld [tilespmem:s24+$0x8620];
	v1 =	vadd.f32 v1, v0  }
0xf3: {  	v7 =	vld [tilespmem:s24+$0x10620]  }
0xf4: {  	v0 =	vadd.f32 v3, v2;
	[tilespmem:s24+$0x7F0] =	vst.add.f32.msk $0xffff, v1  }
0xf5: {  	v3 =	vld [tilespmem:s24+$0x8630]  }
0xf6: {  	v1 =	vadd.f32 v5, v4;
	v4 =	vld [tilespmem:s24+$0x10630]  }
0xf7: {  	v5 =	vld [tilespmem:s24+$0x8640]  }
0xf8: {  	v2 =	vadd.f32 v7, v6;
	v6 =	vld [tilespmem:s24+$0x10640]  }
0xf9: {  	v7 =	vld [tilespmem:s24+$0x8650]  }
0xfa: {  	v8 =	vld [tilespmem:s24+$0x10650]  }
0xfb: {  	v3 =	vadd.f32 v4, v3;
	v9 =	vld [tilespmem:s24+$0x8660]  }
0xfc: {  	v10 =	vld [tilespmem:s24+$0x10660]  }
0xfd: {  	v4 =	vadd.f32 v6, v5;
	v5 =	vld [tilespmem:s24+$0x8670]  }
0xfe: {  	v6 =	vld [tilespmem:s24+$0x10670]  }
0xff: {  	v7 =	vadd.f32 v8, v7;
	v8 =	vld [tilespmem:s24+$0x8680]  }
0x100: {  	v11 =	vld [tilespmem:s24+$0x10680]  }
0x101: {  	v9 =	vadd.f32 v10, v9;
	v10 =	vld [tilespmem:s24+$0x8690]  }
0x102: {  	v12 =	vld [tilespmem:s24+$0x10690]  }
0x103: {  	v5 =	vadd.f32 v6, v5;
	v6 =	vld [tilespmem:s24+$0x86A0]  }
0x104: {  	v13 =	vld [tilespmem:s24+$0x106A0]  }
0x105: {  	v8 =	vadd.f32 v11, v8;
	v11 =	vld [tilespmem:s24+$0x86B0]  }
0x106: {  	v14 =	vld [tilespmem:s24+$0x106B0]  }
0x107: {  	v10 =	vadd.f32 v12, v10;
	v12 =	vld [tilespmem:s24+$0x86C0]  }
0x108: {  	v15 =	vld [tilespmem:s24+$0x106C0]  }
0x109: {  	v6 =	vadd.f32 v13, v6;
	v13 =	vld [tilespmem:s24+$0x86D0]  }
0x10a: {  	v16 =	vld [tilespmem:s24+$0x106D0]  }
0x10b: {  	v11 =	vadd.f32 v14, v11;
	v14 =	vld [tilespmem:s24+$0x86E0]  }
0x10c: {  	v17 =	vld [tilespmem:s24+$0x106E0]  }
0x10d: {  	v12 =	vadd.f32 v15, v12;
	v15 =	vld [tilespmem:s24+$0x86F0]  }
0x10e: {  	v18 =	vld [tilespmem:s24+$0x106F0]  }
0x10f: {  	v13 =	vadd.f32 v16, v13;
	v16 =	vld [tilespmem:s24+$0x8700]  }
0x110: {  	v19 =	vld [tilespmem:s24+$0x10700]  }
0x111: {  	v14 =	vadd.f32 v17, v14;
	v17 =	vld [tilespmem:s24+$0x8710]  }
0x112: {  	v20 =	vld [tilespmem:s24+$0x10710]  }
0x113: {  	v15 =	vadd.f32 v18, v15;
	v18 =	vld [tilespmem:s24+$0x8720]  }
0x114: {  	v21 =	vld [tilespmem:s24+$0x10720]  }
0x115: {  	v16 =	vadd.f32 v19, v16;
	v19 =	vld [tilespmem:s24+$0x8730]  }
0x116: {  	v22 =	vld [tilespmem:s24+$0x10730]  }
0x117: {  	v17 =	vadd.f32 v20, v17;
	v20 =	vld [tilespmem:s24+$0x8740]  }
0x118: {  	v23 =	vld [tilespmem:s24+$0x10740]  }
0x119: {  	v18 =	vadd.f32 v21, v18;
	v21 =	vld [tilespmem:s24+$0x8750]  }
0x11a: {  	v24 =	vld [tilespmem:s24+$0x10750]  }
0x11b: {  	v19 =	vadd.f32 v22, v19;
	v22 =	vld [tilespmem:s24+$0x8760]  }
0x11c: {  	v25 =	vld [tilespmem:s24+$0x10760]  }
0x11d: {  	v20 =	vadd.f32 v23, v20;
	v23 =	vld [tilespmem:s24+$0x8770]  }
0x11e: {  	v26 =	vld [tilespmem:s24+$0x10770]  }
0x11f: {  	v21 =	vadd.f32 v24, v21;
	v24 =	vld [tilespmem:s24+$0x8780]  }
0x120: {  	v27 =	vld [tilespmem:s24+$0x10780]  }
0x121: {  	v22 =	vadd.f32 v25, v22;
	v25 =	vld [tilespmem:s24+$0x8790]  }
0x122: {  	v28 =	vld [tilespmem:s24+$0x10790]  }
0x123: {  	v23 =	vadd.f32 v26, v23;
	v26 =	vld [tilespmem:s24+$0x87A0]  }
0x124: {  	v29 =	vld [tilespmem:s24+$0x107A0]  }
0x125: {  	v24 =	vadd.f32 v27, v24;
	v27 =	vld [tilespmem:s24+$0x87B0]  }
0x126: {  	v30 =	vld [tilespmem:s24+$0x107B0]  }
0x127: {  	v25 =	vadd.f32 v28, v25;
	v28 =	vld [tilespmem:s24+$0x87C0]  }
0x128: {  	v31 =	vld [tilespmem:s24+$0x107C0]  }
0x129: {  	v26 =	vadd.f32 v29, v26;
	v29 =	vld [tilespmem:s24+$0x87D0]  }
0x12a: {  	v32 =	vld [tilespmem:s24+$0x107D0]  }
0x12b: {  	v27 =	vadd.f32 v30, v27;
	v30 =	vld [tilespmem:s24+$0x87E0]  }
0x12c: {  	v33 =	vld [tilespmem:s24+$0x107E0]  }
0x12d: {  	[tilespmem:s24+$0x600] =	vst.add.f32.msk $0xffff, v0;
	v28 =	vadd.f32 v31, v28  }
0x12e: {  	[tilespmem:s24+$0x610] =	vst.add.f32.msk $0xffff, v1  }
0x12f: {  	[tilespmem:s24+$0x620] =	vst.add.f32.msk $0xffff, v2;
	v1 =	vadd.f32 v32, v29  }
0x130: {  	[tilespmem:s24+$0x630] =	vst.add.f32.msk $0xffff, v3  }
0x131: {  	[tilespmem:s24+$0x640] =	vst.add.f32.msk $0xffff, v4;
	v0 =	vadd.f32 v33, v30  }
0x132: {  	[tilespmem:s24+$0x650] =	vst.add.f32.msk $0xffff, v7  }
0x133: {  	[tilespmem:s24+$0x660] =	vst.add.f32.msk $0xffff, v9  }
0x134: {  	[tilespmem:s24+$0x670] =	vst.add.f32.msk $0xffff, v5  }
0x135: {  	[tilespmem:s24+$0x680] =	vst.add.f32.msk $0xffff, v8  }
0x136: {  	[tilespmem:s24+$0x690] =	vst.add.f32.msk $0xffff, v10  }
0x137: {  	[tilespmem:s24+$0x6A0] =	vst.add.f32.msk $0xffff, v6  }
0x138: {  	[tilespmem:s24+$0x6B0] =	vst.add.f32.msk $0xffff, v11  }
0x139: {  	[tilespmem:s24+$0x6C0] =	vst.add.f32.msk $0xffff, v12  }
0x13a: {  	[tilespmem:s24+$0x6D0] =	vst.add.f32.msk $0xffff, v13  }
0x13b: {  	[tilespmem:s24+$0x6E0] =	vst.add.f32.msk $0xffff, v14  }
0x13c: {  	[tilespmem:s24+$0x6F0] =	vst.add.f32.msk $0xffff, v15  }
0x13d: {  	[tilespmem:s24+$0x700] =	vst.add.f32.msk $0xffff, v16  }
0x13e: {  	[tilespmem:s24+$0x710] =	vst.add.f32.msk $0xffff, v17  }
0x13f: {  	[tilespmem:s24+$0x720] =	vst.add.f32.msk $0xffff, v18  }
0x140: {  	[tilespmem:s24+$0x730] =	vst.add.f32.msk $0xffff, v19  }
0x141: {  	[tilespmem:s24+$0x740] =	vst.add.f32.msk $0xffff, v20  }
0x142: {  	[tilespmem:s24+$0x750] =	vst.add.f32.msk $0xffff, v21  }
0x143: {  	[tilespmem:s24+$0x760] =	vst.add.f32.msk $0xffff, v22  }
0x144: {  	[tilespmem:s24+$0x770] =	vst.add.f32.msk $0xffff, v23  }
0x145: {  	[tilespmem:s24+$0x780] =	vst.add.f32.msk $0xffff, v24  }
.Ltmp2:
0x146: {  	[tilespmem:s24+$0x790] =	vst.add.f32.msk $0xffff, v25;
	(pc) =	sbr.rel @p0 .LBB2_3-.Ltmp2, $4  }
0x147: {  	[tilespmem:s24+$0x7A0] =	vst.add.f32.msk $0xffff, v26  }
0x148: {  	[tilespmem:s24+$0x7B0] =	vst.add.f32.msk $0xffff, v27  }
0x149: {  	[tilespmem:s24+$0x7C0] =	vst.add.f32.msk $0xffff, v28  }
0x14a: {  	s26 =	sadd.s32 $0x800, s26;
	[tilespmem:s24+$0x7D0] =	vst.add.f32.msk $0xffff, v1  }
0x14b: {  	s25 =	sshll.u32 s23, $0xF;
	s26 =	rddreg [dreg:$0xf]  }
0x14c: {  	s25 =	sadd.s32 s26, s25  }
0x14d: {  	[tilespmem:s24+$0x7E0] =	vst.add.f32.msk $0xffff, v0;
	s16 =	simm.s32 $0x600;
	s24 =	sshll.u32 s23, $0x9;
	s25 =	sshrl.u32 s25, $0x3  }
0x14e: {  	p0 =	seq.s32 s23, $0x31;
	s29 =	sadd.s32 s1, s25;
	s25 =	rddreg [dreg:$0x10]  }
0x14f: {  	[hbm4b:s29+s3] =	stream.linear.scatter [tilespmem:s16], [sflag:$0x9], $0x2000, $0x38;
	[tilespmem:$0x18600] =	vst v63  }
0x150: {  	s25 =	sadd.s32 @!p0 s24, s25  }
0x151: {  	s25 =	sshrl.u32 @!p0 s25, $0x3  }
0x152: {  	s28 =	simm.s32 @!p0 $0x0;
	s26 =	sadd.s32 @!p0 s4, s25  }
0x153: {  	[tilespmem:s28], [sflag:$0x1] =	stream.linear.gather @!p0 [hbm4b:s26+s28], $0x80, $0x38;
	[tilespmem:$0x18600] =	vst v63  }
0x154: {  	s29 =	simm.s32 @!p0 $0x200;
	s26 =	sadd.s32 @!p0 s5, s25  }
0x155: {  	[tilespmem:s29], [sflag:$0x1] =	stream.linear.gather @!p0 [hbm4b:s26+s28], $0x80, $0x38;
	[tilespmem:$0x18600] =	vst v63  }
0x156: {  	s25 =	sadd.s32 @!p0 s6, s25;
	s26 =	simm.s32 @!p0 $0x400  }
0x157: {  	[tilespmem:s26], [sflag:$0x1] =	stream.linear.gather @!p0 [hbm4b:s25+s28], $0x80, $0x38;
	[tilespmem:$0x18600] =	vst v63  }
0x158: {  	_ =	swait.ge [sflag:s11], $0x2000  }
0x159: {  	[sflag:s11] =	ssyncset.done $0x0  }
0x15a: {  	[sflag:s11] =	ssyncadd.s32 $0xFFFFE000  }
0x15b: {  	_ =	swait.ge [sflag:s11], $0x2000  }
0x15c: {  	[sflag:s11] =	ssyncset.done $0x0  }
0x15d: {  	[sflag:s11] =	ssyncadd.s32 $0xFFFFE000  }
0x15e: {  	_ =	swait.ge [sflag:s11], $0x2000  }
0x15f: {  	[sflag:s11] =	ssyncset.done $0x0  }
0x160: {  	s25 =	simm.s32 $0x0;
	[sflag:s11] =	ssyncadd.s32 $0xFFFFE000  }
0x161: {  	v0 =	vld [tilespmem:s25+$0xA7F0]  }
0x162: {  	v1 =	vld [tilespmem:s25+$0x127F0]  }
0x163: {  	v2 =	vld [tilespmem:s25+$0xA600]  }
0x164: {  	v3 =	vld [tilespmem:s25+$0x12600]  }
0x165: {  	v4 =	vld [tilespmem:s25+$0xA610]  }
0x166: {  	v5 =	vld [tilespmem:s25+$0x12610]  }
0x167: {  	v6 =	vld [tilespmem:s25+$0xA620]  }
0x168: {  	v7 =	vld [tilespmem:s25+$0x12630]  }
0x169: {  	v8 =	vld [tilespmem:s25+$0xA640]  }
0x16a: {  	v9 =	vld [tilespmem:s25+$0x12640]  }
0x16b: {  	v10 =	vld [tilespmem:s25+$0xA650]  }
0x16c: {  	v11 =	vld [tilespmem:s25+$0x12650]  }
0x16d: {  	v12 =	vld [tilespmem:s25+$0xA660]  }
0x16e: {  	v13 =	vld [tilespmem:s25+$0x12660]  }
0x16f: {  	v14 =	vld [tilespmem:s25+$0xA670]  }
0x170: {  	v15 =	vld [tilespmem:s25+$0x12670]  }
0x171: {  	v16 =	vld [tilespmem:s25+$0xA680]  }
0x172: {  	v17 =	vld [tilespmem:s25+$0x12680]  }
0x173: {  	v18 =	vld [tilespmem:s25+$0xA690]  }
0x174: {  	v19 =	vld [tilespmem:s25+$0x12690]  }
0x175: {  	v20 =	vld [tilespmem:s25+$0xA6A0]  }
0x176: {  	v21 =	vld [tilespmem:s25+$0x126A0]  }
0x177: {  	v22 =	vld [tilespmem:s25+$0xA6B0]  }
0x178: {  	v23 =	vld [tilespmem:s25+$0x126B0]  }
0x179: {  	v24 =	vld [tilespmem:s25+$0xA6C0]  }
0x17a: {  	v25 =	vld [tilespmem:s25+$0x126C0]  }
0x17b: {  	v26 =	vld [tilespmem:s25+$0xA6D0]  }
0x17c: {  	v27 =	vld [tilespmem:s25+$0x126D0]  }
0x17d: {  	v28 =	vld [tilespmem:s25+$0xA6E0]  }
0x17e: {  	v29 =	vld [tilespmem:s25+$0x126E0]  }
0x17f: {  	v30 =	vld [tilespmem:s25+$0xA6F0]  }
0x180: {  	v31 =	vld [tilespmem:s25+$0x126F0]  }
0x181: {  	v32 =	vld [tilespmem:s25+$0xA700]  }
0x182: {  	v33 =	vld [tilespmem:s25+$0x12700]  }
0x183: {  	v34 =	vld [tilespmem:s25+$0xA710]  }
0x184: {  	v35 =	vld [tilespmem:s25+$0x12710]  }
0x185: {  	v36 =	vld [tilespmem:s25+$0xA720]  }
0x186: {  	v37 =	vld [tilespmem:s25+$0x12720]  }
0x187: {  	v38 =	vld [tilespmem:s25+$0xA730]  }
0x188: {  	v39 =	vld [tilespmem:s25+$0x12730]  }
0x189: {  	v40 =	vld [tilespmem:s25+$0xA740]  }
0x18a: {  	v41 =	vld [tilespmem:s25+$0x12740]  }
0x18b: {  	v42 =	vld [tilespmem:s25+$0xA750]  }
0x18c: {  	v43 =	vld [tilespmem:s25+$0x12750]  }
0x18d: {  	v44 =	vld [tilespmem:s25+$0xA760]  }
0x18e: {  	v45 =	vld [tilespmem:s25+$0x12760]  }
0x18f: {  	v46 =	vld [tilespmem:s25+$0xA770]  }
0x190: {  	v47 =	vld [tilespmem:s25+$0x12770]  }
0x191: {  	v48 =	vld [tilespmem:s25+$0xA780]  }
0x192: {  	v49 =	vld [tilespmem:s25+$0x12780]  }
0x193: {  	v50 =	vld [tilespmem:s25+$0xA790]  }
0x194: {  	v51 =	vld [tilespmem:s25+$0x12790]  }
0x195: {  	v52 =	vld [tilespmem:s25+$0xA7A0]  }
0x196: {  	v53 =	vld [tilespmem:s25+$0x127A0]  }
0x197: {  	v54 =	vld [tilespmem:s25+$0xA7B0]  }
0x198: {  	v55 =	vld [tilespmem:s25+$0x127B0]  }
0x199: {  	v56 =	vld [tilespmem:s25+$0xA7C0]  }
0x19a: {  	v57 =	vld [tilespmem:s25+$0x127C0]  }
0x19b: {  	v58 =	vld [tilespmem:s25+$0xA7D0]  }
0x19c: {  	v59 =	vld [tilespmem:s25+$0x127D0]  }
0x19d: {  	v63 =	vld [tilespmem:s25+$0x127E0];
	v0 =	vadd.f32 v1, v0  }
0x19e: {  	v1 =	vld [tilespmem:s25+$0x12620]  }
0x19f: {  	v2 =	vadd.f32 v3, v2;
	[tilespmem:s25+$0x27F0] =	vst.add.f32.msk $0xffff, v0  }
0x1a0: {  	v0 =	vld [tilespmem:s25+$0xA630]  }
0x1a1: {  	[tilespmem:s25+$0x2600] =	vst.add.f32.msk $0xffff, v2;
	v2 =	vadd.f32 v9, v8  }
0x1a2: {  	v3 =	vld [tilespmem:s25+$0xA7E0];
	v4 =	vadd.f32 v5, v4  }
0x1a3: {  	[tilespmem:s25+$0x2640] =	vst.add.f32.msk $0xffff, v2;
	v2 =	vadd.f32 v15, v14  }
0x1a4: {  	[tilespmem:s25+$0x2610] =	vst.add.f32.msk $0xffff, v4;
	v1 =	vadd.f32 v1, v6  }
0x1a5: {  	[tilespmem:s25+$0x2670] =	vst.add.f32.msk $0xffff, v2;
	v2 =	vadd.f32 v21, v20  }
0x1a6: {  	v0 =	vadd.f32 v7, v0;
	[tilespmem:s25+$0x2620] =	vst.add.f32.msk $0xffff, v1  }
0x1a7: {  	v1 =	vadd.f32 v11, v10;
	[tilespmem:s25+$0x26A0] =	vst.add.f32.msk $0xffff, v2  }
0x1a8: {  	v2 =	vadd.f32 v27, v26;
	[tilespmem:s25+$0x2630] =	vst.add.f32.msk $0xffff, v0  }
0x1a9: {  	v0 =	vadd.f32 v13, v12;
	[tilespmem:s25+$0x2650] =	vst.add.f32.msk $0xffff, v1  }
0x1aa: {  	v1 =	vadd.f32 v17, v16;
	[tilespmem:s25+$0x26D0] =	vst.add.f32.msk $0xffff, v2  }
0x1ab: {  	v2 =	vadd.f32 v33, v32;
	[tilespmem:s25+$0x2660] =	vst.add.f32.msk $0xffff, v0  }
0x1ac: {  	v0 =	vadd.f32 v19, v18;
	[tilespmem:s25+$0x2680] =	vst.add.f32.msk $0xffff, v1  }
0x1ad: {  	v1 =	vadd.f32 v23, v22;
	[tilespmem:s25+$0x2700] =	vst.add.f32.msk $0xffff, v2  }
0x1ae: {  	v2 =	vadd.f32 v39, v38;
	[tilespmem:s25+$0x2690] =	vst.add.f32.msk $0xffff, v0  }
0x1af: {  	v0 =	vadd.f32 v25, v24;
	[tilespmem:s25+$0x26B0] =	vst.add.f32.msk $0xffff, v1  }
0x1b0: {  	v1 =	vadd.f32 v29, v28;
	[tilespmem:s25+$0x2730] =	vst.add.f32.msk $0xffff, v2  }
0x1b1: {  	v2 =	vadd.f32 v45, v44;
	[tilespmem:s25+$0x26C0] =	vst.add.f32.msk $0xffff, v0  }
0x1b2: {  	v0 =	vadd.f32 v31, v30;
	[tilespmem:s25+$0x26E0] =	vst.add.f32.msk $0xffff, v1  }
0x1b3: {  	v1 =	vadd.f32 v35, v34;
	[tilespmem:s25+$0x2760] =	vst.add.f32.msk $0xffff, v2  }
0x1b4: {  	v2 =	vadd.f32 v51, v50;
	[tilespmem:s25+$0x26F0] =	vst.add.f32.msk $0xffff, v0  }
0x1b5: {  	v0 =	vadd.f32 v37, v36;
	[tilespmem:s25+$0x2710] =	vst.add.f32.msk $0xffff, v1  }
0x1b6: {  	v1 =	vadd.f32 v41, v40;
	[tilespmem:s25+$0x2790] =	vst.add.f32.msk $0xffff, v2  }
0x1b7: {  	v2 =	vadd.f32 v57, v56;
	[tilespmem:s25+$0x2720] =	vst.add.f32.msk $0xffff, v0  }
0x1b8: {  	v0 =	vadd.f32 v43, v42;
	[tilespmem:s25+$0x2740] =	vst.add.f32.msk $0xffff, v1  }
0x1b9: {  	v1 =	vadd.f32 v47, v46;
	[tilespmem:s25+$0x27C0] =	vst.add.f32.msk $0xffff, v2  }
0x1ba: {  	[tilespmem:s25+$0x2750] =	vst.add.f32.msk $0xffff, v0;
	v0 =	vadd.f32 v49, v48  }
0x1bb: {  	[tilespmem:s25+$0x2770] =	vst.add.f32.msk $0xffff, v1;
	v1 =	vadd.f32 v53, v52  }
0x1bc: {  	[tilespmem:s25+$0x2780] =	vst.add.f32.msk $0xffff, v0;
	v0 =	vadd.f32 v55, v54  }
0x1bd: {  	[tilespmem:s25+$0x27A0] =	vst.add.f32.msk $0xffff, v1;
	v1 =	vadd.f32 v59, v58  }
0x1be: {  	[tilespmem:s25+$0x27B0] =	vst.add.f32.msk $0xffff, v0;
	v0 =	vadd.f32 v63, v3  }
0x1bf: {  	s26 =	simm.s32 $0x0;
	s28 =	simm.s32 $0x800;
	[tilespmem:s25+$0x27D0] =	vst.add.f32.msk $0xffff, v1  }
.LBB2_5:
0x1c0: {  	[tilespmem:s25+$0x27E0] =	vst.add.f32.msk $0xffff, v0;
	s25 =	sshra.s32 s28, $0x2  }
0x1c1: {  	s26 =	sadd.s32 $0x8, s26;
	v0 =	vld [tilespmem:s25+$0xA7F0]  }
0x1c2: {  	p1 =	slt.u32 s26, $0x78;
	v1 =	vld [tilespmem:s25+$0x127F0]  }
0x1c3: {  	v2 =	vld [tilespmem:s25+$0xA600]  }
0x1c4: {  	v3 =	vld [tilespmem:s25+$0x12600]  }
0x1c5: {  	v4 =	vld [tilespmem:s25+$0xA610]  }
0x1c6: {  	v5 =	vld [tilespmem:s25+$0x12610]  }
0x1c7: {  	v6 =	vld [tilespmem:s25+$0xA620];
	v1 =	vadd.f32 v1, v0  }
0x1c8: {  	v7 =	vld [tilespmem:s25+$0x12620]  }
0x1c9: {  	v0 =	vadd.f32 v3, v2;
	[tilespmem:s25+$0x27F0] =	vst.add.f32.msk $0xffff, v1  }
0x1ca: {  	v3 =	vld [tilespmem:s25+$0xA630]  }
0x1cb: {  	v1 =	vadd.f32 v5, v4;
	v4 =	vld [tilespmem:s25+$0x12630]  }
0x1cc: {  	v5 =	vld [tilespmem:s25+$0xA640]  }
0x1cd: {  	v2 =	vadd.f32 v7, v6;
	v6 =	vld [tilespmem:s25+$0x12640]  }
0x1ce: {  	v7 =	vld [tilespmem:s25+$0xA650]  }
0x1cf: {  	v8 =	vld [tilespmem:s25+$0x12650]  }
0x1d0: {  	v3 =	vadd.f32 v4, v3;
	v9 =	vld [tilespmem:s25+$0xA660]  }
0x1d1: {  	v10 =	vld [tilespmem:s25+$0x12660]  }
0x1d2: {  	v4 =	vadd.f32 v6, v5;
	v5 =	vld [tilespmem:s25+$0xA670]  }
0x1d3: {  	v6 =	vld [tilespmem:s25+$0x12670]  }
0x1d4: {  	v7 =	vadd.f32 v8, v7;
	v8 =	vld [tilespmem:s25+$0xA680]  }
0x1d5: {  	v11 =	vld [tilespmem:s25+$0x12680]  }
0x1d6: {  	v9 =	vadd.f32 v10, v9;
	v10 =	vld [tilespmem:s25+$0xA690]  }
0x1d7: {  	v12 =	vld [tilespmem:s25+$0x12690]  }
0x1d8: {  	v5 =	vadd.f32 v6, v5;
	v6 =	vld [tilespmem:s25+$0xA6A0]  }
0x1d9: {  	v13 =	vld [tilespmem:s25+$0x126A0]  }
0x1da: {  	v8 =	vadd.f32 v11, v8;
	v11 =	vld [tilespmem:s25+$0xA6B0]  }
0x1db: {  	v14 =	vld [tilespmem:s25+$0x126B0]  }
0x1dc: {  	v10 =	vadd.f32 v12, v10;
	v12 =	vld [tilespmem:s25+$0xA6C0]  }
0x1dd: {  	v15 =	vld [tilespmem:s25+$0x126C0]  }
0x1de: {  	v6 =	vadd.f32 v13, v6;
	v13 =	vld [tilespmem:s25+$0xA6D0]  }
0x1df: {  	v16 =	vld [tilespmem:s25+$0x126D0]  }
0x1e0: {  	v11 =	vadd.f32 v14, v11;
	v14 =	vld [tilespmem:s25+$0xA6E0]  }
0x1e1: {  	v17 =	vld [tilespmem:s25+$0x126E0]  }
0x1e2: {  	v12 =	vadd.f32 v15, v12;
	v15 =	vld [tilespmem:s25+$0xA6F0]  }
0x1e3: {  	v18 =	vld [tilespmem:s25+$0x126F0]  }
0x1e4: {  	v13 =	vadd.f32 v16, v13;
	v16 =	vld [tilespmem:s25+$0xA700]  }
0x1e5: {  	v19 =	vld [tilespmem:s25+$0x12700]  }
0x1e6: {  	v14 =	vadd.f32 v17, v14;
	v17 =	vld [tilespmem:s25+$0xA710]  }
0x1e7: {  	v20 =	vld [tilespmem:s25+$0x12710]  }
0x1e8: {  	v15 =	vadd.f32 v18, v15;
	v18 =	vld [tilespmem:s25+$0xA720]  }
0x1e9: {  	v21 =	vld [tilespmem:s25+$0x12720]  }
0x1ea: {  	v16 =	vadd.f32 v19, v16;
	v19 =	vld [tilespmem:s25+$0xA730]  }
0x1eb: {  	v22 =	vld [tilespmem:s25+$0x12730]  }
0x1ec: {  	v17 =	vadd.f32 v20, v17;
	v20 =	vld [tilespmem:s25+$0xA740]  }
0x1ed: {  	v23 =	vld [tilespmem:s25+$0x12740]  }
0x1ee: {  	v18 =	vadd.f32 v21, v18;
	v21 =	vld [tilespmem:s25+$0xA750]  }
0x1ef: {  	v24 =	vld [tilespmem:s25+$0x12750]  }
0x1f0: {  	v19 =	vadd.f32 v22, v19;
	v22 =	vld [tilespmem:s25+$0xA760]  }
0x1f1: {  	v25 =	vld [tilespmem:s25+$0x12760]  }
0x1f2: {  	v20 =	vadd.f32 v23, v20;
	v23 =	vld [tilespmem:s25+$0xA770]  }
0x1f3: {  	v26 =	vld [tilespmem:s25+$0x12770]  }
0x1f4: {  	v21 =	vadd.f32 v24, v21;
	v24 =	vld [tilespmem:s25+$0xA780]  }
0x1f5: {  	v27 =	vld [tilespmem:s25+$0x12780]  }
0x1f6: {  	v22 =	vadd.f32 v25, v22;
	v25 =	vld [tilespmem:s25+$0xA790]  }
0x1f7: {  	v28 =	vld [tilespmem:s25+$0x12790]  }
0x1f8: {  	v23 =	vadd.f32 v26, v23;
	v26 =	vld [tilespmem:s25+$0xA7A0]  }
0x1f9: {  	v29 =	vld [tilespmem:s25+$0x127A0]  }
0x1fa: {  	v24 =	vadd.f32 v27, v24;
	v27 =	vld [tilespmem:s25+$0xA7B0]  }
0x1fb: {  	v30 =	vld [tilespmem:s25+$0x127B0]  }
0x1fc: {  	v25 =	vadd.f32 v28, v25;
	v28 =	vld [tilespmem:s25+$0xA7C0]  }
0x1fd: {  	v31 =	vld [tilespmem:s25+$0x127C0]  }
0x1fe: {  	v26 =	vadd.f32 v29, v26;
	v29 =	vld [tilespmem:s25+$0xA7D0]  }
0x1ff: {  	v32 =	vld [tilespmem:s25+$0x127D0]  }
0x200: {  	v27 =	vadd.f32 v30, v27;
	v30 =	vld [tilespmem:s25+$0xA7E0]  }
0x201: {  	v33 =	vld [tilespmem:s25+$0x127E0]  }
0x202: {  	[tilespmem:s25+$0x2600] =	vst.add.f32.msk $0xffff, v0;
	v28 =	vadd.f32 v31, v28  }
0x203: {  	[tilespmem:s25+$0x2610] =	vst.add.f32.msk $0xffff, v1  }
0x204: {  	[tilespmem:s25+$0x2620] =	vst.add.f32.msk $0xffff, v2;
	v1 =	vadd.f32 v32, v29  }
0x205: {  	[tilespmem:s25+$0x2630] =	vst.add.f32.msk $0xffff, v3  }
0x206: {  	[tilespmem:s25+$0x2640] =	vst.add.f32.msk $0xffff, v4;
	v0 =	vadd.f32 v33, v30  }
0x207: {  	[tilespmem:s25+$0x2650] =	vst.add.f32.msk $0xffff, v7  }
0x208: {  	[tilespmem:s25+$0x2660] =	vst.add.f32.msk $0xffff, v9  }
0x209: {  	[tilespmem:s25+$0x2670] =	vst.add.f32.msk $0xffff, v5  }
0x20a: {  	[tilespmem:s25+$0x2680] =	vst.add.f32.msk $0xffff, v8  }
0x20b: {  	[tilespmem:s25+$0x2690] =	vst.add.f32.msk $0xffff, v10  }
0x20c: {  	[tilespmem:s25+$0x26A0] =	vst.add.f32.msk $0xffff, v6  }
0x20d: {  	[tilespmem:s25+$0x26B0] =	vst.add.f32.msk $0xffff, v11  }
0x20e: {  	[tilespmem:s25+$0x26C0] =	vst.add.f32.msk $0xffff, v12  }
0x20f: {  	[tilespmem:s25+$0x26D0] =	vst.add.f32.msk $0xffff, v13  }
0x210: {  	[tilespmem:s25+$0x26E0] =	vst.add.f32.msk $0xffff, v14  }
0x211: {  	[tilespmem:s25+$0x26F0] =	vst.add.f32.msk $0xffff, v15  }
0x212: {  	[tilespmem:s25+$0x2700] =	vst.add.f32.msk $0xffff, v16  }
0x213: {  	[tilespmem:s25+$0x2710] =	vst.add.f32.msk $0xffff, v17  }
0x214: {  	[tilespmem:s25+$0x2720] =	vst.add.f32.msk $0xffff, v18  }
0x215: {  	[tilespmem:s25+$0x2730] =	vst.add.f32.msk $0xffff, v19  }
0x216: {  	[tilespmem:s25+$0x2740] =	vst.add.f32.msk $0xffff, v20  }
0x217: {  	[tilespmem:s25+$0x2750] =	vst.add.f32.msk $0xffff, v21  }
0x218: {  	[tilespmem:s25+$0x2760] =	vst.add.f32.msk $0xffff, v22  }
0x219: {  	[tilespmem:s25+$0x2770] =	vst.add.f32.msk $0xffff, v23  }
0x21a: {  	[tilespmem:s25+$0x2780] =	vst.add.f32.msk $0xffff, v24  }
.Ltmp3:
0x21b: {  	[tilespmem:s25+$0x2790] =	vst.add.f32.msk $0xffff, v25;
	(pc) =	sbr.rel @p1 .LBB2_5-.Ltmp3, $4  }
0x21c: {  	[tilespmem:s25+$0x27A0] =	vst.add.f32.msk $0xffff, v26  }
0x21d: {  	[tilespmem:s25+$0x27B0] =	vst.add.f32.msk $0xffff, v27  }
0x21e: {  	[tilespmem:s25+$0x27C0] =	vst.add.f32.msk $0xffff, v28  }
0x21f: {  	s28 =	sadd.s32 $0x800, s28;
	[tilespmem:s25+$0x27D0] =	vst.add.f32.msk $0xffff, v1  }
0x220: {  	s26 =	rddreg [dreg:$0x11]  }
0x221: {  	s26 =	sadd.s32 s24, s26  }
0x222: {  	[tilespmem:s25+$0x27E0] =	vst.add.f32.msk $0xffff, v0;
	s25 =	rddreg [dreg:$0x12];
	s26 =	sshll.u32 s26, $0x3  }
0x223: {  	s25 =	sadd.s32 @!p0 s24, s25;
	s26 =	sand.u32 $0x1FFFF400, s26  }
0x224: {  	s16 =	simm.s32 $0x2600;
	s25 =	sshrl.u32 @!p0 s25, $0x3;
	s29 =	sadd.s32 s1, s26  }
0x225: {  	[hbm4b:s29+s3] =	stream.linear.scatter [tilespmem:s16], [sflag:$0xA], $0x2000, $0x38;
	[tilespmem:$0x18600] =	vst v63  }
0x226: {  	s28 =	simm.s32 @!p0 $0x0;
	s26 =	sadd.s32 @!p0 s4, s25;
	s29 =	simm.s32 @!p0 $0x80  }
0x227: {  	[tilespmem:s29], [sflag:$0x2] =	stream.linear.gather @!p0 [hbm4b:s26+s28], $0x80, $0x38;
	[tilespmem:$0x18600] =	vst v63  }
0x228: {  	s26 =	sadd.s32 @!p0 s5, s25;
	s29 =	simm.s32 @!p0 $0x280  }
0x229: {  	[tilespmem:s29], [sflag:$0x2] =	stream.linear.gather @!p0 [hbm4b:s26+s28], $0x80, $0x38;
	[tilespmem:$0x18600] =	vst v63  }
0x22a: {  	s25 =	sadd.s32 @!p0 s6, s25;
	s26 =	simm.s32 @!p0 $0x480  }
0x22b: {  	[tilespmem:s26], [sflag:$0x2] =	stream.linear.gather @!p0 [hbm4b:s25+s28], $0x80, $0x38;
	[tilespmem:$0x18600] =	vst v63  }
0x22c: {  	_ =	swait.ge [sflag:s12], $0x2000  }
0x22d: {  	[sflag:s12] =	ssyncset.done $0x0  }
0x22e: {  	[sflag:s12] =	ssyncadd.s32 $0xFFFFE000  }
0x22f: {  	_ =	swait.ge [sflag:s12], $0x2000  }
0x230: {  	[sflag:s12] =	ssyncset.done $0x0  }
0x231: {  	[sflag:s12] =	ssyncadd.s32 $0xFFFFE000  }
0x232: {  	_ =	swait.ge [sflag:s12], $0x2000  }
0x233: {  	[sflag:s12] =	ssyncset.done $0x0  }
0x234: {  	s25 =	simm.s32 $0x0;
	[sflag:s12] =	ssyncadd.s32 $0xFFFFE000  }
0x235: {  	v0 =	vld [tilespmem:s25+$0xC7F0]  }
0x236: {  	v1 =	vld [tilespmem:s25+$0x147F0]  }
0x237: {  	v2 =	vld [tilespmem:s25+$0xC600]  }
0x238: {  	v3 =	vld [tilespmem:s25+$0x14600]  }
0x239: {  	v4 =	vld [tilespmem:s25+$0xC610]  }
0x23a: {  	v5 =	vld [tilespmem:s25+$0x14610]  }
0x23b: {  	v6 =	vld [tilespmem:s25+$0xC620]  }
0x23c: {  	v7 =	vld [tilespmem:s25+$0x14630]  }
0x23d: {  	v8 =	vld [tilespmem:s25+$0xC640]  }
0x23e: {  	v9 =	vld [tilespmem:s25+$0x14640]  }
0x23f: {  	v10 =	vld [tilespmem:s25+$0xC650]  }
0x240: {  	v11 =	vld [tilespmem:s25+$0x14650]  }
0x241: {  	v12 =	vld [tilespmem:s25+$0xC660]  }
0x242: {  	v13 =	vld [tilespmem:s25+$0x14660]  }
0x243: {  	v14 =	vld [tilespmem:s25+$0xC670]  }
0x244: {  	v15 =	vld [tilespmem:s25+$0x14670]  }
0x245: {  	v16 =	vld [tilespmem:s25+$0xC680]  }
0x246: {  	v17 =	vld [tilespmem:s25+$0x14680]  }
0x247: {  	v18 =	vld [tilespmem:s25+$0xC690]  }
0x248: {  	v19 =	vld [tilespmem:s25+$0x14690]  }
0x249: {  	v20 =	vld [tilespmem:s25+$0xC6A0]  }
0x24a: {  	v21 =	vld [tilespmem:s25+$0x146A0]  }
0x24b: {  	v22 =	vld [tilespmem:s25+$0xC6B0]  }
0x24c: {  	v23 =	vld [tilespmem:s25+$0x146B0]  }
0x24d: {  	v24 =	vld [tilespmem:s25+$0xC6C0]  }
0x24e: {  	v25 =	vld [tilespmem:s25+$0x146C0]  }
0x24f: {  	v26 =	vld [tilespmem:s25+$0xC6D0]  }
0x250: {  	v27 =	vld [tilespmem:s25+$0x146D0]  }
0x251: {  	v28 =	vld [tilespmem:s25+$0xC6E0]  }
0x252: {  	v29 =	vld [tilespmem:s25+$0x146E0]  }
0x253: {  	v30 =	vld [tilespmem:s25+$0xC6F0]  }
0x254: {  	v31 =	vld [tilespmem:s25+$0x146F0]  }
0x255: {  	v32 =	vld [tilespmem:s25+$0xC700]  }
0x256: {  	v33 =	vld [tilespmem:s25+$0x14700]  }
0x257: {  	v34 =	vld [tilespmem:s25+$0xC710]  }
0x258: {  	v35 =	vld [tilespmem:s25+$0x14710]  }
0x259: {  	v36 =	vld [tilespmem:s25+$0xC720]  }
0x25a: {  	v37 =	vld [tilespmem:s25+$0x14720]  }
0x25b: {  	v38 =	vld [tilespmem:s25+$0xC730]  }
0x25c: {  	v39 =	vld [tilespmem:s25+$0x14730]  }
0x25d: {  	v40 =	vld [tilespmem:s25+$0xC740]  }
0x25e: {  	v41 =	vld [tilespmem:s25+$0x14740]  }
0x25f: {  	v42 =	vld [tilespmem:s25+$0xC750]  }
0x260: {  	v43 =	vld [tilespmem:s25+$0x14750]  }
0x261: {  	v44 =	vld [tilespmem:s25+$0xC760]  }
0x262: {  	v45 =	vld [tilespmem:s25+$0x14760]  }
0x263: {  	v46 =	vld [tilespmem:s25+$0xC770]  }
0x264: {  	v47 =	vld [tilespmem:s25+$0x14770]  }
0x265: {  	v48 =	vld [tilespmem:s25+$0xC780]  }
0x266: {  	v49 =	vld [tilespmem:s25+$0x14780]  }
0x267: {  	v50 =	vld [tilespmem:s25+$0xC790]  }
0x268: {  	v51 =	vld [tilespmem:s25+$0x14790]  }
0x269: {  	v52 =	vld [tilespmem:s25+$0xC7A0]  }
0x26a: {  	v53 =	vld [tilespmem:s25+$0x147A0]  }
0x26b: {  	v54 =	vld [tilespmem:s25+$0xC7B0]  }
0x26c: {  	v55 =	vld [tilespmem:s25+$0x147B0]  }
0x26d: {  	v56 =	vld [tilespmem:s25+$0xC7C0]  }
0x26e: {  	v57 =	vld [tilespmem:s25+$0x147C0]  }
0x26f: {  	v58 =	vld [tilespmem:s25+$0xC7D0]  }
0x270: {  	v59 =	vld [tilespmem:s25+$0x147D0]  }
0x271: {  	v63 =	vld [tilespmem:s25+$0x147E0];
	v0 =	vadd.f32 v1, v0  }
0x272: {  	v1 =	vld [tilespmem:s25+$0x14620]  }
0x273: {  	v2 =	vadd.f32 v3, v2;
	[tilespmem:s25+$0x47F0] =	vst.add.f32.msk $0xffff, v0  }
0x274: {  	v0 =	vld [tilespmem:s25+$0xC630]  }
0x275: {  	[tilespmem:s25+$0x4600] =	vst.add.f32.msk $0xffff, v2;
	v2 =	vadd.f32 v9, v8  }
0x276: {  	v3 =	vld [tilespmem:s25+$0xC7E0];
	v4 =	vadd.f32 v5, v4  }
0x277: {  	[tilespmem:s25+$0x4640] =	vst.add.f32.msk $0xffff, v2;
	v2 =	vadd.f32 v15, v14  }
0x278: {  	[tilespmem:s25+$0x4610] =	vst.add.f32.msk $0xffff, v4;
	v1 =	vadd.f32 v1, v6  }
0x279: {  	[tilespmem:s25+$0x4670] =	vst.add.f32.msk $0xffff, v2;
	v2 =	vadd.f32 v21, v20  }
0x27a: {  	v0 =	vadd.f32 v7, v0;
	[tilespmem:s25+$0x4620] =	vst.add.f32.msk $0xffff, v1  }
0x27b: {  	v1 =	vadd.f32 v11, v10;
	[tilespmem:s25+$0x46A0] =	vst.add.f32.msk $0xffff, v2  }
0x27c: {  	v2 =	vadd.f32 v27, v26;
	[tilespmem:s25+$0x4630] =	vst.add.f32.msk $0xffff, v0  }
0x27d: {  	v0 =	vadd.f32 v13, v12;
	[tilespmem:s25+$0x4650] =	vst.add.f32.msk $0xffff, v1  }
0x27e: {  	v1 =	vadd.f32 v17, v16;
	[tilespmem:s25+$0x46D0] =	vst.add.f32.msk $0xffff, v2  }
0x27f: {  	v2 =	vadd.f32 v33, v32;
	[tilespmem:s25+$0x4660] =	vst.add.f32.msk $0xffff, v0  }
0x280: {  	v0 =	vadd.f32 v19, v18;
	[tilespmem:s25+$0x4680] =	vst.add.f32.msk $0xffff, v1  }
0x281: {  	v1 =	vadd.f32 v23, v22;
	[tilespmem:s25+$0x4700] =	vst.add.f32.msk $0xffff, v2  }
0x282: {  	v2 =	vadd.f32 v39, v38;
	[tilespmem:s25+$0x4690] =	vst.add.f32.msk $0xffff, v0  }
0x283: {  	v0 =	vadd.f32 v25, v24;
	[tilespmem:s25+$0x46B0] =	vst.add.f32.msk $0xffff, v1  }
0x284: {  	v1 =	vadd.f32 v29, v28;
	[tilespmem:s25+$0x4730] =	vst.add.f32.msk $0xffff, v2  }
0x285: {  	v2 =	vadd.f32 v45, v44;
	[tilespmem:s25+$0x46C0] =	vst.add.f32.msk $0xffff, v0  }
0x286: {  	v0 =	vadd.f32 v31, v30;
	[tilespmem:s25+$0x46E0] =	vst.add.f32.msk $0xffff, v1  }
0x287: {  	v1 =	vadd.f32 v35, v34;
	[tilespmem:s25+$0x4760] =	vst.add.f32.msk $0xffff, v2  }
0x288: {  	v2 =	vadd.f32 v51, v50;
	[tilespmem:s25+$0x46F0] =	vst.add.f32.msk $0xffff, v0  }
0x289: {  	v0 =	vadd.f32 v37, v36;
	[tilespmem:s25+$0x4710] =	vst.add.f32.msk $0xffff, v1  }
0x28a: {  	v1 =	vadd.f32 v41, v40;
	[tilespmem:s25+$0x4790] =	vst.add.f32.msk $0xffff, v2  }
0x28b: {  	v2 =	vadd.f32 v57, v56;
	[tilespmem:s25+$0x4720] =	vst.add.f32.msk $0xffff, v0  }
0x28c: {  	v0 =	vadd.f32 v43, v42;
	[tilespmem:s25+$0x4740] =	vst.add.f32.msk $0xffff, v1  }
0x28d: {  	v1 =	vadd.f32 v47, v46;
	[tilespmem:s25+$0x47C0] =	vst.add.f32.msk $0xffff, v2  }
0x28e: {  	[tilespmem:s25+$0x4750] =	vst.add.f32.msk $0xffff, v0;
	v0 =	vadd.f32 v49, v48  }
0x28f: {  	[tilespmem:s25+$0x4770] =	vst.add.f32.msk $0xffff, v1;
	v1 =	vadd.f32 v53, v52  }
0x290: {  	[tilespmem:s25+$0x4780] =	vst.add.f32.msk $0xffff, v0;
	v0 =	vadd.f32 v55, v54  }
0x291: {  	[tilespmem:s25+$0x47A0] =	vst.add.f32.msk $0xffff, v1;
	v1 =	vadd.f32 v59, v58  }
0x292: {  	[tilespmem:s25+$0x47B0] =	vst.add.f32.msk $0xffff, v0;
	v0 =	vadd.f32 v63, v3  }
0x293: {  	s26 =	simm.s32 $0x0;
	s28 =	simm.s32 $0x800;
	[tilespmem:s25+$0x47D0] =	vst.add.f32.msk $0xffff, v1  }
.LBB2_7:
0x294: {  	[tilespmem:s25+$0x47E0] =	vst.add.f32.msk $0xffff, v0;
	s25 =	sshra.s32 s28, $0x2  }
0x295: {  	s26 =	sadd.s32 $0x8, s26;
	v0 =	vld [tilespmem:s25+$0xC7F0]  }
0x296: {  	p1 =	slt.u32 s26, $0x78;
	v1 =	vld [tilespmem:s25+$0x147F0]  }
0x297: {  	v2 =	vld [tilespmem:s25+$0xC600]  }
0x298: {  	v3 =	vld [tilespmem:s25+$0x14600]  }
0x299: {  	v4 =	vld [tilespmem:s25+$0xC610]  }
0x29a: {  	v5 =	vld [tilespmem:s25+$0x14610]  }
0x29b: {  	v6 =	vld [tilespmem:s25+$0xC620];
	v1 =	vadd.f32 v1, v0  }
0x29c: {  	v7 =	vld [tilespmem:s25+$0x14620]  }
0x29d: {  	v0 =	vadd.f32 v3, v2;
	[tilespmem:s25+$0x47F0] =	vst.add.f32.msk $0xffff, v1  }
0x29e: {  	v3 =	vld [tilespmem:s25+$0xC630]  }
0x29f: {  	v1 =	vadd.f32 v5, v4;
	v4 =	vld [tilespmem:s25+$0x14630]  }
0x2a0: {  	v5 =	vld [tilespmem:s25+$0xC640]  }
0x2a1: {  	v2 =	vadd.f32 v7, v6;
	v6 =	vld [tilespmem:s25+$0x14640]  }
0x2a2: {  	v7 =	vld [tilespmem:s25+$0xC650]  }
0x2a3: {  	v8 =	vld [tilespmem:s25+$0x14650]  }
0x2a4: {  	v3 =	vadd.f32 v4, v3;
	v9 =	vld [tilespmem:s25+$0xC660]  }
0x2a5: {  	v10 =	vld [tilespmem:s25+$0x14660]  }
0x2a6: {  	v4 =	vadd.f32 v6, v5;
	v5 =	vld [tilespmem:s25+$0xC670]  }
0x2a7: {  	v6 =	vld [tilespmem:s25+$0x14670]  }
0x2a8: {  	v7 =	vadd.f32 v8, v7;
	v8 =	vld [tilespmem:s25+$0xC680]  }
0x2a9: {  	v11 =	vld [tilespmem:s25+$0x14680]  }
0x2aa: {  	v9 =	vadd.f32 v10, v9;
	v10 =	vld [tilespmem:s25+$0xC690]  }
0x2ab: {  	v12 =	vld [tilespmem:s25+$0x14690]  }
0x2ac: {  	v5 =	vadd.f32 v6, v5;
	v6 =	vld [tilespmem:s25+$0xC6A0]  }
0x2ad: {  	v13 =	vld [tilespmem:s25+$0x146A0]  }
0x2ae: {  	v8 =	vadd.f32 v11, v8;
	v11 =	vld [tilespmem:s25+$0xC6B0]  }
0x2af: {  	v14 =	vld [tilespmem:s25+$0x146B0]  }
0x2b0: {  	v10 =	vadd.f32 v12, v10;
	v12 =	vld [tilespmem:s25+$0xC6C0]  }
0x2b1: {  	v15 =	vld [tilespmem:s25+$0x146C0]  }
0x2b2: {  	v6 =	vadd.f32 v13, v6;
	v13 =	vld [tilespmem:s25+$0xC6D0]  }
0x2b3: {  	v16 =	vld [tilespmem:s25+$0x146D0]  }
0x2b4: {  	v11 =	vadd.f32 v14, v11;
	v14 =	vld [tilespmem:s25+$0xC6E0]  }
0x2b5: {  	v17 =	vld [tilespmem:s25+$0x146E0]  }
0x2b6: {  	v12 =	vadd.f32 v15, v12;
	v15 =	vld [tilespmem:s25+$0xC6F0]  }
0x2b7: {  	v18 =	vld [tilespmem:s25+$0x146F0]  }
0x2b8: {  	v13 =	vadd.f32 v16, v13;
	v16 =	vld [tilespmem:s25+$0xC700]  }
0x2b9: {  	v19 =	vld [tilespmem:s25+$0x14700]  }
0x2ba: {  	v14 =	vadd.f32 v17, v14;
	v17 =	vld [tilespmem:s25+$0xC710]  }
0x2bb: {  	v20 =	vld [tilespmem:s25+$0x14710]  }
0x2bc: {  	v15 =	vadd.f32 v18, v15;
	v18 =	vld [tilespmem:s25+$0xC720]  }
0x2bd: {  	v21 =	vld [tilespmem:s25+$0x14720]  }
0x2be: {  	v16 =	vadd.f32 v19, v16;
	v19 =	vld [tilespmem:s25+$0xC730]  }
0x2bf: {  	v22 =	vld [tilespmem:s25+$0x14730]  }
0x2c0: {  	v17 =	vadd.f32 v20, v17;
	v20 =	vld [tilespmem:s25+$0xC740]  }
0x2c1: {  	v23 =	vld [tilespmem:s25+$0x14740]  }
0x2c2: {  	v18 =	vadd.f32 v21, v18;
	v21 =	vld [tilespmem:s25+$0xC750]  }
0x2c3: {  	v24 =	vld [tilespmem:s25+$0x14750]  }
0x2c4: {  	v19 =	vadd.f32 v22, v19;
	v22 =	vld [tilespmem:s25+$0xC760]  }
0x2c5: {  	v25 =	vld [tilespmem:s25+$0x14760]  }
0x2c6: {  	v20 =	vadd.f32 v23, v20;
	v23 =	vld [tilespmem:s25+$0xC770]  }
0x2c7: {  	v26 =	vld [tilespmem:s25+$0x14770]  }
0x2c8: {  	v21 =	vadd.f32 v24, v21;
	v24 =	vld [tilespmem:s25+$0xC780]  }
0x2c9: {  	v27 =	vld [tilespmem:s25+$0x14780]  }
0x2ca: {  	v22 =	vadd.f32 v25, v22;
	v25 =	vld [tilespmem:s25+$0xC790]  }
0x2cb: {  	v28 =	vld [tilespmem:s25+$0x14790]  }
0x2cc: {  	v23 =	vadd.f32 v26, v23;
	v26 =	vld [tilespmem:s25+$0xC7A0]  }
0x2cd: {  	v29 =	vld [tilespmem:s25+$0x147A0]  }
0x2ce: {  	v24 =	vadd.f32 v27, v24;
	v27 =	vld [tilespmem:s25+$0xC7B0]  }
0x2cf: {  	v30 =	vld [tilespmem:s25+$0x147B0]  }
0x2d0: {  	v25 =	vadd.f32 v28, v25;
	v28 =	vld [tilespmem:s25+$0xC7C0]  }
0x2d1: {  	v31 =	vld [tilespmem:s25+$0x147C0]  }
0x2d2: {  	v26 =	vadd.f32 v29, v26;
	v29 =	vld [tilespmem:s25+$0xC7D0]  }
0x2d3: {  	v32 =	vld [tilespmem:s25+$0x147D0]  }
0x2d4: {  	v27 =	vadd.f32 v30, v27;
	v30 =	vld [tilespmem:s25+$0xC7E0]  }
0x2d5: {  	v33 =	vld [tilespmem:s25+$0x147E0]  }
0x2d6: {  	[tilespmem:s25+$0x4600] =	vst.add.f32.msk $0xffff, v0;
	v28 =	vadd.f32 v31, v28  }
0x2d7: {  	[tilespmem:s25+$0x4610] =	vst.add.f32.msk $0xffff, v1  }
0x2d8: {  	[tilespmem:s25+$0x4620] =	vst.add.f32.msk $0xffff, v2;
	v1 =	vadd.f32 v32, v29  }
0x2d9: {  	[tilespmem:s25+$0x4630] =	vst.add.f32.msk $0xffff, v3  }
0x2da: {  	[tilespmem:s25+$0x4640] =	vst.add.f32.msk $0xffff, v4;
	v0 =	vadd.f32 v33, v30  }
0x2db: {  	[tilespmem:s25+$0x4650] =	vst.add.f32.msk $0xffff, v7  }
0x2dc: {  	[tilespmem:s25+$0x4660] =	vst.add.f32.msk $0xffff, v9  }
0x2dd: {  	[tilespmem:s25+$0x4670] =	vst.add.f32.msk $0xffff, v5  }
0x2de: {  	[tilespmem:s25+$0x4680] =	vst.add.f32.msk $0xffff, v8  }
0x2df: {  	[tilespmem:s25+$0x4690] =	vst.add.f32.msk $0xffff, v10  }
0x2e0: {  	[tilespmem:s25+$0x46A0] =	vst.add.f32.msk $0xffff, v6  }
0x2e1: {  	[tilespmem:s25+$0x46B0] =	vst.add.f32.msk $0xffff, v11  }
0x2e2: {  	[tilespmem:s25+$0x46C0] =	vst.add.f32.msk $0xffff, v12  }
0x2e3: {  	[tilespmem:s25+$0x46D0] =	vst.add.f32.msk $0xffff, v13  }
0x2e4: {  	[tilespmem:s25+$0x46E0] =	vst.add.f32.msk $0xffff, v14  }
0x2e5: {  	[tilespmem:s25+$0x46F0] =	vst.add.f32.msk $0xffff, v15  }
0x2e6: {  	[tilespmem:s25+$0x4700] =	vst.add.f32.msk $0xffff, v16  }
0x2e7: {  	[tilespmem:s25+$0x4710] =	vst.add.f32.msk $0xffff, v17  }
0x2e8: {  	[tilespmem:s25+$0x4720] =	vst.add.f32.msk $0xffff, v18  }
0x2e9: {  	[tilespmem:s25+$0x4730] =	vst.add.f32.msk $0xffff, v19  }
0x2ea: {  	[tilespmem:s25+$0x4740] =	vst.add.f32.msk $0xffff, v20  }
0x2eb: {  	[tilespmem:s25+$0x4750] =	vst.add.f32.msk $0xffff, v21  }
0x2ec: {  	[tilespmem:s25+$0x4760] =	vst.add.f32.msk $0xffff, v22  }
0x2ed: {  	[tilespmem:s25+$0x4770] =	vst.add.f32.msk $0xffff, v23  }
0x2ee: {  	[tilespmem:s25+$0x4780] =	vst.add.f32.msk $0xffff, v24  }
.Ltmp4:
0x2ef: {  	[tilespmem:s25+$0x4790] =	vst.add.f32.msk $0xffff, v25;
	(pc) =	sbr.rel @p1 .LBB2_7-.Ltmp4, $4  }
0x2f0: {  	[tilespmem:s25+$0x47A0] =	vst.add.f32.msk $0xffff, v26  }
0x2f1: {  	[tilespmem:s25+$0x47B0] =	vst.add.f32.msk $0xffff, v27  }
0x2f2: {  	[tilespmem:s25+$0x47C0] =	vst.add.f32.msk $0xffff, v28  }
0x2f3: {  	s28 =	sadd.s32 $0x800, s28;
	[tilespmem:s25+$0x47D0] =	vst.add.f32.msk $0xffff, v1  }
0x2f4: {  	s26 =	rddreg [dreg:$0x13]  }
0x2f5: {  	s26 =	sadd.s32 s24, s26  }
0x2f6: {  	[tilespmem:s25+$0x47E0] =	vst.add.f32.msk $0xffff, v0;
	s25 =	rddreg [dreg:$0x14];
	s26 =	sshll.u32 s26, $0x3  }
0x2f7: {  	s25 =	sadd.s32 @!p0 s24, s25;
	s26 =	sand.u32 $0x1FFFF800, s26  }
0x2f8: {  	s25 =	sshrl.u32 @!p0 s25, $0x3;
	s29 =	sadd.s32 s1, s26  }
0x2f9: {  	[hbm4b:s29+s3] =	stream.linear.scatter [tilespmem:s21], [sflag:$0xB], $0x2000, $0x38;
	[tilespmem:$0x18600] =	vst v63  }
0x2fa: {  	s28 =	simm.s32 @!p0 $0x0;
	s26 =	sadd.s32 @!p0 s4, s25;
	s29 =	simm.s32 @!p0 $0x100  }
0x2fb: {  	[tilespmem:s29], [sflag:$0x3] =	stream.linear.gather @!p0 [hbm4b:s26+s28], $0x80, $0x38;
	[tilespmem:$0x18600] =	vst v63  }
0x2fc: {  	s26 =	sadd.s32 @!p0 s5, s25;
	s29 =	simm.s32 @!p0 $0x300  }
0x2fd: {  	[tilespmem:s29], [sflag:$0x3] =	stream.linear.gather @!p0 [hbm4b:s26+s28], $0x80, $0x38;
	[tilespmem:$0x18600] =	vst v63  }
0x2fe: {  	s25 =	sadd.s32 @!p0 s6, s25;
	s26 =	simm.s32 @!p0 $0x500  }
0x2ff: {  	[tilespmem:s26], [sflag:$0x3] =	stream.linear.gather @!p0 [hbm4b:s25+s28], $0x80, $0x38;
	[tilespmem:$0x18600] =	vst v63  }
0x300: {  	s25 =	simm.s32 @!p0 $0x1  }
0x301: {  	_ =	swait.ge @!p0 [sflag:s25], $0x80  }
0x302: {  	[sflag:s25] =	ssyncset.done @!p0 $0x0  }
0x303: {  	[sflag:s25] =	ssyncadd.s32 @!p0 $0xFFFFFF80  }
0x304: {  	_ =	swait.ge @!p0 [sflag:s25], $0x80  }
0x305: {  	[sflag:s25] =	ssyncset.done @!p0 $0x0  }
0x306: {  	[sflag:s25] =	ssyncadd.s32 @!p0 $0xFFFFFF80  }
0x307: {  	_ =	swait.ge @!p0 [sflag:s25], $0x80  }
0x308: {  	[sflag:s25] =	ssyncset.done @!p0 $0x0  }
0x309: {  	[sflag:s25] =	ssyncadd.s32 @!p0 $0xFFFFFF80;
	s25 =	simm.s32 @!p0 $0x9  }
0x30a: {  	_ =	swait.ge @!p0 [sflag:s25], $0x2000  }
0x30b: {  	[sflag:s25] =	ssyncset.done @!p0 $0x0  }
0x30c: {  	s26 =	simm.s32 @!p0 $0x600;
	[sflag:s25] =	ssyncadd.s32 @!p0 $0xFFFFE000;
	s25 =	simm.s32 @!p0 $0x80  }
0x30d: {  	[tilespmem:s26], [sflag:$0x5] =	stream.indirect.gather @!p0 [hbm4b:s7+s25], $0x40, s28, s25, $0xb8;
	[tilespmem:$0x18600] =	vst v63  }
0x30e: {  	s26 =	simm.s32 @!p0 $0x200;
	s28 =	simm.s32 @!p0 $0x8600  }
0x30f: {  	[tilespmem:s28], [sflag:$0x5] =	stream.indirect.gather @!p0 [hbm4b:s8+s25], $0x40, s26, s25, $0xb8;
	[tilespmem:$0x18600] =	vst v63  }
0x310: {  	s26 =	simm.s32 @!p0 $0x400;
	s28 =	simm.s32 @!p0 $0x10600  }
0x311: {  	[tilespmem:s28], [sflag:$0x5] =	stream.indirect.gather @!p0 [hbm4b:s9+s25], $0x40, s26, s25, $0xb8;
	[tilespmem:$0x18600] =	vst v63  }
0x312: {  	_ =	swait.ge [sflag:s13], $0x2000  }
0x313: {  	[sflag:s13] =	ssyncset.done $0x0  }
0x314: {  	[sflag:s13] =	ssyncadd.s32 $0xFFFFE000  }
0x315: {  	_ =	swait.ge [sflag:s13], $0x2000  }
0x316: {  	[sflag:s13] =	ssyncset.done $0x0  }
0x317: {  	[sflag:s13] =	ssyncadd.s32 $0xFFFFE000  }
0x318: {  	_ =	swait.ge [sflag:s13], $0x2000  }
0x319: {  	[sflag:s13] =	ssyncset.done $0x0  }
0x31a: {  	s25 =	simm.s32 $0x0;
	[sflag:s13] =	ssyncadd.s32 $0xFFFFE000  }
0x31b: {  	v0 =	vld [tilespmem:s25+$0xE7F0]  }
0x31c: {  	v1 =	vld [tilespmem:s25+$0x167F0]  }
0x31d: {  	v2 =	vld [tilespmem:s25+$0xE600]  }
0x31e: {  	v3 =	vld [tilespmem:s25+$0x16600]  }
0x31f: {  	v4 =	vld [tilespmem:s25+$0xE610]  }
0x320: {  	v5 =	vld [tilespmem:s25+$0x16610]  }
0x321: {  	v6 =	vld [tilespmem:s25+$0xE620]  }
0x322: {  	v7 =	vld [tilespmem:s25+$0x16630]  }
0x323: {  	v8 =	vld [tilespmem:s25+$0xE640]  }
0x324: {  	v9 =	vld [tilespmem:s25+$0x16640]  }
0x325: {  	v10 =	vld [tilespmem:s25+$0xE650]  }
0x326: {  	v11 =	vld [tilespmem:s25+$0x16650]  }
0x327: {  	v12 =	vld [tilespmem:s25+$0xE660]  }
0x328: {  	v13 =	vld [tilespmem:s25+$0x16660]  }
0x329: {  	v14 =	vld [tilespmem:s25+$0xE670]  }
0x32a: {  	v15 =	vld [tilespmem:s25+$0x16670]  }
0x32b: {  	v16 =	vld [tilespmem:s25+$0xE680]  }
0x32c: {  	v17 =	vld [tilespmem:s25+$0x16680]  }
0x32d: {  	v18 =	vld [tilespmem:s25+$0xE690]  }
0x32e: {  	v19 =	vld [tilespmem:s25+$0x16690]  }
0x32f: {  	v20 =	vld [tilespmem:s25+$0xE6A0]  }
0x330: {  	v21 =	vld [tilespmem:s25+$0x166A0]  }
0x331: {  	v22 =	vld [tilespmem:s25+$0xE6B0]  }
0x332: {  	v23 =	vld [tilespmem:s25+$0x166B0]  }
0x333: {  	v24 =	vld [tilespmem:s25+$0xE6C0]  }
0x334: {  	v25 =	vld [tilespmem:s25+$0x166C0]  }
0x335: {  	v26 =	vld [tilespmem:s25+$0xE6D0]  }
0x336: {  	v27 =	vld [tilespmem:s25+$0x166D0]  }
0x337: {  	v28 =	vld [tilespmem:s25+$0xE6E0]  }
0x338: {  	v29 =	vld [tilespmem:s25+$0x166E0]  }
0x339: {  	v30 =	vld [tilespmem:s25+$0xE6F0]  }
0x33a: {  	v31 =	vld [tilespmem:s25+$0x166F0]  }
0x33b: {  	v32 =	vld [tilespmem:s25+$0xE700]  }
0x33c: {  	v33 =	vld [tilespmem:s25+$0x16700]  }
0x33d: {  	v34 =	vld [tilespmem:s25+$0xE710]  }
0x33e: {  	v35 =	vld [tilespmem:s25+$0x16710]  }
0x33f: {  	v36 =	vld [tilespmem:s25+$0xE720]  }
0x340: {  	v37 =	vld [tilespmem:s25+$0x16720]  }
0x341: {  	v38 =	vld [tilespmem:s25+$0xE730]  }
0x342: {  	v39 =	vld [tilespmem:s25+$0x16730]  }
0x343: {  	v40 =	vld [tilespmem:s25+$0xE740]  }
0x344: {  	v41 =	vld [tilespmem:s25+$0x16740]  }
0x345: {  	v42 =	vld [tilespmem:s25+$0xE750]  }
0x346: {  	v43 =	vld [tilespmem:s25+$0x16750]  }
0x347: {  	v44 =	vld [tilespmem:s25+$0xE760]  }
0x348: {  	v45 =	vld [tilespmem:s25+$0x16760]  }
0x349: {  	v46 =	vld [tilespmem:s25+$0xE770]  }
0x34a: {  	v47 =	vld [tilespmem:s25+$0x16770]  }
0x34b: {  	v48 =	vld [tilespmem:s25+$0xE780]  }
0x34c: {  	v49 =	vld [tilespmem:s25+$0x16780]  }
0x34d: {  	v50 =	vld [tilespmem:s25+$0xE790]  }
0x34e: {  	v51 =	vld [tilespmem:s25+$0x16790]  }
0x34f: {  	v52 =	vld [tilespmem:s25+$0xE7A0]  }
0x350: {  	v53 =	vld [tilespmem:s25+$0x167A0]  }
0x351: {  	v54 =	vld [tilespmem:s25+$0xE7B0]  }
0x352: {  	v55 =	vld [tilespmem:s25+$0x167B0]  }
0x353: {  	v56 =	vld [tilespmem:s25+$0xE7C0]  }
0x354: {  	v57 =	vld [tilespmem:s25+$0x167C0]  }
0x355: {  	v58 =	vld [tilespmem:s25+$0xE7D0]  }
0x356: {  	v59 =	vld [tilespmem:s25+$0x167D0]  }
0x357: {  	v63 =	vld [tilespmem:s25+$0x167E0];
	v0 =	vadd.f32 v1, v0  }
0x358: {  	v1 =	vld [tilespmem:s25+$0x16620]  }
0x359: {  	v2 =	vadd.f32 v3, v2;
	[tilespmem:s25+$0x67F0] =	vst.add.f32.msk $0xffff, v0  }
0x35a: {  	v0 =	vld [tilespmem:s25+$0xE630]  }
0x35b: {  	[tilespmem:s25+$0x6600] =	vst.add.f32.msk $0xffff, v2;
	v2 =	vadd.f32 v9, v8  }
0x35c: {  	v3 =	vld [tilespmem:s25+$0xE7E0];
	v4 =	vadd.f32 v5, v4  }
0x35d: {  	[tilespmem:s25+$0x6640] =	vst.add.f32.msk $0xffff, v2;
	v2 =	vadd.f32 v15, v14  }
0x35e: {  	[tilespmem:s25+$0x6610] =	vst.add.f32.msk $0xffff, v4;
	v1 =	vadd.f32 v1, v6  }
0x35f: {  	[tilespmem:s25+$0x6670] =	vst.add.f32.msk $0xffff, v2;
	v2 =	vadd.f32 v21, v20  }
0x360: {  	v0 =	vadd.f32 v7, v0;
	[tilespmem:s25+$0x6620] =	vst.add.f32.msk $0xffff, v1  }
0x361: {  	v1 =	vadd.f32 v11, v10;
	[tilespmem:s25+$0x66A0] =	vst.add.f32.msk $0xffff, v2  }
0x362: {  	v2 =	vadd.f32 v27, v26;
	[tilespmem:s25+$0x6630] =	vst.add.f32.msk $0xffff, v0  }
0x363: {  	v0 =	vadd.f32 v13, v12;
	[tilespmem:s25+$0x6650] =	vst.add.f32.msk $0xffff, v1  }
0x364: {  	v1 =	vadd.f32 v17, v16;
	[tilespmem:s25+$0x66D0] =	vst.add.f32.msk $0xffff, v2  }
0x365: {  	v2 =	vadd.f32 v33, v32;
	[tilespmem:s25+$0x6660] =	vst.add.f32.msk $0xffff, v0  }
0x366: {  	v0 =	vadd.f32 v19, v18;
	[tilespmem:s25+$0x6680] =	vst.add.f32.msk $0xffff, v1  }
0x367: {  	v1 =	vadd.f32 v23, v22;
	[tilespmem:s25+$0x6700] =	vst.add.f32.msk $0xffff, v2  }
0x368: {  	v2 =	vadd.f32 v39, v38;
	[tilespmem:s25+$0x6690] =	vst.add.f32.msk $0xffff, v0  }
0x369: {  	v0 =	vadd.f32 v25, v24;
	[tilespmem:s25+$0x66B0] =	vst.add.f32.msk $0xffff, v1  }
0x36a: {  	v1 =	vadd.f32 v29, v28;
	[tilespmem:s25+$0x6730] =	vst.add.f32.msk $0xffff, v2  }
0x36b: {  	v2 =	vadd.f32 v45, v44;
	[tilespmem:s25+$0x66C0] =	vst.add.f32.msk $0xffff, v0  }
0x36c: {  	v0 =	vadd.f32 v31, v30;
	[tilespmem:s25+$0x66E0] =	vst.add.f32.msk $0xffff, v1  }
0x36d: {  	v1 =	vadd.f32 v35, v34;
	[tilespmem:s25+$0x6760] =	vst.add.f32.msk $0xffff, v2  }
0x36e: {  	v2 =	vadd.f32 v51, v50;
	[tilespmem:s25+$0x66F0] =	vst.add.f32.msk $0xffff, v0  }
0x36f: {  	v0 =	vadd.f32 v37, v36;
	[tilespmem:s25+$0x6710] =	vst.add.f32.msk $0xffff, v1  }
0x370: {  	v1 =	vadd.f32 v41, v40;
	[tilespmem:s25+$0x6790] =	vst.add.f32.msk $0xffff, v2  }
0x371: {  	v2 =	vadd.f32 v57, v56;
	[tilespmem:s25+$0x6720] =	vst.add.f32.msk $0xffff, v0  }
0x372: {  	v0 =	vadd.f32 v43, v42;
	[tilespmem:s25+$0x6740] =	vst.add.f32.msk $0xffff, v1  }
0x373: {  	v1 =	vadd.f32 v47, v46;
	[tilespmem:s25+$0x67C0] =	vst.add.f32.msk $0xffff, v2  }
0x374: {  	[tilespmem:s25+$0x6750] =	vst.add.f32.msk $0xffff, v0;
	v0 =	vadd.f32 v49, v48  }
0x375: {  	[tilespmem:s25+$0x6770] =	vst.add.f32.msk $0xffff, v1;
	v1 =	vadd.f32 v53, v52  }
0x376: {  	[tilespmem:s25+$0x6780] =	vst.add.f32.msk $0xffff, v0;
	v0 =	vadd.f32 v55, v54  }
0x377: {  	[tilespmem:s25+$0x67A0] =	vst.add.f32.msk $0xffff, v1;
	v1 =	vadd.f32 v59, v58  }
0x378: {  	[tilespmem:s25+$0x67B0] =	vst.add.f32.msk $0xffff, v0;
	v0 =	vadd.f32 v63, v3  }
0x379: {  	s26 =	simm.s32 $0x0;
	s28 =	simm.s32 $0x800;
	[tilespmem:s25+$0x67D0] =	vst.add.f32.msk $0xffff, v1  }
.LBB2_9:
0x37a: {  	[tilespmem:s25+$0x67E0] =	vst.add.f32.msk $0xffff, v0;
	s25 =	sshra.s32 s28, $0x2  }
0x37b: {  	s26 =	sadd.s32 $0x8, s26;
	v0 =	vld [tilespmem:s25+$0xE7F0]  }
0x37c: {  	p1 =	slt.u32 s26, $0x78;
	v1 =	vld [tilespmem:s25+$0x167F0]  }
0x37d: {  	v2 =	vld [tilespmem:s25+$0xE600]  }
0x37e: {  	v3 =	vld [tilespmem:s25+$0x16600]  }
0x37f: {  	v4 =	vld [tilespmem:s25+$0xE610]  }
0x380: {  	v5 =	vld [tilespmem:s25+$0x16610]  }
0x381: {  	v6 =	vld [tilespmem:s25+$0xE620];
	v1 =	vadd.f32 v1, v0  }
0x382: {  	v7 =	vld [tilespmem:s25+$0x16620]  }
0x383: {  	v0 =	vadd.f32 v3, v2;
	[tilespmem:s25+$0x67F0] =	vst.add.f32.msk $0xffff, v1  }
0x384: {  	v3 =	vld [tilespmem:s25+$0xE630]  }
0x385: {  	v1 =	vadd.f32 v5, v4;
	v4 =	vld [tilespmem:s25+$0x16630]  }
0x386: {  	v5 =	vld [tilespmem:s25+$0xE640]  }
0x387: {  	v2 =	vadd.f32 v7, v6;
	v6 =	vld [tilespmem:s25+$0x16640]  }
0x388: {  	v7 =	vld [tilespmem:s25+$0xE650]  }
0x389: {  	v8 =	vld [tilespmem:s25+$0x16650]  }
0x38a: {  	v3 =	vadd.f32 v4, v3;
	v9 =	vld [tilespmem:s25+$0xE660]  }
0x38b: {  	v10 =	vld [tilespmem:s25+$0x16660]  }
0x38c: {  	v4 =	vadd.f32 v6, v5;
	v5 =	vld [tilespmem:s25+$0xE670]  }
0x38d: {  	v6 =	vld [tilespmem:s25+$0x16670]  }
0x38e: {  	v7 =	vadd.f32 v8, v7;
	v8 =	vld [tilespmem:s25+$0xE680]  }
0x38f: {  	v11 =	vld [tilespmem:s25+$0x16680]  }
0x390: {  	v9 =	vadd.f32 v10, v9;
	v10 =	vld [tilespmem:s25+$0xE690]  }
0x391: {  	v12 =	vld [tilespmem:s25+$0x16690]  }
0x392: {  	v5 =	vadd.f32 v6, v5;
	v6 =	vld [tilespmem:s25+$0xE6A0]  }
0x393: {  	v13 =	vld [tilespmem:s25+$0x166A0]  }
0x394: {  	v8 =	vadd.f32 v11, v8;
	v11 =	vld [tilespmem:s25+$0xE6B0]  }
0x395: {  	v14 =	vld [tilespmem:s25+$0x166B0]  }
0x396: {  	v10 =	vadd.f32 v12, v10;
	v12 =	vld [tilespmem:s25+$0xE6C0]  }
0x397: {  	v15 =	vld [tilespmem:s25+$0x166C0]  }
0x398: {  	v6 =	vadd.f32 v13, v6;
	v13 =	vld [tilespmem:s25+$0xE6D0]  }
0x399: {  	v16 =	vld [tilespmem:s25+$0x166D0]  }
0x39a: {  	v11 =	vadd.f32 v14, v11;
	v14 =	vld [tilespmem:s25+$0xE6E0]  }
0x39b: {  	v17 =	vld [tilespmem:s25+$0x166E0]  }
0x39c: {  	v12 =	vadd.f32 v15, v12;
	v15 =	vld [tilespmem:s25+$0xE6F0]  }
0x39d: {  	v18 =	vld [tilespmem:s25+$0x166F0]  }
0x39e: {  	v13 =	vadd.f32 v16, v13;
	v16 =	vld [tilespmem:s25+$0xE700]  }
0x39f: {  	v19 =	vld [tilespmem:s25+$0x16700]  }
0x3a0: {  	v14 =	vadd.f32 v17, v14;
	v17 =	vld [tilespmem:s25+$0xE710]  }
0x3a1: {  	v20 =	vld [tilespmem:s25+$0x16710]  }
0x3a2: {  	v15 =	vadd.f32 v18, v15;
	v18 =	vld [tilespmem:s25+$0xE720]  }
0x3a3: {  	v21 =	vld [tilespmem:s25+$0x16720]  }
0x3a4: {  	v16 =	vadd.f32 v19, v16;
	v19 =	vld [tilespmem:s25+$0xE730]  }
0x3a5: {  	v22 =	vld [tilespmem:s25+$0x16730]  }
0x3a6: {  	v17 =	vadd.f32 v20, v17;
	v20 =	vld [tilespmem:s25+$0xE740]  }
0x3a7: {  	v23 =	vld [tilespmem:s25+$0x16740]  }
0x3a8: {  	v18 =	vadd.f32 v21, v18;
	v21 =	vld [tilespmem:s25+$0xE750]  }
0x3a9: {  	v24 =	vld [tilespmem:s25+$0x16750]  }
0x3aa: {  	v19 =	vadd.f32 v22, v19;
	v22 =	vld [tilespmem:s25+$0xE760]  }
0x3ab: {  	v25 =	vld [tilespmem:s25+$0x16760]  }
0x3ac: {  	v20 =	vadd.f32 v23, v20;
	v23 =	vld [tilespmem:s25+$0xE770]  }
0x3ad: {  	v26 =	vld [tilespmem:s25+$0x16770]  }
0x3ae: {  	v21 =	vadd.f32 v24, v21;
	v24 =	vld [tilespmem:s25+$0xE780]  }
0x3af: {  	v27 =	vld [tilespmem:s25+$0x16780]  }
0x3b0: {  	v22 =	vadd.f32 v25, v22;
	v25 =	vld [tilespmem:s25+$0xE790]  }
0x3b1: {  	v28 =	vld [tilespmem:s25+$0x16790]  }
0x3b2: {  	v23 =	vadd.f32 v26, v23;
	v26 =	vld [tilespmem:s25+$0xE7A0]  }
0x3b3: {  	v29 =	vld [tilespmem:s25+$0x167A0]  }
0x3b4: {  	v24 =	vadd.f32 v27, v24;
	v27 =	vld [tilespmem:s25+$0xE7B0]  }
0x3b5: {  	v30 =	vld [tilespmem:s25+$0x167B0]  }
0x3b6: {  	v25 =	vadd.f32 v28, v25;
	v28 =	vld [tilespmem:s25+$0xE7C0]  }
0x3b7: {  	v31 =	vld [tilespmem:s25+$0x167C0]  }
0x3b8: {  	v26 =	vadd.f32 v29, v26;
	v29 =	vld [tilespmem:s25+$0xE7D0]  }
0x3b9: {  	v32 =	vld [tilespmem:s25+$0x167D0]  }
0x3ba: {  	v27 =	vadd.f32 v30, v27;
	v30 =	vld [tilespmem:s25+$0xE7E0]  }
0x3bb: {  	v33 =	vld [tilespmem:s25+$0x167E0]  }
0x3bc: {  	[tilespmem:s25+$0x6600] =	vst.add.f32.msk $0xffff, v0;
	v28 =	vadd.f32 v31, v28  }
0x3bd: {  	[tilespmem:s25+$0x6610] =	vst.add.f32.msk $0xffff, v1  }
0x3be: {  	[tilespmem:s25+$0x6620] =	vst.add.f32.msk $0xffff, v2;
	v1 =	vadd.f32 v32, v29  }
0x3bf: {  	[tilespmem:s25+$0x6630] =	vst.add.f32.msk $0xffff, v3  }
0x3c0: {  	[tilespmem:s25+$0x6640] =	vst.add.f32.msk $0xffff, v4;
	v0 =	vadd.f32 v33, v30  }
0x3c1: {  	[tilespmem:s25+$0x6650] =	vst.add.f32.msk $0xffff, v7  }
0x3c2: {  	[tilespmem:s25+$0x6660] =	vst.add.f32.msk $0xffff, v9  }
0x3c3: {  	[tilespmem:s25+$0x6670] =	vst.add.f32.msk $0xffff, v5  }
0x3c4: {  	[tilespmem:s25+$0x6680] =	vst.add.f32.msk $0xffff, v8  }
0x3c5: {  	[tilespmem:s25+$0x6690] =	vst.add.f32.msk $0xffff, v10  }
0x3c6: {  	[tilespmem:s25+$0x66A0] =	vst.add.f32.msk $0xffff, v6  }
0x3c7: {  	[tilespmem:s25+$0x66B0] =	vst.add.f32.msk $0xffff, v11  }
0x3c8: {  	[tilespmem:s25+$0x66C0] =	vst.add.f32.msk $0xffff, v12  }
0x3c9: {  	[tilespmem:s25+$0x66D0] =	vst.add.f32.msk $0xffff, v13  }
0x3ca: {  	[tilespmem:s25+$0x66E0] =	vst.add.f32.msk $0xffff, v14  }
0x3cb: {  	[tilespmem:s25+$0x66F0] =	vst.add.f32.msk $0xffff, v15  }
0x3cc: {  	[tilespmem:s25+$0x6700] =	vst.add.f32.msk $0xffff, v16  }
0x3cd: {  	[tilespmem:s25+$0x6710] =	vst.add.f32.msk $0xffff, v17  }
0x3ce: {  	[tilespmem:s25+$0x6720] =	vst.add.f32.msk $0xffff, v18  }
0x3cf: {  	[tilespmem:s25+$0x6730] =	vst.add.f32.msk $0xffff, v19  }
0x3d0: {  	[tilespmem:s25+$0x6740] =	vst.add.f32.msk $0xffff, v20  }
0x3d1: {  	[tilespmem:s25+$0x6750] =	vst.add.f32.msk $0xffff, v21  }
0x3d2: {  	[tilespmem:s25+$0x6760] =	vst.add.f32.msk $0xffff, v22  }
0x3d3: {  	[tilespmem:s25+$0x6770] =	vst.add.f32.msk $0xffff, v23  }
0x3d4: {  	[tilespmem:s25+$0x6780] =	vst.add.f32.msk $0xffff, v24  }
.Ltmp5:
0x3d5: {  	[tilespmem:s25+$0x6790] =	vst.add.f32.msk $0xffff, v25;
	(pc) =	sbr.rel @p1 .LBB2_9-.Ltmp5, $4  }
0x3d6: {  	[tilespmem:s25+$0x67A0] =	vst.add.f32.msk $0xffff, v26  }
0x3d7: {  	[tilespmem:s25+$0x67B0] =	vst.add.f32.msk $0xffff, v27  }
0x3d8: {  	[tilespmem:s25+$0x67C0] =	vst.add.f32.msk $0xffff, v28  }
0x3d9: {  	s28 =	sadd.s32 $0x800, s28;
	[tilespmem:s25+$0x67D0] =	vst.add.f32.msk $0xffff, v1  }
0x3da: {  	s26 =	rddreg [dreg:$0x15]  }
.Ltmp6:
0x3db: {  	s26 =	sadd.s32 s24, s26;
	(pc) =	sbr.rel @p0 .LBB2_12-.Ltmp6, $4  }
0x3dc: {  	s26 =	sshll.u32 s26, $0x3  }
0x3dd: {  	s26 =	sand.u32 $0x1FFFFC00, s26  }
0x3de: {  	[tilespmem:s25+$0x67E0] =	vst.add.f32.msk $0xffff, v0;
	s29 =	sadd.s32 s1, s26  }
0x3df: {  	[hbm4b:s29+s3] =	stream.linear.scatter [tilespmem:s2], [sflag:$0xC], $0x2000, $0x38;
	[tilespmem:$0x18600] =	vst v63  }
0x3e0: {  	s25 =	rddreg [dreg:$0x16]  }
0x3e1: {  	s24 =	sadd.s32 s24, s25  }
0x3e2: {  	s24 =	sshrl.u32 s24, $0x3  }
0x3e3: {  	s26 =	sadd.s32 s4, s24  }
0x3e4: {  	[tilespmem:s15], [sflag:$0x4] =	stream.linear.gather [hbm4b:s26+s3], $0x80, $0x38;
	[tilespmem:$0x18600] =	vst v63  }
0x3e5: {  	s16 =	simm.s32 $0x380;
	s28 =	sadd.s32 s5, s24  }
0x3e6: {  	[tilespmem:s16], [sflag:$0x4] =	stream.linear.gather [hbm4b:s28+s3], $0x80, $0x38;
	[tilespmem:$0x18600] =	vst v63  }
0x3e7: {  	s20 =	simm.s32 $0x580;
	s24 =	sadd.s32 s6, s24  }
0x3e8: {  	[tilespmem:s20], [sflag:$0x4] =	stream.linear.gather [hbm4b:s24+s3], $0x80, $0x38;
	[tilespmem:$0x18600] =	vst v63  }
0x3e9: {  	_ =	swait.ge [sflag:s19], $0x80  }
0x3ea: {  	[sflag:s19] =	ssyncset.done $0x0  }
0x3eb: {  	[sflag:s19] =	ssyncadd.s32 $0xFFFFFF80  }
0x3ec: {  	_ =	swait.ge [sflag:s19], $0x80  }
0x3ed: {  	[sflag:s19] =	ssyncset.done $0x0  }
0x3ee: {  	[sflag:s19] =	ssyncadd.s32 $0xFFFFFF80  }
0x3ef: {  	_ =	swait.ge [sflag:s19], $0x80  }
0x3f0: {  	[sflag:s19] =	ssyncset.done $0x0  }
0x3f1: {  	[sflag:s19] =	ssyncadd.s32 $0xFFFFFF80  }
0x3f2: {  	_ =	swait.ge [sflag:s18], $0x2000  }
0x3f3: {  	[sflag:s18] =	ssyncset.done $0x0  }
0x3f4: {  	s29 =	simm.s32 $0x2600;
	[sflag:s18] =	ssyncadd.s32 $0xFFFFE000  }
0x3f5: {  	[tilespmem:s29], [sflag:$0x6] =	stream.indirect.gather [hbm4b:s7+s0], $0x40, s0, s0, $0xb8;
	[tilespmem:$0x18600] =	vst v63  }
0x3f6: {  	s25 =	simm.s32 $0x280;
	s26 =	simm.s32 $0xA600  }
0x3f7: {  	[tilespmem:s26], [sflag:$0x6] =	stream.indirect.gather [hbm4b:s8+s0], $0x40, s25, s0, $0xb8;
	[tilespmem:$0x18600] =	vst v63  }
0x3f8: {  	s28 =	simm.s32 $0x480;
	s29 =	simm.s32 $0x12600  }
0x3f9: {  	[tilespmem:s29], [sflag:$0x6] =	stream.indirect.gather [hbm4b:s9+s0], $0x40, s28, s0, $0xb8;
	[tilespmem:$0x18600] =	vst v63  }
0x3fa: {  	_ =	swait.ge [sflag:s17], $0x80  }
0x3fb: {  	[sflag:s17] =	ssyncset.done $0x0  }
0x3fc: {  	[sflag:s17] =	ssyncadd.s32 $0xFFFFFF80  }
0x3fd: {  	_ =	swait.ge [sflag:s17], $0x80  }
0x3fe: {  	[sflag:s17] =	ssyncset.done $0x0  }
0x3ff: {  	[sflag:s17] =	ssyncadd.s32 $0xFFFFFF80  }
0x400: {  	_ =	swait.ge [sflag:s17], $0x80  }
0x401: {  	[sflag:s17] =	ssyncset.done $0x0  }
0x402: {  	[sflag:s17] =	ssyncadd.s32 $0xFFFFFF80  }
0x403: {  	_ =	swait.ge [sflag:s30], $0x2000  }
0x404: {  	[sflag:s30] =	ssyncset.done $0x0  }
0x405: {  	s26 =	simm.s32 $0x100;
	[sflag:s30] =	ssyncadd.s32 $0xFFFFE000  }
0x406: {  	[tilespmem:s21], [sflag:$0x7] =	stream.indirect.gather [hbm4b:s7+s0], $0x40, s26, s0, $0xb8;
	[tilespmem:$0x18600] =	vst v63  }
0x407: {  	s28 =	simm.s32 $0x300;
	s29 =	simm.s32 $0xC600  }
0x408: {  	[tilespmem:s29], [sflag:$0x7] =	stream.indirect.gather [hbm4b:s8+s0], $0x40, s28, s0, $0xb8;
	[tilespmem:$0x18600] =	vst v63  }
0x409: {  	s26 =	simm.s32 $0x14600  }
0x40a: {  	[tilespmem:s26], [sflag:$0x7] =	stream.indirect.gather [hbm4b:s9+s0], $0x40, s14, s0, $0xb8;
	[tilespmem:$0x18600] =	vst v63  }
0x40b: {  	_ =	swait.ge [sflag:s31], $0x80  }
0x40c: {  	[sflag:s31] =	ssyncset.done $0x0  }
0x40d: {  	[sflag:s31] =	ssyncadd.s32 $0xFFFFFF80  }
0x40e: {  	_ =	swait.ge [sflag:s31], $0x80  }
0x40f: {  	[sflag:s31] =	ssyncset.done $0x0  }
0x410: {  	[sflag:s31] =	ssyncadd.s32 $0xFFFFFF80  }
0x411: {  	_ =	swait.ge [sflag:s31], $0x80  }
0x412: {  	[sflag:s31] =	ssyncset.done $0x0  }
0x413: {  	[sflag:s31] =	ssyncadd.s32 $0xFFFFFF80  }
0x414: {  	_ =	swait.ge [sflag:s22], $0x2000  }
0x415: {  	[sflag:s22] =	ssyncset.done $0x0  }
0x416: {  	[sflag:s22] =	ssyncadd.s32 $0xFFFFE000  }
0x417: {  	[tilespmem:s2], [sflag:$0x8] =	stream.indirect.gather [hbm4b:s7+s0], $0x40, s15, s0, $0xb8;
	[tilespmem:$0x18600] =	vst v63  }
.Ltmp7:
0x418: {  	_ = 	snop;
	(pc) =	sbr.rel .LBB2_2-.Ltmp7, $4  }
0x419: {  	s28 =	simm.s32 $0xE600  }
0x41a: {  	[tilespmem:s28], [sflag:$0x8] =	stream.indirect.gather [hbm4b:s8+s0], $0x40, s16, s0, $0xb8;
	[tilespmem:$0x18600] =	vst v63  }
0x41b: {  	s23 =	sadd.s32 $0x1, s23;
	s29 =	simm.s32 $0x16600  }
0x41c: {  	[tilespmem:s29], [sflag:$0x8] =	stream.indirect.gather [hbm4b:s9+s0], $0x40, s20, s0, $0xb8;
	[tilespmem:$0x18600] =	vst v63  }
.LBB2_13:
0x41d: {  	_ =	sfence.sel $0x180000  }
0x41e: {  	[bflag:$0x0] =	sbarrier.arrive $0xFFFF  }
0x41f: {  	_ =	strace $0x90000047  }
0x420: {  	s0 =	stileid.u32;
	[bflag:$0x2] =	sbarrier.arrive $0xFFFF  }
0x421: {  	p0 =	sne.s32 s0, $0x0;
	s0 =	rddreg [dreg:$0x2]  }
0x422: {  	s0 =	sadd.s32 @!p0 $0x100000, s0  }
0x423: {  	[sflag:s0] =	ssyncadd.tile.s32 @!p0 $0x1;
	_ =	shalt  }
.Lfunc_end2:
_tile_overlayer_lowered:
.L_overlay_start_2:
0x424: {  	(tag) =	ssettag $0x2  }
0x425: {  	s0 =	rddreg [dreg:$0x0];
	s2 =	stileid.u32  }
0x426: {  	s1 =	rddreg [dreg:$0x1];
	p0 =	sne.s32 s2, $0x0  }
0x427: {  	s3 =	rddreg [dreg:$0x2];
	[bflag:$0x3] =	sbarrier.arrive $0xFFFF;
	s2 =	simm.s32 @!p0 $0x1C0D  }
0x428: {  	[timem:s3], [sflag:s2] =	dma.local @!p0 [hbm:s0], s1  }
0x429: {  	s0 =	simm.s32 @!p0 $0xD  }
0x42a: {  	_ =	swait.ge @!p0 [sflag:s0], s1  }
0x42b: {  	s1 =	ssub.s32 @!p0 $0x0, s1;
	[sflag:s0] =	ssyncset.done @!p0 $0x0  }
0x42c: {  	[sflag:s0] =	ssyncadd.s32 @!p0 s1  }
0x42d: {  	[bflag:$0x3] =	sbarrier.arrive $0xFFFF  }
0x42e: {  	_ =	shalt  }

// kernel: sparse-core-data-format-call.cloned.1.call-start
scs
called_computation_lowered:
.L_overlay_start_0:
0x0: {  	s2 =	sld [smem:$0x3FD9]  }
0x1: {  	s3 =	sld [smem:$0x3FFE];
	_ =	sdelay $0x1  }
0x2: {  	s1 =	srdreg.scid  }
0x3: {  	s0 =	sand.u32 $0x1, s1  }
0x4: {  	s18 =	sshll.u32 s0, $0xA;
	s2 =	sadd.s32 s3, s2  }
0x5: {  	s2 =	sadd.s32 s2, s18  }
0x6: {  	[smem:$0x3FC2] =	sst s2  }
0x7: {  	_ = 	snop  }
0x8: {  	s2 =	sld [smem:$0x3FD0];
	(tm) =	ssettm $0x1  }
0x9: {  	s19 =	sld [smem:$0x3FFB];
	_ =	sdelay $0x3  }
0xa: {  	_ =	strace s19  }
0xb: {  	s3 =	sld [smem:$0x3FFC];
	_ =	sdelay $0x3  }
0xc: {  	_ =	strace s3  }
0xd: {  	s3 =	sld [smem:$0x3FFD];
	_ =	sdelay $0x3  }
0xe: {  	_ =	strace s3  }
0xf: {  	_ =	strace $0x8FFFFFFF  }
0x10: {  	s20 =	sld [smem:$0x3FDB];
	_ =	sdelay $0x1  }
0x11: {  	s4 =	simm.s32 $_scs_section_size  }
0x12: {  	s5 =	simm.s32 $_size__tile_overlayer_lowered;
	s6 =	simm.s32 $_tile_overlayer_lowered  }
0x13: {  	s23 =	simm.s32 $0x1BFF;
	s22 =	sshll.u32 s6, $0x1;
	s3 =	sadd.s32 s4, s20  }
0x14: {  	s7 =	simm.s32 $0x0;
	s21 =	sshll.u32 s5, $0x1;
	s5 =	sadd.s32 s22, s3  }
0x15: {  	[timem:s7], [sflag:s23] =	dma.local [hbm:s5], s21  }
0x16: {  	_ =	swait.ge [sflag:s23], s21  }
0x17: {  	s4 =	ssub.s32 $0x0, s21;
	[sflag:s23] =	ssyncset.done $0x0  }
0x18: {  	[sflag:s23] =	ssyncadd.s32 s4;
	_ =	sdelay $0x1  }
0x19: {  	s24 =	simm.s32 $0x1B8B  }
0x1a: {  	_ =	swait.ge [sflag:s24], $0x1  }
0x1b: {  	[sflag:s24] =	ssyncset.done $0x0  }
0x1c: {  	s26 =	simm.s32 $0x1B8E;
	s25 =	sld [smem:$0x3FFE];
	[sflag:s24] =	ssyncadd.s32 $0xFFFFFFFF  }
0x1d: {  	s27 =	simm.s32 $execute0_lowered;
	[smem:$0x3FD2] =	sst s26  }
0x1e: {  	s5 =	sshll.u32 s27, $0x1;
	_ =	strace $0x80000049;
	[dreg:$0x1] =	wrdreg $0xFFFFFFFF  }
0x1f: {  	s28 =	simm.s32 $_size_execute0_lowered;
	s3 =	sadd.s32 s3, s5;
	[dreg:$0x0] =	wrdreg $0x0  }
0x20: {  	s5 =	sshll.u32 s28, $0x1;
	[dreg:$0x2] =	wrdreg s3  }
0x21: {  	[dreg:$0x3] =	wrdreg s5  }
0x22: {  	[dreg:$0x4] =	wrdreg $0xC0  }
0x23: {  	_ =	task [dreg:s7], $0x5FFFF  }
0x24: {  	[dreg:$0x1] =	wrdreg $0xFFFFFFFF  }
0x25: {  	[dreg:$0x0] =	wrdreg $0x60  }
0x26: {  	[dreg:$0x2] =	wrdreg s25  }
0x27: {  	[dreg:$0x3] =	wrdreg s2  }
0x28: {  	[dreg:$0x4] =	wrdreg $0x9  }
0x29: {  	_ =	task.clear_ibuf [dreg:s7], $0x5FFFF;
	_ =	strace $0x90000049  }
0x2a: {  	s29 =	simm.s32 $0x9;
	_ =	strace $0x8000004B  }
0x2b: {  	_ =	swait.ge [sflag:s29], $0x1  }
0x2c: {  	[sflag:s29] =	ssyncadd.s32 $0xFFFFFFFF  }
0x2d: {  	_ =	strace $0x9000004B  }
0x2e: {  	_ =	sfence  }
0x2f: {  	s30 =	sld [smem:$0x0];
	_ =	sdelay $0x2  }
0x30: {  	s31 =	sshll.u32 s1, $0xD;
	s1 =	sshrl.u32 s1, $0x2  }
0x31: {  	s3 =	sand.u32 $0x4000, s31;
	s1 =	sadd.s32 s1, s30  }
0x32: {  	s0 =	sor.u32 s3, s0;
	s1 =	sshll.u32 s1, $0x11  }
0x33: {  	s0 =	sor.u32 s1, s0  }
0x34: {  	s0 =	sadd.s32 $0x8F2B, s0  }
0x35: {  	[sflag:s0] =	ssyncadd.remote.s32 $0x1  }
0x36: {  	_ =	sfence.sel $0xFFFF  }
0x37: {  	[dreg:$0x0] =	wrdreg $0xFFFFFFFF;
	(pc) =	sbr.abs _section_cstart, $3  }
0x38: {  	[dreg:$0x1] =	wrdreg $0xFFFFFFFF  }
0x39: {  	_ =	task.clear_ibuf [dreg:s7], $0x2FFFF;
	_ =	strace $0x9FFFFFFF  }
0x3a: {  	(tm) =	ssettm $0x7FFFFFFF  }
0x3b: {  	_ =	shalt  }
tec
execute0_lowered:
.L_overlay_start_1:
0x0: {  	(tag) =	ssettag $0x1  }
0x1: {  	s0 =	srdreg.scid  }
0x2: {  	s1 =	sshll.u32 s0, $0x4  }
0x3: {  	s0 =	stileid.u32;
	s1 =	sand.u32 $0x10, s1  }
0x4: {  	s1 =	sor.u32 s0, s1  }
0x5: {  	s6 =	rddreg [dreg:$0x0];
	s4 =	simm.s32 $0x1;
	s2 =	sshll.u32 s1, $0x7  }
0x6: {  	s7 =	simm.s32 $0x2;
	s12 =	simm.s32 $0x0;
	s1 =	ssub.s32 $0x1000, s2  }
0x7: {  	s8 =	simm.s32 $0x8000;
	s13 =	simm.s32 $0x0;
	s3 =	sand.u32 $0xF80, s1  }
0x8: {  	s9 =	simm.s32 $0x0;
	s5 =	sshrl.u32 s1, $0xC;
	p0 =	sne.s32 s3, $0x0  }
.Ltmp0:
0x9: {  	s1 =	rddreg [dreg:$0x2];
	s4 =	simm.s32 @!p0 $0x0;
	(pc) =	sbr.rel .LBB1_1-.Ltmp0, $4  }
0xa: {  	s11 =	simm.s32 $0x0;
	s3 =	rddreg [dreg:$0x1];
	s5 =	sadd.s32 s4, s5  }
0xb: {  	_ =	strace $0x8000004A;
	s4 =	simm.s32 $0x1;
	s5 =	smul.u32 $0xC8, s5  }
0xc: {  	s6 =	sadd.s32 $0x1200, s6;
	s10 =	smov.u32 s2;
	[sflag:s4] =	ssyncpa.u1 $0x0  }
0xd: {  	p0 =	por $0x0, $0x0;
	[sflag:s7] =	ssyncpa.u1 $0x0;
	s7 =	sor.u32 $0x1, s5  }
.LBB1_4:
0xe: {  	s16 =	sshll.u32 s13, $0x3;
	s17 =	sand.u32 $0x78, s13  }
0xf: {  	s30 =	sand.u32 $0x7E00, s13;
	s12 =	sshll.u32 s12, $0xF;
	s16 =	sand.u32 $0xC00, s16  }
0x10: {  	[tilespmem:s15+$0x810 ss:$0x81] =	vst.msk $0xffff, v2;
	s31 =	sand.u32 $0x7, s13;
	s16 =	sor.u32 s17, s16;
	s17 =	sadd.s32 s3, s30  }
0x11: {  	[tilespmem:s15+$0x1020 ss:$0x81] =	vst.msk $0xffff, v0;
	s13 =	sshll.u32 s31, $0x12;
	s12 =	sadd.s32 s12, s17;
	s16 =	sshrl.u32 s16, $0x3  }
0x12: {  	[tilespmem:s15+$0x0 ss:$0x81] =	vst.msk $0xffff, v1;
	s13 =	sor.u32 $0x400, s13;
	s12 =	sadd.s32 s16, s12  }
0x13: {  	[hbm4b:s12+s13] =	stream.strided.scatter [tilespmem:s14], [sflag:$0x2], $0x2000, s8, s13, $0x20;
	[tilespmem:$0x8080] =	vst v63  }
.LBB1_5:
0x14: {  	s14 =	sadd.s32 $0x1, s9  }
0x15: {  	s12 =	sadd.s32 $0x1000, s10;
	s16 =	smov.u32 s10;
	p2 =	sgt.s32 s14, $0xC7  }
0x16: {  	s16 =	smov.u32 @p2 s12  }
0x17: {  	s14 =	simm.s32 @p2 $0x0;
	p2 =	sgt.s32 s16, $0xFFF  }
0x18: {  	s16 =	smov.u32 @p2 s2;
	p2 =	sne.s32 s11, s7  }
.Ltmp1:
0x19: {  	p1 =	slt.u32 s11, $0x2;
	(pc) =	sbr.rel @!p2 .LBB1_6-.Ltmp1, $4  }
0x1a: {  	s15 =	simm.s32 @!p1 $0x2  }
0x1b: {  	s13 =	smov.u32 s10;
	p0 =	por !p0, !p0;
	_ =	swait.ge @!p1 [sflag:s15], $0x2000  }
0x1c: {  	s12 =	smov.u32 s9;
	[sflag:s15] =	ssyncset.done @!p1 $0x0;
	s9 =	smov.u32 s14  }
0x1d: {  	s11 =	sadd.s32 $0x1, s11;
	[sflag:s15] =	ssyncadd.s32 @!p1 $0xFFFFE000;
	s10 =	smov.u32 s16  }
.LBB1_1:
0x1e: {  	p1 =	sge.u32 s11, s5  }
0x1f: {  	s14 =	sand.u32 @!p1 $0x1FFFFFF, s9  }
0x20: {  	s15 =	smulhi.u32 @!p1 $0x147AE15, s14;
	_ =	sdelay $0x1  }
0x21: {  	s15 =	smul.u32 @!p1 $0xC8, s15  }
0x22: {  	s16 =	sxor.u32 @!p1 $0xFFFFFFFF, s11;
	s17 =	smul.u32 @!p1 $0xC80, s10  }
0x23: {  	s31 =	sadd.s32 $0xFFFFFFFF, s11;
	s16 =	sshll.u32 @!p1 s16, $0xD;
	s14 =	ssub.s32 @!p1 s14, s15  }
0x24: {  	s15 =	sand.u32 @!p1 $0x2000, s16;
	s16 =	sadd.s32 @!p1 s6, s17;
	s14 =	sshll.u32 @!p1 s14, $0x4  }
0x25: {  	s17 =	simm.s32 @!p1 $0x6400;
	s14 =	sadd.s32 @!p1 s14, s16;
	s16 =	simm.s32 @!p1 $0x40  }
0x26: {  	[tilespmem:s15], [sflag:$0x1] =	stream.strided.gather @!p1 [hbm4b:s14+s16], $0x2000, s17, s16, $0x38;
	[tilespmem:$0x8080] =	vst v63  }
0x27: {  	p1 =	sge.u32 s31, s5  }
.Ltmp2:
0x28: {  	_ = 	snop;
	(pc) =	sbr.rel @p1 .LBB1_5-.Ltmp2, $1  }
0x29: {  	_ =	sdelay $0x3  }
0x2a: {  	s14 =	simm.s32 $0x1  }
0x2b: {  	_ =	swait.ge [sflag:s4], $0x2000;
	s14 =	simm.s32 @!p0 $0x0  }
0x2c: {  	[sflag:s4] =	ssyncset.done $0x0;
	s15 =	sshll.u32 s14, $0xD  }
0x2d: {  	[sflag:s4] =	ssyncadd.s32 $0xFFFFE000;
	s18 =	sor.u32 $0x20, s15  }
0x2e: {  	s14 =	smul.u32 $0x8100, s14;
	v3 =	vld [tilespmem:s18+$0x10]  }
0x2f: {  	s30 =	sand.u32 $0x1, s11;
	v2 =	vld [tilespmem:s18+$0xFFFFFFF0]  }
0x30: {  	s15 =	smul.u32 $0x8100, s30;
	s14 =	sshrl.u32 s14, $0x2;
	v0 =	vld [tilespmem:s18+$0x0]  }
0x31: {  	v1 =	vld [tilespmem:s18+$0xFFFFFFE0];
	s16 =	sor.u32 $0x4000, s14  }
0x32: {  	s31 =	sshrl.u32 s15, $0x2;
	s15 =	sadd.s32 $0x0, s16  }
0x33: {  	s17 =	simm.s32 $0x4;
	s18 =	sadd.s32 $0x40, s18;
	s14 =	sor.u32 $0x4000, s31;
	[tilespmem:s15+$0x1830 ss:$0x81] =	vst.msk $0xffff, v3  }
.LBB1_3:
0x34: {  	v3 =	vld [tilespmem:s18+$0x10];
	p1 =	sne.s32 s17, $0x1FC;
	[tilespmem:s15+$0x810 ss:$0x81] =	vst.msk $0xffff, v2;
	s19 =	smov.u32 s17;
	s17 =	sadd.s32 $0x4, s17  }
.Ltmp3:
0x35: {  	v2 =	vld [tilespmem:s18+$0xFFFFFFF0];
	[tilespmem:s15+$0x1020 ss:$0x81] =	vst.msk $0xffff, v0;
	(pc) =	sbr.rel @p1 .LBB1_3-.Ltmp3, $4  }
0x36: {  	v0 =	vld [tilespmem:s18+$0x0];
	[tilespmem:s15+$0x0 ss:$0x81] =	vst.msk $0xffff, v1  }
0x37: {  	s15 =	sshra.s32 s19, $0x2;
	v1 =	vld [tilespmem:s18+$0xFFFFFFE0]  }
0x38: {  	s15 =	sadd.s32 s15, s16  }
0x39: {  	s18 =	sadd.s32 $0x40, s18;
	[tilespmem:s15+$0x1830 ss:$0x81] =	vst.msk $0xffff, v3  }
.Ltmp4:
0x3a: {  	_ = 	snop;
	(pc) =	sbr.rel .LBB1_4-.Ltmp4, $1  }
0x3b: {  	_ =	sdelay $0x3  }
.LBB1_6:
0x3c: {  	_ =	sfence.sel $0x180000  }
0x3d: {  	s2 =	simm.s32 $0x1;
	[bflag:$0x0] =	sbarrier.arrive $0xFFFF  }
0x3e: {  	s31 =	simm.s32 $0x2;
	[sflag:s2] =	ssyncpa.u1 $0x1  }
0x3f: {  	[sflag:s31] =	ssyncpa.u1 $0x1  }
0x40: {  	p0 =	sne.s32 s0, $0x0;
	_ =	strace $0x9000004A  }
0x41: {  	s0 =	sadd.s32 @!p0 $0x100000, s1;
	[bflag:$0x2] =	sbarrier.arrive $0xFFFF  }
0x42: {  	[sflag:s0] =	ssyncadd.tile.s32 @!p0 $0x1;
	_ =	shalt  }
.Lfunc_end1:
_tile_overlayer_lowered:
.L_overlay_start_2:
0x43: {  	(tag) =	ssettag $0x2  }
0x44: {  	s0 =	rddreg [dreg:$0x0];
	s2 =	stileid.u32  }
0x45: {  	s1 =	rddreg [dreg:$0x1];
	p0 =	sne.s32 s2, $0x0  }
0x46: {  	s3 =	rddreg [dreg:$0x2];
	[bflag:$0x3] =	sbarrier.arrive $0xFFFF;
	s2 =	simm.s32 @!p0 $0x1C01  }
0x47: {  	[timem:s3], [sflag:s2] =	dma.local @!p0 [hbm:s0], s1  }
0x48: {  	s0 =	simm.s32 @!p0 $0x1  }
0x49: {  	_ =	swait.ge @!p0 [sflag:s0], s1  }
0x4a: {  	s1 =	ssub.s32 @!p0 $0x0, s1;
	[sflag:s0] =	ssyncset.done @!p0 $0x0  }
0x4b: {  	[sflag:s0] =	ssyncadd.s32 @!p0 s1  }
0x4c: {  	[bflag:$0x3] =	sbarrier.arrive $0xFFFF  }
0x4d: {  	_ =	shalt  }

</sc_bundles>
